<compile_context>
chip_gen: v7x
topology: tpu7x:2x2x1
jax: 0.10.2.dev20260603
libtpu: 0.0.44.dev20260713+nightly
codegen_flags: <defaults>
</compile_context>

<pallas_src>
import jax
import jax.numpy as jnp
import numpy as np
from jax import lax
from jax.experimental import pallas as pl
from jax.experimental.pallas import tpu as pltpu
from jax.experimental.pallas import tpu_sc as plsc

_N = 10000
_E = 320000
_D = 128

_NC = 2
_NS = 16
_NW = _NC * _NS

_BATCH = 128
_EPT = 10240
_EREAL = _E // _NW
_NBATCH = _EPT // _BATCH
_EB = 64
_ENB = _EPT // _EB
_EPAD = _EPT * _NW
_NPAD = 10112
_RPT = _NPAD // _NS
_NSLOT = 4


def _mesh():
    return plsc.VectorSubcoreMesh(core_axis_name="c", subcore_axis_name="s",
                                  num_cores=_NC, num_subcores=_NS)


def _deg_body(src_hbm, dst_hbm, ones_hbm, z_hbm, out_hbm,
              idx_all, ones_v, deg_sh, sem):
    c = lax.axis_index("c")
    s = lax.axis_index("s")
    wid = c * _NS + s
    r0 = s * _RPT

    pltpu.sync_copy(ones_hbm, ones_v)

    for hist, e_hbm in ((0, src_hbm), (1, dst_hbm)):
        pltpu.sync_copy(e_hbm.at[wid], idx_all)
        pltpu.sync_copy(z_hbm.at[pl.ds(r0, _RPT)], deg_sh.at[pl.ds(r0, _RPT)])
        plsc.subcore_barrier()

        def issue(b, _):
            @pl.when(b >= 1)
            def _():
                pltpu.make_async_copy(ones_v, deg_sh.at[idx_all.at[b]],
                                      sem).wait()
            pltpu.async_copy(ones_v, deg_sh.at[idx_all.at[b]], sem, add=True)
            return 0
        lax.fori_loop(0, _NBATCH, issue, 0)
        pltpu.make_async_copy(ones_v, deg_sh.at[idx_all.at[0]], sem).wait()

        plsc.subcore_barrier()
        pltpu.sync_copy(deg_sh.at[pl.ds(r0, _RPT)],
                        out_hbm.at[c, hist, pl.ds(r0, _RPT)])
        plsc.subcore_barrier()


def _deg_kernel(src3, dst3, ones, z):
    f = pl.kernel(
        _deg_body,
        out_type=jax.ShapeDtypeStruct((_NC, 2, _NPAD, _D), jnp.float32),
        mesh=_mesh(),
        scratch_types=[
            pltpu.VMEM((_NBATCH, _BATCH), jnp.int32),
            pltpu.VMEM((_BATCH, _D), jnp.float32),
            pltpu.VMEM_SHARED((_NPAD, _D), jnp.float32),
            pltpu.SemaphoreType.DMA,
        ],
    )
    return f(src3, dst3, ones, z)


def _edge_body(table_hbm, src_hbm, dst_hbm, wrep_hbm, z_hbm, out_hbm,
               sidx, didx, wrep_v, rows_v, agg_sh, isem, gsem, ssem):
    c = lax.axis_index("c")
    s = lax.axis_index("s")
    wid = c * _NS + s
    r0 = s * _RPT

    pltpu.sync_copy(z_hbm.at[pl.ds(r0, _RPT)], agg_sh.at[pl.ds(r0, _RPT)])
    plsc.subcore_barrier()

    def idx_start(q, b):
        base = wid * _EPT + b * _EB
        wrow = pl.multiple_of(base // 8, 8)
        pltpu.async_copy(src_hbm.at[pl.ds(base, _EB)], sidx[q], isem[q])
        pltpu.async_copy(dst_hbm.at[pl.ds(base, _EB)], didx[q], isem[q])
        pltpu.async_copy(wrep_hbm.at[pl.ds(wrow, _EB * 16 // 128)],
                         wrep_v[q], isem[q])

    def idx_wait(q, b):
        base = wid * _EPT + b * _EB
        wrow = pl.multiple_of(base // 8, 8)
        pltpu.make_async_copy(src_hbm.at[pl.ds(base, _EB)], sidx[q],
                              isem[q]).wait()
        pltpu.make_async_copy(dst_hbm.at[pl.ds(base, _EB)], didx[q],
                              isem[q]).wait()
        pltpu.make_async_copy(wrep_hbm.at[pl.ds(wrow, _EB * 16 // 128)],
                              wrep_v[q], isem[q]).wait()

    def gather_start(q):
        pltpu.async_copy(table_hbm.at[sidx[q]], rows_v[q], gsem[q])

    def gather_wait(q):
        pltpu.make_async_copy(table_hbm.at[sidx[q]], rows_v[q],
                              gsem[q]).wait()

    def scatter_start(q):
        pltpu.async_copy(rows_v[q], agg_sh.at[didx[q]], ssem[q], add=True)

    def scatter_wait(q):
        pltpu.make_async_copy(rows_v[q], agg_sh.at[didx[q]], ssem[q]).wait()

    for i in range(3):
        idx_start(i, i)
    for i in range(2):
        idx_wait(i, i)
        gather_start(i)

    def jbody(j, _):
        for i in range(_NSLOT):
            b = _NSLOT * j + i
            slot = i

            gather_wait(slot)

            @plsc.parallel_loop(0, _EB, unroll=2)
            def _(e):
                wv = wrep_v[slot][e // 8, pl.ds((e % 8) * 16, 16)]
                for jj in range(8):
                    sl = pl.ds(jj * 16, 16)
                    rows_v[slot][e, sl] = rows_v[slot][e, sl] * wv

            q3 = (i + 3) % _NSLOT

            @pl.when(b >= 1)
            def _():
                scatter_wait(q3)

            scatter_start(slot)

            @pl.when(b + 3 < _ENB)
            def _():
                idx_start(q3, b + 3)

            q2 = (i + 2) % _NSLOT

            @pl.when(b + 2 < _ENB)
            def _():
                idx_wait(q2, b + 2)
                gather_start(q2)
        return 0
    lax.fori_loop(0, _ENB // _NSLOT, jbody, 0)

    scatter_wait((_ENB - 1) % _NSLOT)

    plsc.subcore_barrier()
    pltpu.sync_copy(agg_sh.at[pl.ds(r0, _RPT)],
                    out_hbm.at[c, pl.ds(r0, _RPT)])


def _edge_pass(table, src_f, dst_f, wrep, z):
    f = pl.kernel(
        _edge_body,
        out_type=jax.ShapeDtypeStruct((_NC, _NPAD, _D), jnp.float32),
        mesh=_mesh(),
        scratch_types=[
            [pltpu.VMEM((_EB,), jnp.int32) for _ in range(_NSLOT)],
            [pltpu.VMEM((_EB,), jnp.int32) for _ in range(_NSLOT)],
            [pltpu.VMEM((_EB * 16 // 128, _D), jnp.float32) for _ in range(_NSLOT)],
            [pltpu.VMEM((_EB, _D), jnp.float32) for _ in range(_NSLOT)],
            pltpu.VMEM_SHARED((_NPAD, _D), jnp.float32),
            [pltpu.SemaphoreType.DMA for _ in range(_NSLOT)],
            [pltpu.SemaphoreType.DMA for _ in range(_NSLOT)],
            [pltpu.SemaphoreType.DMA for _ in range(_NSLOT)],
        ],
    )
    return f(table, src_f, dst_f, wrep, z)


def _degnorm(dega_ref, degb_ref):
    d = jnp.sum(dega_ref[...] + degb_ref[...], axis=1, keepdims=True) * (1.0 / _D)
    return lax.rsqrt(jnp.clip(d, 1.0, None))


def _stage_a_body(x_ref, w_ref, dsa_ref, dsb_ref, o_ref):
    srcn = _degnorm(dsa_ref, dsb_ref)
    o_ref[...] = jnp.dot(x_ref[...], w_ref[...],
                         preferred_element_type=jnp.float32) * srcn


def _stage_a(x_pad, W1, deg_src_a, deg_src_b):
    return pl.pallas_call(
        _stage_a_body,
        out_shape=jax.ShapeDtypeStruct((_NPAD, _D), jnp.float32),
    )(x_pad, W1, deg_src_a, deg_src_b)


def _stage_b_body(agg_ref, dda_ref, ddb_ref, b1_ref, wh_ref, wx_ref,
                  x_ref, dsa_ref, dsb_ref, o_ref):
    dstn = _degnorm(dda_ref, ddb_ref)
    agg = agg_ref[0] + agg_ref[1]
    h1 = jnp.maximum(agg * dstn + b1_ref[...][None, :], 0.0)
    row = lax.broadcasted_iota(jnp.int32, (_NPAD, 1), 0)
    h1 = jnp.where(row < _N, h1, 0.0)
    srcn = _degnorm(dsa_ref, dsb_ref)
    o_ref[...] = (jnp.dot(h1, wh_ref[...], preferred_element_type=jnp.float32)
                  + jnp.dot(x_ref[...], wx_ref[...],
                            preferred_element_type=jnp.float32)) * srcn


def _stage_b(aggp, deg_dst_a, deg_dst_b, b1, W2h, W2x, x_pad,
             deg_src_a, deg_src_b):
    return pl.pallas_call(
        _stage_b_body,
        out_shape=jax.ShapeDtypeStruct((_NPAD, _D), jnp.float32),
    )(aggp, deg_dst_a, deg_dst_b, b1, W2h, W2x, x_pad, deg_src_a, deg_src_b)


def _stage_c_body(agg_ref, dda_ref, ddb_ref, b2_ref, o_ref):
    dstn = _degnorm(dda_ref, ddb_ref)
    agg = agg_ref[0] + agg_ref[1]
    h2 = jnp.maximum(agg * dstn + b2_ref[...][None, :], 0.0)
    nrm = jnp.sqrt(jnp.sum(h2 * h2, axis=-1, keepdims=True))
    o_ref[...] = h2 / jnp.maximum(nrm, 1e-12)


def _stage_c(aggp, deg_dst_a, deg_dst_b, b2):
    return pl.pallas_call(
        _stage_c_body,
        out_shape=jax.ShapeDtypeStruct((_NPAD, _D), jnp.float32),
    )(aggp, deg_dst_a, deg_dst_b, b2)


_PAD_IDX = np.broadcast_to(10000 + (np.arange(_EPT - _EREAL) % (_NPAD - _N)),
                           (_NW, _EPT - _EREAL)).astype(np.int32)


def kernel(inputs, edge_index, edge_weights, W1, b1, W2, b2):
    src = edge_index[0]
    dst = edge_index[1]
    w = edge_weights[:, 0]

    src_t = jnp.concatenate([src.reshape(_NW, _EREAL), _PAD_IDX], axis=1)
    dst_t = jnp.concatenate([dst.reshape(_NW, _EREAL), _PAD_IDX], axis=1)
    src3 = src_t.reshape(_NW, _NBATCH, _BATCH)
    dst3 = dst_t.reshape(_NW, _NBATCH, _BATCH)
    src_f = src_t.reshape(-1)
    dst_f = dst_t.reshape(-1)
    w_p = jnp.concatenate(
        [w.reshape(_NW, _EREAL),
         jnp.zeros((_NW, _EPT - _EREAL), jnp.float32)], axis=1).reshape(-1)
    wrep = jnp.broadcast_to(w_p[:, None], (_EPAD, 16)).reshape(_EPAD // 8, _D)

    x_pad = jnp.pad(inputs, ((0, _NPAD - _N), (0, 0)))
    z = jnp.zeros((_NPAD, _D), jnp.float32)
    ones = jnp.ones((_BATCH, _D), jnp.float32)

    deg = _deg_kernel(src3, dst3, ones, z)
    deg_src_a, deg_dst_a = deg[0, 0], deg[0, 1]
    deg_src_b, deg_dst_b = deg[1, 0], deg[1, 1]

    table1 = _stage_a(x_pad, W1, deg_src_a, deg_src_b)
    agg1 = _edge_pass(table1, src_f, dst_f, wrep, z)
    table2 = _stage_b(agg1, deg_dst_a, deg_dst_b, b1, W2[:_D], W2[_D:],
                      x_pad, deg_src_a, deg_src_b)
    agg2 = _edge_pass(table2, src_f, dst_f, wrep, z)
    out = _stage_c(agg2, deg_dst_a, deg_dst_b, b2)
    return out[:_N]

# --- scband reference (transcript-rebuilt; emitter-appended) ---
"""Pipeline reference for scband-gcn-63651415326972 (READ-ONLY COPY).

The authoritative reference and input builder live on the scoring server;
editing this copy changes nothing except your own understanding.
"""

import jax, jax.numpy as jnp
import numpy as np

N = 10000
E = 320000
D_IN = 128
D_H = 128
D_OUT = 128


def setup_inputs(seed: int = 0) -> dict:
    key = jax.random.key(seed)
    ks = jax.random.split(key, 8)
    inputs = jax.random.normal(ks[0], (N, D_IN), dtype=jnp.float32)
    edge_index = jax.random.randint(ks[1], (2, E), 0, N, dtype=jnp.int32)
    edge_weights = jax.random.uniform(ks[2], (E, 1), dtype=jnp.float32)
    W1 = jax.random.normal(ks[3], (D_IN, D_H), dtype=jnp.float32) * (1.0 / np.sqrt(D_IN))
    b1 = jnp.zeros((D_H,), dtype=jnp.float32)
    W2 = jax.random.normal(ks[4], (D_H + D_IN, D_OUT), dtype=jnp.float32) * (1.0 / np.sqrt(D_H + D_IN))
    b2 = jnp.zeros((D_OUT,), dtype=jnp.float32)
    return {"inputs": inputs, "edge_index": edge_index, "edge_weights": edge_weights,
            "W1": W1, "b1": b1, "W2": W2, "b2": b2}


def _weighted_graph_conv(x, W, b, src, dst, e_feat):
    # n_feat = x @ W
    h = jnp.matmul(x, W)
    # symmetric degree normalization ('both'), clamped at 1
    out_deg = jnp.zeros((N,), dtype=jnp.float32).at[src].add(1.0)
    in_deg = jnp.zeros((N,), dtype=jnp.float32).at[dst].add(1.0)
    src_norm = jnp.power(jnp.clip(out_deg, 1.0, None), -0.5)[:, None]
    dst_norm = jnp.power(jnp.clip(in_deg, 1.0, None), -0.5)[:, None]
    h = h * src_norm
    # message: src feature * edge weight, then sum over incoming edges
    msg = jnp.take(h, src, axis=0) * e_feat
    agg = jax.ops.segment_sum(msg, dst, num_segments=N)
    h = agg * dst_norm
    h = h + b
    return h


def reference(inputs, edge_index, edge_weights, W1, b1, W2, b2):
    src = edge_index[0]
    dst = edge_index[1]
    h = _weighted_graph_conv(inputs, W1, b1, src, dst, edge_weights)
    h = jax.nn.relu(h)
    reminder = jnp.concatenate([h, inputs], axis=-1)
    h = _weighted_graph_conv(reminder, W2, b2, src, dst, edge_weights)
    h = jax.nn.relu(h)
    norm = jnp.linalg.norm(h, ord=2, axis=-1, keepdims=True)
    h = h / jnp.maximum(norm, 1e-12)
    return h

if __name__ == "__main__":
    import jax
    _d = setup_inputs()
    print(jax.jit(kernel)(*tuple(_d.values())))

</pallas_src>

<mosaic_0001>
#map = affine_map<(d0, d1) -> (0, 0, 0)>
#map1 = affine_map<(d0, d1) -> (0, 0)>
#map2 = affine_map<(d0, d1) -> (0, 0, 0, 0)>
module attributes {stable_mosaic.version = 14 : i64} {
  func.func @_deg_body(%arg0: i32, %arg1: i32, %arg2: memref<32x80x128xi32, #tpu.memory_space<hbm>>, %arg3: memref<32x80x128xi32, #tpu.memory_space<hbm>>, %arg4: memref<128x128xf32, #tpu.memory_space<hbm>>, %arg5: memref<10112x128xf32, #tpu.memory_space<hbm>>, %arg6: memref<2x2x10112x128xf32, #tpu.memory_space<hbm>>, %arg7: memref<80x128xi32, #tpu.memory_space<vmem>>, %arg8: memref<128x128xf32, #tpu.memory_space<vmem>>, %arg9: memref<10112x128xf32, #tpu.memory_space<vmem_shared>>, %arg10: memref<!tpu.dma_semaphore, #tpu.memory_space<semaphore_mem>>) attributes {dimension_semantics = [#tpu.dimension_semantics<core_parallel>, #tpu.dimension_semantics<subcore_parallel>], iteration_bounds = array<i64: 2, 16>, scalar_prefetch = 0 : i64, scratch_operands = 4 : i64, tpu.core_type = #tpu.core_type<sc_vector_subcore>, window_params = [{transform_indices = #map}, {transform_indices = #map}, {transform_indices = #map1}, {transform_indices = #map1}, {transform_indices = #map2}]} {
    %mul3A = arith.constant 16 : i32
    %mul3A_0 = arith.muli %arg0, %mul3A : i32
    %add3A = arith.addi %mul3A_0, %arg1 : i32
    %mul3A_1 = arith.constant 632 : i32
    %mul3A_2 = arith.muli %arg1, %mul3A_1 : i32
    "tpu.region"() ({
      %run_scoped3A_35 = tpu.sem_alloc : memref<!tpu.dma_semaphore, #tpu.memory_space<semaphore_mem>>
      tpu.enqueue_dma source(%arg4 : memref<128x128xf32, #tpu.memory_space<hbm>>) target(%arg8 : memref<128x128xf32, #tpu.memory_space<vmem>>) target_semaphore(%run_scoped3A_35 : memref<!tpu.dma_semaphore, #tpu.memory_space<semaphore_mem>>)
      tpu.wait_dma2 semaphore(%run_scoped3A_35 : memref<!tpu.dma_semaphore, #tpu.memory_space<semaphore_mem>>) src(%arg4 : memref<128x128xf32, #tpu.memory_space<hbm>>) dst(%arg8 : memref<128x128xf32, #tpu.memory_space<vmem>>)
      tpu.yield
    }) : () -> ()
    "tpu.region"() ({
      %run_scoped3A_35 = tpu.sem_alloc : memref<!tpu.dma_semaphore, #tpu.memory_space<semaphore_mem>>
      %dma_start3A = arith.constant 0 : i32
      %dma_start3A_36 = arith.constant 0 : i32
      %dma_start3A_37 = tpu.memref_slice %arg2[%add3A, %dma_start3A, %dma_start3A_36] : memref<32x80x128xi32, #tpu.memory_space<hbm>> -> memref<1x80x128xi32, #tpu.memory_space<hbm>>
      %dma_start3A_38 = tpu.memref_squeeze %dma_start3A_37 : memref<1x80x128xi32, #tpu.memory_space<hbm>> -> memref<80x128xi32, #tpu.memory_space<hbm>>
      %dma_start3A_39 = arith.constant 0 : i32
      %dma_start3A_40 = arith.constant 0 : i32
      %dma_start3A_41 = tpu.memref_slice %arg2[%add3A, %dma_start3A_39, %dma_start3A_40] : memref<32x80x128xi32, #tpu.memory_space<hbm>> -> memref<1x80x128xi32, #tpu.memory_space<hbm>>
      %dma_start3A_42 = tpu.memref_squeeze %dma_start3A_41 : memref<1x80x128xi32, #tpu.memory_space<hbm>> -> memref<80x128xi32, #tpu.memory_space<hbm>>
      tpu.enqueue_dma source(%dma_start3A_42 : memref<80x128xi32, #tpu.memory_space<hbm>>) target(%arg7 : memref<80x128xi32, #tpu.memory_space<vmem>>) target_semaphore(%run_scoped3A_35 : memref<!tpu.dma_semaphore, #tpu.memory_space<semaphore_mem>>)
      %dma_wait3A_43 = arith.constant 0 : i32
      %dma_wait3A_44 = arith.constant 0 : i32
      %dma_wait3A_45 = tpu.memref_slice %arg2[%add3A, %dma_wait3A_43, %dma_wait3A_44] : memref<32x80x128xi32, #tpu.memory_space<hbm>> -> memref<1x80x128xi32, #tpu.memory_space<hbm>>
      %dma_wait3A_46 = tpu.memref_squeeze %dma_wait3A_45 : memref<1x80x128xi32, #tpu.memory_space<hbm>> -> memref<80x128xi32, #tpu.memory_space<hbm>>
      %dma_wait3A_47 = arith.constant 0 : i32
      %dma_wait3A_48 = arith.constant 0 : i32
      %dma_wait3A_49 = tpu.memref_slice %arg2[%add3A, %dma_wait3A_47, %dma_wait3A_48] : memref<32x80x128xi32, #tpu.memory_space<hbm>> -> memref<1x80x128xi32, #tpu.memory_space<hbm>>
      %dma_wait3A_50 = tpu.memref_squeeze %dma_wait3A_49 : memref<1x80x128xi32, #tpu.memory_space<hbm>> -> memref<80x128xi32, #tpu.memory_space<hbm>>
      tpu.wait_dma2 semaphore(%run_scoped3A_35 : memref<!tpu.dma_semaphore, #tpu.memory_space<semaphore_mem>>) src(%dma_wait3A_50 : memref<80x128xi32, #tpu.memory_space<hbm>>) dst(%arg7 : memref<80x128xi32, #tpu.memory_space<vmem>>)
      tpu.yield
    }) : () -> ()
    "tpu.region"() ({
      %run_scoped3A_35 = tpu.sem_alloc : memref<!tpu.dma_semaphore, #tpu.memory_space<semaphore_mem>>
      %dma_start3A = arith.constant 0 : i32
      %dma_start3A_36 = tpu.memref_slice %arg9[%mul3A_2, %dma_start3A] : memref<10112x128xf32, #tpu.memory_space<vmem_shared>> -> memref<632x128xf32, #tpu.memory_space<vmem_shared>>
      %dma_start3A_37 = arith.constant 0 : i32
      %dma_start3A_38 = tpu.memref_slice %arg5[%mul3A_2, %dma_start3A_37] : memref<10112x128xf32, #tpu.memory_space<hbm>> -> memref<632x128xf32, #tpu.memory_space<hbm>>
      tpu.enqueue_dma source(%dma_start3A_38 : memref<632x128xf32, #tpu.memory_space<hbm>>) target(%dma_start3A_36 : memref<632x128xf32, #tpu.memory_space<vmem_shared>>) target_semaphore(%run_scoped3A_35 : memref<!tpu.dma_semaphore, #tpu.memory_space<semaphore_mem>>)
      %dma_wait3A_39 = arith.constant 0 : i32
      %dma_wait3A_40 = tpu.memref_slice %arg9[%mul3A_2, %dma_wait3A_39] : memref<10112x128xf32, #tpu.memory_space<vmem_shared>> -> memref<632x128xf32, #tpu.memory_space<vmem_shared>>
      %dma_wait3A_41 = arith.constant 0 : i32
      %dma_wait3A_42 = tpu.memref_slice %arg5[%mul3A_2, %dma_wait3A_41] : memref<10112x128xf32, #tpu.memory_space<hbm>> -> memref<632x128xf32, #tpu.memory_space<hbm>>
      tpu.wait_dma2 semaphore(%run_scoped3A_35 : memref<!tpu.dma_semaphore, #tpu.memory_space<semaphore_mem>>) src(%dma_wait3A_42 : memref<632x128xf32, #tpu.memory_space<hbm>>) dst(%dma_wait3A_40 : memref<632x128xf32, #tpu.memory_space<vmem_shared>>)
      tpu.yield
    }) : () -> ()
    %barrier3A = arith.constant 0 : index
    tpu.barrier barrier_id(%barrier3A)
    %scan3A = arith.constant 0 : i32
    %scan3A_3 = arith.constant 0 : i32
    %scan3A_4 = arith.constant 80 : i32
    %scan3A_5 = arith.addi %scan3A_3, %scan3A_4 : i32
    %scan3A_6 = arith.constant 1 : i32
    %scan3A_7 = scf.for %scan3A_35 = %scan3A_3 to %scan3A_5 step %scan3A_6 iter_args(%scan3A_36 = %scan3A) -> (i32)  : i32 {
      %ge3A = arith.constant 1 : i32
      %ge3A_37 = arith.cmpi sge, %scan3A_35, %ge3A : i32
      %convert_element_type3A = arith.extui %ge3A_37 : i1 to i32
      %cond3A = arith.constant 0 : i32
      %cond3A_38 = arith.cmpi ne, %convert_element_type3A, %cond3A : i32
      scf.if %cond3A_38 {
        %dma_wait3A_45 = arith.constant 0 : i32
        %dma_wait3A_46 = tpu.memref_slice %arg7[%scan3A_35, %dma_wait3A_45] : memref<80x128xi32, #tpu.memory_space<vmem>> -> memref<1x128xi32, #tpu.memory_space<vmem>>
        %dma_wait3A_47 = tpu.memref_squeeze %dma_wait3A_46 : memref<1x128xi32, #tpu.memory_space<vmem>> -> memref<128xi32, #tpu.memory_space<vmem>>
        %dma_wait3A_48 = arith.constant 0 : i32
        %dma_wait3A_49 = arith.constant 0 : i32
        %dma_wait3A_50 = tpu.memref_slice %arg9[%dma_wait3A_48, %dma_wait3A_49] : memref<10112x128xf32, #tpu.memory_space<vmem_shared>> -> memref<10112x128xf32, #tpu.memory_space<vmem_shared>>
        tpu.wait_indirect_dma semaphore(%arg10 : memref<!tpu.dma_semaphore, #tpu.memory_space<semaphore_mem>>) src(%arg8 : memref<128x128xf32, #tpu.memory_space<vmem>>) dst(%dma_wait3A_50 : memref<10112x128xf32, #tpu.memory_space<vmem_shared>>)
      } else {
      }
      %dma_start3A = arith.constant 0 : i32
      %dma_start3A_39 = tpu.memref_slice %arg7[%scan3A_35, %dma_start3A] : memref<80x128xi32, #tpu.memory_space<vmem>> -> memref<1x128xi32, #tpu.memory_space<vmem>>
      %dma_start3A_40 = tpu.memref_squeeze %dma_start3A_39 : memref<1x128xi32, #tpu.memory_space<vmem>> -> memref<128xi32, #tpu.memory_space<vmem>>
      %dma_start3A_41 = arith.constant 0 : i32
      %dma_start3A_42 = arith.constant 0 : i32
      %dma_start3A_43 = tpu.memref_slice %arg9[%dma_start3A_41, %dma_start3A_42] : memref<10112x128xf32, #tpu.memory_space<vmem_shared>> -> memref<10112x128xf32, #tpu.memory_space<vmem_shared>>
      tpu.enqueue_indirect_dma source(%arg8 : memref<128x128xf32, #tpu.memory_space<vmem>>) target(%dma_start3A_43 : memref<10112x128xf32, #tpu.memory_space<vmem_shared>>) offsets(%dma_start3A_40 : memref<128xi32, #tpu.memory_space<vmem>>) semaphore(%arg10 : memref<!tpu.dma_semaphore, #tpu.memory_space<semaphore_mem>>) {add = true}
      %scan3A_44 = arith.constant 0 : i32
      scf.yield %scan3A_44 : i32
    }
    %scan3A_8 = arith.constant 80 : i32
    %dma_wait3A = arith.constant 0 : i32
    %dma_wait3A_9 = arith.constant 0 : i32
    %dma_wait3A_10 = tpu.memref_slice %arg7[%dma_wait3A, %dma_wait3A_9] : memref<80x128xi32, #tpu.memory_space<vmem>> -> memref<1x128xi32, #tpu.memory_space<vmem>>
    %dma_wait3A_11 = tpu.memref_squeeze %dma_wait3A_10 : memref<1x128xi32, #tpu.memory_space<vmem>> -> memref<128xi32, #tpu.memory_space<vmem>>
    %dma_wait3A_12 = arith.constant 0 : i32
    %dma_wait3A_13 = arith.constant 0 : i32
    %dma_wait3A_14 = tpu.memref_slice %arg9[%dma_wait3A_12, %dma_wait3A_13] : memref<10112x128xf32, #tpu.memory_space<vmem_shared>> -> memref<10112x128xf32, #tpu.memory_space<vmem_shared>>
    tpu.wait_indirect_dma semaphore(%arg10 : memref<!tpu.dma_semaphore, #tpu.memory_space<semaphore_mem>>) src(%arg8 : memref<128x128xf32, #tpu.memory_space<vmem>>) dst(%dma_wait3A_14 : memref<10112x128xf32, #tpu.memory_space<vmem_shared>>)
    %barrier3A_15 = arith.constant 0 : index
    tpu.barrier barrier_id(%barrier3A_15)
    %run_scoped3A = arith.constant 0 : i32
    "tpu.region"() ({
      %run_scoped3A_35 = tpu.sem_alloc : memref<!tpu.dma_semaphore, #tpu.memory_space<semaphore_mem>>
      %dma_start3A = arith.constant 0 : i32
      %dma_start3A_36 = tpu.memref_slice %arg6[%arg0, %run_scoped3A, %mul3A_2, %dma_start3A] : memref<2x2x10112x128xf32, #tpu.memory_space<hbm>> -> memref<1x1x632x128xf32, #tpu.memory_space<hbm>>
      %dma_start3A_37 = tpu.memref_squeeze %dma_start3A_36 : memref<1x1x632x128xf32, #tpu.memory_space<hbm>> -> memref<632x128xf32, #tpu.memory_space<hbm>>
      %dma_start3A_38 = arith.constant 0 : i32
      %dma_start3A_39 = tpu.memref_slice %arg9[%mul3A_2, %dma_start3A_38] : memref<10112x128xf32, #tpu.memory_space<vmem_shared>> -> memref<632x128xf32, #tpu.memory_space<vmem_shared>>
      tpu.enqueue_dma source(%dma_start3A_39 : memref<632x128xf32, #tpu.memory_space<vmem_shared>>) target(%dma_start3A_37 : memref<632x128xf32, #tpu.memory_space<hbm>>) target_semaphore(%run_scoped3A_35 : memref<!tpu.dma_semaphore, #tpu.memory_space<semaphore_mem>>)
      %dma_wait3A_40 = arith.constant 0 : i32
      %dma_wait3A_41 = tpu.memref_slice %arg6[%arg0, %run_scoped3A, %mul3A_2, %dma_wait3A_40] : memref<2x2x10112x128xf32, #tpu.memory_space<hbm>> -> memref<1x1x632x128xf32, #tpu.memory_space<hbm>>
      %dma_wait3A_42 = tpu.memref_squeeze %dma_wait3A_41 : memref<1x1x632x128xf32, #tpu.memory_space<hbm>> -> memref<632x128xf32, #tpu.memory_space<hbm>>
      %dma_wait3A_43 = arith.constant 0 : i32
      %dma_wait3A_44 = tpu.memref_slice %arg9[%mul3A_2, %dma_wait3A_43] : memref<10112x128xf32, #tpu.memory_space<vmem_shared>> -> memref<632x128xf32, #tpu.memory_space<vmem_shared>>
      tpu.wait_dma2 semaphore(%run_scoped3A_35 : memref<!tpu.dma_semaphore, #tpu.memory_space<semaphore_mem>>) src(%dma_wait3A_44 : memref<632x128xf32, #tpu.memory_space<vmem_shared>>) dst(%dma_wait3A_42 : memref<632x128xf32, #tpu.memory_space<hbm>>)
      tpu.yield
    }) : () -> ()
    %barrier3A_16 = arith.constant 0 : index
    tpu.barrier barrier_id(%barrier3A_16)
    "tpu.region"() ({
      %run_scoped3A_35 = tpu.sem_alloc : memref<!tpu.dma_semaphore, #tpu.memory_space<semaphore_mem>>
      %dma_start3A = arith.constant 0 : i32
      %dma_start3A_36 = arith.constant 0 : i32
      %dma_start3A_37 = tpu.memref_slice %arg3[%add3A, %dma_start3A, %dma_start3A_36] : memref<32x80x128xi32, #tpu.memory_space<hbm>> -> memref<1x80x128xi32, #tpu.memory_space<hbm>>
      %dma_start3A_38 = tpu.memref_squeeze %dma_start3A_37 : memref<1x80x128xi32, #tpu.memory_space<hbm>> -> memref<80x128xi32, #tpu.memory_space<hbm>>
      %dma_start3A_39 = arith.constant 0 : i32
      %dma_start3A_40 = arith.constant 0 : i32
      %dma_start3A_41 = tpu.memref_slice %arg3[%add3A, %dma_start3A_39, %dma_start3A_40] : memref<32x80x128xi32, #tpu.memory_space<hbm>> -> memref<1x80x128xi32, #tpu.memory_space<hbm>>
      %dma_start3A_42 = tpu.memref_squeeze %dma_start3A_41 : memref<1x80x128xi32, #tpu.memory_space<hbm>> -> memref<80x128xi32, #tpu.memory_space<hbm>>
      tpu.enqueue_dma source(%dma_start3A_42 : memref<80x128xi32, #tpu.memory_space<hbm>>) target(%arg7 : memref<80x128xi32, #tpu.memory_space<vmem>>) target_semaphore(%run_scoped3A_35 : memref<!tpu.dma_semaphore, #tpu.memory_space<semaphore_mem>>)
      %dma_wait3A_43 = arith.constant 0 : i32
      %dma_wait3A_44 = arith.constant 0 : i32
      %dma_wait3A_45 = tpu.memref_slice %arg3[%add3A, %dma_wait3A_43, %dma_wait3A_44] : memref<32x80x128xi32, #tpu.memory_space<hbm>> -> memref<1x80x128xi32, #tpu.memory_space<hbm>>
      %dma_wait3A_46 = tpu.memref_squeeze %dma_wait3A_45 : memref<1x80x128xi32, #tpu.memory_space<hbm>> -> memref<80x128xi32, #tpu.memory_space<hbm>>
      %dma_wait3A_47 = arith.constant 0 : i32
      %dma_wait3A_48 = arith.constant 0 : i32
      %dma_wait3A_49 = tpu.memref_slice %arg3[%add3A, %dma_wait3A_47, %dma_wait3A_48] : memref<32x80x128xi32, #tpu.memory_space<hbm>> -> memref<1x80x128xi32, #tpu.memory_space<hbm>>
      %dma_wait3A_50 = tpu.memref_squeeze %dma_wait3A_49 : memref<1x80x128xi32, #tpu.memory_space<hbm>> -> memref<80x128xi32, #tpu.memory_space<hbm>>
      tpu.wait_dma2 semaphore(%run_scoped3A_35 : memref<!tpu.dma_semaphore, #tpu.memory_space<semaphore_mem>>) src(%dma_wait3A_50 : memref<80x128xi32, #tpu.memory_space<hbm>>) dst(%arg7 : memref<80x128xi32, #tpu.memory_space<vmem>>)
      tpu.yield
    }) : () -> ()
    "tpu.region"() ({
      %run_scoped3A_35 = tpu.sem_alloc : memref<!tpu.dma_semaphore, #tpu.memory_space<semaphore_mem>>
      %dma_start3A = arith.constant 0 : i32
      %dma_start3A_36 = tpu.memref_slice %arg9[%mul3A_2, %dma_start3A] : memref<10112x128xf32, #tpu.memory_space<vmem_shared>> -> memref<632x128xf32, #tpu.memory_space<vmem_shared>>
      %dma_start3A_37 = arith.constant 0 : i32
      %dma_start3A_38 = tpu.memref_slice %arg5[%mul3A_2, %dma_start3A_37] : memref<10112x128xf32, #tpu.memory_space<hbm>> -> memref<632x128xf32, #tpu.memory_space<hbm>>
      tpu.enqueue_dma source(%dma_start3A_38 : memref<632x128xf32, #tpu.memory_space<hbm>>) target(%dma_start3A_36 : memref<632x128xf32, #tpu.memory_space<vmem_shared>>) target_semaphore(%run_scoped3A_35 : memref<!tpu.dma_semaphore, #tpu.memory_space<semaphore_mem>>)
      %dma_wait3A_39 = arith.constant 0 : i32
      %dma_wait3A_40 = tpu.memref_slice %arg9[%mul3A_2, %dma_wait3A_39] : memref<10112x128xf32, #tpu.memory_space<vmem_shared>> -> memref<632x128xf32, #tpu.memory_space<vmem_shared>>
      %dma_wait3A_41 = arith.constant 0 : i32
      %dma_wait3A_42 = tpu.memref_slice %arg5[%mul3A_2, %dma_wait3A_41] : memref<10112x128xf32, #tpu.memory_space<hbm>> -> memref<632x128xf32, #tpu.memory_space<hbm>>
      tpu.wait_dma2 semaphore(%run_scoped3A_35 : memref<!tpu.dma_semaphore, #tpu.memory_space<semaphore_mem>>) src(%dma_wait3A_42 : memref<632x128xf32, #tpu.memory_space<hbm>>) dst(%dma_wait3A_40 : memref<632x128xf32, #tpu.memory_space<vmem_shared>>)
      tpu.yield
    }) : () -> ()
    %barrier3A_17 = arith.constant 0 : index
    tpu.barrier barrier_id(%barrier3A_17)
    %scan3A_18 = arith.constant 0 : i32
    %scan3A_19 = arith.constant 0 : i32
    %scan3A_20 = arith.constant 80 : i32
    %scan3A_21 = arith.addi %scan3A_19, %scan3A_20 : i32
    %scan3A_22 = arith.constant 1 : i32
    %scan3A_23 = scf.for %scan3A_35 = %scan3A_19 to %scan3A_21 step %scan3A_22 iter_args(%scan3A_36 = %scan3A_18) -> (i32)  : i32 {
      %ge3A = arith.constant 1 : i32
      %ge3A_37 = arith.cmpi sge, %scan3A_35, %ge3A : i32
      %convert_element_type3A = arith.extui %ge3A_37 : i1 to i32
      %cond3A = arith.constant 0 : i32
      %cond3A_38 = arith.cmpi ne, %convert_element_type3A, %cond3A : i32
      scf.if %cond3A_38 {
        %dma_wait3A_45 = arith.constant 0 : i32
        %dma_wait3A_46 = tpu.memref_slice %arg7[%scan3A_35, %dma_wait3A_45] : memref<80x128xi32, #tpu.memory_space<vmem>> -> memref<1x128xi32, #tpu.memory_space<vmem>>
        %dma_wait3A_47 = tpu.memref_squeeze %dma_wait3A_46 : memref<1x128xi32, #tpu.memory_space<vmem>> -> memref<128xi32, #tpu.memory_space<vmem>>
        %dma_wait3A_48 = arith.constant 0 : i32
        %dma_wait3A_49 = arith.constant 0 : i32
        %dma_wait3A_50 = tpu.memref_slice %arg9[%dma_wait3A_48, %dma_wait3A_49] : memref<10112x128xf32, #tpu.memory_space<vmem_shared>> -> memref<10112x128xf32, #tpu.memory_space<vmem_shared>>
        tpu.wait_indirect_dma semaphore(%arg10 : memref<!tpu.dma_semaphore, #tpu.memory_space<semaphore_mem>>) src(%arg8 : memref<128x128xf32, #tpu.memory_space<vmem>>) dst(%dma_wait3A_50 : memref<10112x128xf32, #tpu.memory_space<vmem_shared>>)
      } else {
      }
      %dma_start3A = arith.constant 0 : i32
      %dma_start3A_39 = tpu.memref_slice %arg7[%scan3A_35, %dma_start3A] : memref<80x128xi32, #tpu.memory_space<vmem>> -> memref<1x128xi32, #tpu.memory_space<vmem>>
      %dma_start3A_40 = tpu.memref_squeeze %dma_start3A_39 : memref<1x128xi32, #tpu.memory_space<vmem>> -> memref<128xi32, #tpu.memory_space<vmem>>
      %dma_start3A_41 = arith.constant 0 : i32
      %dma_start3A_42 = arith.constant 0 : i32
      %dma_start3A_43 = tpu.memref_slice %arg9[%dma_start3A_41, %dma_start3A_42] : memref<10112x128xf32, #tpu.memory_space<vmem_shared>> -> memref<10112x128xf32, #tpu.memory_space<vmem_shared>>
      tpu.enqueue_indirect_dma source(%arg8 : memref<128x128xf32, #tpu.memory_space<vmem>>) target(%dma_start3A_43 : memref<10112x128xf32, #tpu.memory_space<vmem_shared>>) offsets(%dma_start3A_40 : memref<128xi32, #tpu.memory_space<vmem>>) semaphore(%arg10 : memref<!tpu.dma_semaphore, #tpu.memory_space<semaphore_mem>>) {add = true}
      %scan3A_44 = arith.constant 0 : i32
      scf.yield %scan3A_44 : i32
    }
    %scan3A_24 = arith.constant 80 : i32
    %dma_wait3A_25 = arith.constant 0 : i32
    %dma_wait3A_26 = arith.constant 0 : i32
    %dma_wait3A_27 = tpu.memref_slice %arg7[%dma_wait3A_25, %dma_wait3A_26] : memref<80x128xi32, #tpu.memory_space<vmem>> -> memref<1x128xi32, #tpu.memory_space<vmem>>
    %dma_wait3A_28 = tpu.memref_squeeze %dma_wait3A_27 : memref<1x128xi32, #tpu.memory_space<vmem>> -> memref<128xi32, #tpu.memory_space<vmem>>
    %dma_wait3A_29 = arith.constant 0 : i32
    %dma_wait3A_30 = arith.constant 0 : i32
    %dma_wait3A_31 = tpu.memref_slice %arg9[%dma_wait3A_29, %dma_wait3A_30] : memref<10112x128xf32, #tpu.memory_space<vmem_shared>> -> memref<10112x128xf32, #tpu.memory_space<vmem_shared>>
    tpu.wait_indirect_dma semaphore(%arg10 : memref<!tpu.dma_semaphore, #tpu.memory_space<semaphore_mem>>) src(%arg8 : memref<128x128xf32, #tpu.memory_space<vmem>>) dst(%dma_wait3A_31 : memref<10112x128xf32, #tpu.memory_space<vmem_shared>>)
    %barrier3A_32 = arith.constant 0 : index
    tpu.barrier barrier_id(%barrier3A_32)
    %run_scoped3A_33 = arith.constant 1 : i32
    "tpu.region"() ({
      %run_scoped3A_35 = tpu.sem_alloc : memref<!tpu.dma_semaphore, #tpu.memory_space<semaphore_mem>>
      %dma_start3A = arith.constant 0 : i32
      %dma_start3A_36 = tpu.memref_slice %arg6[%arg0, %run_scoped3A_33, %mul3A_2, %dma_start3A] : memref<2x2x10112x128xf32, #tpu.memory_space<hbm>> -> memref<1x1x632x128xf32, #tpu.memory_space<hbm>>
      %dma_start3A_37 = tpu.memref_squeeze %dma_start3A_36 : memref<1x1x632x128xf32, #tpu.memory_space<hbm>> -> memref<632x128xf32, #tpu.memory_space<hbm>>
      %dma_start3A_38 = arith.constant 0 : i32
      %dma_start3A_39 = tpu.memref_slice %arg9[%mul3A_2, %dma_start3A_38] : memref<10112x128xf32, #tpu.memory_space<vmem_shared>> -> memref<632x128xf32, #tpu.memory_space<vmem_shared>>
      tpu.enqueue_dma source(%dma_start3A_39 : memref<632x128xf32, #tpu.memory_space<vmem_shared>>) target(%dma_start3A_37 : memref<632x128xf32, #tpu.memory_space<hbm>>) target_semaphore(%run_scoped3A_35 : memref<!tpu.dma_semaphore, #tpu.memory_space<semaphore_mem>>)
      %dma_wait3A_40 = arith.constant 0 : i32
      %dma_wait3A_41 = tpu.memref_slice %arg6[%arg0, %run_scoped3A_33, %mul3A_2, %dma_wait3A_40] : memref<2x2x10112x128xf32, #tpu.memory_space<hbm>> -> memref<1x1x632x128xf32, #tpu.memory_space<hbm>>
      %dma_wait3A_42 = tpu.memref_squeeze %dma_wait3A_41 : memref<1x1x632x128xf32, #tpu.memory_space<hbm>> -> memref<632x128xf32, #tpu.memory_space<hbm>>
      %dma_wait3A_43 = arith.constant 0 : i32
      %dma_wait3A_44 = tpu.memref_slice %arg9[%mul3A_2, %dma_wait3A_43] : memref<10112x128xf32, #tpu.memory_space<vmem_shared>> -> memref<632x128xf32, #tpu.memory_space<vmem_shared>>
      tpu.wait_dma2 semaphore(%run_scoped3A_35 : memref<!tpu.dma_semaphore, #tpu.memory_space<semaphore_mem>>) src(%dma_wait3A_44 : memref<632x128xf32, #tpu.memory_space<vmem_shared>>) dst(%dma_wait3A_42 : memref<632x128xf32, #tpu.memory_space<hbm>>)
      tpu.yield
    }) : () -> ()
    %barrier3A_34 = arith.constant 0 : index
    tpu.barrier barrier_id(%barrier3A_34)
    return
  }
}

#map = affine_map<(d0, d1) -> (0, 0)>
#map1 = affine_map<(d0, d1) -> (0)>
#map2 = affine_map<(d0, d1) -> (0, 0, 0)>
module attributes {stable_mosaic.version = 14 : i64} {
  func.func @_edge_body(%arg0: i32, %arg1: i32, %arg2: memref<10112x128xf32, #tpu.memory_space<hbm>>, %arg3: memref<327680xi32, #tpu.memory_space<hbm>>, %arg4: memref<327680xi32, #tpu.memory_space<hbm>>, %arg5: memref<40960x128xf32, #tpu.memory_space<hbm>>, %arg6: memref<10112x128xf32, #tpu.memory_space<hbm>>, %arg7: memref<2x10112x128xf32, #tpu.memory_space<hbm>>, %arg8: memref<64xi32, #tpu.memory_space<vmem>>, %arg9: memref<64xi32, #tpu.memory_space<vmem>>, %arg10: memref<64xi32, #tpu.memory_space<vmem>>, %arg11: memref<64xi32, #tpu.memory_space<vmem>>, %arg12: memref<64xi32, #tpu.memory_space<vmem>>, %arg13: memref<64xi32, #tpu.memory_space<vmem>>, %arg14: memref<64xi32, #tpu.memory_space<vmem>>, %arg15: memref<64xi32, #tpu.memory_space<vmem>>, %arg16: memref<8x128xf32, #tpu.memory_space<vmem>>, %arg17: memref<8x128xf32, #tpu.memory_space<vmem>>, %arg18: memref<8x128xf32, #tpu.memory_space<vmem>>, %arg19: memref<8x128xf32, #tpu.memory_space<vmem>>, %arg20: memref<64x128xf32, #tpu.memory_space<vmem>>, %arg21: memref<64x128xf32, #tpu.memory_space<vmem>>, %arg22: memref<64x128xf32, #tpu.memory_space<vmem>>, %arg23: memref<64x128xf32, #tpu.memory_space<vmem>>, %arg24: memref<10112x128xf32, #tpu.memory_space<vmem_shared>>, %arg25: memref<!tpu.dma_semaphore, #tpu.memory_space<semaphore_mem>>, %arg26: memref<!tpu.dma_semaphore, #tpu.memory_space<semaphore_mem>>, %arg27: memref<!tpu.dma_semaphore, #tpu.memory_space<semaphore_mem>>, %arg28: memref<!tpu.dma_semaphore, #tpu.memory_space<semaphore_mem>>, %arg29: memref<!tpu.dma_semaphore, #tpu.memory_space<semaphore_mem>>, %arg30: memref<!tpu.dma_semaphore, #tpu.memory_space<semaphore_mem>>, %arg31: memref<!tpu.dma_semaphore, #tpu.memory_space<semaphore_mem>>, %arg32: memref<!tpu.dma_semaphore, #tpu.memory_space<semaphore_mem>>, %arg33: memref<!tpu.dma_semaphore, #tpu.memory_space<semaphore_mem>>, %arg34: memref<!tpu.dma_semaphore, #tpu.memory_space<semaphore_mem>>, %arg35: memref<!tpu.dma_semaphore, #tpu.memory_space<semaphore_mem>>, %arg36: memref<!tpu.dma_semaphore, #tpu.memory_space<semaphore_mem>>) attributes {dimension_semantics = [#tpu.dimension_semantics<core_parallel>, #tpu.dimension_semantics<subcore_parallel>], iteration_bounds = array<i64: 2, 16>, scalar_prefetch = 0 : i64, scratch_operands = 29 : i64, tpu.core_type = #tpu.core_type<sc_vector_subcore>, window_params = [{transform_indices = #map}, {transform_indices = #map1}, {transform_indices = #map1}, {transform_indices = #map}, {transform_indices = #map}, {transform_indices = #map2}]} {
    %mul3A = arith.constant 16 : i32
    %mul3A_0 = arith.muli %arg0, %mul3A : i32
    %add3A = arith.addi %mul3A_0, %arg1 : i32
    %mul3A_1 = arith.constant 632 : i32
    %mul3A_2 = arith.muli %arg1, %mul3A_1 : i32
    "tpu.region"() ({
      %run_scoped3A = tpu.sem_alloc : memref<!tpu.dma_semaphore, #tpu.memory_space<semaphore_mem>>
      %dma_start3A_193 = arith.constant 0 : i32
      %dma_start3A_194 = tpu.memref_slice %arg24[%mul3A_2, %dma_start3A_193] : memref<10112x128xf32, #tpu.memory_space<vmem_shared>> -> memref<632x128xf32, #tpu.memory_space<vmem_shared>>
      %dma_start3A_195 = arith.constant 0 : i32
      %dma_start3A_196 = tpu.memref_slice %arg6[%mul3A_2, %dma_start3A_195] : memref<10112x128xf32, #tpu.memory_space<hbm>> -> memref<632x128xf32, #tpu.memory_space<hbm>>
      tpu.enqueue_dma source(%dma_start3A_196 : memref<632x128xf32, #tpu.memory_space<hbm>>) target(%dma_start3A_194 : memref<632x128xf32, #tpu.memory_space<vmem_shared>>) target_semaphore(%run_scoped3A : memref<!tpu.dma_semaphore, #tpu.memory_space<semaphore_mem>>)
      %dma_wait3A_197 = arith.constant 0 : i32
      %dma_wait3A_198 = tpu.memref_slice %arg24[%mul3A_2, %dma_wait3A_197] : memref<10112x128xf32, #tpu.memory_space<vmem_shared>> -> memref<632x128xf32, #tpu.memory_space<vmem_shared>>
      %dma_wait3A_199 = arith.constant 0 : i32
      %dma_wait3A_200 = tpu.memref_slice %arg6[%mul3A_2, %dma_wait3A_199] : memref<10112x128xf32, #tpu.memory_space<hbm>> -> memref<632x128xf32, #tpu.memory_space<hbm>>
      tpu.wait_dma2 semaphore(%run_scoped3A : memref<!tpu.dma_semaphore, #tpu.memory_space<semaphore_mem>>) src(%dma_wait3A_200 : memref<632x128xf32, #tpu.memory_space<hbm>>) dst(%dma_wait3A_198 : memref<632x128xf32, #tpu.memory_space<vmem_shared>>)
      tpu.yield
    }) : () -> ()
    %barrier3A = arith.constant 0 : index
    tpu.barrier barrier_id(%barrier3A)
    %mul3A_3 = arith.constant 10240 : i32
    %mul3A_4 = arith.muli %add3A, %mul3A_3 : i32
    %add3A_5 = arith.constant 0 : i32
    %add3A_6 = arith.addi %mul3A_4, %add3A_5 : i32
    %jit3A = arith.constant 8 : i32
    %div3A = arith.divsi %add3A_6, %jit3A : i32
    %sign3A = arith.constant 0 : i32
    %sign3A_7 = arith.cmpi sgt, %add3A_6, %sign3A : i32
    %sign3A_8 = arith.extui %sign3A_7 : i1 to i32
    %sign3A_9 = arith.constant 0 : i32
    %sign3A_10 = arith.cmpi slt, %add3A_6, %sign3A_9 : i32
    %sign3A_11 = arith.extui %sign3A_10 : i1 to i32
    %sign3A_12 = arith.subi %sign3A_8, %sign3A_11 : i32
    %sign3A_13 = arith.constant 0 : i32
    %sign3A_14 = arith.cmpi sgt, %jit3A, %sign3A_13 : i32
    %sign3A_15 = arith.extui %sign3A_14 : i1 to i32
    %sign3A_16 = arith.constant 0 : i32
    %sign3A_17 = arith.cmpi slt, %jit3A, %sign3A_16 : i32
    %sign3A_18 = arith.extui %sign3A_17 : i1 to i32
    %sign3A_19 = arith.subi %sign3A_15, %sign3A_18 : i32
    %ne3A = arith.cmpi ne, %sign3A_12, %sign3A_19 : i32
    %rem3A = arith.remsi %add3A_6, %jit3A : i32
    %ne3A_20 = arith.constant 0 : i32
    %ne3A_21 = arith.cmpi ne, %rem3A, %ne3A_20 : i32
    %and3A = arith.andi %ne3A, %ne3A_21 : i1
    %sub3A = arith.constant 1 : i32
    %sub3A_22 = arith.subi %div3A, %sub3A : i32
    %select_n3A = arith.select %and3A, %sub3A_22, %div3A : i32
    %multiple_of3A = tpu.assume_multiple %select_n3A, 8 : i32
    %dma_start3A = tpu.memref_slice %arg3[%add3A_6] : memref<327680xi32, #tpu.memory_space<hbm>> -> memref<64xi32, #tpu.memory_space<hbm>>
    %dma_start3A_23 = tpu.memref_slice %arg3[%add3A_6] : memref<327680xi32, #tpu.memory_space<hbm>> -> memref<64xi32, #tpu.memory_space<hbm>>
    tpu.enqueue_dma source(%dma_start3A_23 : memref<64xi32, #tpu.memory_space<hbm>>) target(%arg8 : memref<64xi32, #tpu.memory_space<vmem>>) target_semaphore(%arg25 : memref<!tpu.dma_semaphore, #tpu.memory_space<semaphore_mem>>)
    %dma_start3A_24 = tpu.memref_slice %arg4[%add3A_6] : memref<327680xi32, #tpu.memory_space<hbm>> -> memref<64xi32, #tpu.memory_space<hbm>>
    %dma_start3A_25 = tpu.memref_slice %arg4[%add3A_6] : memref<327680xi32, #tpu.memory_space<hbm>> -> memref<64xi32, #tpu.memory_space<hbm>>
    tpu.enqueue_dma source(%dma_start3A_25 : memref<64xi32, #tpu.memory_space<hbm>>) target(%arg12 : memref<64xi32, #tpu.memory_space<vmem>>) target_semaphore(%arg25 : memref<!tpu.dma_semaphore, #tpu.memory_space<semaphore_mem>>)
    %dma_start3A_26 = arith.constant 0 : i32
    %dma_start3A_27 = tpu.memref_slice %arg5[%multiple_of3A, %dma_start3A_26] : memref<40960x128xf32, #tpu.memory_space<hbm>> -> memref<8x128xf32, #tpu.memory_space<hbm>>
    %dma_start3A_28 = arith.constant 0 : i32
    %dma_start3A_29 = tpu.memref_slice %arg5[%multiple_of3A, %dma_start3A_28] : memref<40960x128xf32, #tpu.memory_space<hbm>> -> memref<8x128xf32, #tpu.memory_space<hbm>>
    tpu.enqueue_dma source(%dma_start3A_29 : memref<8x128xf32, #tpu.memory_space<hbm>>) target(%arg16 : memref<8x128xf32, #tpu.memory_space<vmem>>) target_semaphore(%arg25 : memref<!tpu.dma_semaphore, #tpu.memory_space<semaphore_mem>>)
    %mul3A_30 = arith.constant 10240 : i32
    %mul3A_31 = arith.muli %add3A, %mul3A_30 : i32
    %add3A_32 = arith.constant 64 : i32
    %add3A_33 = arith.addi %mul3A_31, %add3A_32 : i32
    %jit3A_34 = arith.constant 8 : i32
    %div3A_35 = arith.divsi %add3A_33, %jit3A_34 : i32
    %sign3A_36 = arith.constant 0 : i32
    %sign3A_37 = arith.cmpi sgt, %add3A_33, %sign3A_36 : i32
    %sign3A_38 = arith.extui %sign3A_37 : i1 to i32
    %sign3A_39 = arith.constant 0 : i32
    %sign3A_40 = arith.cmpi slt, %add3A_33, %sign3A_39 : i32
    %sign3A_41 = arith.extui %sign3A_40 : i1 to i32
    %sign3A_42 = arith.subi %sign3A_38, %sign3A_41 : i32
    %sign3A_43 = arith.constant 0 : i32
    %sign3A_44 = arith.cmpi sgt, %jit3A_34, %sign3A_43 : i32
    %sign3A_45 = arith.extui %sign3A_44 : i1 to i32
    %sign3A_46 = arith.constant 0 : i32
    %sign3A_47 = arith.cmpi slt, %jit3A_34, %sign3A_46 : i32
    %sign3A_48 = arith.extui %sign3A_47 : i1 to i32
    %sign3A_49 = arith.subi %sign3A_45, %sign3A_48 : i32
    %ne3A_50 = arith.cmpi ne, %sign3A_42, %sign3A_49 : i32
    %rem3A_51 = arith.remsi %add3A_33, %jit3A_34 : i32
    %ne3A_52 = arith.constant 0 : i32
    %ne3A_53 = arith.cmpi ne, %rem3A_51, %ne3A_52 : i32
    %and3A_54 = arith.andi %ne3A_50, %ne3A_53 : i1
    %sub3A_55 = arith.constant 1 : i32
    %sub3A_56 = arith.subi %div3A_35, %sub3A_55 : i32
    %select_n3A_57 = arith.select %and3A_54, %sub3A_56, %div3A_35 : i32
    %multiple_of3A_58 = tpu.assume_multiple %select_n3A_57, 8 : i32
    %dma_start3A_59 = tpu.memref_slice %arg3[%add3A_33] : memref<327680xi32, #tpu.memory_space<hbm>> -> memref<64xi32, #tpu.memory_space<hbm>>
    %dma_start3A_60 = tpu.memref_slice %arg3[%add3A_33] : memref<327680xi32, #tpu.memory_space<hbm>> -> memref<64xi32, #tpu.memory_space<hbm>>
    tpu.enqueue_dma source(%dma_start3A_60 : memref<64xi32, #tpu.memory_space<hbm>>) target(%arg9 : memref<64xi32, #tpu.memory_space<vmem>>) target_semaphore(%arg26 : memref<!tpu.dma_semaphore, #tpu.memory_space<semaphore_mem>>)
    %dma_start3A_61 = tpu.memref_slice %arg4[%add3A_33] : memref<327680xi32, #tpu.memory_space<hbm>> -> memref<64xi32, #tpu.memory_space<hbm>>
    %dma_start3A_62 = tpu.memref_slice %arg4[%add3A_33] : memref<327680xi32, #tpu.memory_space<hbm>> -> memref<64xi32, #tpu.memory_space<hbm>>
    tpu.enqueue_dma source(%dma_start3A_62 : memref<64xi32, #tpu.memory_space<hbm>>) target(%arg13 : memref<64xi32, #tpu.memory_space<vmem>>) target_semaphore(%arg26 : memref<!tpu.dma_semaphore, #tpu.memory_space<semaphore_mem>>)
    %dma_start3A_63 = arith.constant 0 : i32
    %dma_start3A_64 = tpu.memref_slice %arg5[%multiple_of3A_58, %dma_start3A_63] : memref<40960x128xf32, #tpu.memory_space<hbm>> -> memref<8x128xf32, #tpu.memory_space<hbm>>
    %dma_start3A_65 = arith.constant 0 : i32
    %dma_start3A_66 = tpu.memref_slice %arg5[%multiple_of3A_58, %dma_start3A_65] : memref<40960x128xf32, #tpu.memory_space<hbm>> -> memref<8x128xf32, #tpu.memory_space<hbm>>
    tpu.enqueue_dma source(%dma_start3A_66 : memref<8x128xf32, #tpu.memory_space<hbm>>) target(%arg17 : memref<8x128xf32, #tpu.memory_space<vmem>>) target_semaphore(%arg26 : memref<!tpu.dma_semaphore, #tpu.memory_space<semaphore_mem>>)
    %mul3A_67 = arith.constant 10240 : i32
    %mul3A_68 = arith.muli %add3A, %mul3A_67 : i32
    %add3A_69 = arith.constant 128 : i32
    %add3A_70 = arith.addi %mul3A_68, %add3A_69 : i32
    %jit3A_71 = arith.constant 8 : i32
    %div3A_72 = arith.divsi %add3A_70, %jit3A_71 : i32
    %sign3A_73 = arith.constant 0 : i32
    %sign3A_74 = arith.cmpi sgt, %add3A_70, %sign3A_73 : i32
    %sign3A_75 = arith.extui %sign3A_74 : i1 to i32
    %sign3A_76 = arith.constant 0 : i32
    %sign3A_77 = arith.cmpi slt, %add3A_70, %sign3A_76 : i32
    %sign3A_78 = arith.extui %sign3A_77 : i1 to i32
    %sign3A_79 = arith.subi %sign3A_75, %sign3A_78 : i32
    %sign3A_80 = arith.constant 0 : i32
    %sign3A_81 = arith.cmpi sgt, %jit3A_71, %sign3A_80 : i32
    %sign3A_82 = arith.extui %sign3A_81 : i1 to i32
    %sign3A_83 = arith.constant 0 : i32
    %sign3A_84 = arith.cmpi slt, %jit3A_71, %sign3A_83 : i32
    %sign3A_85 = arith.extui %sign3A_84 : i1 to i32
    %sign3A_86 = arith.subi %sign3A_82, %sign3A_85 : i32
    %ne3A_87 = arith.cmpi ne, %sign3A_79, %sign3A_86 : i32
    %rem3A_88 = arith.remsi %add3A_70, %jit3A_71 : i32
    %ne3A_89 = arith.constant 0 : i32
    %ne3A_90 = arith.cmpi ne, %rem3A_88, %ne3A_89 : i32
    %and3A_91 = arith.andi %ne3A_87, %ne3A_90 : i1
    %sub3A_92 = arith.constant 1 : i32
    %sub3A_93 = arith.subi %div3A_72, %sub3A_92 : i32
    %select_n3A_94 = arith.select %and3A_91, %sub3A_93, %div3A_72 : i32
    %multiple_of3A_95 = tpu.assume_multiple %select_n3A_94, 8 : i32
    %dma_start3A_96 = tpu.memref_slice %arg3[%add3A_70] : memref<327680xi32, #tpu.memory_space<hbm>> -> memref<64xi32, #tpu.memory_space<hbm>>
    %dma_start3A_97 = tpu.memref_slice %arg3[%add3A_70] : memref<327680xi32, #tpu.memory_space<hbm>> -> memref<64xi32, #tpu.memory_space<hbm>>
    tpu.enqueue_dma source(%dma_start3A_97 : memref<64xi32, #tpu.memory_space<hbm>>) target(%arg10 : memref<64xi32, #tpu.memory_space<vmem>>) target_semaphore(%arg27 : memref<!tpu.dma_semaphore, #tpu.memory_space<semaphore_mem>>)
    %dma_start3A_98 = tpu.memref_slice %arg4[%add3A_70] : memref<327680xi32, #tpu.memory_space<hbm>> -> memref<64xi32, #tpu.memory_space<hbm>>
    %dma_start3A_99 = tpu.memref_slice %arg4[%add3A_70] : memref<327680xi32, #tpu.memory_space<hbm>> -> memref<64xi32, #tpu.memory_space<hbm>>
    tpu.enqueue_dma source(%dma_start3A_99 : memref<64xi32, #tpu.memory_space<hbm>>) target(%arg14 : memref<64xi32, #tpu.memory_space<vmem>>) target_semaphore(%arg27 : memref<!tpu.dma_semaphore, #tpu.memory_space<semaphore_mem>>)
    %dma_start3A_100 = arith.constant 0 : i32
    %dma_start3A_101 = tpu.memref_slice %arg5[%multiple_of3A_95, %dma_start3A_100] : memref<40960x128xf32, #tpu.memory_space<hbm>> -> memref<8x128xf32, #tpu.memory_space<hbm>>
    %dma_start3A_102 = arith.constant 0 : i32
    %dma_start3A_103 = tpu.memref_slice %arg5[%multiple_of3A_95, %dma_start3A_102] : memref<40960x128xf32, #tpu.memory_space<hbm>> -> memref<8x128xf32, #tpu.memory_space<hbm>>
    tpu.enqueue_dma source(%dma_start3A_103 : memref<8x128xf32, #tpu.memory_space<hbm>>) target(%arg18 : memref<8x128xf32, #tpu.memory_space<vmem>>) target_semaphore(%arg27 : memref<!tpu.dma_semaphore, #tpu.memory_space<semaphore_mem>>)
    %mul3A_104 = arith.constant 10240 : i32
    %mul3A_105 = arith.muli %add3A, %mul3A_104 : i32
    %add3A_106 = arith.constant 0 : i32
    %add3A_107 = arith.addi %mul3A_105, %add3A_106 : i32
    %jit3A_108 = arith.constant 8 : i32
    %div3A_109 = arith.divsi %add3A_107, %jit3A_108 : i32
    %sign3A_110 = arith.constant 0 : i32
    %sign3A_111 = arith.cmpi sgt, %add3A_107, %sign3A_110 : i32
    %sign3A_112 = arith.extui %sign3A_111 : i1 to i32
    %sign3A_113 = arith.constant 0 : i32
    %sign3A_114 = arith.cmpi slt, %add3A_107, %sign3A_113 : i32
    %sign3A_115 = arith.extui %sign3A_114 : i1 to i32
    %sign3A_116 = arith.subi %sign3A_112, %sign3A_115 : i32
    %sign3A_117 = arith.constant 0 : i32
    %sign3A_118 = arith.cmpi sgt, %jit3A_108, %sign3A_117 : i32
    %sign3A_119 = arith.extui %sign3A_118 : i1 to i32
    %sign3A_120 = arith.constant 0 : i32
    %sign3A_121 = arith.cmpi slt, %jit3A_108, %sign3A_120 : i32
    %sign3A_122 = arith.extui %sign3A_121 : i1 to i32
    %sign3A_123 = arith.subi %sign3A_119, %sign3A_122 : i32
    %ne3A_124 = arith.cmpi ne, %sign3A_116, %sign3A_123 : i32
    %rem3A_125 = arith.remsi %add3A_107, %jit3A_108 : i32
    %ne3A_126 = arith.constant 0 : i32
    %ne3A_127 = arith.cmpi ne, %rem3A_125, %ne3A_126 : i32
    %and3A_128 = arith.andi %ne3A_124, %ne3A_127 : i1
    %sub3A_129 = arith.constant 1 : i32
    %sub3A_130 = arith.subi %div3A_109, %sub3A_129 : i32
    %select_n3A_131 = arith.select %and3A_128, %sub3A_130, %div3A_109 : i32
    %multiple_of3A_132 = tpu.assume_multiple %select_n3A_131, 8 : i32
    %dma_wait3A = tpu.memref_slice %arg3[%add3A_107] : memref<327680xi32, #tpu.memory_space<hbm>> -> memref<64xi32, #tpu.memory_space<hbm>>
    %dma_wait3A_133 = tpu.memref_slice %arg3[%add3A_107] : memref<327680xi32, #tpu.memory_space<hbm>> -> memref<64xi32, #tpu.memory_space<hbm>>
    tpu.wait_dma2 semaphore(%arg25 : memref<!tpu.dma_semaphore, #tpu.memory_space<semaphore_mem>>) src(%dma_wait3A_133 : memref<64xi32, #tpu.memory_space<hbm>>) dst(%arg8 : memref<64xi32, #tpu.memory_space<vmem>>)
    %dma_wait3A_134 = tpu.memref_slice %arg4[%add3A_107] : memref<327680xi32, #tpu.memory_space<hbm>> -> memref<64xi32, #tpu.memory_space<hbm>>
    %dma_wait3A_135 = tpu.memref_slice %arg4[%add3A_107] : memref<327680xi32, #tpu.memory_space<hbm>> -> memref<64xi32, #tpu.memory_space<hbm>>
    tpu.wait_dma2 semaphore(%arg25 : memref<!tpu.dma_semaphore, #tpu.memory_space<semaphore_mem>>) src(%dma_wait3A_135 : memref<64xi32, #tpu.memory_space<hbm>>) dst(%arg12 : memref<64xi32, #tpu.memory_space<vmem>>)
    %dma_wait3A_136 = arith.constant 0 : i32
    %dma_wait3A_137 = tpu.memref_slice %arg5[%multiple_of3A_132, %dma_wait3A_136] : memref<40960x128xf32, #tpu.memory_space<hbm>> -> memref<8x128xf32, #tpu.memory_space<hbm>>
    %dma_wait3A_138 = arith.constant 0 : i32
    %dma_wait3A_139 = tpu.memref_slice %arg5[%multiple_of3A_132, %dma_wait3A_138] : memref<40960x128xf32, #tpu.memory_space<hbm>> -> memref<8x128xf32, #tpu.memory_space<hbm>>
    tpu.wait_dma2 semaphore(%arg25 : memref<!tpu.dma_semaphore, #tpu.memory_space<semaphore_mem>>) src(%dma_wait3A_139 : memref<8x128xf32, #tpu.memory_space<hbm>>) dst(%arg16 : memref<8x128xf32, #tpu.memory_space<vmem>>)
    %dma_start3A_140 = arith.constant 0 : i32
    %dma_start3A_141 = arith.constant 0 : i32
    %dma_start3A_142 = tpu.memref_slice %arg2[%dma_start3A_140, %dma_start3A_141] : memref<10112x128xf32, #tpu.memory_space<hbm>> -> memref<10112x128xf32, #tpu.memory_space<hbm>>
    tpu.enqueue_indirect_dma source(%dma_start3A_142 : memref<10112x128xf32, #tpu.memory_space<hbm>>) target(%arg20 : memref<64x128xf32, #tpu.memory_space<vmem>>) offsets(%arg8 : memref<64xi32, #tpu.memory_space<vmem>>) semaphore(%arg29 : memref<!tpu.dma_semaphore, #tpu.memory_space<semaphore_mem>>)
    %mul3A_143 = arith.constant 10240 : i32
    %mul3A_144 = arith.muli %add3A, %mul3A_143 : i32
    %add3A_145 = arith.constant 64 : i32
    %add3A_146 = arith.addi %mul3A_144, %add3A_145 : i32
    %jit3A_147 = arith.constant 8 : i32
    %div3A_148 = arith.divsi %add3A_146, %jit3A_147 : i32
    %sign3A_149 = arith.constant 0 : i32
    %sign3A_150 = arith.cmpi sgt, %add3A_146, %sign3A_149 : i32
    %sign3A_151 = arith.extui %sign3A_150 : i1 to i32
    %sign3A_152 = arith.constant 0 : i32
    %sign3A_153 = arith.cmpi slt, %add3A_146, %sign3A_152 : i32
    %sign3A_154 = arith.extui %sign3A_153 : i1 to i32
    %sign3A_155 = arith.subi %sign3A_151, %sign3A_154 : i32
    %sign3A_156 = arith.constant 0 : i32
    %sign3A_157 = arith.cmpi sgt, %jit3A_147, %sign3A_156 : i32
    %sign3A_158 = arith.extui %sign3A_157 : i1 to i32
    %sign3A_159 = arith.constant 0 : i32
    %sign3A_160 = arith.cmpi slt, %jit3A_147, %sign3A_159 : i32
    %sign3A_161 = arith.extui %sign3A_160 : i1 to i32
    %sign3A_162 = arith.subi %sign3A_158, %sign3A_161 : i32
    %ne3A_163 = arith.cmpi ne, %sign3A_155, %sign3A_162 : i32
    %rem3A_164 = arith.remsi %add3A_146, %jit3A_147 : i32
    %ne3A_165 = arith.constant 0 : i32
    %ne3A_166 = arith.cmpi ne, %rem3A_164, %ne3A_165 : i32
    %and3A_167 = arith.andi %ne3A_163, %ne3A_166 : i1
    %sub3A_168 = arith.constant 1 : i32
    %sub3A_169 = arith.subi %div3A_148, %sub3A_168 : i32
    %select_n3A_170 = arith.select %and3A_167, %sub3A_169, %div3A_148 : i32
    %multiple_of3A_171 = tpu.assume_multiple %select_n3A_170, 8 : i32
    %dma_wait3A_172 = tpu.memref_slice %arg3[%add3A_146] : memref<327680xi32, #tpu.memory_space<hbm>> -> memref<64xi32, #tpu.memory_space<hbm>>
    %dma_wait3A_173 = tpu.memref_slice %arg3[%add3A_146] : memref<327680xi32, #tpu.memory_space<hbm>> -> memref<64xi32, #tpu.memory_space<hbm>>
    tpu.wait_dma2 semaphore(%arg26 : memref<!tpu.dma_semaphore, #tpu.memory_space<semaphore_mem>>) src(%dma_wait3A_173 : memref<64xi32, #tpu.memory_space<hbm>>) dst(%arg9 : memref<64xi32, #tpu.memory_space<vmem>>)
    %dma_wait3A_174 = tpu.memref_slice %arg4[%add3A_146] : memref<327680xi32, #tpu.memory_space<hbm>> -> memref<64xi32, #tpu.memory_space<hbm>>
    %dma_wait3A_175 = tpu.memref_slice %arg4[%add3A_146] : memref<327680xi32, #tpu.memory_space<hbm>> -> memref<64xi32, #tpu.memory_space<hbm>>
    tpu.wait_dma2 semaphore(%arg26 : memref<!tpu.dma_semaphore, #tpu.memory_space<semaphore_mem>>) src(%dma_wait3A_175 : memref<64xi32, #tpu.memory_space<hbm>>) dst(%arg13 : memref<64xi32, #tpu.memory_space<vmem>>)
    %dma_wait3A_176 = arith.constant 0 : i32
    %dma_wait3A_177 = tpu.memref_slice %arg5[%multiple_of3A_171, %dma_wait3A_176] : memref<40960x128xf32, #tpu.memory_space<hbm>> -> memref<8x128xf32, #tpu.memory_space<hbm>>
    %dma_wait3A_178 = arith.constant 0 : i32
    %dma_wait3A_179 = tpu.memref_slice %arg5[%multiple_of3A_171, %dma_wait3A_178] : memref<40960x128xf32, #tpu.memory_space<hbm>> -> memref<8x128xf32, #tpu.memory_space<hbm>>
    tpu.wait_dma2 semaphore(%arg26 : memref<!tpu.dma_semaphore, #tpu.memory_space<semaphore_mem>>) src(%dma_wait3A_179 : memref<8x128xf32, #tpu.memory_space<hbm>>) dst(%arg17 : memref<8x128xf32, #tpu.memory_space<vmem>>)
    %dma_start3A_180 = arith.constant 0 : i32
    %dma_start3A_181 = arith.constant 0 : i32
    %dma_start3A_182 = tpu.memref_slice %arg2[%dma_start3A_180, %dma_start3A_181] : memref<10112x128xf32, #tpu.memory_space<hbm>> -> memref<10112x128xf32, #tpu.memory_space<hbm>>
    tpu.enqueue_indirect_dma source(%dma_start3A_182 : memref<10112x128xf32, #tpu.memory_space<hbm>>) target(%arg21 : memref<64x128xf32, #tpu.memory_space<vmem>>) offsets(%arg9 : memref<64xi32, #tpu.memory_space<vmem>>) semaphore(%arg30 : memref<!tpu.dma_semaphore, #tpu.memory_space<semaphore_mem>>)
    %scan3A = arith.constant 0 : i32
    %scan3A_183 = arith.constant 0 : i32
    %scan3A_184 = arith.constant 40 : i32
    %scan3A_185 = arith.addi %scan3A_183, %scan3A_184 : i32
    %scan3A_186 = arith.constant 1 : i32
    %scan3A_187 = scf.for %scan3A_193 = %scan3A_183 to %scan3A_185 step %scan3A_186 iter_args(%scan3A_194 = %scan3A) -> (i32)  : i32 {
      %mul3A_195 = arith.constant 4 : i32
      %mul3A_196 = arith.muli %mul3A_195, %scan3A_193 : i32
      %add3A_197 = arith.constant 0 : i32
      %add3A_198 = arith.addi %mul3A_196, %add3A_197 : i32
      %dma_wait3A_199 = arith.constant 0 : i32
      %dma_wait3A_200 = arith.constant 0 : i32
      %dma_wait3A_201 = tpu.memref_slice %arg2[%dma_wait3A_199, %dma_wait3A_200] : memref<10112x128xf32, #tpu.memory_space<hbm>> -> memref<10112x128xf32, #tpu.memory_space<hbm>>
      tpu.wait_indirect_dma semaphore(%arg29 : memref<!tpu.dma_semaphore, #tpu.memory_space<semaphore_mem>>) src(%dma_wait3A_201 : memref<10112x128xf32, #tpu.memory_space<hbm>>) dst(%arg20 : memref<64x128xf32, #tpu.memory_space<vmem>>)
      %parallel_loop3A = arith.constant 0 : i32
      %parallel_loop3A_202 = arith.constant 64 : i32
      %parallel_loop3A_203 = arith.constant 1 : i32
      scf.for %parallel_loop3A_319 = %parallel_loop3A to %parallel_loop3A_202 step %parallel_loop3A_203  : i32 {
        %parallel_loop3A_320 = arith.constant 8 : i32
        %parallel_loop3A_321 = arith.divsi %parallel_loop3A_319, %parallel_loop3A_320 : i32
        %parallel_loop3A_322 = arith.constant 0 : i32
        %parallel_loop3A_323 = arith.cmpi sgt, %parallel_loop3A_319, %parallel_loop3A_322 : i32
        %parallel_loop3A_324 = arith.extui %parallel_loop3A_323 : i1 to i32
        %parallel_loop3A_325 = arith.constant 0 : i32
        %parallel_loop3A_326 = arith.cmpi slt, %parallel_loop3A_319, %parallel_loop3A_325 : i32
        %parallel_loop3A_327 = arith.extui %parallel_loop3A_326 : i1 to i32
        %parallel_loop3A_328 = arith.subi %parallel_loop3A_324, %parallel_loop3A_327 : i32
        %parallel_loop3A_329 = arith.constant 0 : i32
        %parallel_loop3A_330 = arith.cmpi sgt, %parallel_loop3A_320, %parallel_loop3A_329 : i32
        %parallel_loop3A_331 = arith.extui %parallel_loop3A_330 : i1 to i32
        %parallel_loop3A_332 = arith.constant 0 : i32
        %parallel_loop3A_333 = arith.cmpi slt, %parallel_loop3A_320, %parallel_loop3A_332 : i32
        %parallel_loop3A_334 = arith.extui %parallel_loop3A_333 : i1 to i32
        %parallel_loop3A_335 = arith.subi %parallel_loop3A_331, %parallel_loop3A_334 : i32
        %parallel_loop3A_336 = arith.cmpi ne, %parallel_loop3A_328, %parallel_loop3A_335 : i32
        %parallel_loop3A_337 = arith.remsi %parallel_loop3A_319, %parallel_loop3A_320 : i32
        %parallel_loop3A_338 = arith.constant 0 : i32
        %parallel_loop3A_339 = arith.cmpi ne, %parallel_loop3A_337, %parallel_loop3A_338 : i32
        %parallel_loop3A_340 = arith.andi %parallel_loop3A_336, %parallel_loop3A_339 : i1
        %parallel_loop3A_341 = arith.constant 1 : i32
        %parallel_loop3A_342 = arith.subi %parallel_loop3A_321, %parallel_loop3A_341 : i32
        %parallel_loop3A_343 = arith.select %parallel_loop3A_340, %parallel_loop3A_342, %parallel_loop3A_321 : i32
        %parallel_loop3A_344 = arith.constant 8 : i32
        %parallel_loop3A_345 = arith.constant 0 : i32
        %parallel_loop3A_346 = arith.cmpi eq, %parallel_loop3A_344, %parallel_loop3A_345 : i32
        %parallel_loop3A_347 = arith.constant 1 : i32
        %parallel_loop3A_348 = arith.select %parallel_loop3A_346, %parallel_loop3A_347, %parallel_loop3A_344 : i32
        %parallel_loop3A_349 = arith.remsi %parallel_loop3A_319, %parallel_loop3A_348 : i32
        %parallel_loop3A_350 = arith.constant 0 : i32
        %parallel_loop3A_351 = arith.cmpi ne, %parallel_loop3A_349, %parallel_loop3A_350 : i32
        %parallel_loop3A_352 = arith.constant 0 : i32
        %parallel_loop3A_353 = arith.cmpi slt, %parallel_loop3A_349, %parallel_loop3A_352 : i32
        %parallel_loop3A_354 = arith.constant 0 : i32
        %parallel_loop3A_355 = arith.cmpi slt, %parallel_loop3A_348, %parallel_loop3A_354 : i32
        %parallel_loop3A_356 = arith.xori %parallel_loop3A_353, %parallel_loop3A_355 : i1
        %parallel_loop3A_357 = arith.andi %parallel_loop3A_356, %parallel_loop3A_351 : i1
        %parallel_loop3A_358 = arith.addi %parallel_loop3A_349, %parallel_loop3A_348 : i32
        %parallel_loop3A_359 = arith.select %parallel_loop3A_357, %parallel_loop3A_358, %parallel_loop3A_349 : i32
        %parallel_loop3A_360 = arith.constant 16 : i32
        %parallel_loop3A_361 = arith.muli %parallel_loop3A_359, %parallel_loop3A_360 : i32
        %parallel_loop3A_362 = arith.index_cast %parallel_loop3A_343 : i32 to index
        %parallel_loop3A_363 = arith.index_cast %parallel_loop3A_361 : i32 to index
        %parallel_loop3A_364 = tpu.vector_load %arg16[%parallel_loop3A_362, %parallel_loop3A_363] {strides = array<i32>} : memref<8x128xf32, #tpu.memory_space<vmem>>, vector<1x16xf32>,
        %parallel_loop3A_365 = vector.shape_cast %parallel_loop3A_364 : vector<1x16xf32> to vector<16xf32>
        %parallel_loop3A_366 = arith.index_cast %parallel_loop3A_319 : i32 to index
        %parallel_loop3A_367 = arith.constant 0 : index
        %parallel_loop3A_368 = tpu.vector_load %arg20[%parallel_loop3A_366, %parallel_loop3A_367] {strides = array<i32>} : memref<64x128xf32, #tpu.memory_space<vmem>>, vector<1x16xf32>,
        %parallel_loop3A_369 = vector.shape_cast %parallel_loop3A_368 : vector<1x16xf32> to vector<16xf32>
        %parallel_loop3A_370 = arith.mulf %parallel_loop3A_369, %parallel_loop3A_365 : vector<16xf32>
        %parallel_loop3A_371 = arith.index_cast %parallel_loop3A_319 : i32 to index
        %parallel_loop3A_372 = arith.constant 0 : index
        %parallel_loop3A_373 = tpu.vector_load %arg20[%parallel_loop3A_371, %parallel_loop3A_372] {strides = array<i32>} : memref<64x128xf32, #tpu.memory_space<vmem>>, vector<1x16xf32>,
        %parallel_loop3A_374 = vector.shape_cast %parallel_loop3A_373 : vector<1x16xf32> to vector<16xf32>
        %parallel_loop3A_375 = vector.shape_cast %parallel_loop3A_370 : vector<16xf32> to vector<1x16xf32>
        tpu.vector_store %arg20[%parallel_loop3A_371, %parallel_loop3A_372], %parallel_loop3A_375 {strides = array<i32>} : memref<64x128xf32, #tpu.memory_space<vmem>>, vector<1x16xf32>,
        %parallel_loop3A_376 = arith.index_cast %parallel_loop3A_319 : i32 to index
        %parallel_loop3A_377 = arith.constant 16 : index
        %parallel_loop3A_378 = tpu.vector_load %arg20[%parallel_loop3A_376, %parallel_loop3A_377] {strides = array<i32>} : memref<64x128xf32, #tpu.memory_space<vmem>>, vector<1x16xf32>,
        %parallel_loop3A_379 = vector.shape_cast %parallel_loop3A_378 : vector<1x16xf32> to vector<16xf32>
        %parallel_loop3A_380 = arith.mulf %parallel_loop3A_379, %parallel_loop3A_365 : vector<16xf32>
        %parallel_loop3A_381 = arith.index_cast %parallel_loop3A_319 : i32 to index
        %parallel_loop3A_382 = arith.constant 16 : index
        %parallel_loop3A_383 = tpu.vector_load %arg20[%parallel_loop3A_381, %parallel_loop3A_382] {strides = array<i32>} : memref<64x128xf32, #tpu.memory_space<vmem>>, vector<1x16xf32>,
        %parallel_loop3A_384 = vector.shape_cast %parallel_loop3A_383 : vector<1x16xf32> to vector<16xf32>
        %parallel_loop3A_385 = vector.shape_cast %parallel_loop3A_380 : vector<16xf32> to vector<1x16xf32>
        tpu.vector_store %arg20[%parallel_loop3A_381, %parallel_loop3A_382], %parallel_loop3A_385 {strides = array<i32>} : memref<64x128xf32, #tpu.memory_space<vmem>>, vector<1x16xf32>,
        %parallel_loop3A_386 = arith.index_cast %parallel_loop3A_319 : i32 to index
        %parallel_loop3A_387 = arith.constant 32 : index
        %parallel_loop3A_388 = tpu.vector_load %arg20[%parallel_loop3A_386, %parallel_loop3A_387] {strides = array<i32>} : memref<64x128xf32, #tpu.memory_space<vmem>>, vector<1x16xf32>,
        %parallel_loop3A_389 = vector.shape_cast %parallel_loop3A_388 : vector<1x16xf32> to vector<16xf32>
        %parallel_loop3A_390 = arith.mulf %parallel_loop3A_389, %parallel_loop3A_365 : vector<16xf32>
        %parallel_loop3A_391 = arith.index_cast %parallel_loop3A_319 : i32 to index
        %parallel_loop3A_392 = arith.constant 32 : index
        %parallel_loop3A_393 = tpu.vector_load %arg20[%parallel_loop3A_391, %parallel_loop3A_392] {strides = array<i32>} : memref<64x128xf32, #tpu.memory_space<vmem>>, vector<1x16xf32>,
        %parallel_loop3A_394 = vector.shape_cast %parallel_loop3A_393 : vector<1x16xf32> to vector<16xf32>
        %parallel_loop3A_395 = vector.shape_cast %parallel_loop3A_390 : vector<16xf32> to vector<1x16xf32>
        tpu.vector_store %arg20[%parallel_loop3A_391, %parallel_loop3A_392], %parallel_loop3A_395 {strides = array<i32>} : memref<64x128xf32, #tpu.memory_space<vmem>>, vector<1x16xf32>,
        %parallel_loop3A_396 = arith.index_cast %parallel_loop3A_319 : i32 to index
        %parallel_loop3A_397 = arith.constant 48 : index
        %parallel_loop3A_398 = tpu.vector_load %arg20[%parallel_loop3A_396, %parallel_loop3A_397] {strides = array<i32>} : memref<64x128xf32, #tpu.memory_space<vmem>>, vector<1x16xf32>,
        %parallel_loop3A_399 = vector.shape_cast %parallel_loop3A_398 : vector<1x16xf32> to vector<16xf32>
        %parallel_loop3A_400 = arith.mulf %parallel_loop3A_399, %parallel_loop3A_365 : vector<16xf32>
        %parallel_loop3A_401 = arith.index_cast %parallel_loop3A_319 : i32 to index
        %parallel_loop3A_402 = arith.constant 48 : index
        %parallel_loop3A_403 = tpu.vector_load %arg20[%parallel_loop3A_401, %parallel_loop3A_402] {strides = array<i32>} : memref<64x128xf32, #tpu.memory_space<vmem>>, vector<1x16xf32>,
        %parallel_loop3A_404 = vector.shape_cast %parallel_loop3A_403 : vector<1x16xf32> to vector<16xf32>
        %parallel_loop3A_405 = vector.shape_cast %parallel_loop3A_400 : vector<16xf32> to vector<1x16xf32>
        tpu.vector_store %arg20[%parallel_loop3A_401, %parallel_loop3A_402], %parallel_loop3A_405 {strides = array<i32>} : memref<64x128xf32, #tpu.memory_space<vmem>>, vector<1x16xf32>,
        %parallel_loop3A_406 = arith.index_cast %parallel_loop3A_319 : i32 to index
        %parallel_loop3A_407 = arith.constant 64 : index
        %parallel_loop3A_408 = tpu.vector_load %arg20[%parallel_loop3A_406, %parallel_loop3A_407] {strides = array<i32>} : memref<64x128xf32, #tpu.memory_space<vmem>>, vector<1x16xf32>,
        %parallel_loop3A_409 = vector.shape_cast %parallel_loop3A_408 : vector<1x16xf32> to vector<16xf32>
        %parallel_loop3A_410 = arith.mulf %parallel_loop3A_409, %parallel_loop3A_365 : vector<16xf32>
        %parallel_loop3A_411 = arith.index_cast %parallel_loop3A_319 : i32 to index
        %parallel_loop3A_412 = arith.constant 64 : index
        %parallel_loop3A_413 = tpu.vector_load %arg20[%parallel_loop3A_411, %parallel_loop3A_412] {strides = array<i32>} : memref<64x128xf32, #tpu.memory_space<vmem>>, vector<1x16xf32>,
        %parallel_loop3A_414 = vector.shape_cast %parallel_loop3A_413 : vector<1x16xf32> to vector<16xf32>
        %parallel_loop3A_415 = vector.shape_cast %parallel_loop3A_410 : vector<16xf32> to vector<1x16xf32>
        tpu.vector_store %arg20[%parallel_loop3A_411, %parallel_loop3A_412], %parallel_loop3A_415 {strides = array<i32>} : memref<64x128xf32, #tpu.memory_space<vmem>>, vector<1x16xf32>,
        %parallel_loop3A_416 = arith.index_cast %parallel_loop3A_319 : i32 to index
        %parallel_loop3A_417 = arith.constant 80 : index
        %parallel_loop3A_418 = tpu.vector_load %arg20[%parallel_loop3A_416, %parallel_loop3A_417] {strides = array<i32>} : memref<64x128xf32, #tpu.memory_space<vmem>>, vector<1x16xf32>,
        %parallel_loop3A_419 = vector.shape_cast %parallel_loop3A_418 : vector<1x16xf32> to vector<16xf32>
        %parallel_loop3A_420 = arith.mulf %parallel_loop3A_419, %parallel_loop3A_365 : vector<16xf32>
        %parallel_loop3A_421 = arith.index_cast %parallel_loop3A_319 : i32 to index
        %parallel_loop3A_422 = arith.constant 80 : index
        %parallel_loop3A_423 = tpu.vector_load %arg20[%parallel_loop3A_421, %parallel_loop3A_422] {strides = array<i32>} : memref<64x128xf32, #tpu.memory_space<vmem>>, vector<1x16xf32>,
        %parallel_loop3A_424 = vector.shape_cast %parallel_loop3A_423 : vector<1x16xf32> to vector<16xf32>
        %parallel_loop3A_425 = vector.shape_cast %parallel_loop3A_420 : vector<16xf32> to vector<1x16xf32>
        tpu.vector_store %arg20[%parallel_loop3A_421, %parallel_loop3A_422], %parallel_loop3A_425 {strides = array<i32>} : memref<64x128xf32, #tpu.memory_space<vmem>>, vector<1x16xf32>,
        %parallel_loop3A_426 = arith.index_cast %parallel_loop3A_319 : i32 to index
        %parallel_loop3A_427 = arith.constant 96 : index
        %parallel_loop3A_428 = tpu.vector_load %arg20[%parallel_loop3A_426, %parallel_loop3A_427] {strides = array<i32>} : memref<64x128xf32, #tpu.memory_space<vmem>>, vector<1x16xf32>,
        %parallel_loop3A_429 = vector.shape_cast %parallel_loop3A_428 : vector<1x16xf32> to vector<16xf32>
        %parallel_loop3A_430 = arith.mulf %parallel_loop3A_429, %parallel_loop3A_365 : vector<16xf32>
        %parallel_loop3A_431 = arith.index_cast %parallel_loop3A_319 : i32 to index
        %parallel_loop3A_432 = arith.constant 96 : index
        %parallel_loop3A_433 = tpu.vector_load %arg20[%parallel_loop3A_431, %parallel_loop3A_432] {strides = array<i32>} : memref<64x128xf32, #tpu.memory_space<vmem>>, vector<1x16xf32>,
        %parallel_loop3A_434 = vector.shape_cast %parallel_loop3A_433 : vector<1x16xf32> to vector<16xf32>
        %parallel_loop3A_435 = vector.shape_cast %parallel_loop3A_430 : vector<16xf32> to vector<1x16xf32>
        tpu.vector_store %arg20[%parallel_loop3A_431, %parallel_loop3A_432], %parallel_loop3A_435 {strides = array<i32>} : memref<64x128xf32, #tpu.memory_space<vmem>>, vector<1x16xf32>,
        %parallel_loop3A_436 = arith.index_cast %parallel_loop3A_319 : i32 to index
        %parallel_loop3A_437 = arith.constant 112 : index
        %parallel_loop3A_438 = tpu.vector_load %arg20[%parallel_loop3A_436, %parallel_loop3A_437] {strides = array<i32>} : memref<64x128xf32, #tpu.memory_space<vmem>>, vector<1x16xf32>,
        %parallel_loop3A_439 = vector.shape_cast %parallel_loop3A_438 : vector<1x16xf32> to vector<16xf32>
        %parallel_loop3A_440 = arith.mulf %parallel_loop3A_439, %parallel_loop3A_365 : vector<16xf32>
        %parallel_loop3A_441 = arith.index_cast %parallel_loop3A_319 : i32 to index
        %parallel_loop3A_442 = arith.constant 112 : index
        %parallel_loop3A_443 = tpu.vector_load %arg20[%parallel_loop3A_441, %parallel_loop3A_442] {strides = array<i32>} : memref<64x128xf32, #tpu.memory_space<vmem>>, vector<1x16xf32>,
        %parallel_loop3A_444 = vector.shape_cast %parallel_loop3A_443 : vector<1x16xf32> to vector<16xf32>
        %parallel_loop3A_445 = vector.shape_cast %parallel_loop3A_440 : vector<16xf32> to vector<1x16xf32>
        tpu.vector_store %arg20[%parallel_loop3A_441, %parallel_loop3A_442], %parallel_loop3A_445 {strides = array<i32>} : memref<64x128xf32, #tpu.memory_space<vmem>>, vector<1x16xf32>,
      } {sc.loop_unroll_factor = 2 : i64, sc.parallel_access}
      %ge3A = arith.constant 1 : i32
      %ge3A_204 = arith.cmpi sge, %add3A_198, %ge3A : i32
      %convert_element_type3A = arith.extui %ge3A_204 : i1 to i32
      %cond3A = arith.constant 0 : i32
      %cond3A_205 = arith.cmpi ne, %convert_element_type3A, %cond3A : i32
      scf.if %cond3A_205 {
        %dma_wait3A_319 = arith.constant 0 : i32
        %dma_wait3A_320 = arith.constant 0 : i32
        %dma_wait3A_321 = tpu.memref_slice %arg24[%dma_wait3A_319, %dma_wait3A_320] : memref<10112x128xf32, #tpu.memory_space<vmem_shared>> -> memref<10112x128xf32, #tpu.memory_space<vmem_shared>>
        tpu.wait_indirect_dma semaphore(%arg36 : memref<!tpu.dma_semaphore, #tpu.memory_space<semaphore_mem>>) src(%arg23 : memref<64x128xf32, #tpu.memory_space<vmem>>) dst(%dma_wait3A_321 : memref<10112x128xf32, #tpu.memory_space<vmem_shared>>)
      } else {
      }
      %dma_start3A_206 = arith.constant 0 : i32
      %dma_start3A_207 = arith.constant 0 : i32
      %dma_start3A_208 = tpu.memref_slice %arg24[%dma_start3A_206, %dma_start3A_207] : memref<10112x128xf32, #tpu.memory_space<vmem_shared>> -> memref<10112x128xf32, #tpu.memory_space<vmem_shared>>
      tpu.enqueue_indirect_dma source(%arg20 : memref<64x128xf32, #tpu.memory_space<vmem>>) target(%dma_start3A_208 : memref<10112x128xf32, #tpu.memory_space<vmem_shared>>) offsets(%arg12 : memref<64xi32, #tpu.memory_space<vmem>>) semaphore(%arg33 : memref<!tpu.dma_semaphore, #tpu.memory_space<semaphore_mem>>) {add = true}
      %add3A_209 = arith.constant 3 : i32
      %add3A_210 = arith.addi %add3A_198, %add3A_209 : i32
      %lt3A = arith.constant 160 : i32
      %lt3A_211 = arith.cmpi slt, %add3A_210, %lt3A : i32
      %convert_element_type3A_212 = arith.extui %lt3A_211 : i1 to i32
      %cond3A_213 = arith.constant 0 : i32
      %cond3A_214 = arith.cmpi ne, %convert_element_type3A_212, %cond3A_213 : i32
      scf.if %cond3A_214 {
        %add3A_319 = arith.constant 3 : i32
        %add3A_320 = arith.addi %add3A_198, %add3A_319 : i32
        %mul3A_321 = arith.constant 10240 : i32
        %mul3A_322 = arith.muli %add3A, %mul3A_321 : i32
        %mul3A_323 = arith.constant 64 : i32
        %mul3A_324 = arith.muli %add3A_320, %mul3A_323 : i32
        %add3A_325 = arith.addi %mul3A_322, %mul3A_324 : i32
        %jit3A_326 = arith.constant 8 : i32
        %div3A_327 = arith.divsi %add3A_325, %jit3A_326 : i32
        %sign3A_328 = arith.constant 0 : i32
        %sign3A_329 = arith.cmpi sgt, %add3A_325, %sign3A_328 : i32
        %sign3A_330 = arith.extui %sign3A_329 : i1 to i32
        %sign3A_331 = arith.constant 0 : i32
        %sign3A_332 = arith.cmpi slt, %add3A_325, %sign3A_331 : i32
        %sign3A_333 = arith.extui %sign3A_332 : i1 to i32
        %sign3A_334 = arith.subi %sign3A_330, %sign3A_333 : i32
        %sign3A_335 = arith.constant 0 : i32
        %sign3A_336 = arith.cmpi sgt, %jit3A_326, %sign3A_335 : i32
        %sign3A_337 = arith.extui %sign3A_336 : i1 to i32
        %sign3A_338 = arith.constant 0 : i32
        %sign3A_339 = arith.cmpi slt, %jit3A_326, %sign3A_338 : i32
        %sign3A_340 = arith.extui %sign3A_339 : i1 to i32
        %sign3A_341 = arith.subi %sign3A_337, %sign3A_340 : i32
        %ne3A_342 = arith.cmpi ne, %sign3A_334, %sign3A_341 : i32
        %rem3A_343 = arith.remsi %add3A_325, %jit3A_326 : i32
        %ne3A_344 = arith.constant 0 : i32
        %ne3A_345 = arith.cmpi ne, %rem3A_343, %ne3A_344 : i32
        %and3A_346 = arith.andi %ne3A_342, %ne3A_345 : i1
        %sub3A_347 = arith.constant 1 : i32
        %sub3A_348 = arith.subi %div3A_327, %sub3A_347 : i32
        %select_n3A_349 = arith.select %and3A_346, %sub3A_348, %div3A_327 : i32
        %multiple_of3A_350 = tpu.assume_multiple %select_n3A_349, 8 : i32
        %dma_start3A_351 = tpu.memref_slice %arg3[%add3A_325] : memref<327680xi32, #tpu.memory_space<hbm>> -> memref<64xi32, #tpu.memory_space<hbm>>
        %dma_start3A_352 = tpu.memref_slice %arg3[%add3A_325] : memref<327680xi32, #tpu.memory_space<hbm>> -> memref<64xi32, #tpu.memory_space<hbm>>
        tpu.enqueue_dma source(%dma_start3A_352 : memref<64xi32, #tpu.memory_space<hbm>>) target(%arg11 : memref<64xi32, #tpu.memory_space<vmem>>) target_semaphore(%arg28 : memref<!tpu.dma_semaphore, #tpu.memory_space<semaphore_mem>>)
        %dma_start3A_353 = tpu.memref_slice %arg4[%add3A_325] : memref<327680xi32, #tpu.memory_space<hbm>> -> memref<64xi32, #tpu.memory_space<hbm>>
        %dma_start3A_354 = tpu.memref_slice %arg4[%add3A_325] : memref<327680xi32, #tpu.memory_space<hbm>> -> memref<64xi32, #tpu.memory_space<hbm>>
        tpu.enqueue_dma source(%dma_start3A_354 : memref<64xi32, #tpu.memory_space<hbm>>) target(%arg15 : memref<64xi32, #tpu.memory_space<vmem>>) target_semaphore(%arg28 : memref<!tpu.dma_semaphore, #tpu.memory_space<semaphore_mem>>)
        %dma_start3A_355 = arith.constant 0 : i32
        %dma_start3A_356 = tpu.memref_slice %arg5[%multiple_of3A_350, %dma_start3A_355] : memref<40960x128xf32, #tpu.memory_space<hbm>> -> memref<8x128xf32, #tpu.memory_space<hbm>>
        %dma_start3A_357 = arith.constant 0 : i32
        %dma_start3A_358 = tpu.memref_slice %arg5[%multiple_of3A_350, %dma_start3A_357] : memref<40960x128xf32, #tpu.memory_space<hbm>> -> memref<8x128xf32, #tpu.memory_space<hbm>>
        tpu.enqueue_dma source(%dma_start3A_358 : memref<8x128xf32, #tpu.memory_space<hbm>>) target(%arg19 : memref<8x128xf32, #tpu.memory_space<vmem>>) target_semaphore(%arg28 : memref<!tpu.dma_semaphore, #tpu.memory_space<semaphore_mem>>)
      } else {
      }
      %add3A_215 = arith.constant 2 : i32
      %add3A_216 = arith.addi %add3A_198, %add3A_215 : i32
      %lt3A_217 = arith.constant 160 : i32
      %lt3A_218 = arith.cmpi slt, %add3A_216, %lt3A_217 : i32
      %convert_element_type3A_219 = arith.extui %lt3A_218 : i1 to i32
      %cond3A_220 = arith.constant 0 : i32
      %cond3A_221 = arith.cmpi ne, %convert_element_type3A_219, %cond3A_220 : i32
      scf.if %cond3A_221 {
        %add3A_319 = arith.constant 2 : i32
        %add3A_320 = arith.addi %add3A_198, %add3A_319 : i32
        %mul3A_321 = arith.constant 10240 : i32
        %mul3A_322 = arith.muli %add3A, %mul3A_321 : i32
        %mul3A_323 = arith.constant 64 : i32
        %mul3A_324 = arith.muli %add3A_320, %mul3A_323 : i32
        %add3A_325 = arith.addi %mul3A_322, %mul3A_324 : i32
        %jit3A_326 = arith.constant 8 : i32
        %div3A_327 = arith.divsi %add3A_325, %jit3A_326 : i32
        %sign3A_328 = arith.constant 0 : i32
        %sign3A_329 = arith.cmpi sgt, %add3A_325, %sign3A_328 : i32
        %sign3A_330 = arith.extui %sign3A_329 : i1 to i32
        %sign3A_331 = arith.constant 0 : i32
        %sign3A_332 = arith.cmpi slt, %add3A_325, %sign3A_331 : i32
        %sign3A_333 = arith.extui %sign3A_332 : i1 to i32
        %sign3A_334 = arith.subi %sign3A_330, %sign3A_333 : i32
        %sign3A_335 = arith.constant 0 : i32
        %sign3A_336 = arith.cmpi sgt, %jit3A_326, %sign3A_335 : i32
        %sign3A_337 = arith.extui %sign3A_336 : i1 to i32
        %sign3A_338 = arith.constant 0 : i32
        %sign3A_339 = arith.cmpi slt, %jit3A_326, %sign3A_338 : i32
        %sign3A_340 = arith.extui %sign3A_339 : i1 to i32
        %sign3A_341 = arith.subi %sign3A_337, %sign3A_340 : i32
        %ne3A_342 = arith.cmpi ne, %sign3A_334, %sign3A_341 : i32
        %rem3A_343 = arith.remsi %add3A_325, %jit3A_326 : i32
        %ne3A_344 = arith.constant 0 : i32
        %ne3A_345 = arith.cmpi ne, %rem3A_343, %ne3A_344 : i32
        %and3A_346 = arith.andi %ne3A_342, %ne3A_345 : i1
        %sub3A_347 = arith.constant 1 : i32
        %sub3A_348 = arith.subi %div3A_327, %sub3A_347 : i32
        %select_n3A_349 = arith.select %and3A_346, %sub3A_348, %div3A_327 : i32
        %multiple_of3A_350 = tpu.assume_multiple %select_n3A_349, 8 : i32
        %dma_wait3A_351 = tpu.memref_slice %arg3[%add3A_325] : memref<327680xi32, #tpu.memory_space<hbm>> -> memref<64xi32, #tpu.memory_space<hbm>>
        %dma_wait3A_352 = tpu.memref_slice %arg3[%add3A_325] : memref<327680xi32, #tpu.memory_space<hbm>> -> memref<64xi32, #tpu.memory_space<hbm>>
        tpu.wait_dma2 semaphore(%arg27 : memref<!tpu.dma_semaphore, #tpu.memory_space<semaphore_mem>>) src(%dma_wait3A_352 : memref<64xi32, #tpu.memory_space<hbm>>) dst(%arg10 : memref<64xi32, #tpu.memory_space<vmem>>)
        %dma_wait3A_353 = tpu.memref_slice %arg4[%add3A_325] : memref<327680xi32, #tpu.memory_space<hbm>> -> memref<64xi32, #tpu.memory_space<hbm>>
        %dma_wait3A_354 = tpu.memref_slice %arg4[%add3A_325] : memref<327680xi32, #tpu.memory_space<hbm>> -> memref<64xi32, #tpu.memory_space<hbm>>
        tpu.wait_dma2 semaphore(%arg27 : memref<!tpu.dma_semaphore, #tpu.memory_space<semaphore_mem>>) src(%dma_wait3A_354 : memref<64xi32, #tpu.memory_space<hbm>>) dst(%arg14 : memref<64xi32, #tpu.memory_space<vmem>>)
        %dma_wait3A_355 = arith.constant 0 : i32
        %dma_wait3A_356 = tpu.memref_slice %arg5[%multiple_of3A_350, %dma_wait3A_355] : memref<40960x128xf32, #tpu.memory_space<hbm>> -> memref<8x128xf32, #tpu.memory_space<hbm>>
        %dma_wait3A_357 = arith.constant 0 : i32
        %dma_wait3A_358 = tpu.memref_slice %arg5[%multiple_of3A_350, %dma_wait3A_357] : memref<40960x128xf32, #tpu.memory_space<hbm>> -> memref<8x128xf32, #tpu.memory_space<hbm>>
        tpu.wait_dma2 semaphore(%arg27 : memref<!tpu.dma_semaphore, #tpu.memory_space<semaphore_mem>>) src(%dma_wait3A_358 : memref<8x128xf32, #tpu.memory_space<hbm>>) dst(%arg18 : memref<8x128xf32, #tpu.memory_space<vmem>>)
        %dma_start3A_359 = arith.constant 0 : i32
        %dma_start3A_360 = arith.constant 0 : i32
        %dma_start3A_361 = tpu.memref_slice %arg2[%dma_start3A_359, %dma_start3A_360] : memref<10112x128xf32, #tpu.memory_space<hbm>> -> memref<10112x128xf32, #tpu.memory_space<hbm>>
        tpu.enqueue_indirect_dma source(%dma_start3A_361 : memref<10112x128xf32, #tpu.memory_space<hbm>>) target(%arg22 : memref<64x128xf32, #tpu.memory_space<vmem>>) offsets(%arg10 : memref<64xi32, #tpu.memory_space<vmem>>) semaphore(%arg31 : memref<!tpu.dma_semaphore, #tpu.memory_space<semaphore_mem>>)
      } else {
      }
      %mul3A_222 = arith.constant 4 : i32
      %mul3A_223 = arith.muli %mul3A_222, %scan3A_193 : i32
      %add3A_224 = arith.constant 1 : i32
      %add3A_225 = arith.addi %mul3A_223, %add3A_224 : i32
      %dma_wait3A_226 = arith.constant 0 : i32
      %dma_wait3A_227 = arith.constant 0 : i32
      %dma_wait3A_228 = tpu.memref_slice %arg2[%dma_wait3A_226, %dma_wait3A_227] : memref<10112x128xf32, #tpu.memory_space<hbm>> -> memref<10112x128xf32, #tpu.memory_space<hbm>>
      tpu.wait_indirect_dma semaphore(%arg30 : memref<!tpu.dma_semaphore, #tpu.memory_space<semaphore_mem>>) src(%dma_wait3A_228 : memref<10112x128xf32, #tpu.memory_space<hbm>>) dst(%arg21 : memref<64x128xf32, #tpu.memory_space<vmem>>)
      %parallel_loop3A_229 = arith.constant 0 : i32
      %parallel_loop3A_230 = arith.constant 64 : i32
      %parallel_loop3A_231 = arith.constant 1 : i32
      scf.for %parallel_loop3A_319 = %parallel_loop3A_229 to %parallel_loop3A_230 step %parallel_loop3A_231  : i32 {
        %parallel_loop3A_320 = arith.constant 8 : i32
        %parallel_loop3A_321 = arith.divsi %parallel_loop3A_319, %parallel_loop3A_320 : i32
        %parallel_loop3A_322 = arith.constant 0 : i32
        %parallel_loop3A_323 = arith.cmpi sgt, %parallel_loop3A_319, %parallel_loop3A_322 : i32
        %parallel_loop3A_324 = arith.extui %parallel_loop3A_323 : i1 to i32
        %parallel_loop3A_325 = arith.constant 0 : i32
        %parallel_loop3A_326 = arith.cmpi slt, %parallel_loop3A_319, %parallel_loop3A_325 : i32
        %parallel_loop3A_327 = arith.extui %parallel_loop3A_326 : i1 to i32
        %parallel_loop3A_328 = arith.subi %parallel_loop3A_324, %parallel_loop3A_327 : i32
        %parallel_loop3A_329 = arith.constant 0 : i32
        %parallel_loop3A_330 = arith.cmpi sgt, %parallel_loop3A_320, %parallel_loop3A_329 : i32
        %parallel_loop3A_331 = arith.extui %parallel_loop3A_330 : i1 to i32
        %parallel_loop3A_332 = arith.constant 0 : i32
        %parallel_loop3A_333 = arith.cmpi slt, %parallel_loop3A_320, %parallel_loop3A_332 : i32
        %parallel_loop3A_334 = arith.extui %parallel_loop3A_333 : i1 to i32
        %parallel_loop3A_335 = arith.subi %parallel_loop3A_331, %parallel_loop3A_334 : i32
        %parallel_loop3A_336 = arith.cmpi ne, %parallel_loop3A_328, %parallel_loop3A_335 : i32
        %parallel_loop3A_337 = arith.remsi %parallel_loop3A_319, %parallel_loop3A_320 : i32
        %parallel_loop3A_338 = arith.constant 0 : i32
        %parallel_loop3A_339 = arith.cmpi ne, %parallel_loop3A_337, %parallel_loop3A_338 : i32
        %parallel_loop3A_340 = arith.andi %parallel_loop3A_336, %parallel_loop3A_339 : i1
        %parallel_loop3A_341 = arith.constant 1 : i32
        %parallel_loop3A_342 = arith.subi %parallel_loop3A_321, %parallel_loop3A_341 : i32
        %parallel_loop3A_343 = arith.select %parallel_loop3A_340, %parallel_loop3A_342, %parallel_loop3A_321 : i32
        %parallel_loop3A_344 = arith.constant 8 : i32
        %parallel_loop3A_345 = arith.constant 0 : i32
        %parallel_loop3A_346 = arith.cmpi eq, %parallel_loop3A_344, %parallel_loop3A_345 : i32
        %parallel_loop3A_347 = arith.constant 1 : i32
        %parallel_loop3A_348 = arith.select %parallel_loop3A_346, %parallel_loop3A_347, %parallel_loop3A_344 : i32
        %parallel_loop3A_349 = arith.remsi %parallel_loop3A_319, %parallel_loop3A_348 : i32
        %parallel_loop3A_350 = arith.constant 0 : i32
        %parallel_loop3A_351 = arith.cmpi ne, %parallel_loop3A_349, %parallel_loop3A_350 : i32
        %parallel_loop3A_352 = arith.constant 0 : i32
        %parallel_loop3A_353 = arith.cmpi slt, %parallel_loop3A_349, %parallel_loop3A_352 : i32
        %parallel_loop3A_354 = arith.constant 0 : i32
        %parallel_loop3A_355 = arith.cmpi slt, %parallel_loop3A_348, %parallel_loop3A_354 : i32
        %parallel_loop3A_356 = arith.xori %parallel_loop3A_353, %parallel_loop3A_355 : i1
        %parallel_loop3A_357 = arith.andi %parallel_loop3A_356, %parallel_loop3A_351 : i1
        %parallel_loop3A_358 = arith.addi %parallel_loop3A_349, %parallel_loop3A_348 : i32
        %parallel_loop3A_359 = arith.select %parallel_loop3A_357, %parallel_loop3A_358, %parallel_loop3A_349 : i32
        %parallel_loop3A_360 = arith.constant 16 : i32
        %parallel_loop3A_361 = arith.muli %parallel_loop3A_359, %parallel_loop3A_360 : i32
        %parallel_loop3A_362 = arith.index_cast %parallel_loop3A_343 : i32 to index
        %parallel_loop3A_363 = arith.index_cast %parallel_loop3A_361 : i32 to index
        %parallel_loop3A_364 = tpu.vector_load %arg17[%parallel_loop3A_362, %parallel_loop3A_363] {strides = array<i32>} : memref<8x128xf32, #tpu.memory_space<vmem>>, vector<1x16xf32>,
        %parallel_loop3A_365 = vector.shape_cast %parallel_loop3A_364 : vector<1x16xf32> to vector<16xf32>
        %parallel_loop3A_366 = arith.index_cast %parallel_loop3A_319 : i32 to index
        %parallel_loop3A_367 = arith.constant 0 : index
        %parallel_loop3A_368 = tpu.vector_load %arg21[%parallel_loop3A_366, %parallel_loop3A_367] {strides = array<i32>} : memref<64x128xf32, #tpu.memory_space<vmem>>, vector<1x16xf32>,
        %parallel_loop3A_369 = vector.shape_cast %parallel_loop3A_368 : vector<1x16xf32> to vector<16xf32>
        %parallel_loop3A_370 = arith.mulf %parallel_loop3A_369, %parallel_loop3A_365 : vector<16xf32>
        %parallel_loop3A_371 = arith.index_cast %parallel_loop3A_319 : i32 to index
        %parallel_loop3A_372 = arith.constant 0 : index
        %parallel_loop3A_373 = tpu.vector_load %arg21[%parallel_loop3A_371, %parallel_loop3A_372] {strides = array<i32>} : memref<64x128xf32, #tpu.memory_space<vmem>>, vector<1x16xf32>,
        %parallel_loop3A_374 = vector.shape_cast %parallel_loop3A_373 : vector<1x16xf32> to vector<16xf32>
        %parallel_loop3A_375 = vector.shape_cast %parallel_loop3A_370 : vector<16xf32> to vector<1x16xf32>
        tpu.vector_store %arg21[%parallel_loop3A_371, %parallel_loop3A_372], %parallel_loop3A_375 {strides = array<i32>} : memref<64x128xf32, #tpu.memory_space<vmem>>, vector<1x16xf32>,
        %parallel_loop3A_376 = arith.index_cast %parallel_loop3A_319 : i32 to index
        %parallel_loop3A_377 = arith.constant 16 : index
        %parallel_loop3A_378 = tpu.vector_load %arg21[%parallel_loop3A_376, %parallel_loop3A_377] {strides = array<i32>} : memref<64x128xf32, #tpu.memory_space<vmem>>, vector<1x16xf32>,
        %parallel_loop3A_379 = vector.shape_cast %parallel_loop3A_378 : vector<1x16xf32> to vector<16xf32>
        %parallel_loop3A_380 = arith.mulf %parallel_loop3A_379, %parallel_loop3A_365 : vector<16xf32>
        %parallel_loop3A_381 = arith.index_cast %parallel_loop3A_319 : i32 to index
        %parallel_loop3A_382 = arith.constant 16 : index
        %parallel_loop3A_383 = tpu.vector_load %arg21[%parallel_loop3A_381, %parallel_loop3A_382] {strides = array<i32>} : memref<64x128xf32, #tpu.memory_space<vmem>>, vector<1x16xf32>,
        %parallel_loop3A_384 = vector.shape_cast %parallel_loop3A_383 : vector<1x16xf32> to vector<16xf32>
        %parallel_loop3A_385 = vector.shape_cast %parallel_loop3A_380 : vector<16xf32> to vector<1x16xf32>
        tpu.vector_store %arg21[%parallel_loop3A_381, %parallel_loop3A_382], %parallel_loop3A_385 {strides = array<i32>} : memref<64x128xf32, #tpu.memory_space<vmem>>, vector<1x16xf32>,
        %parallel_loop3A_386 = arith.index_cast %parallel_loop3A_319 : i32 to index
        %parallel_loop3A_387 = arith.constant 32 : index
        %parallel_loop3A_388 = tpu.vector_load %arg21[%parallel_loop3A_386, %parallel_loop3A_387] {strides = array<i32>} : memref<64x128xf32, #tpu.memory_space<vmem>>, vector<1x16xf32>,
        %parallel_loop3A_389 = vector.shape_cast %parallel_loop3A_388 : vector<1x16xf32> to vector<16xf32>
        %parallel_loop3A_390 = arith.mulf %parallel_loop3A_389, %parallel_loop3A_365 : vector<16xf32>
        %parallel_loop3A_391 = arith.index_cast %parallel_loop3A_319 : i32 to index
        %parallel_loop3A_392 = arith.constant 32 : index
        %parallel_loop3A_393 = tpu.vector_load %arg21[%parallel_loop3A_391, %parallel_loop3A_392] {strides = array<i32>} : memref<64x128xf32, #tpu.memory_space<vmem>>, vector<1x16xf32>,
        %parallel_loop3A_394 = vector.shape_cast %parallel_loop3A_393 : vector<1x16xf32> to vector<16xf32>
        %parallel_loop3A_395 = vector.shape_cast %parallel_loop3A_390 : vector<16xf32> to vector<1x16xf32>
        tpu.vector_store %arg21[%parallel_loop3A_391, %parallel_loop3A_392], %parallel_loop3A_395 {strides = array<i32>} : memref<64x128xf32, #tpu.memory_space<vmem>>, vector<1x16xf32>,
        %parallel_loop3A_396 = arith.index_cast %parallel_loop3A_319 : i32 to index
        %parallel_loop3A_397 = arith.constant 48 : index
        %parallel_loop3A_398 = tpu.vector_load %arg21[%parallel_loop3A_396, %parallel_loop3A_397] {strides = array<i32>} : memref<64x128xf32, #tpu.memory_space<vmem>>, vector<1x16xf32>,
        %parallel_loop3A_399 = vector.shape_cast %parallel_loop3A_398 : vector<1x16xf32> to vector<16xf32>
        %parallel_loop3A_400 = arith.mulf %parallel_loop3A_399, %parallel_loop3A_365 : vector<16xf32>
        %parallel_loop3A_401 = arith.index_cast %parallel_loop3A_319 : i32 to index
        %parallel_loop3A_402 = arith.constant 48 : index
        %parallel_loop3A_403 = tpu.vector_load %arg21[%parallel_loop3A_401, %parallel_loop3A_402] {strides = array<i32>} : memref<64x128xf32, #tpu.memory_space<vmem>>, vector<1x16xf32>,
        %parallel_loop3A_404 = vector.shape_cast %parallel_loop3A_403 : vector<1x16xf32> to vector<16xf32>
        %parallel_loop3A_405 = vector.shape_cast %parallel_loop3A_400 : vector<16xf32> to vector<1x16xf32>
        tpu.vector_store %arg21[%parallel_loop3A_401, %parallel_loop3A_402], %parallel_loop3A_405 {strides = array<i32>} : memref<64x128xf32, #tpu.memory_space<vmem>>, vector<1x16xf32>,
        %parallel_loop3A_406 = arith.index_cast %parallel_loop3A_319 : i32 to index
        %parallel_loop3A_407 = arith.constant 64 : index
        %parallel_loop3A_408 = tpu.vector_load %arg21[%parallel_loop3A_406, %parallel_loop3A_407] {strides = array<i32>} : memref<64x128xf32, #tpu.memory_space<vmem>>, vector<1x16xf32>,
        %parallel_loop3A_409 = vector.shape_cast %parallel_loop3A_408 : vector<1x16xf32> to vector<16xf32>
        %parallel_loop3A_410 = arith.mulf %parallel_loop3A_409, %parallel_loop3A_365 : vector<16xf32>
        %parallel_loop3A_411 = arith.index_cast %parallel_loop3A_319 : i32 to index
        %parallel_loop3A_412 = arith.constant 64 : index
        %parallel_loop3A_413 = tpu.vector_load %arg21[%parallel_loop3A_411, %parallel_loop3A_412] {strides = array<i32>} : memref<64x128xf32, #tpu.memory_space<vmem>>, vector<1x16xf32>,
        %parallel_loop3A_414 = vector.shape_cast %parallel_loop3A_413 : vector<1x16xf32> to vector<16xf32>
        %parallel_loop3A_415 = vector.shape_cast %parallel_loop3A_410 : vector<16xf32> to vector<1x16xf32>
        tpu.vector_store %arg21[%parallel_loop3A_411, %parallel_loop3A_412], %parallel_loop3A_415 {strides = array<i32>} : memref<64x128xf32, #tpu.memory_space<vmem>>, vector<1x16xf32>,
        %parallel_loop3A_416 = arith.index_cast %parallel_loop3A_319 : i32 to index
        %parallel_loop3A_417 = arith.constant 80 : index
        %parallel_loop3A_418 = tpu.vector_load %arg21[%parallel_loop3A_416, %parallel_loop3A_417] {strides = array<i32>} : memref<64x128xf32, #tpu.memory_space<vmem>>, vector<1x16xf32>,
        %parallel_loop3A_419 = vector.shape_cast %parallel_loop3A_418 : vector<1x16xf32> to vector<16xf32>
        %parallel_loop3A_420 = arith.mulf %parallel_loop3A_419, %parallel_loop3A_365 : vector<16xf32>
        %parallel_loop3A_421 = arith.index_cast %parallel_loop3A_319 : i32 to index
        %parallel_loop3A_422 = arith.constant 80 : index
        %parallel_loop3A_423 = tpu.vector_load %arg21[%parallel_loop3A_421, %parallel_loop3A_422] {strides = array<i32>} : memref<64x128xf32, #tpu.memory_space<vmem>>, vector<1x16xf32>,
        %parallel_loop3A_424 = vector.shape_cast %parallel_loop3A_423 : vector<1x16xf32> to vector<16xf32>
        %parallel_loop3A_425 = vector.shape_cast %parallel_loop3A_420 : vector<16xf32> to vector<1x16xf32>
        tpu.vector_store %arg21[%parallel_loop3A_421, %parallel_loop3A_422], %parallel_loop3A_425 {strides = array<i32>} : memref<64x128xf32, #tpu.memory_space<vmem>>, vector<1x16xf32>,
        %parallel_loop3A_426 = arith.index_cast %parallel_loop3A_319 : i32 to index
        %parallel_loop3A_427 = arith.constant 96 : index
        %parallel_loop3A_428 = tpu.vector_load %arg21[%parallel_loop3A_426, %parallel_loop3A_427] {strides = array<i32>} : memref<64x128xf32, #tpu.memory_space<vmem>>, vector<1x16xf32>,
        %parallel_loop3A_429 = vector.shape_cast %parallel_loop3A_428 : vector<1x16xf32> to vector<16xf32>
        %parallel_loop3A_430 = arith.mulf %parallel_loop3A_429, %parallel_loop3A_365 : vector<16xf32>
        %parallel_loop3A_431 = arith.index_cast %parallel_loop3A_319 : i32 to index
        %parallel_loop3A_432 = arith.constant 96 : index
        %parallel_loop3A_433 = tpu.vector_load %arg21[%parallel_loop3A_431, %parallel_loop3A_432] {strides = array<i32>} : memref<64x128xf32, #tpu.memory_space<vmem>>, vector<1x16xf32>,
        %parallel_loop3A_434 = vector.shape_cast %parallel_loop3A_433 : vector<1x16xf32> to vector<16xf32>
        %parallel_loop3A_435 = vector.shape_cast %parallel_loop3A_430 : vector<16xf32> to vector<1x16xf32>
        tpu.vector_store %arg21[%parallel_loop3A_431, %parallel_loop3A_432], %parallel_loop3A_435 {strides = array<i32>} : memref<64x128xf32, #tpu.memory_space<vmem>>, vector<1x16xf32>,
        %parallel_loop3A_436 = arith.index_cast %parallel_loop3A_319 : i32 to index
        %parallel_loop3A_437 = arith.constant 112 : index
        %parallel_loop3A_438 = tpu.vector_load %arg21[%parallel_loop3A_436, %parallel_loop3A_437] {strides = array<i32>} : memref<64x128xf32, #tpu.memory_space<vmem>>, vector<1x16xf32>,
        %parallel_loop3A_439 = vector.shape_cast %parallel_loop3A_438 : vector<1x16xf32> to vector<16xf32>
        %parallel_loop3A_440 = arith.mulf %parallel_loop3A_439, %parallel_loop3A_365 : vector<16xf32>
        %parallel_loop3A_441 = arith.index_cast %parallel_loop3A_319 : i32 to index
        %parallel_loop3A_442 = arith.constant 112 : index
        %parallel_loop3A_443 = tpu.vector_load %arg21[%parallel_loop3A_441, %parallel_loop3A_442] {strides = array<i32>} : memref<64x128xf32, #tpu.memory_space<vmem>>, vector<1x16xf32>,
        %parallel_loop3A_444 = vector.shape_cast %parallel_loop3A_443 : vector<1x16xf32> to vector<16xf32>
        %parallel_loop3A_445 = vector.shape_cast %parallel_loop3A_440 : vector<16xf32> to vector<1x16xf32>
        tpu.vector_store %arg21[%parallel_loop3A_441, %parallel_loop3A_442], %parallel_loop3A_445 {strides = array<i32>} : memref<64x128xf32, #tpu.memory_space<vmem>>, vector<1x16xf32>,
      } {sc.loop_unroll_factor = 2 : i64, sc.parallel_access}
      %ge3A_232 = arith.constant 1 : i32
      %ge3A_233 = arith.cmpi sge, %add3A_225, %ge3A_232 : i32
      %convert_element_type3A_234 = arith.extui %ge3A_233 : i1 to i32
      %cond3A_235 = arith.constant 0 : i32
      %cond3A_236 = arith.cmpi ne, %convert_element_type3A_234, %cond3A_235 : i32
      scf.if %cond3A_236 {
        %dma_wait3A_319 = arith.constant 0 : i32
        %dma_wait3A_320 = arith.constant 0 : i32
        %dma_wait3A_321 = tpu.memref_slice %arg24[%dma_wait3A_319, %dma_wait3A_320] : memref<10112x128xf32, #tpu.memory_space<vmem_shared>> -> memref<10112x128xf32, #tpu.memory_space<vmem_shared>>
        tpu.wait_indirect_dma semaphore(%arg33 : memref<!tpu.dma_semaphore, #tpu.memory_space<semaphore_mem>>) src(%arg20 : memref<64x128xf32, #tpu.memory_space<vmem>>) dst(%dma_wait3A_321 : memref<10112x128xf32, #tpu.memory_space<vmem_shared>>)
      } else {
      }
      %dma_start3A_237 = arith.constant 0 : i32
      %dma_start3A_238 = arith.constant 0 : i32
      %dma_start3A_239 = tpu.memref_slice %arg24[%dma_start3A_237, %dma_start3A_238] : memref<10112x128xf32, #tpu.memory_space<vmem_shared>> -> memref<10112x128xf32, #tpu.memory_space<vmem_shared>>
      tpu.enqueue_indirect_dma source(%arg21 : memref<64x128xf32, #tpu.memory_space<vmem>>) target(%dma_start3A_239 : memref<10112x128xf32, #tpu.memory_space<vmem_shared>>) offsets(%arg13 : memref<64xi32, #tpu.memory_space<vmem>>) semaphore(%arg34 : memref<!tpu.dma_semaphore, #tpu.memory_space<semaphore_mem>>) {add = true}
      %add3A_240 = arith.constant 3 : i32
      %add3A_241 = arith.addi %add3A_225, %add3A_240 : i32
      %lt3A_242 = arith.constant 160 : i32
      %lt3A_243 = arith.cmpi slt, %add3A_241, %lt3A_242 : i32
      %convert_element_type3A_244 = arith.extui %lt3A_243 : i1 to i32
      %cond3A_245 = arith.constant 0 : i32
      %cond3A_246 = arith.cmpi ne, %convert_element_type3A_244, %cond3A_245 : i32
      scf.if %cond3A_246 {
        %add3A_319 = arith.constant 3 : i32
        %add3A_320 = arith.addi %add3A_225, %add3A_319 : i32
        %mul3A_321 = arith.constant 10240 : i32
        %mul3A_322 = arith.muli %add3A, %mul3A_321 : i32
        %mul3A_323 = arith.constant 64 : i32
        %mul3A_324 = arith.muli %add3A_320, %mul3A_323 : i32
        %add3A_325 = arith.addi %mul3A_322, %mul3A_324 : i32
        %jit3A_326 = arith.constant 8 : i32
        %div3A_327 = arith.divsi %add3A_325, %jit3A_326 : i32
        %sign3A_328 = arith.constant 0 : i32
        %sign3A_329 = arith.cmpi sgt, %add3A_325, %sign3A_328 : i32
        %sign3A_330 = arith.extui %sign3A_329 : i1 to i32
        %sign3A_331 = arith.constant 0 : i32
        %sign3A_332 = arith.cmpi slt, %add3A_325, %sign3A_331 : i32
        %sign3A_333 = arith.extui %sign3A_332 : i1 to i32
        %sign3A_334 = arith.subi %sign3A_330, %sign3A_333 : i32
        %sign3A_335 = arith.constant 0 : i32
        %sign3A_336 = arith.cmpi sgt, %jit3A_326, %sign3A_335 : i32
        %sign3A_337 = arith.extui %sign3A_336 : i1 to i32
        %sign3A_338 = arith.constant 0 : i32
        %sign3A_339 = arith.cmpi slt, %jit3A_326, %sign3A_338 : i32
        %sign3A_340 = arith.extui %sign3A_339 : i1 to i32
        %sign3A_341 = arith.subi %sign3A_337, %sign3A_340 : i32
        %ne3A_342 = arith.cmpi ne, %sign3A_334, %sign3A_341 : i32
        %rem3A_343 = arith.remsi %add3A_325, %jit3A_326 : i32
        %ne3A_344 = arith.constant 0 : i32
        %ne3A_345 = arith.cmpi ne, %rem3A_343, %ne3A_344 : i32
        %and3A_346 = arith.andi %ne3A_342, %ne3A_345 : i1
        %sub3A_347 = arith.constant 1 : i32
        %sub3A_348 = arith.subi %div3A_327, %sub3A_347 : i32
        %select_n3A_349 = arith.select %and3A_346, %sub3A_348, %div3A_327 : i32
        %multiple_of3A_350 = tpu.assume_multiple %select_n3A_349, 8 : i32
        %dma_start3A_351 = tpu.memref_slice %arg3[%add3A_325] : memref<327680xi32, #tpu.memory_space<hbm>> -> memref<64xi32, #tpu.memory_space<hbm>>
        %dma_start3A_352 = tpu.memref_slice %arg3[%add3A_325] : memref<327680xi32, #tpu.memory_space<hbm>> -> memref<64xi32, #tpu.memory_space<hbm>>
        tpu.enqueue_dma source(%dma_start3A_352 : memref<64xi32, #tpu.memory_space<hbm>>) target(%arg8 : memref<64xi32, #tpu.memory_space<vmem>>) target_semaphore(%arg25 : memref<!tpu.dma_semaphore, #tpu.memory_space<semaphore_mem>>)
        %dma_start3A_353 = tpu.memref_slice %arg4[%add3A_325] : memref<327680xi32, #tpu.memory_space<hbm>> -> memref<64xi32, #tpu.memory_space<hbm>>
        %dma_start3A_354 = tpu.memref_slice %arg4[%add3A_325] : memref<327680xi32, #tpu.memory_space<hbm>> -> memref<64xi32, #tpu.memory_space<hbm>>
        tpu.enqueue_dma source(%dma_start3A_354 : memref<64xi32, #tpu.memory_space<hbm>>) target(%arg12 : memref<64xi32, #tpu.memory_space<vmem>>) target_semaphore(%arg25 : memref<!tpu.dma_semaphore, #tpu.memory_space<semaphore_mem>>)
        %dma_start3A_355 = arith.constant 0 : i32
        %dma_start3A_356 = tpu.memref_slice %arg5[%multiple_of3A_350, %dma_start3A_355] : memref<40960x128xf32, #tpu.memory_space<hbm>> -> memref<8x128xf32, #tpu.memory_space<hbm>>
        %dma_start3A_357 = arith.constant 0 : i32
        %dma_start3A_358 = tpu.memref_slice %arg5[%multiple_of3A_350, %dma_start3A_357] : memref<40960x128xf32, #tpu.memory_space<hbm>> -> memref<8x128xf32, #tpu.memory_space<hbm>>
        tpu.enqueue_dma source(%dma_start3A_358 : memref<8x128xf32, #tpu.memory_space<hbm>>) target(%arg16 : memref<8x128xf32, #tpu.memory_space<vmem>>) target_semaphore(%arg25 : memref<!tpu.dma_semaphore, #tpu.memory_space<semaphore_mem>>)
      } else {
      }
      %add3A_247 = arith.constant 2 : i32
      %add3A_248 = arith.addi %add3A_225, %add3A_247 : i32
      %lt3A_249 = arith.constant 160 : i32
      %lt3A_250 = arith.cmpi slt, %add3A_248, %lt3A_249 : i32
      %convert_element_type3A_251 = arith.extui %lt3A_250 : i1 to i32
      %cond3A_252 = arith.constant 0 : i32
      %cond3A_253 = arith.cmpi ne, %convert_element_type3A_251, %cond3A_252 : i32
      scf.if %cond3A_253 {
        %add3A_319 = arith.constant 2 : i32
        %add3A_320 = arith.addi %add3A_225, %add3A_319 : i32
        %mul3A_321 = arith.constant 10240 : i32
        %mul3A_322 = arith.muli %add3A, %mul3A_321 : i32
        %mul3A_323 = arith.constant 64 : i32
        %mul3A_324 = arith.muli %add3A_320, %mul3A_323 : i32
        %add3A_325 = arith.addi %mul3A_322, %mul3A_324 : i32
        %jit3A_326 = arith.constant 8 : i32
        %div3A_327 = arith.divsi %add3A_325, %jit3A_326 : i32
        %sign3A_328 = arith.constant 0 : i32
        %sign3A_329 = arith.cmpi sgt, %add3A_325, %sign3A_328 : i32
        %sign3A_330 = arith.extui %sign3A_329 : i1 to i32
        %sign3A_331 = arith.constant 0 : i32
        %sign3A_332 = arith.cmpi slt, %add3A_325, %sign3A_331 : i32
        %sign3A_333 = arith.extui %sign3A_332 : i1 to i32
        %sign3A_334 = arith.subi %sign3A_330, %sign3A_333 : i32
        %sign3A_335 = arith.constant 0 : i32
        %sign3A_336 = arith.cmpi sgt, %jit3A_326, %sign3A_335 : i32
        %sign3A_337 = arith.extui %sign3A_336 : i1 to i32
        %sign3A_338 = arith.constant 0 : i32
        %sign3A_339 = arith.cmpi slt, %jit3A_326, %sign3A_338 : i32
        %sign3A_340 = arith.extui %sign3A_339 : i1 to i32
        %sign3A_341 = arith.subi %sign3A_337, %sign3A_340 : i32
        %ne3A_342 = arith.cmpi ne, %sign3A_334, %sign3A_341 : i32
        %rem3A_343 = arith.remsi %add3A_325, %jit3A_326 : i32
        %ne3A_344 = arith.constant 0 : i32
        %ne3A_345 = arith.cmpi ne, %rem3A_343, %ne3A_344 : i32
        %and3A_346 = arith.andi %ne3A_342, %ne3A_345 : i1
        %sub3A_347 = arith.constant 1 : i32
        %sub3A_348 = arith.subi %div3A_327, %sub3A_347 : i32
        %select_n3A_349 = arith.select %and3A_346, %sub3A_348, %div3A_327 : i32
        %multiple_of3A_350 = tpu.assume_multiple %select_n3A_349, 8 : i32
        %dma_wait3A_351 = tpu.memref_slice %arg3[%add3A_325] : memref<327680xi32, #tpu.memory_space<hbm>> -> memref<64xi32, #tpu.memory_space<hbm>>
        %dma_wait3A_352 = tpu.memref_slice %arg3[%add3A_325] : memref<327680xi32, #tpu.memory_space<hbm>> -> memref<64xi32, #tpu.memory_space<hbm>>
        tpu.wait_dma2 semaphore(%arg28 : memref<!tpu.dma_semaphore, #tpu.memory_space<semaphore_mem>>) src(%dma_wait3A_352 : memref<64xi32, #tpu.memory_space<hbm>>) dst(%arg11 : memref<64xi32, #tpu.memory_space<vmem>>)
        %dma_wait3A_353 = tpu.memref_slice %arg4[%add3A_325] : memref<327680xi32, #tpu.memory_space<hbm>> -> memref<64xi32, #tpu.memory_space<hbm>>
        %dma_wait3A_354 = tpu.memref_slice %arg4[%add3A_325] : memref<327680xi32, #tpu.memory_space<hbm>> -> memref<64xi32, #tpu.memory_space<hbm>>
        tpu.wait_dma2 semaphore(%arg28 : memref<!tpu.dma_semaphore, #tpu.memory_space<semaphore_mem>>) src(%dma_wait3A_354 : memref<64xi32, #tpu.memory_space<hbm>>) dst(%arg15 : memref<64xi32, #tpu.memory_space<vmem>>)
        %dma_wait3A_355 = arith.constant 0 : i32
        %dma_wait3A_356 = tpu.memref_slice %arg5[%multiple_of3A_350, %dma_wait3A_355] : memref<40960x128xf32, #tpu.memory_space<hbm>> -> memref<8x128xf32, #tpu.memory_space<hbm>>
        %dma_wait3A_357 = arith.constant 0 : i32
        %dma_wait3A_358 = tpu.memref_slice %arg5[%multiple_of3A_350, %dma_wait3A_357] : memref<40960x128xf32, #tpu.memory_space<hbm>> -> memref<8x128xf32, #tpu.memory_space<hbm>>
        tpu.wait_dma2 semaphore(%arg28 : memref<!tpu.dma_semaphore, #tpu.memory_space<semaphore_mem>>) src(%dma_wait3A_358 : memref<8x128xf32, #tpu.memory_space<hbm>>) dst(%arg19 : memref<8x128xf32, #tpu.memory_space<vmem>>)
        %dma_start3A_359 = arith.constant 0 : i32
        %dma_start3A_360 = arith.constant 0 : i32
        %dma_start3A_361 = tpu.memref_slice %arg2[%dma_start3A_359, %dma_start3A_360] : memref<10112x128xf32, #tpu.memory_space<hbm>> -> memref<10112x128xf32, #tpu.memory_space<hbm>>
        tpu.enqueue_indirect_dma source(%dma_start3A_361 : memref<10112x128xf32, #tpu.memory_space<hbm>>) target(%arg23 : memref<64x128xf32, #tpu.memory_space<vmem>>) offsets(%arg11 : memref<64xi32, #tpu.memory_space<vmem>>) semaphore(%arg32 : memref<!tpu.dma_semaphore, #tpu.memory_space<semaphore_mem>>)
      } else {
      }
      %mul3A_254 = arith.constant 4 : i32
      %mul3A_255 = arith.muli %mul3A_254, %scan3A_193 : i32
      %add3A_256 = arith.constant 2 : i32
      %add3A_257 = arith.addi %mul3A_255, %add3A_256 : i32
      %dma_wait3A_258 = arith.constant 0 : i32
      %dma_wait3A_259 = arith.constant 0 : i32
      %dma_wait3A_260 = tpu.memref_slice %arg2[%dma_wait3A_258, %dma_wait3A_259] : memref<10112x128xf32, #tpu.memory_space<hbm>> -> memref<10112x128xf32, #tpu.memory_space<hbm>>
      tpu.wait_indirect_dma semaphore(%arg31 : memref<!tpu.dma_semaphore, #tpu.memory_space<semaphore_mem>>) src(%dma_wait3A_260 : memref<10112x128xf32, #tpu.memory_space<hbm>>) dst(%arg22 : memref<64x128xf32, #tpu.memory_space<vmem>>)
      %parallel_loop3A_261 = arith.constant 0 : i32
      %parallel_loop3A_262 = arith.constant 64 : i32
      %parallel_loop3A_263 = arith.constant 1 : i32
      scf.for %parallel_loop3A_319 = %parallel_loop3A_261 to %parallel_loop3A_262 step %parallel_loop3A_263  : i32 {
        %parallel_loop3A_320 = arith.constant 8 : i32
        %parallel_loop3A_321 = arith.divsi %parallel_loop3A_319, %parallel_loop3A_320 : i32
        %parallel_loop3A_322 = arith.constant 0 : i32
        %parallel_loop3A_323 = arith.cmpi sgt, %parallel_loop3A_319, %parallel_loop3A_322 : i32
        %parallel_loop3A_324 = arith.extui %parallel_loop3A_323 : i1 to i32
        %parallel_loop3A_325 = arith.constant 0 : i32
        %parallel_loop3A_326 = arith.cmpi slt, %parallel_loop3A_319, %parallel_loop3A_325 : i32
        %parallel_loop3A_327 = arith.extui %parallel_loop3A_326 : i1 to i32
        %parallel_loop3A_328 = arith.subi %parallel_loop3A_324, %parallel_loop3A_327 : i32
        %parallel_loop3A_329 = arith.constant 0 : i32
        %parallel_loop3A_330 = arith.cmpi sgt, %parallel_loop3A_320, %parallel_loop3A_329 : i32
        %parallel_loop3A_331 = arith.extui %parallel_loop3A_330 : i1 to i32
        %parallel_loop3A_332 = arith.constant 0 : i32
        %parallel_loop3A_333 = arith.cmpi slt, %parallel_loop3A_320, %parallel_loop3A_332 : i32
        %parallel_loop3A_334 = arith.extui %parallel_loop3A_333 : i1 to i32
        %parallel_loop3A_335 = arith.subi %parallel_loop3A_331, %parallel_loop3A_334 : i32
        %parallel_loop3A_336 = arith.cmpi ne, %parallel_loop3A_328, %parallel_loop3A_335 : i32
        %parallel_loop3A_337 = arith.remsi %parallel_loop3A_319, %parallel_loop3A_320 : i32
        %parallel_loop3A_338 = arith.constant 0 : i32
        %parallel_loop3A_339 = arith.cmpi ne, %parallel_loop3A_337, %parallel_loop3A_338 : i32
        %parallel_loop3A_340 = arith.andi %parallel_loop3A_336, %parallel_loop3A_339 : i1
        %parallel_loop3A_341 = arith.constant 1 : i32
        %parallel_loop3A_342 = arith.subi %parallel_loop3A_321, %parallel_loop3A_341 : i32
        %parallel_loop3A_343 = arith.select %parallel_loop3A_340, %parallel_loop3A_342, %parallel_loop3A_321 : i32
        %parallel_loop3A_344 = arith.constant 8 : i32
        %parallel_loop3A_345 = arith.constant 0 : i32
        %parallel_loop3A_346 = arith.cmpi eq, %parallel_loop3A_344, %parallel_loop3A_345 : i32
        %parallel_loop3A_347 = arith.constant 1 : i32
        %parallel_loop3A_348 = arith.select %parallel_loop3A_346, %parallel_loop3A_347, %parallel_loop3A_344 : i32
        %parallel_loop3A_349 = arith.remsi %parallel_loop3A_319, %parallel_loop3A_348 : i32
        %parallel_loop3A_350 = arith.constant 0 : i32
        %parallel_loop3A_351 = arith.cmpi ne, %parallel_loop3A_349, %parallel_loop3A_350 : i32
        %parallel_loop3A_352 = arith.constant 0 : i32
        %parallel_loop3A_353 = arith.cmpi slt, %parallel_loop3A_349, %parallel_loop3A_352 : i32
        %parallel_loop3A_354 = arith.constant 0 : i32
        %parallel_loop3A_355 = arith.cmpi slt, %parallel_loop3A_348, %parallel_loop3A_354 : i32
        %parallel_loop3A_356 = arith.xori %parallel_loop3A_353, %parallel_loop3A_355 : i1
        %parallel_loop3A_357 = arith.andi %parallel_loop3A_356, %parallel_loop3A_351 : i1
        %parallel_loop3A_358 = arith.addi %parallel_loop3A_349, %parallel_loop3A_348 : i32
        %parallel_loop3A_359 = arith.select %parallel_loop3A_357, %parallel_loop3A_358, %parallel_loop3A_349 : i32
        %parallel_loop3A_360 = arith.constant 16 : i32
        %parallel_loop3A_361 = arith.muli %parallel_loop3A_359, %parallel_loop3A_360 : i32
        %parallel_loop3A_362 = arith.index_cast %parallel_loop3A_343 : i32 to index
        %parallel_loop3A_363 = arith.index_cast %parallel_loop3A_361 : i32 to index
        %parallel_loop3A_364 = tpu.vector_load %arg18[%parallel_loop3A_362, %parallel_loop3A_363] {strides = array<i32>} : memref<8x128xf32, #tpu.memory_space<vmem>>, vector<1x16xf32>,
        %parallel_loop3A_365 = vector.shape_cast %parallel_loop3A_364 : vector<1x16xf32> to vector<16xf32>
        %parallel_loop3A_366 = arith.index_cast %parallel_loop3A_319 : i32 to index
        %parallel_loop3A_367 = arith.constant 0 : index
        %parallel_loop3A_368 = tpu.vector_load %arg22[%parallel_loop3A_366, %parallel_loop3A_367] {strides = array<i32>} : memref<64x128xf32, #tpu.memory_space<vmem>>, vector<1x16xf32>,
        %parallel_loop3A_369 = vector.shape_cast %parallel_loop3A_368 : vector<1x16xf32> to vector<16xf32>
        %parallel_loop3A_370 = arith.mulf %parallel_loop3A_369, %parallel_loop3A_365 : vector<16xf32>
        %parallel_loop3A_371 = arith.index_cast %parallel_loop3A_319 : i32 to index
        %parallel_loop3A_372 = arith.constant 0 : index
        %parallel_loop3A_373 = tpu.vector_load %arg22[%parallel_loop3A_371, %parallel_loop3A_372] {strides = array<i32>} : memref<64x128xf32, #tpu.memory_space<vmem>>, vector<1x16xf32>,
        %parallel_loop3A_374 = vector.shape_cast %parallel_loop3A_373 : vector<1x16xf32> to vector<16xf32>
        %parallel_loop3A_375 = vector.shape_cast %parallel_loop3A_370 : vector<16xf32> to vector<1x16xf32>
        tpu.vector_store %arg22[%parallel_loop3A_371, %parallel_loop3A_372], %parallel_loop3A_375 {strides = array<i32>} : memref<64x128xf32, #tpu.memory_space<vmem>>, vector<1x16xf32>,
        %parallel_loop3A_376 = arith.index_cast %parallel_loop3A_319 : i32 to index
        %parallel_loop3A_377 = arith.constant 16 : index
        %parallel_loop3A_378 = tpu.vector_load %arg22[%parallel_loop3A_376, %parallel_loop3A_377] {strides = array<i32>} : memref<64x128xf32, #tpu.memory_space<vmem>>, vector<1x16xf32>,
        %parallel_loop3A_379 = vector.shape_cast %parallel_loop3A_378 : vector<1x16xf32> to vector<16xf32>
        %parallel_loop3A_380 = arith.mulf %parallel_loop3A_379, %parallel_loop3A_365 : vector<16xf32>
        %parallel_loop3A_381 = arith.index_cast %parallel_loop3A_319 : i32 to index
        %parallel_loop3A_382 = arith.constant 16 : index
        %parallel_loop3A_383 = tpu.vector_load %arg22[%parallel_loop3A_381, %parallel_loop3A_382] {strides = array<i32>} : memref<64x128xf32, #tpu.memory_space<vmem>>, vector<1x16xf32>,
        %parallel_loop3A_384 = vector.shape_cast %parallel_loop3A_383 : vector<1x16xf32> to vector<16xf32>
        %parallel_loop3A_385 = vector.shape_cast %parallel_loop3A_380 : vector<16xf32> to vector<1x16xf32>
        tpu.vector_store %arg22[%parallel_loop3A_381, %parallel_loop3A_382], %parallel_loop3A_385 {strides = array<i32>} : memref<64x128xf32, #tpu.memory_space<vmem>>, vector<1x16xf32>,
        %parallel_loop3A_386 = arith.index_cast %parallel_loop3A_319 : i32 to index
        %parallel_loop3A_387 = arith.constant 32 : index
        %parallel_loop3A_388 = tpu.vector_load %arg22[%parallel_loop3A_386, %parallel_loop3A_387] {strides = array<i32>} : memref<64x128xf32, #tpu.memory_space<vmem>>, vector<1x16xf32>,
        %parallel_loop3A_389 = vector.shape_cast %parallel_loop3A_388 : vector<1x16xf32> to vector<16xf32>
        %parallel_loop3A_390 = arith.mulf %parallel_loop3A_389, %parallel_loop3A_365 : vector<16xf32>
        %parallel_loop3A_391 = arith.index_cast %parallel_loop3A_319 : i32 to index
        %parallel_loop3A_392 = arith.constant 32 : index
        %parallel_loop3A_393 = tpu.vector_load %arg22[%parallel_loop3A_391, %parallel_loop3A_392] {strides = array<i32>} : memref<64x128xf32, #tpu.memory_space<vmem>>, vector<1x16xf32>,
        %parallel_loop3A_394 = vector.shape_cast %parallel_loop3A_393 : vector<1x16xf32> to vector<16xf32>
        %parallel_loop3A_395 = vector.shape_cast %parallel_loop3A_390 : vector<16xf32> to vector<1x16xf32>
        tpu.vector_store %arg22[%parallel_loop3A_391, %parallel_loop3A_392], %parallel_loop3A_395 {strides = array<i32>} : memref<64x128xf32, #tpu.memory_space<vmem>>, vector<1x16xf32>,
        %parallel_loop3A_396 = arith.index_cast %parallel_loop3A_319 : i32 to index
        %parallel_loop3A_397 = arith.constant 48 : index
        %parallel_loop3A_398 = tpu.vector_load %arg22[%parallel_loop3A_396, %parallel_loop3A_397] {strides = array<i32>} : memref<64x128xf32, #tpu.memory_space<vmem>>, vector<1x16xf32>,
        %parallel_loop3A_399 = vector.shape_cast %parallel_loop3A_398 : vector<1x16xf32> to vector<16xf32>
        %parallel_loop3A_400 = arith.mulf %parallel_loop3A_399, %parallel_loop3A_365 : vector<16xf32>
        %parallel_loop3A_401 = arith.index_cast %parallel_loop3A_319 : i32 to index
        %parallel_loop3A_402 = arith.constant 48 : index
        %parallel_loop3A_403 = tpu.vector_load %arg22[%parallel_loop3A_401, %parallel_loop3A_402] {strides = array<i32>} : memref<64x128xf32, #tpu.memory_space<vmem>>, vector<1x16xf32>,
        %parallel_loop3A_404 = vector.shape_cast %parallel_loop3A_403 : vector<1x16xf32> to vector<16xf32>
        %parallel_loop3A_405 = vector.shape_cast %parallel_loop3A_400 : vector<16xf32> to vector<1x16xf32>
        tpu.vector_store %arg22[%parallel_loop3A_401, %parallel_loop3A_402], %parallel_loop3A_405 {strides = array<i32>} : memref<64x128xf32, #tpu.memory_space<vmem>>, vector<1x16xf32>,
        %parallel_loop3A_406 = arith.index_cast %parallel_loop3A_319 : i32 to index
        %parallel_loop3A_407 = arith.constant 64 : index
        %parallel_loop3A_408 = tpu.vector_load %arg22[%parallel_loop3A_406, %parallel_loop3A_407] {strides = array<i32>} : memref<64x128xf32, #tpu.memory_space<vmem>>, vector<1x16xf32>,
        %parallel_loop3A_409 = vector.shape_cast %parallel_loop3A_408 : vector<1x16xf32> to vector<16xf32>
        %parallel_loop3A_410 = arith.mulf %parallel_loop3A_409, %parallel_loop3A_365 : vector<16xf32>
        %parallel_loop3A_411 = arith.index_cast %parallel_loop3A_319 : i32 to index
        %parallel_loop3A_412 = arith.constant 64 : index
        %parallel_loop3A_413 = tpu.vector_load %arg22[%parallel_loop3A_411, %parallel_loop3A_412] {strides = array<i32>} : memref<64x128xf32, #tpu.memory_space<vmem>>, vector<1x16xf32>,
        %parallel_loop3A_414 = vector.shape_cast %parallel_loop3A_413 : vector<1x16xf32> to vector<16xf32>
        %parallel_loop3A_415 = vector.shape_cast %parallel_loop3A_410 : vector<16xf32> to vector<1x16xf32>
        tpu.vector_store %arg22[%parallel_loop3A_411, %parallel_loop3A_412], %parallel_loop3A_415 {strides = array<i32>} : memref<64x128xf32, #tpu.memory_space<vmem>>, vector<1x16xf32>,
        %parallel_loop3A_416 = arith.index_cast %parallel_loop3A_319 : i32 to index
        %parallel_loop3A_417 = arith.constant 80 : index
        %parallel_loop3A_418 = tpu.vector_load %arg22[%parallel_loop3A_416, %parallel_loop3A_417] {strides = array<i32>} : memref<64x128xf32, #tpu.memory_space<vmem>>, vector<1x16xf32>,
        %parallel_loop3A_419 = vector.shape_cast %parallel_loop3A_418 : vector<1x16xf32> to vector<16xf32>
        %parallel_loop3A_420 = arith.mulf %parallel_loop3A_419, %parallel_loop3A_365 : vector<16xf32>
        %parallel_loop3A_421 = arith.index_cast %parallel_loop3A_319 : i32 to index
        %parallel_loop3A_422 = arith.constant 80 : index
        %parallel_loop3A_423 = tpu.vector_load %arg22[%parallel_loop3A_421, %parallel_loop3A_422] {strides = array<i32>} : memref<64x128xf32, #tpu.memory_space<vmem>>, vector<1x16xf32>,
        %parallel_loop3A_424 = vector.shape_cast %parallel_loop3A_423 : vector<1x16xf32> to vector<16xf32>
        %parallel_loop3A_425 = vector.shape_cast %parallel_loop3A_420 : vector<16xf32> to vector<1x16xf32>
        tpu.vector_store %arg22[%parallel_loop3A_421, %parallel_loop3A_422], %parallel_loop3A_425 {strides = array<i32>} : memref<64x128xf32, #tpu.memory_space<vmem>>, vector<1x16xf32>,
        %parallel_loop3A_426 = arith.index_cast %parallel_loop3A_319 : i32 to index
        %parallel_loop3A_427 = arith.constant 96 : index
        %parallel_loop3A_428 = tpu.vector_load %arg22[%parallel_loop3A_426, %parallel_loop3A_427] {strides = array<i32>} : memref<64x128xf32, #tpu.memory_space<vmem>>, vector<1x16xf32>,
        %parallel_loop3A_429 = vector.shape_cast %parallel_loop3A_428 : vector<1x16xf32> to vector<16xf32>
        %parallel_loop3A_430 = arith.mulf %parallel_loop3A_429, %parallel_loop3A_365 : vector<16xf32>
        %parallel_loop3A_431 = arith.index_cast %parallel_loop3A_319 : i32 to index
        %parallel_loop3A_432 = arith.constant 96 : index
        %parallel_loop3A_433 = tpu.vector_load %arg22[%parallel_loop3A_431, %parallel_loop3A_432] {strides = array<i32>} : memref<64x128xf32, #tpu.memory_space<vmem>>, vector<1x16xf32>,
        %parallel_loop3A_434 = vector.shape_cast %parallel_loop3A_433 : vector<1x16xf32> to vector<16xf32>
        %parallel_loop3A_435 = vector.shape_cast %parallel_loop3A_430 : vector<16xf32> to vector<1x16xf32>
        tpu.vector_store %arg22[%parallel_loop3A_431, %parallel_loop3A_432], %parallel_loop3A_435 {strides = array<i32>} : memref<64x128xf32, #tpu.memory_space<vmem>>, vector<1x16xf32>,
        %parallel_loop3A_436 = arith.index_cast %parallel_loop3A_319 : i32 to index
        %parallel_loop3A_437 = arith.constant 112 : index
        %parallel_loop3A_438 = tpu.vector_load %arg22[%parallel_loop3A_436, %parallel_loop3A_437] {strides = array<i32>} : memref<64x128xf32, #tpu.memory_space<vmem>>, vector<1x16xf32>,
        %parallel_loop3A_439 = vector.shape_cast %parallel_loop3A_438 : vector<1x16xf32> to vector<16xf32>
        %parallel_loop3A_440 = arith.mulf %parallel_loop3A_439, %parallel_loop3A_365 : vector<16xf32>
        %parallel_loop3A_441 = arith.index_cast %parallel_loop3A_319 : i32 to index
        %parallel_loop3A_442 = arith.constant 112 : index
        %parallel_loop3A_443 = tpu.vector_load %arg22[%parallel_loop3A_441, %parallel_loop3A_442] {strides = array<i32>} : memref<64x128xf32, #tpu.memory_space<vmem>>, vector<1x16xf32>,
        %parallel_loop3A_444 = vector.shape_cast %parallel_loop3A_443 : vector<1x16xf32> to vector<16xf32>
        %parallel_loop3A_445 = vector.shape_cast %parallel_loop3A_440 : vector<16xf32> to vector<1x16xf32>
        tpu.vector_store %arg22[%parallel_loop3A_441, %parallel_loop3A_442], %parallel_loop3A_445 {strides = array<i32>} : memref<64x128xf32, #tpu.memory_space<vmem>>, vector<1x16xf32>,
      } {sc.loop_unroll_factor = 2 : i64, sc.parallel_access}
      %ge3A_264 = arith.constant 1 : i32
      %ge3A_265 = arith.cmpi sge, %add3A_257, %ge3A_264 : i32
      %convert_element_type3A_266 = arith.extui %ge3A_265 : i1 to i32
      %cond3A_267 = arith.constant 0 : i32
      %cond3A_268 = arith.cmpi ne, %convert_element_type3A_266, %cond3A_267 : i32
      scf.if %cond3A_268 {
        %dma_wait3A_319 = arith.constant 0 : i32
        %dma_wait3A_320 = arith.constant 0 : i32
        %dma_wait3A_321 = tpu.memref_slice %arg24[%dma_wait3A_319, %dma_wait3A_320] : memref<10112x128xf32, #tpu.memory_space<vmem_shared>> -> memref<10112x128xf32, #tpu.memory_space<vmem_shared>>
        tpu.wait_indirect_dma semaphore(%arg34 : memref<!tpu.dma_semaphore, #tpu.memory_space<semaphore_mem>>) src(%arg21 : memref<64x128xf32, #tpu.memory_space<vmem>>) dst(%dma_wait3A_321 : memref<10112x128xf32, #tpu.memory_space<vmem_shared>>)
      } else {
      }
      %dma_start3A_269 = arith.constant 0 : i32
      %dma_start3A_270 = arith.constant 0 : i32
      %dma_start3A_271 = tpu.memref_slice %arg24[%dma_start3A_269, %dma_start3A_270] : memref<10112x128xf32, #tpu.memory_space<vmem_shared>> -> memref<10112x128xf32, #tpu.memory_space<vmem_shared>>
      tpu.enqueue_indirect_dma source(%arg22 : memref<64x128xf32, #tpu.memory_space<vmem>>) target(%dma_start3A_271 : memref<10112x128xf32, #tpu.memory_space<vmem_shared>>) offsets(%arg14 : memref<64xi32, #tpu.memory_space<vmem>>) semaphore(%arg35 : memref<!tpu.dma_semaphore, #tpu.memory_space<semaphore_mem>>) {add = true}
      %add3A_272 = arith.constant 3 : i32
      %add3A_273 = arith.addi %add3A_257, %add3A_272 : i32
      %lt3A_274 = arith.constant 160 : i32
      %lt3A_275 = arith.cmpi slt, %add3A_273, %lt3A_274 : i32
      %convert_element_type3A_276 = arith.extui %lt3A_275 : i1 to i32
      %cond3A_277 = arith.constant 0 : i32
      %cond3A_278 = arith.cmpi ne, %convert_element_type3A_276, %cond3A_277 : i32
      scf.if %cond3A_278 {
        %add3A_319 = arith.constant 3 : i32
        %add3A_320 = arith.addi %add3A_257, %add3A_319 : i32
        %mul3A_321 = arith.constant 10240 : i32
        %mul3A_322 = arith.muli %add3A, %mul3A_321 : i32
        %mul3A_323 = arith.constant 64 : i32
        %mul3A_324 = arith.muli %add3A_320, %mul3A_323 : i32
        %add3A_325 = arith.addi %mul3A_322, %mul3A_324 : i32
        %jit3A_326 = arith.constant 8 : i32
        %div3A_327 = arith.divsi %add3A_325, %jit3A_326 : i32
        %sign3A_328 = arith.constant 0 : i32
        %sign3A_329 = arith.cmpi sgt, %add3A_325, %sign3A_328 : i32
        %sign3A_330 = arith.extui %sign3A_329 : i1 to i32
        %sign3A_331 = arith.constant 0 : i32
        %sign3A_332 = arith.cmpi slt, %add3A_325, %sign3A_331 : i32
        %sign3A_333 = arith.extui %sign3A_332 : i1 to i32
        %sign3A_334 = arith.subi %sign3A_330, %sign3A_333 : i32
        %sign3A_335 = arith.constant 0 : i32
        %sign3A_336 = arith.cmpi sgt, %jit3A_326, %sign3A_335 : i32
        %sign3A_337 = arith.extui %sign3A_336 : i1 to i32
        %sign3A_338 = arith.constant 0 : i32
        %sign3A_339 = arith.cmpi slt, %jit3A_326, %sign3A_338 : i32
        %sign3A_340 = arith.extui %sign3A_339 : i1 to i32
        %sign3A_341 = arith.subi %sign3A_337, %sign3A_340 : i32
        %ne3A_342 = arith.cmpi ne, %sign3A_334, %sign3A_341 : i32
        %rem3A_343 = arith.remsi %add3A_325, %jit3A_326 : i32
        %ne3A_344 = arith.constant 0 : i32
        %ne3A_345 = arith.cmpi ne, %rem3A_343, %ne3A_344 : i32
        %and3A_346 = arith.andi %ne3A_342, %ne3A_345 : i1
        %sub3A_347 = arith.constant 1 : i32
        %sub3A_348 = arith.subi %div3A_327, %sub3A_347 : i32
        %select_n3A_349 = arith.select %and3A_346, %sub3A_348, %div3A_327 : i32
        %multiple_of3A_350 = tpu.assume_multiple %select_n3A_349, 8 : i32
        %dma_start3A_351 = tpu.memref_slice %arg3[%add3A_325] : memref<327680xi32, #tpu.memory_space<hbm>> -> memref<64xi32, #tpu.memory_space<hbm>>
        %dma_start3A_352 = tpu.memref_slice %arg3[%add3A_325] : memref<327680xi32, #tpu.memory_space<hbm>> -> memref<64xi32, #tpu.memory_space<hbm>>
        tpu.enqueue_dma source(%dma_start3A_352 : memref<64xi32, #tpu.memory_space<hbm>>) target(%arg9 : memref<64xi32, #tpu.memory_space<vmem>>) target_semaphore(%arg26 : memref<!tpu.dma_semaphore, #tpu.memory_space<semaphore_mem>>)
        %dma_start3A_353 = tpu.memref_slice %arg4[%add3A_325] : memref<327680xi32, #tpu.memory_space<hbm>> -> memref<64xi32, #tpu.memory_space<hbm>>
        %dma_start3A_354 = tpu.memref_slice %arg4[%add3A_325] : memref<327680xi32, #tpu.memory_space<hbm>> -> memref<64xi32, #tpu.memory_space<hbm>>
        tpu.enqueue_dma source(%dma_start3A_354 : memref<64xi32, #tpu.memory_space<hbm>>) target(%arg13 : memref<64xi32, #tpu.memory_space<vmem>>) target_semaphore(%arg26 : memref<!tpu.dma_semaphore, #tpu.memory_space<semaphore_mem>>)
        %dma_start3A_355 = arith.constant 0 : i32
        %dma_start3A_356 = tpu.memref_slice %arg5[%multiple_of3A_350, %dma_start3A_355] : memref<40960x128xf32, #tpu.memory_space<hbm>> -> memref<8x128xf32, #tpu.memory_space<hbm>>
        %dma_start3A_357 = arith.constant 0 : i32
        %dma_start3A_358 = tpu.memref_slice %arg5[%multiple_of3A_350, %dma_start3A_357] : memref<40960x128xf32, #tpu.memory_space<hbm>> -> memref<8x128xf32, #tpu.memory_space<hbm>>
        tpu.enqueue_dma source(%dma_start3A_358 : memref<8x128xf32, #tpu.memory_space<hbm>>) target(%arg17 : memref<8x128xf32, #tpu.memory_space<vmem>>) target_semaphore(%arg26 : memref<!tpu.dma_semaphore, #tpu.memory_space<semaphore_mem>>)
      } else {
      }
      %add3A_279 = arith.constant 2 : i32
      %add3A_280 = arith.addi %add3A_257, %add3A_279 : i32
      %lt3A_281 = arith.constant 160 : i32
      %lt3A_282 = arith.cmpi slt, %add3A_280, %lt3A_281 : i32
      %convert_element_type3A_283 = arith.extui %lt3A_282 : i1 to i32
      %cond3A_284 = arith.constant 0 : i32
      %cond3A_285 = arith.cmpi ne, %convert_element_type3A_283, %cond3A_284 : i32
      scf.if %cond3A_285 {
        %add3A_319 = arith.constant 2 : i32
        %add3A_320 = arith.addi %add3A_257, %add3A_319 : i32
        %mul3A_321 = arith.constant 10240 : i32
        %mul3A_322 = arith.muli %add3A, %mul3A_321 : i32
        %mul3A_323 = arith.constant 64 : i32
        %mul3A_324 = arith.muli %add3A_320, %mul3A_323 : i32
        %add3A_325 = arith.addi %mul3A_322, %mul3A_324 : i32
        %jit3A_326 = arith.constant 8 : i32
        %div3A_327 = arith.divsi %add3A_325, %jit3A_326 : i32
        %sign3A_328 = arith.constant 0 : i32
        %sign3A_329 = arith.cmpi sgt, %add3A_325, %sign3A_328 : i32
        %sign3A_330 = arith.extui %sign3A_329 : i1 to i32
        %sign3A_331 = arith.constant 0 : i32
        %sign3A_332 = arith.cmpi slt, %add3A_325, %sign3A_331 : i32
        %sign3A_333 = arith.extui %sign3A_332 : i1 to i32
        %sign3A_334 = arith.subi %sign3A_330, %sign3A_333 : i32
        %sign3A_335 = arith.constant 0 : i32
        %sign3A_336 = arith.cmpi sgt, %jit3A_326, %sign3A_335 : i32
        %sign3A_337 = arith.extui %sign3A_336 : i1 to i32
        %sign3A_338 = arith.constant 0 : i32
        %sign3A_339 = arith.cmpi slt, %jit3A_326, %sign3A_338 : i32
        %sign3A_340 = arith.extui %sign3A_339 : i1 to i32
        %sign3A_341 = arith.subi %sign3A_337, %sign3A_340 : i32
        %ne3A_342 = arith.cmpi ne, %sign3A_334, %sign3A_341 : i32
        %rem3A_343 = arith.remsi %add3A_325, %jit3A_326 : i32
        %ne3A_344 = arith.constant 0 : i32
        %ne3A_345 = arith.cmpi ne, %rem3A_343, %ne3A_344 : i32
        %and3A_346 = arith.andi %ne3A_342, %ne3A_345 : i1
        %sub3A_347 = arith.constant 1 : i32
        %sub3A_348 = arith.subi %div3A_327, %sub3A_347 : i32
        %select_n3A_349 = arith.select %and3A_346, %sub3A_348, %div3A_327 : i32
        %multiple_of3A_350 = tpu.assume_multiple %select_n3A_349, 8 : i32
        %dma_wait3A_351 = tpu.memref_slice %arg3[%add3A_325] : memref<327680xi32, #tpu.memory_space<hbm>> -> memref<64xi32, #tpu.memory_space<hbm>>
        %dma_wait3A_352 = tpu.memref_slice %arg3[%add3A_325] : memref<327680xi32, #tpu.memory_space<hbm>> -> memref<64xi32, #tpu.memory_space<hbm>>
        tpu.wait_dma2 semaphore(%arg25 : memref<!tpu.dma_semaphore, #tpu.memory_space<semaphore_mem>>) src(%dma_wait3A_352 : memref<64xi32, #tpu.memory_space<hbm>>) dst(%arg8 : memref<64xi32, #tpu.memory_space<vmem>>)
        %dma_wait3A_353 = tpu.memref_slice %arg4[%add3A_325] : memref<327680xi32, #tpu.memory_space<hbm>> -> memref<64xi32, #tpu.memory_space<hbm>>
        %dma_wait3A_354 = tpu.memref_slice %arg4[%add3A_325] : memref<327680xi32, #tpu.memory_space<hbm>> -> memref<64xi32, #tpu.memory_space<hbm>>
        tpu.wait_dma2 semaphore(%arg25 : memref<!tpu.dma_semaphore, #tpu.memory_space<semaphore_mem>>) src(%dma_wait3A_354 : memref<64xi32, #tpu.memory_space<hbm>>) dst(%arg12 : memref<64xi32, #tpu.memory_space<vmem>>)
        %dma_wait3A_355 = arith.constant 0 : i32
        %dma_wait3A_356 = tpu.memref_slice %arg5[%multiple_of3A_350, %dma_wait3A_355] : memref<40960x128xf32, #tpu.memory_space<hbm>> -> memref<8x128xf32, #tpu.memory_space<hbm>>
        %dma_wait3A_357 = arith.constant 0 : i32
        %dma_wait3A_358 = tpu.memref_slice %arg5[%multiple_of3A_350, %dma_wait3A_357] : memref<40960x128xf32, #tpu.memory_space<hbm>> -> memref<8x128xf32, #tpu.memory_space<hbm>>
        tpu.wait_dma2 semaphore(%arg25 : memref<!tpu.dma_semaphore, #tpu.memory_space<semaphore_mem>>) src(%dma_wait3A_358 : memref<8x128xf32, #tpu.memory_space<hbm>>) dst(%arg16 : memref<8x128xf32, #tpu.memory_space<vmem>>)
        %dma_start3A_359 = arith.constant 0 : i32
        %dma_start3A_360 = arith.constant 0 : i32
        %dma_start3A_361 = tpu.memref_slice %arg2[%dma_start3A_359, %dma_start3A_360] : memref<10112x128xf32, #tpu.memory_space<hbm>> -> memref<10112x128xf32, #tpu.memory_space<hbm>>
        tpu.enqueue_indirect_dma source(%dma_start3A_361 : memref<10112x128xf32, #tpu.memory_space<hbm>>) target(%arg20 : memref<64x128xf32, #tpu.memory_space<vmem>>) offsets(%arg8 : memref<64xi32, #tpu.memory_space<vmem>>) semaphore(%arg29 : memref<!tpu.dma_semaphore, #tpu.memory_space<semaphore_mem>>)
      } else {
      }
      %mul3A_286 = arith.constant 4 : i32
      %mul3A_287 = arith.muli %mul3A_286, %scan3A_193 : i32
      %add3A_288 = arith.constant 3 : i32
      %add3A_289 = arith.addi %mul3A_287, %add3A_288 : i32
      %dma_wait3A_290 = arith.constant 0 : i32
      %dma_wait3A_291 = arith.constant 0 : i32
      %dma_wait3A_292 = tpu.memref_slice %arg2[%dma_wait3A_290, %dma_wait3A_291] : memref<10112x128xf32, #tpu.memory_space<hbm>> -> memref<10112x128xf32, #tpu.memory_space<hbm>>
      tpu.wait_indirect_dma semaphore(%arg32 : memref<!tpu.dma_semaphore, #tpu.memory_space<semaphore_mem>>) src(%dma_wait3A_292 : memref<10112x128xf32, #tpu.memory_space<hbm>>) dst(%arg23 : memref<64x128xf32, #tpu.memory_space<vmem>>)
      %parallel_loop3A_293 = arith.constant 0 : i32
      %parallel_loop3A_294 = arith.constant 64 : i32
      %parallel_loop3A_295 = arith.constant 1 : i32
      scf.for %parallel_loop3A_319 = %parallel_loop3A_293 to %parallel_loop3A_294 step %parallel_loop3A_295  : i32 {
        %parallel_loop3A_320 = arith.constant 8 : i32
        %parallel_loop3A_321 = arith.divsi %parallel_loop3A_319, %parallel_loop3A_320 : i32
        %parallel_loop3A_322 = arith.constant 0 : i32
        %parallel_loop3A_323 = arith.cmpi sgt, %parallel_loop3A_319, %parallel_loop3A_322 : i32
        %parallel_loop3A_324 = arith.extui %parallel_loop3A_323 : i1 to i32
        %parallel_loop3A_325 = arith.constant 0 : i32
        %parallel_loop3A_326 = arith.cmpi slt, %parallel_loop3A_319, %parallel_loop3A_325 : i32
        %parallel_loop3A_327 = arith.extui %parallel_loop3A_326 : i1 to i32
        %parallel_loop3A_328 = arith.subi %parallel_loop3A_324, %parallel_loop3A_327 : i32
        %parallel_loop3A_329 = arith.constant 0 : i32
        %parallel_loop3A_330 = arith.cmpi sgt, %parallel_loop3A_320, %parallel_loop3A_329 : i32
        %parallel_loop3A_331 = arith.extui %parallel_loop3A_330 : i1 to i32
        %parallel_loop3A_332 = arith.constant 0 : i32
        %parallel_loop3A_333 = arith.cmpi slt, %parallel_loop3A_320, %parallel_loop3A_332 : i32
        %parallel_loop3A_334 = arith.extui %parallel_loop3A_333 : i1 to i32
        %parallel_loop3A_335 = arith.subi %parallel_loop3A_331, %parallel_loop3A_334 : i32
        %parallel_loop3A_336 = arith.cmpi ne, %parallel_loop3A_328, %parallel_loop3A_335 : i32
        %parallel_loop3A_337 = arith.remsi %parallel_loop3A_319, %parallel_loop3A_320 : i32
        %parallel_loop3A_338 = arith.constant 0 : i32
        %parallel_loop3A_339 = arith.cmpi ne, %parallel_loop3A_337, %parallel_loop3A_338 : i32
        %parallel_loop3A_340 = arith.andi %parallel_loop3A_336, %parallel_loop3A_339 : i1
        %parallel_loop3A_341 = arith.constant 1 : i32
        %parallel_loop3A_342 = arith.subi %parallel_loop3A_321, %parallel_loop3A_341 : i32
        %parallel_loop3A_343 = arith.select %parallel_loop3A_340, %parallel_loop3A_342, %parallel_loop3A_321 : i32
        %parallel_loop3A_344 = arith.constant 8 : i32
        %parallel_loop3A_345 = arith.constant 0 : i32
        %parallel_loop3A_346 = arith.cmpi eq, %parallel_loop3A_344, %parallel_loop3A_345 : i32
        %parallel_loop3A_347 = arith.constant 1 : i32
        %parallel_loop3A_348 = arith.select %parallel_loop3A_346, %parallel_loop3A_347, %parallel_loop3A_344 : i32
        %parallel_loop3A_349 = arith.remsi %parallel_loop3A_319, %parallel_loop3A_348 : i32
        %parallel_loop3A_350 = arith.constant 0 : i32
        %parallel_loop3A_351 = arith.cmpi ne, %parallel_loop3A_349, %parallel_loop3A_350 : i32
        %parallel_loop3A_352 = arith.constant 0 : i32
        %parallel_loop3A_353 = arith.cmpi slt, %parallel_loop3A_349, %parallel_loop3A_352 : i32
        %parallel_loop3A_354 = arith.constant 0 : i32
        %parallel_loop3A_355 = arith.cmpi slt, %parallel_loop3A_348, %parallel_loop3A_354 : i32
        %parallel_loop3A_356 = arith.xori %parallel_loop3A_353, %parallel_loop3A_355 : i1
        %parallel_loop3A_357 = arith.andi %parallel_loop3A_356, %parallel_loop3A_351 : i1
        %parallel_loop3A_358 = arith.addi %parallel_loop3A_349, %parallel_loop3A_348 : i32
        %parallel_loop3A_359 = arith.select %parallel_loop3A_357, %parallel_loop3A_358, %parallel_loop3A_349 : i32
        %parallel_loop3A_360 = arith.constant 16 : i32
        %parallel_loop3A_361 = arith.muli %parallel_loop3A_359, %parallel_loop3A_360 : i32
        %parallel_loop3A_362 = arith.index_cast %parallel_loop3A_343 : i32 to index
        %parallel_loop3A_363 = arith.index_cast %parallel_loop3A_361 : i32 to index
        %parallel_loop3A_364 = tpu.vector_load %arg19[%parallel_loop3A_362, %parallel_loop3A_363] {strides = array<i32>} : memref<8x128xf32, #tpu.memory_space<vmem>>, vector<1x16xf32>,
        %parallel_loop3A_365 = vector.shape_cast %parallel_loop3A_364 : vector<1x16xf32> to vector<16xf32>
        %parallel_loop3A_366 = arith.index_cast %parallel_loop3A_319 : i32 to index
        %parallel_loop3A_367 = arith.constant 0 : index
        %parallel_loop3A_368 = tpu.vector_load %arg23[%parallel_loop3A_366, %parallel_loop3A_367] {strides = array<i32>} : memref<64x128xf32, #tpu.memory_space<vmem>>, vector<1x16xf32>,
        %parallel_loop3A_369 = vector.shape_cast %parallel_loop3A_368 : vector<1x16xf32> to vector<16xf32>
        %parallel_loop3A_370 = arith.mulf %parallel_loop3A_369, %parallel_loop3A_365 : vector<16xf32>
        %parallel_loop3A_371 = arith.index_cast %parallel_loop3A_319 : i32 to index
        %parallel_loop3A_372 = arith.constant 0 : index
        %parallel_loop3A_373 = tpu.vector_load %arg23[%parallel_loop3A_371, %parallel_loop3A_372] {strides = array<i32>} : memref<64x128xf32, #tpu.memory_space<vmem>>, vector<1x16xf32>,
        %parallel_loop3A_374 = vector.shape_cast %parallel_loop3A_373 : vector<1x16xf32> to vector<16xf32>
        %parallel_loop3A_375 = vector.shape_cast %parallel_loop3A_370 : vector<16xf32> to vector<1x16xf32>
        tpu.vector_store %arg23[%parallel_loop3A_371, %parallel_loop3A_372], %parallel_loop3A_375 {strides = array<i32>} : memref<64x128xf32, #tpu.memory_space<vmem>>, vector<1x16xf32>,
        %parallel_loop3A_376 = arith.index_cast %parallel_loop3A_319 : i32 to index
        %parallel_loop3A_377 = arith.constant 16 : index
        %parallel_loop3A_378 = tpu.vector_load %arg23[%parallel_loop3A_376, %parallel_loop3A_377] {strides = array<i32>} : memref<64x128xf32, #tpu.memory_space<vmem>>, vector<1x16xf32>,
        %parallel_loop3A_379 = vector.shape_cast %parallel_loop3A_378 : vector<1x16xf32> to vector<16xf32>
        %parallel_loop3A_380 = arith.mulf %parallel_loop3A_379, %parallel_loop3A_365 : vector<16xf32>
        %parallel_loop3A_381 = arith.index_cast %parallel_loop3A_319 : i32 to index
        %parallel_loop3A_382 = arith.constant 16 : index
        %parallel_loop3A_383 = tpu.vector_load %arg23[%parallel_loop3A_381, %parallel_loop3A_382] {strides = array<i32>} : memref<64x128xf32, #tpu.memory_space<vmem>>, vector<1x16xf32>,
        %parallel_loop3A_384 = vector.shape_cast %parallel_loop3A_383 : vector<1x16xf32> to vector<16xf32>
        %parallel_loop3A_385 = vector.shape_cast %parallel_loop3A_380 : vector<16xf32> to vector<1x16xf32>
        tpu.vector_store %arg23[%parallel_loop3A_381, %parallel_loop3A_382], %parallel_loop3A_385 {strides = array<i32>} : memref<64x128xf32, #tpu.memory_space<vmem>>, vector<1x16xf32>,
        %parallel_loop3A_386 = arith.index_cast %parallel_loop3A_319 : i32 to index
        %parallel_loop3A_387 = arith.constant 32 : index
        %parallel_loop3A_388 = tpu.vector_load %arg23[%parallel_loop3A_386, %parallel_loop3A_387] {strides = array<i32>} : memref<64x128xf32, #tpu.memory_space<vmem>>, vector<1x16xf32>,
        %parallel_loop3A_389 = vector.shape_cast %parallel_loop3A_388 : vector<1x16xf32> to vector<16xf32>
        %parallel_loop3A_390 = arith.mulf %parallel_loop3A_389, %parallel_loop3A_365 : vector<16xf32>
        %parallel_loop3A_391 = arith.index_cast %parallel_loop3A_319 : i32 to index
        %parallel_loop3A_392 = arith.constant 32 : index
        %parallel_loop3A_393 = tpu.vector_load %arg23[%parallel_loop3A_391, %parallel_loop3A_392] {strides = array<i32>} : memref<64x128xf32, #tpu.memory_space<vmem>>, vector<1x16xf32>,
        %parallel_loop3A_394 = vector.shape_cast %parallel_loop3A_393 : vector<1x16xf32> to vector<16xf32>
        %parallel_loop3A_395 = vector.shape_cast %parallel_loop3A_390 : vector<16xf32> to vector<1x16xf32>
        tpu.vector_store %arg23[%parallel_loop3A_391, %parallel_loop3A_392], %parallel_loop3A_395 {strides = array<i32>} : memref<64x128xf32, #tpu.memory_space<vmem>>, vector<1x16xf32>,
        %parallel_loop3A_396 = arith.index_cast %parallel_loop3A_319 : i32 to index
        %parallel_loop3A_397 = arith.constant 48 : index
        %parallel_loop3A_398 = tpu.vector_load %arg23[%parallel_loop3A_396, %parallel_loop3A_397] {strides = array<i32>} : memref<64x128xf32, #tpu.memory_space<vmem>>, vector<1x16xf32>,
        %parallel_loop3A_399 = vector.shape_cast %parallel_loop3A_398 : vector<1x16xf32> to vector<16xf32>
        %parallel_loop3A_400 = arith.mulf %parallel_loop3A_399, %parallel_loop3A_365 : vector<16xf32>
        %parallel_loop3A_401 = arith.index_cast %parallel_loop3A_319 : i32 to index
        %parallel_loop3A_402 = arith.constant 48 : index
        %parallel_loop3A_403 = tpu.vector_load %arg23[%parallel_loop3A_401, %parallel_loop3A_402] {strides = array<i32>} : memref<64x128xf32, #tpu.memory_space<vmem>>, vector<1x16xf32>,
        %parallel_loop3A_404 = vector.shape_cast %parallel_loop3A_403 : vector<1x16xf32> to vector<16xf32>
        %parallel_loop3A_405 = vector.shape_cast %parallel_loop3A_400 : vector<16xf32> to vector<1x16xf32>
        tpu.vector_store %arg23[%parallel_loop3A_401, %parallel_loop3A_402], %parallel_loop3A_405 {strides = array<i32>} : memref<64x128xf32, #tpu.memory_space<vmem>>, vector<1x16xf32>,
        %parallel_loop3A_406 = arith.index_cast %parallel_loop3A_319 : i32 to index
        %parallel_loop3A_407 = arith.constant 64 : index
        %parallel_loop3A_408 = tpu.vector_load %arg23[%parallel_loop3A_406, %parallel_loop3A_407] {strides = array<i32>} : memref<64x128xf32, #tpu.memory_space<vmem>>, vector<1x16xf32>,
        %parallel_loop3A_409 = vector.shape_cast %parallel_loop3A_408 : vector<1x16xf32> to vector<16xf32>
        %parallel_loop3A_410 = arith.mulf %parallel_loop3A_409, %parallel_loop3A_365 : vector<16xf32>
        %parallel_loop3A_411 = arith.index_cast %parallel_loop3A_319 : i32 to index
        %parallel_loop3A_412 = arith.constant 64 : index
        %parallel_loop3A_413 = tpu.vector_load %arg23[%parallel_loop3A_411, %parallel_loop3A_412] {strides = array<i32>} : memref<64x128xf32, #tpu.memory_space<vmem>>, vector<1x16xf32>,
        %parallel_loop3A_414 = vector.shape_cast %parallel_loop3A_413 : vector<1x16xf32> to vector<16xf32>
        %parallel_loop3A_415 = vector.shape_cast %parallel_loop3A_410 : vector<16xf32> to vector<1x16xf32>
        tpu.vector_store %arg23[%parallel_loop3A_411, %parallel_loop3A_412], %parallel_loop3A_415 {strides = array<i32>} : memref<64x128xf32, #tpu.memory_space<vmem>>, vector<1x16xf32>,
        %parallel_loop3A_416 = arith.index_cast %parallel_loop3A_319 : i32 to index
        %parallel_loop3A_417 = arith.constant 80 : index
        %parallel_loop3A_418 = tpu.vector_load %arg23[%parallel_loop3A_416, %parallel_loop3A_417] {strides = array<i32>} : memref<64x128xf32, #tpu.memory_space<vmem>>, vector<1x16xf32>,
        %parallel_loop3A_419 = vector.shape_cast %parallel_loop3A_418 : vector<1x16xf32> to vector<16xf32>
        %parallel_loop3A_420 = arith.mulf %parallel_loop3A_419, %parallel_loop3A_365 : vector<16xf32>
        %parallel_loop3A_421 = arith.index_cast %parallel_loop3A_319 : i32 to index
        %parallel_loop3A_422 = arith.constant 80 : index
        %parallel_loop3A_423 = tpu.vector_load %arg23[%parallel_loop3A_421, %parallel_loop3A_422] {strides = array<i32>} : memref<64x128xf32, #tpu.memory_space<vmem>>, vector<1x16xf32>,
        %parallel_loop3A_424 = vector.shape_cast %parallel_loop3A_423 : vector<1x16xf32> to vector<16xf32>
        %parallel_loop3A_425 = vector.shape_cast %parallel_loop3A_420 : vector<16xf32> to vector<1x16xf32>
        tpu.vector_store %arg23[%parallel_loop3A_421, %parallel_loop3A_422], %parallel_loop3A_425 {strides = array<i32>} : memref<64x128xf32, #tpu.memory_space<vmem>>, vector<1x16xf32>,
        %parallel_loop3A_426 = arith.index_cast %parallel_loop3A_319 : i32 to index
        %parallel_loop3A_427 = arith.constant 96 : index
        %parallel_loop3A_428 = tpu.vector_load %arg23[%parallel_loop3A_426, %parallel_loop3A_427] {strides = array<i32>} : memref<64x128xf32, #tpu.memory_space<vmem>>, vector<1x16xf32>,
        %parallel_loop3A_429 = vector.shape_cast %parallel_loop3A_428 : vector<1x16xf32> to vector<16xf32>
        %parallel_loop3A_430 = arith.mulf %parallel_loop3A_429, %parallel_loop3A_365 : vector<16xf32>
        %parallel_loop3A_431 = arith.index_cast %parallel_loop3A_319 : i32 to index
        %parallel_loop3A_432 = arith.constant 96 : index
        %parallel_loop3A_433 = tpu.vector_load %arg23[%parallel_loop3A_431, %parallel_loop3A_432] {strides = array<i32>} : memref<64x128xf32, #tpu.memory_space<vmem>>, vector<1x16xf32>,
        %parallel_loop3A_434 = vector.shape_cast %parallel_loop3A_433 : vector<1x16xf32> to vector<16xf32>
        %parallel_loop3A_435 = vector.shape_cast %parallel_loop3A_430 : vector<16xf32> to vector<1x16xf32>
        tpu.vector_store %arg23[%parallel_loop3A_431, %parallel_loop3A_432], %parallel_loop3A_435 {strides = array<i32>} : memref<64x128xf32, #tpu.memory_space<vmem>>, vector<1x16xf32>,
        %parallel_loop3A_436 = arith.index_cast %parallel_loop3A_319 : i32 to index
        %parallel_loop3A_437 = arith.constant 112 : index
        %parallel_loop3A_438 = tpu.vector_load %arg23[%parallel_loop3A_436, %parallel_loop3A_437] {strides = array<i32>} : memref<64x128xf32, #tpu.memory_space<vmem>>, vector<1x16xf32>,
        %parallel_loop3A_439 = vector.shape_cast %parallel_loop3A_438 : vector<1x16xf32> to vector<16xf32>
        %parallel_loop3A_440 = arith.mulf %parallel_loop3A_439, %parallel_loop3A_365 : vector<16xf32>
        %parallel_loop3A_441 = arith.index_cast %parallel_loop3A_319 : i32 to index
        %parallel_loop3A_442 = arith.constant 112 : index
        %parallel_loop3A_443 = tpu.vector_load %arg23[%parallel_loop3A_441, %parallel_loop3A_442] {strides = array<i32>} : memref<64x128xf32, #tpu.memory_space<vmem>>, vector<1x16xf32>,
        %parallel_loop3A_444 = vector.shape_cast %parallel_loop3A_443 : vector<1x16xf32> to vector<16xf32>
        %parallel_loop3A_445 = vector.shape_cast %parallel_loop3A_440 : vector<16xf32> to vector<1x16xf32>
        tpu.vector_store %arg23[%parallel_loop3A_441, %parallel_loop3A_442], %parallel_loop3A_445 {strides = array<i32>} : memref<64x128xf32, #tpu.memory_space<vmem>>, vector<1x16xf32>,
      } {sc.loop_unroll_factor = 2 : i64, sc.parallel_access}
      %ge3A_296 = arith.constant 1 : i32
      %ge3A_297 = arith.cmpi sge, %add3A_289, %ge3A_296 : i32
      %convert_element_type3A_298 = arith.extui %ge3A_297 : i1 to i32
      %cond3A_299 = arith.constant 0 : i32
      %cond3A_300 = arith.cmpi ne, %convert_element_type3A_298, %cond3A_299 : i32
      scf.if %cond3A_300 {
        %dma_wait3A_319 = arith.constant 0 : i32
        %dma_wait3A_320 = arith.constant 0 : i32
        %dma_wait3A_321 = tpu.memref_slice %arg24[%dma_wait3A_319, %dma_wait3A_320] : memref<10112x128xf32, #tpu.memory_space<vmem_shared>> -> memref<10112x128xf32, #tpu.memory_space<vmem_shared>>
        tpu.wait_indirect_dma semaphore(%arg35 : memref<!tpu.dma_semaphore, #tpu.memory_space<semaphore_mem>>) src(%arg22 : memref<64x128xf32, #tpu.memory_space<vmem>>) dst(%dma_wait3A_321 : memref<10112x128xf32, #tpu.memory_space<vmem_shared>>)
      } else {
      }
      %dma_start3A_301 = arith.constant 0 : i32
      %dma_start3A_302 = arith.constant 0 : i32
      %dma_start3A_303 = tpu.memref_slice %arg24[%dma_start3A_301, %dma_start3A_302] : memref<10112x128xf32, #tpu.memory_space<vmem_shared>> -> memref<10112x128xf32, #tpu.memory_space<vmem_shared>>
      tpu.enqueue_indirect_dma source(%arg23 : memref<64x128xf32, #tpu.memory_space<vmem>>) target(%dma_start3A_303 : memref<10112x128xf32, #tpu.memory_space<vmem_shared>>) offsets(%arg15 : memref<64xi32, #tpu.memory_space<vmem>>) semaphore(%arg36 : memref<!tpu.dma_semaphore, #tpu.memory_space<semaphore_mem>>) {add = true}
      %add3A_304 = arith.constant 3 : i32
      %add3A_305 = arith.addi %add3A_289, %add3A_304 : i32
      %lt3A_306 = arith.constant 160 : i32
      %lt3A_307 = arith.cmpi slt, %add3A_305, %lt3A_306 : i32
      %convert_element_type3A_308 = arith.extui %lt3A_307 : i1 to i32
      %cond3A_309 = arith.constant 0 : i32
      %cond3A_310 = arith.cmpi ne, %convert_element_type3A_308, %cond3A_309 : i32
      scf.if %cond3A_310 {
        %add3A_319 = arith.constant 3 : i32
        %add3A_320 = arith.addi %add3A_289, %add3A_319 : i32
        %mul3A_321 = arith.constant 10240 : i32
        %mul3A_322 = arith.muli %add3A, %mul3A_321 : i32
        %mul3A_323 = arith.constant 64 : i32
        %mul3A_324 = arith.muli %add3A_320, %mul3A_323 : i32
        %add3A_325 = arith.addi %mul3A_322, %mul3A_324 : i32
        %jit3A_326 = arith.constant 8 : i32
        %div3A_327 = arith.divsi %add3A_325, %jit3A_326 : i32
        %sign3A_328 = arith.constant 0 : i32
        %sign3A_329 = arith.cmpi sgt, %add3A_325, %sign3A_328 : i32
        %sign3A_330 = arith.extui %sign3A_329 : i1 to i32
        %sign3A_331 = arith.constant 0 : i32
        %sign3A_332 = arith.cmpi slt, %add3A_325, %sign3A_331 : i32
        %sign3A_333 = arith.extui %sign3A_332 : i1 to i32
        %sign3A_334 = arith.subi %sign3A_330, %sign3A_333 : i32
        %sign3A_335 = arith.constant 0 : i32
        %sign3A_336 = arith.cmpi sgt, %jit3A_326, %sign3A_335 : i32
        %sign3A_337 = arith.extui %sign3A_336 : i1 to i32
        %sign3A_338 = arith.constant 0 : i32
        %sign3A_339 = arith.cmpi slt, %jit3A_326, %sign3A_338 : i32
        %sign3A_340 = arith.extui %sign3A_339 : i1 to i32
        %sign3A_341 = arith.subi %sign3A_337, %sign3A_340 : i32
        %ne3A_342 = arith.cmpi ne, %sign3A_334, %sign3A_341 : i32
        %rem3A_343 = arith.remsi %add3A_325, %jit3A_326 : i32
        %ne3A_344 = arith.constant 0 : i32
        %ne3A_345 = arith.cmpi ne, %rem3A_343, %ne3A_344 : i32
        %and3A_346 = arith.andi %ne3A_342, %ne3A_345 : i1
        %sub3A_347 = arith.constant 1 : i32
        %sub3A_348 = arith.subi %div3A_327, %sub3A_347 : i32
        %select_n3A_349 = arith.select %and3A_346, %sub3A_348, %div3A_327 : i32
        %multiple_of3A_350 = tpu.assume_multiple %select_n3A_349, 8 : i32
        %dma_start3A_351 = tpu.memref_slice %arg3[%add3A_325] : memref<327680xi32, #tpu.memory_space<hbm>> -> memref<64xi32, #tpu.memory_space<hbm>>
        %dma_start3A_352 = tpu.memref_slice %arg3[%add3A_325] : memref<327680xi32, #tpu.memory_space<hbm>> -> memref<64xi32, #tpu.memory_space<hbm>>
        tpu.enqueue_dma source(%dma_start3A_352 : memref<64xi32, #tpu.memory_space<hbm>>) target(%arg10 : memref<64xi32, #tpu.memory_space<vmem>>) target_semaphore(%arg27 : memref<!tpu.dma_semaphore, #tpu.memory_space<semaphore_mem>>)
        %dma_start3A_353 = tpu.memref_slice %arg4[%add3A_325] : memref<327680xi32, #tpu.memory_space<hbm>> -> memref<64xi32, #tpu.memory_space<hbm>>
        %dma_start3A_354 = tpu.memref_slice %arg4[%add3A_325] : memref<327680xi32, #tpu.memory_space<hbm>> -> memref<64xi32, #tpu.memory_space<hbm>>
        tpu.enqueue_dma source(%dma_start3A_354 : memref<64xi32, #tpu.memory_space<hbm>>) target(%arg14 : memref<64xi32, #tpu.memory_space<vmem>>) target_semaphore(%arg27 : memref<!tpu.dma_semaphore, #tpu.memory_space<semaphore_mem>>)
        %dma_start3A_355 = arith.constant 0 : i32
        %dma_start3A_356 = tpu.memref_slice %arg5[%multiple_of3A_350, %dma_start3A_355] : memref<40960x128xf32, #tpu.memory_space<hbm>> -> memref<8x128xf32, #tpu.memory_space<hbm>>
        %dma_start3A_357 = arith.constant 0 : i32
        %dma_start3A_358 = tpu.memref_slice %arg5[%multiple_of3A_350, %dma_start3A_357] : memref<40960x128xf32, #tpu.memory_space<hbm>> -> memref<8x128xf32, #tpu.memory_space<hbm>>
        tpu.enqueue_dma source(%dma_start3A_358 : memref<8x128xf32, #tpu.memory_space<hbm>>) target(%arg18 : memref<8x128xf32, #tpu.memory_space<vmem>>) target_semaphore(%arg27 : memref<!tpu.dma_semaphore, #tpu.memory_space<semaphore_mem>>)
      } else {
      }
      %add3A_311 = arith.constant 2 : i32
      %add3A_312 = arith.addi %add3A_289, %add3A_311 : i32
      %lt3A_313 = arith.constant 160 : i32
      %lt3A_314 = arith.cmpi slt, %add3A_312, %lt3A_313 : i32
      %convert_element_type3A_315 = arith.extui %lt3A_314 : i1 to i32
      %cond3A_316 = arith.constant 0 : i32
      %cond3A_317 = arith.cmpi ne, %convert_element_type3A_315, %cond3A_316 : i32
      scf.if %cond3A_317 {
        %add3A_319 = arith.constant 2 : i32
        %add3A_320 = arith.addi %add3A_289, %add3A_319 : i32
        %mul3A_321 = arith.constant 10240 : i32
        %mul3A_322 = arith.muli %add3A, %mul3A_321 : i32
        %mul3A_323 = arith.constant 64 : i32
        %mul3A_324 = arith.muli %add3A_320, %mul3A_323 : i32
        %add3A_325 = arith.addi %mul3A_322, %mul3A_324 : i32
        %jit3A_326 = arith.constant 8 : i32
        %div3A_327 = arith.divsi %add3A_325, %jit3A_326 : i32
        %sign3A_328 = arith.constant 0 : i32
        %sign3A_329 = arith.cmpi sgt, %add3A_325, %sign3A_328 : i32
        %sign3A_330 = arith.extui %sign3A_329 : i1 to i32
        %sign3A_331 = arith.constant 0 : i32
        %sign3A_332 = arith.cmpi slt, %add3A_325, %sign3A_331 : i32
        %sign3A_333 = arith.extui %sign3A_332 : i1 to i32
        %sign3A_334 = arith.subi %sign3A_330, %sign3A_333 : i32
        %sign3A_335 = arith.constant 0 : i32
        %sign3A_336 = arith.cmpi sgt, %jit3A_326, %sign3A_335 : i32
        %sign3A_337 = arith.extui %sign3A_336 : i1 to i32
        %sign3A_338 = arith.constant 0 : i32
        %sign3A_339 = arith.cmpi slt, %jit3A_326, %sign3A_338 : i32
        %sign3A_340 = arith.extui %sign3A_339 : i1 to i32
        %sign3A_341 = arith.subi %sign3A_337, %sign3A_340 : i32
        %ne3A_342 = arith.cmpi ne, %sign3A_334, %sign3A_341 : i32
        %rem3A_343 = arith.remsi %add3A_325, %jit3A_326 : i32
        %ne3A_344 = arith.constant 0 : i32
        %ne3A_345 = arith.cmpi ne, %rem3A_343, %ne3A_344 : i32
        %and3A_346 = arith.andi %ne3A_342, %ne3A_345 : i1
        %sub3A_347 = arith.constant 1 : i32
        %sub3A_348 = arith.subi %div3A_327, %sub3A_347 : i32
        %select_n3A_349 = arith.select %and3A_346, %sub3A_348, %div3A_327 : i32
        %multiple_of3A_350 = tpu.assume_multiple %select_n3A_349, 8 : i32
        %dma_wait3A_351 = tpu.memref_slice %arg3[%add3A_325] : memref<327680xi32, #tpu.memory_space<hbm>> -> memref<64xi32, #tpu.memory_space<hbm>>
        %dma_wait3A_352 = tpu.memref_slice %arg3[%add3A_325] : memref<327680xi32, #tpu.memory_space<hbm>> -> memref<64xi32, #tpu.memory_space<hbm>>
        tpu.wait_dma2 semaphore(%arg26 : memref<!tpu.dma_semaphore, #tpu.memory_space<semaphore_mem>>) src(%dma_wait3A_352 : memref<64xi32, #tpu.memory_space<hbm>>) dst(%arg9 : memref<64xi32, #tpu.memory_space<vmem>>)
        %dma_wait3A_353 = tpu.memref_slice %arg4[%add3A_325] : memref<327680xi32, #tpu.memory_space<hbm>> -> memref<64xi32, #tpu.memory_space<hbm>>
        %dma_wait3A_354 = tpu.memref_slice %arg4[%add3A_325] : memref<327680xi32, #tpu.memory_space<hbm>> -> memref<64xi32, #tpu.memory_space<hbm>>
        tpu.wait_dma2 semaphore(%arg26 : memref<!tpu.dma_semaphore, #tpu.memory_space<semaphore_mem>>) src(%dma_wait3A_354 : memref<64xi32, #tpu.memory_space<hbm>>) dst(%arg13 : memref<64xi32, #tpu.memory_space<vmem>>)
        %dma_wait3A_355 = arith.constant 0 : i32
        %dma_wait3A_356 = tpu.memref_slice %arg5[%multiple_of3A_350, %dma_wait3A_355] : memref<40960x128xf32, #tpu.memory_space<hbm>> -> memref<8x128xf32, #tpu.memory_space<hbm>>
        %dma_wait3A_357 = arith.constant 0 : i32
        %dma_wait3A_358 = tpu.memref_slice %arg5[%multiple_of3A_350, %dma_wait3A_357] : memref<40960x128xf32, #tpu.memory_space<hbm>> -> memref<8x128xf32, #tpu.memory_space<hbm>>
        tpu.wait_dma2 semaphore(%arg26 : memref<!tpu.dma_semaphore, #tpu.memory_space<semaphore_mem>>) src(%dma_wait3A_358 : memref<8x128xf32, #tpu.memory_space<hbm>>) dst(%arg17 : memref<8x128xf32, #tpu.memory_space<vmem>>)
        %dma_start3A_359 = arith.constant 0 : i32
        %dma_start3A_360 = arith.constant 0 : i32
        %dma_start3A_361 = tpu.memref_slice %arg2[%dma_start3A_359, %dma_start3A_360] : memref<10112x128xf32, #tpu.memory_space<hbm>> -> memref<10112x128xf32, #tpu.memory_space<hbm>>
        tpu.enqueue_indirect_dma source(%dma_start3A_361 : memref<10112x128xf32, #tpu.memory_space<hbm>>) target(%arg21 : memref<64x128xf32, #tpu.memory_space<vmem>>) offsets(%arg9 : memref<64xi32, #tpu.memory_space<vmem>>) semaphore(%arg30 : memref<!tpu.dma_semaphore, #tpu.memory_space<semaphore_mem>>)
      } else {
      }
      %scan3A_318 = arith.constant 0 : i32
      scf.yield %scan3A_318 : i32
    }
    %scan3A_188 = arith.constant 40 : i32
    %dma_wait3A_189 = arith.constant 0 : i32
    %dma_wait3A_190 = arith.constant 0 : i32
    %dma_wait3A_191 = tpu.memref_slice %arg24[%dma_wait3A_189, %dma_wait3A_190] : memref<10112x128xf32, #tpu.memory_space<vmem_shared>> -> memref<10112x128xf32, #tpu.memory_space<vmem_shared>>
    tpu.wait_indirect_dma semaphore(%arg36 : memref<!tpu.dma_semaphore, #tpu.memory_space<semaphore_mem>>) src(%arg23 : memref<64x128xf32, #tpu.memory_space<vmem>>) dst(%dma_wait3A_191 : memref<10112x128xf32, #tpu.memory_space<vmem_shared>>)
    %barrier3A_192 = arith.constant 0 : index
    tpu.barrier barrier_id(%barrier3A_192)
    "tpu.region"() ({
      %run_scoped3A = tpu.sem_alloc : memref<!tpu.dma_semaphore, #tpu.memory_space<semaphore_mem>>
      %dma_start3A_193 = arith.constant 0 : i32
      %dma_start3A_194 = tpu.memref_slice %arg7[%arg0, %mul3A_2, %dma_start3A_193] : memref<2x10112x128xf32, #tpu.memory_space<hbm>> -> memref<1x632x128xf32, #tpu.memory_space<hbm>>
      %dma_start3A_195 = tpu.memref_squeeze %dma_start3A_194 : memref<1x632x128xf32, #tpu.memory_space<hbm>> -> memref<632x128xf32, #tpu.memory_space<hbm>>
      %dma_start3A_196 = arith.constant 0 : i32
      %dma_start3A_197 = tpu.memref_slice %arg24[%mul3A_2, %dma_start3A_196] : memref<10112x128xf32, #tpu.memory_space<vmem_shared>> -> memref<632x128xf32, #tpu.memory_space<vmem_shared>>
      tpu.enqueue_dma source(%dma_start3A_197 : memref<632x128xf32, #tpu.memory_space<vmem_shared>>) target(%dma_start3A_195 : memref<632x128xf32, #tpu.memory_space<hbm>>) target_semaphore(%run_scoped3A : memref<!tpu.dma_semaphore, #tpu.memory_space<semaphore_mem>>)
      %dma_wait3A_198 = arith.constant 0 : i32
      %dma_wait3A_199 = tpu.memref_slice %arg7[%arg0, %mul3A_2, %dma_wait3A_198] : memref<2x10112x128xf32, #tpu.memory_space<hbm>> -> memref<1x632x128xf32, #tpu.memory_space<hbm>>
      %dma_wait3A_200 = tpu.memref_squeeze %dma_wait3A_199 : memref<1x632x128xf32, #tpu.memory_space<hbm>> -> memref<632x128xf32, #tpu.memory_space<hbm>>
      %dma_wait3A_201 = arith.constant 0 : i32
      %dma_wait3A_202 = tpu.memref_slice %arg24[%mul3A_2, %dma_wait3A_201] : memref<10112x128xf32, #tpu.memory_space<vmem_shared>> -> memref<632x128xf32, #tpu.memory_space<vmem_shared>>
      tpu.wait_dma2 semaphore(%run_scoped3A : memref<!tpu.dma_semaphore, #tpu.memory_space<semaphore_mem>>) src(%dma_wait3A_202 : memref<632x128xf32, #tpu.memory_space<vmem_shared>>) dst(%dma_wait3A_200 : memref<632x128xf32, #tpu.memory_space<hbm>>)
      tpu.yield
    }) : () -> ()
    return
  }
}

#map = affine_map<(d0, d1) -> (0, 0)>
#map1 = affine_map<(d0, d1) -> (0)>
#map2 = affine_map<(d0, d1) -> (0, 0, 0)>
module attributes {stable_mosaic.version = 14 : i64} {
  func.func @_edge_body(%arg0: i32, %arg1: i32, %arg2: memref<10112x128xf32, #tpu.memory_space<hbm>>, %arg3: memref<327680xi32, #tpu.memory_space<hbm>>, %arg4: memref<327680xi32, #tpu.memory_space<hbm>>, %arg5: memref<40960x128xf32, #tpu.memory_space<hbm>>, %arg6: memref<10112x128xf32, #tpu.memory_space<hbm>>, %arg7: memref<2x10112x128xf32, #tpu.memory_space<hbm>>, %arg8: memref<64xi32, #tpu.memory_space<vmem>>, %arg9: memref<64xi32, #tpu.memory_space<vmem>>, %arg10: memref<64xi32, #tpu.memory_space<vmem>>, %arg11: memref<64xi32, #tpu.memory_space<vmem>>, %arg12: memref<64xi32, #tpu.memory_space<vmem>>, %arg13: memref<64xi32, #tpu.memory_space<vmem>>, %arg14: memref<64xi32, #tpu.memory_space<vmem>>, %arg15: memref<64xi32, #tpu.memory_space<vmem>>, %arg16: memref<8x128xf32, #tpu.memory_space<vmem>>, %arg17: memref<8x128xf32, #tpu.memory_space<vmem>>, %arg18: memref<8x128xf32, #tpu.memory_space<vmem>>, %arg19: memref<8x128xf32, #tpu.memory_space<vmem>>, %arg20: memref<64x128xf32, #tpu.memory_space<vmem>>, %arg21: memref<64x128xf32, #tpu.memory_space<vmem>>, %arg22: memref<64x128xf32, #tpu.memory_space<vmem>>, %arg23: memref<64x128xf32, #tpu.memory_space<vmem>>, %arg24: memref<10112x128xf32, #tpu.memory_space<vmem_shared>>, %arg25: memref<!tpu.dma_semaphore, #tpu.memory_space<semaphore_mem>>, %arg26: memref<!tpu.dma_semaphore, #tpu.memory_space<semaphore_mem>>, %arg27: memref<!tpu.dma_semaphore, #tpu.memory_space<semaphore_mem>>, %arg28: memref<!tpu.dma_semaphore, #tpu.memory_space<semaphore_mem>>, %arg29: memref<!tpu.dma_semaphore, #tpu.memory_space<semaphore_mem>>, %arg30: memref<!tpu.dma_semaphore, #tpu.memory_space<semaphore_mem>>, %arg31: memref<!tpu.dma_semaphore, #tpu.memory_space<semaphore_mem>>, %arg32: memref<!tpu.dma_semaphore, #tpu.memory_space<semaphore_mem>>, %arg33: memref<!tpu.dma_semaphore, #tpu.memory_space<semaphore_mem>>, %arg34: memref<!tpu.dma_semaphore, #tpu.memory_space<semaphore_mem>>, %arg35: memref<!tpu.dma_semaphore, #tpu.memory_space<semaphore_mem>>, %arg36: memref<!tpu.dma_semaphore, #tpu.memory_space<semaphore_mem>>) attributes {dimension_semantics = [#tpu.dimension_semantics<core_parallel>, #tpu.dimension_semantics<subcore_parallel>], iteration_bounds = array<i64: 2, 16>, scalar_prefetch = 0 : i64, scratch_operands = 29 : i64, tpu.core_type = #tpu.core_type<sc_vector_subcore>, window_params = [{transform_indices = #map}, {transform_indices = #map1}, {transform_indices = #map1}, {transform_indices = #map}, {transform_indices = #map}, {transform_indices = #map2}]} {
    %mul3A = arith.constant 16 : i32
    %mul3A_0 = arith.muli %arg0, %mul3A : i32
    %add3A = arith.addi %mul3A_0, %arg1 : i32
    %mul3A_1 = arith.constant 632 : i32
    %mul3A_2 = arith.muli %arg1, %mul3A_1 : i32
    "tpu.region"() ({
      %run_scoped3A = tpu.sem_alloc : memref<!tpu.dma_semaphore, #tpu.memory_space<semaphore_mem>>
      %dma_start3A_193 = arith.constant 0 : i32
      %dma_start3A_194 = tpu.memref_slice %arg24[%mul3A_2, %dma_start3A_193] : memref<10112x128xf32, #tpu.memory_space<vmem_shared>> -> memref<632x128xf32, #tpu.memory_space<vmem_shared>>
      %dma_start3A_195 = arith.constant 0 : i32
      %dma_start3A_196 = tpu.memref_slice %arg6[%mul3A_2, %dma_start3A_195] : memref<10112x128xf32, #tpu.memory_space<hbm>> -> memref<632x128xf32, #tpu.memory_space<hbm>>
      tpu.enqueue_dma source(%dma_start3A_196 : memref<632x128xf32, #tpu.memory_space<hbm>>) target(%dma_start3A_194 : memref<632x128xf32, #tpu.memory_space<vmem_shared>>) target_semaphore(%run_scoped3A : memref<!tpu.dma_semaphore, #tpu.memory_space<semaphore_mem>>)
      %dma_wait3A_197 = arith.constant 0 : i32
      %dma_wait3A_198 = tpu.memref_slice %arg24[%mul3A_2, %dma_wait3A_197] : memref<10112x128xf32, #tpu.memory_space<vmem_shared>> -> memref<632x128xf32, #tpu.memory_space<vmem_shared>>
      %dma_wait3A_199 = arith.constant 0 : i32
      %dma_wait3A_200 = tpu.memref_slice %arg6[%mul3A_2, %dma_wait3A_199] : memref<10112x128xf32, #tpu.memory_space<hbm>> -> memref<632x128xf32, #tpu.memory_space<hbm>>
      tpu.wait_dma2 semaphore(%run_scoped3A : memref<!tpu.dma_semaphore, #tpu.memory_space<semaphore_mem>>) src(%dma_wait3A_200 : memref<632x128xf32, #tpu.memory_space<hbm>>) dst(%dma_wait3A_198 : memref<632x128xf32, #tpu.memory_space<vmem_shared>>)
      tpu.yield
    }) : () -> ()
    %barrier3A = arith.constant 0 : index
    tpu.barrier barrier_id(%barrier3A)
    %mul3A_3 = arith.constant 10240 : i32
    %mul3A_4 = arith.muli %add3A, %mul3A_3 : i32
    %add3A_5 = arith.constant 0 : i32
    %add3A_6 = arith.addi %mul3A_4, %add3A_5 : i32
    %jit3A = arith.constant 8 : i32
    %div3A = arith.divsi %add3A_6, %jit3A : i32
    %sign3A = arith.constant 0 : i32
    %sign3A_7 = arith.cmpi sgt, %add3A_6, %sign3A : i32
    %sign3A_8 = arith.extui %sign3A_7 : i1 to i32
    %sign3A_9 = arith.constant 0 : i32
    %sign3A_10 = arith.cmpi slt, %add3A_6, %sign3A_9 : i32
    %sign3A_11 = arith.extui %sign3A_10 : i1 to i32
    %sign3A_12 = arith.subi %sign3A_8, %sign3A_11 : i32
    %sign3A_13 = arith.constant 0 : i32
    %sign3A_14 = arith.cmpi sgt, %jit3A, %sign3A_13 : i32
    %sign3A_15 = arith.extui %sign3A_14 : i1 to i32
    %sign3A_16 = arith.constant 0 : i32
    %sign3A_17 = arith.cmpi slt, %jit3A, %sign3A_16 : i32
    %sign3A_18 = arith.extui %sign3A_17 : i1 to i32
    %sign3A_19 = arith.subi %sign3A_15, %sign3A_18 : i32
    %ne3A = arith.cmpi ne, %sign3A_12, %sign3A_19 : i32
    %rem3A = arith.remsi %add3A_6, %jit3A : i32
    %ne3A_20 = arith.constant 0 : i32
    %ne3A_21 = arith.cmpi ne, %rem3A, %ne3A_20 : i32
    %and3A = arith.andi %ne3A, %ne3A_21 : i1
    %sub3A = arith.constant 1 : i32
    %sub3A_22 = arith.subi %div3A, %sub3A : i32
    %select_n3A = arith.select %and3A, %sub3A_22, %div3A : i32
    %multiple_of3A = tpu.assume_multiple %select_n3A, 8 : i32
    %dma_start3A = tpu.memref_slice %arg3[%add3A_6] : memref<327680xi32, #tpu.memory_space<hbm>> -> memref<64xi32, #tpu.memory_space<hbm>>
    %dma_start3A_23 = tpu.memref_slice %arg3[%add3A_6] : memref<327680xi32, #tpu.memory_space<hbm>> -> memref<64xi32, #tpu.memory_space<hbm>>
    tpu.enqueue_dma source(%dma_start3A_23 : memref<64xi32, #tpu.memory_space<hbm>>) target(%arg8 : memref<64xi32, #tpu.memory_space<vmem>>) target_semaphore(%arg25 : memref<!tpu.dma_semaphore, #tpu.memory_space<semaphore_mem>>)
    %dma_start3A_24 = tpu.memref_slice %arg4[%add3A_6] : memref<327680xi32, #tpu.memory_space<hbm>> -> memref<64xi32, #tpu.memory_space<hbm>>
    %dma_start3A_25 = tpu.memref_slice %arg4[%add3A_6] : memref<327680xi32, #tpu.memory_space<hbm>> -> memref<64xi32, #tpu.memory_space<hbm>>
    tpu.enqueue_dma source(%dma_start3A_25 : memref<64xi32, #tpu.memory_space<hbm>>) target(%arg12 : memref<64xi32, #tpu.memory_space<vmem>>) target_semaphore(%arg25 : memref<!tpu.dma_semaphore, #tpu.memory_space<semaphore_mem>>)
    %dma_start3A_26 = arith.constant 0 : i32
    %dma_start3A_27 = tpu.memref_slice %arg5[%multiple_of3A, %dma_start3A_26] : memref<40960x128xf32, #tpu.memory_space<hbm>> -> memref<8x128xf32, #tpu.memory_space<hbm>>
    %dma_start3A_28 = arith.constant 0 : i32
    %dma_start3A_29 = tpu.memref_slice %arg5[%multiple_of3A, %dma_start3A_28] : memref<40960x128xf32, #tpu.memory_space<hbm>> -> memref<8x128xf32, #tpu.memory_space<hbm>>
    tpu.enqueue_dma source(%dma_start3A_29 : memref<8x128xf32, #tpu.memory_space<hbm>>) target(%arg16 : memref<8x128xf32, #tpu.memory_space<vmem>>) target_semaphore(%arg25 : memref<!tpu.dma_semaphore, #tpu.memory_space<semaphore_mem>>)
    %mul3A_30 = arith.constant 10240 : i32
    %mul3A_31 = arith.muli %add3A, %mul3A_30 : i32
    %add3A_32 = arith.constant 64 : i32
    %add3A_33 = arith.addi %mul3A_31, %add3A_32 : i32
    %jit3A_34 = arith.constant 8 : i32
    %div3A_35 = arith.divsi %add3A_33, %jit3A_34 : i32
    %sign3A_36 = arith.constant 0 : i32
    %sign3A_37 = arith.cmpi sgt, %add3A_33, %sign3A_36 : i32
    %sign3A_38 = arith.extui %sign3A_37 : i1 to i32
    %sign3A_39 = arith.constant 0 : i32
    %sign3A_40 = arith.cmpi slt, %add3A_33, %sign3A_39 : i32
    %sign3A_41 = arith.extui %sign3A_40 : i1 to i32
    %sign3A_42 = arith.subi %sign3A_38, %sign3A_41 : i32
    %sign3A_43 = arith.constant 0 : i32
    %sign3A_44 = arith.cmpi sgt, %jit3A_34, %sign3A_43 : i32
    %sign3A_45 = arith.extui %sign3A_44 : i1 to i32
    %sign3A_46 = arith.constant 0 : i32
    %sign3A_47 = arith.cmpi slt, %jit3A_34, %sign3A_46 : i32
    %sign3A_48 = arith.extui %sign3A_47 : i1 to i32
    %sign3A_49 = arith.subi %sign3A_45, %sign3A_48 : i32
    %ne3A_50 = arith.cmpi ne, %sign3A_42, %sign3A_49 : i32
    %rem3A_51 = arith.remsi %add3A_33, %jit3A_34 : i32
    %ne3A_52 = arith.constant 0 : i32
    %ne3A_53 = arith.cmpi ne, %rem3A_51, %ne3A_52 : i32
    %and3A_54 = arith.andi %ne3A_50, %ne3A_53 : i1
    %sub3A_55 = arith.constant 1 : i32
    %sub3A_56 = arith.subi %div3A_35, %sub3A_55 : i32
    %select_n3A_57 = arith.select %and3A_54, %sub3A_56, %div3A_35 : i32
    %multiple_of3A_58 = tpu.assume_multiple %select_n3A_57, 8 : i32
    %dma_start3A_59 = tpu.memref_slice %arg3[%add3A_33] : memref<327680xi32, #tpu.memory_space<hbm>> -> memref<64xi32, #tpu.memory_space<hbm>>
    %dma_start3A_60 = tpu.memref_slice %arg3[%add3A_33] : memref<327680xi32, #tpu.memory_space<hbm>> -> memref<64xi32, #tpu.memory_space<hbm>>
    tpu.enqueue_dma source(%dma_start3A_60 : memref<64xi32, #tpu.memory_space<hbm>>) target(%arg9 : memref<64xi32, #tpu.memory_space<vmem>>) target_semaphore(%arg26 : memref<!tpu.dma_semaphore, #tpu.memory_space<semaphore_mem>>)
    %dma_start3A_61 = tpu.memref_slice %arg4[%add3A_33] : memref<327680xi32, #tpu.memory_space<hbm>> -> memref<64xi32, #tpu.memory_space<hbm>>
    %dma_start3A_62 = tpu.memref_slice %arg4[%add3A_33] : memref<327680xi32, #tpu.memory_space<hbm>> -> memref<64xi32, #tpu.memory_space<hbm>>
    tpu.enqueue_dma source(%dma_start3A_62 : memref<64xi32, #tpu.memory_space<hbm>>) target(%arg13 : memref<64xi32, #tpu.memory_space<vmem>>) target_semaphore(%arg26 : memref<!tpu.dma_semaphore, #tpu.memory_space<semaphore_mem>>)
    %dma_start3A_63 = arith.constant 0 : i32
    %dma_start3A_64 = tpu.memref_slice %arg5[%multiple_of3A_58, %dma_start3A_63] : memref<40960x128xf32, #tpu.memory_space<hbm>> -> memref<8x128xf32, #tpu.memory_space<hbm>>
    %dma_start3A_65 = arith.constant 0 : i32
    %dma_start3A_66 = tpu.memref_slice %arg5[%multiple_of3A_58, %dma_start3A_65] : memref<40960x128xf32, #tpu.memory_space<hbm>> -> memref<8x128xf32, #tpu.memory_space<hbm>>
    tpu.enqueue_dma source(%dma_start3A_66 : memref<8x128xf32, #tpu.memory_space<hbm>>) target(%arg17 : memref<8x128xf32, #tpu.memory_space<vmem>>) target_semaphore(%arg26 : memref<!tpu.dma_semaphore, #tpu.memory_space<semaphore_mem>>)
    %mul3A_67 = arith.constant 10240 : i32
    %mul3A_68 = arith.muli %add3A, %mul3A_67 : i32
    %add3A_69 = arith.constant 128 : i32
    %add3A_70 = arith.addi %mul3A_68, %add3A_69 : i32
    %jit3A_71 = arith.constant 8 : i32
    %div3A_72 = arith.divsi %add3A_70, %jit3A_71 : i32
    %sign3A_73 = arith.constant 0 : i32
    %sign3A_74 = arith.cmpi sgt, %add3A_70, %sign3A_73 : i32
    %sign3A_75 = arith.extui %sign3A_74 : i1 to i32
    %sign3A_76 = arith.constant 0 : i32
    %sign3A_77 = arith.cmpi slt, %add3A_70, %sign3A_76 : i32
    %sign3A_78 = arith.extui %sign3A_77 : i1 to i32
    %sign3A_79 = arith.subi %sign3A_75, %sign3A_78 : i32
    %sign3A_80 = arith.constant 0 : i32
    %sign3A_81 = arith.cmpi sgt, %jit3A_71, %sign3A_80 : i32
    %sign3A_82 = arith.extui %sign3A_81 : i1 to i32
    %sign3A_83 = arith.constant 0 : i32
    %sign3A_84 = arith.cmpi slt, %jit3A_71, %sign3A_83 : i32
    %sign3A_85 = arith.extui %sign3A_84 : i1 to i32
    %sign3A_86 = arith.subi %sign3A_82, %sign3A_85 : i32
    %ne3A_87 = arith.cmpi ne, %sign3A_79, %sign3A_86 : i32
    %rem3A_88 = arith.remsi %add3A_70, %jit3A_71 : i32
    %ne3A_89 = arith.constant 0 : i32
    %ne3A_90 = arith.cmpi ne, %rem3A_88, %ne3A_89 : i32
    %and3A_91 = arith.andi %ne3A_87, %ne3A_90 : i1
    %sub3A_92 = arith.constant 1 : i32
    %sub3A_93 = arith.subi %div3A_72, %sub3A_92 : i32
    %select_n3A_94 = arith.select %and3A_91, %sub3A_93, %div3A_72 : i32
    %multiple_of3A_95 = tpu.assume_multiple %select_n3A_94, 8 : i32
    %dma_start3A_96 = tpu.memref_slice %arg3[%add3A_70] : memref<327680xi32, #tpu.memory_space<hbm>> -> memref<64xi32, #tpu.memory_space<hbm>>
    %dma_start3A_97 = tpu.memref_slice %arg3[%add3A_70] : memref<327680xi32, #tpu.memory_space<hbm>> -> memref<64xi32, #tpu.memory_space<hbm>>
    tpu.enqueue_dma source(%dma_start3A_97 : memref<64xi32, #tpu.memory_space<hbm>>) target(%arg10 : memref<64xi32, #tpu.memory_space<vmem>>) target_semaphore(%arg27 : memref<!tpu.dma_semaphore, #tpu.memory_space<semaphore_mem>>)
    %dma_start3A_98 = tpu.memref_slice %arg4[%add3A_70] : memref<327680xi32, #tpu.memory_space<hbm>> -> memref<64xi32, #tpu.memory_space<hbm>>
    %dma_start3A_99 = tpu.memref_slice %arg4[%add3A_70] : memref<327680xi32, #tpu.memory_space<hbm>> -> memref<64xi32, #tpu.memory_space<hbm>>
    tpu.enqueue_dma source(%dma_start3A_99 : memref<64xi32, #tpu.memory_space<hbm>>) target(%arg14 : memref<64xi32, #tpu.memory_space<vmem>>) target_semaphore(%arg27 : memref<!tpu.dma_semaphore, #tpu.memory_space<semaphore_mem>>)
    %dma_start3A_100 = arith.constant 0 : i32
    %dma_start3A_101 = tpu.memref_slice %arg5[%multiple_of3A_95, %dma_start3A_100] : memref<40960x128xf32, #tpu.memory_space<hbm>> -> memref<8x128xf32, #tpu.memory_space<hbm>>
    %dma_start3A_102 = arith.constant 0 : i32
    %dma_start3A_103 = tpu.memref_slice %arg5[%multiple_of3A_95, %dma_start3A_102] : memref<40960x128xf32, #tpu.memory_space<hbm>> -> memref<8x128xf32, #tpu.memory_space<hbm>>
    tpu.enqueue_dma source(%dma_start3A_103 : memref<8x128xf32, #tpu.memory_space<hbm>>) target(%arg18 : memref<8x128xf32, #tpu.memory_space<vmem>>) target_semaphore(%arg27 : memref<!tpu.dma_semaphore, #tpu.memory_space<semaphore_mem>>)
    %mul3A_104 = arith.constant 10240 : i32
    %mul3A_105 = arith.muli %add3A, %mul3A_104 : i32
    %add3A_106 = arith.constant 0 : i32
    %add3A_107 = arith.addi %mul3A_105, %add3A_106 : i32
    %jit3A_108 = arith.constant 8 : i32
    %div3A_109 = arith.divsi %add3A_107, %jit3A_108 : i32
    %sign3A_110 = arith.constant 0 : i32
    %sign3A_111 = arith.cmpi sgt, %add3A_107, %sign3A_110 : i32
    %sign3A_112 = arith.extui %sign3A_111 : i1 to i32
    %sign3A_113 = arith.constant 0 : i32
    %sign3A_114 = arith.cmpi slt, %add3A_107, %sign3A_113 : i32
    %sign3A_115 = arith.extui %sign3A_114 : i1 to i32
    %sign3A_116 = arith.subi %sign3A_112, %sign3A_115 : i32
    %sign3A_117 = arith.constant 0 : i32
    %sign3A_118 = arith.cmpi sgt, %jit3A_108, %sign3A_117 : i32
    %sign3A_119 = arith.extui %sign3A_118 : i1 to i32
    %sign3A_120 = arith.constant 0 : i32
    %sign3A_121 = arith.cmpi slt, %jit3A_108, %sign3A_120 : i32
    %sign3A_122 = arith.extui %sign3A_121 : i1 to i32
    %sign3A_123 = arith.subi %sign3A_119, %sign3A_122 : i32
    %ne3A_124 = arith.cmpi ne, %sign3A_116, %sign3A_123 : i32
    %rem3A_125 = arith.remsi %add3A_107, %jit3A_108 : i32
    %ne3A_126 = arith.constant 0 : i32
    %ne3A_127 = arith.cmpi ne, %rem3A_125, %ne3A_126 : i32
    %and3A_128 = arith.andi %ne3A_124, %ne3A_127 : i1
    %sub3A_129 = arith.constant 1 : i32
    %sub3A_130 = arith.subi %div3A_109, %sub3A_129 : i32
    %select_n3A_131 = arith.select %and3A_128, %sub3A_130, %div3A_109 : i32
    %multiple_of3A_132 = tpu.assume_multiple %select_n3A_131, 8 : i32
    %dma_wait3A = tpu.memref_slice %arg3[%add3A_107] : memref<327680xi32, #tpu.memory_space<hbm>> -> memref<64xi32, #tpu.memory_space<hbm>>
    %dma_wait3A_133 = tpu.memref_slice %arg3[%add3A_107] : memref<327680xi32, #tpu.memory_space<hbm>> -> memref<64xi32, #tpu.memory_space<hbm>>
    tpu.wait_dma2 semaphore(%arg25 : memref<!tpu.dma_semaphore, #tpu.memory_space<semaphore_mem>>) src(%dma_wait3A_133 : memref<64xi32, #tpu.memory_space<hbm>>) dst(%arg8 : memref<64xi32, #tpu.memory_space<vmem>>)
    %dma_wait3A_134 = tpu.memref_slice %arg4[%add3A_107] : memref<327680xi32, #tpu.memory_space<hbm>> -> memref<64xi32, #tpu.memory_space<hbm>>
    %dma_wait3A_135 = tpu.memref_slice %arg4[%add3A_107] : memref<327680xi32, #tpu.memory_space<hbm>> -> memref<64xi32, #tpu.memory_space<hbm>>
    tpu.wait_dma2 semaphore(%arg25 : memref<!tpu.dma_semaphore, #tpu.memory_space<semaphore_mem>>) src(%dma_wait3A_135 : memref<64xi32, #tpu.memory_space<hbm>>) dst(%arg12 : memref<64xi32, #tpu.memory_space<vmem>>)
    %dma_wait3A_136 = arith.constant 0 : i32
    %dma_wait3A_137 = tpu.memref_slice %arg5[%multiple_of3A_132, %dma_wait3A_136] : memref<40960x128xf32, #tpu.memory_space<hbm>> -> memref<8x128xf32, #tpu.memory_space<hbm>>
    %dma_wait3A_138 = arith.constant 0 : i32
    %dma_wait3A_139 = tpu.memref_slice %arg5[%multiple_of3A_132, %dma_wait3A_138] : memref<40960x128xf32, #tpu.memory_space<hbm>> -> memref<8x128xf32, #tpu.memory_space<hbm>>
    tpu.wait_dma2 semaphore(%arg25 : memref<!tpu.dma_semaphore, #tpu.memory_space<semaphore_mem>>) src(%dma_wait3A_139 : memref<8x128xf32, #tpu.memory_space<hbm>>) dst(%arg16 : memref<8x128xf32, #tpu.memory_space<vmem>>)
    %dma_start3A_140 = arith.constant 0 : i32
    %dma_start3A_141 = arith.constant 0 : i32
    %dma_start3A_142 = tpu.memref_slice %arg2[%dma_start3A_140, %dma_start3A_141] : memref<10112x128xf32, #tpu.memory_space<hbm>> -> memref<10112x128xf32, #tpu.memory_space<hbm>>
    tpu.enqueue_indirect_dma source(%dma_start3A_142 : memref<10112x128xf32, #tpu.memory_space<hbm>>) target(%arg20 : memref<64x128xf32, #tpu.memory_space<vmem>>) offsets(%arg8 : memref<64xi32, #tpu.memory_space<vmem>>) semaphore(%arg29 : memref<!tpu.dma_semaphore, #tpu.memory_space<semaphore_mem>>)
    %mul3A_143 = arith.constant 10240 : i32
    %mul3A_144 = arith.muli %add3A, %mul3A_143 : i32
    %add3A_145 = arith.constant 64 : i32
    %add3A_146 = arith.addi %mul3A_144, %add3A_145 : i32
    %jit3A_147 = arith.constant 8 : i32
    %div3A_148 = arith.divsi %add3A_146, %jit3A_147 : i32
    %sign3A_149 = arith.constant 0 : i32
    %sign3A_150 = arith.cmpi sgt, %add3A_146, %sign3A_149 : i32
    %sign3A_151 = arith.extui %sign3A_150 : i1 to i32
    %sign3A_152 = arith.constant 0 : i32
    %sign3A_153 = arith.cmpi slt, %add3A_146, %sign3A_152 : i32
    %sign3A_154 = arith.extui %sign3A_153 : i1 to i32
    %sign3A_155 = arith.subi %sign3A_151, %sign3A_154 : i32
    %sign3A_156 = arith.constant 0 : i32
    %sign3A_157 = arith.cmpi sgt, %jit3A_147, %sign3A_156 : i32
    %sign3A_158 = arith.extui %sign3A_157 : i1 to i32
    %sign3A_159 = arith.constant 0 : i32
    %sign3A_160 = arith.cmpi slt, %jit3A_147, %sign3A_159 : i32
    %sign3A_161 = arith.extui %sign3A_160 : i1 to i32
    %sign3A_162 = arith.subi %sign3A_158, %sign3A_161 : i32
    %ne3A_163 = arith.cmpi ne, %sign3A_155, %sign3A_162 : i32
    %rem3A_164 = arith.remsi %add3A_146, %jit3A_147 : i32
    %ne3A_165 = arith.constant 0 : i32
    %ne3A_166 = arith.cmpi ne, %rem3A_164, %ne3A_165 : i32
    %and3A_167 = arith.andi %ne3A_163, %ne3A_166 : i1
    %sub3A_168 = arith.constant 1 : i32
    %sub3A_169 = arith.subi %div3A_148, %sub3A_168 : i32
    %select_n3A_170 = arith.select %and3A_167, %sub3A_169, %div3A_148 : i32
    %multiple_of3A_171 = tpu.assume_multiple %select_n3A_170, 8 : i32
    %dma_wait3A_172 = tpu.memref_slice %arg3[%add3A_146] : memref<327680xi32, #tpu.memory_space<hbm>> -> memref<64xi32, #tpu.memory_space<hbm>>
    %dma_wait3A_173 = tpu.memref_slice %arg3[%add3A_146] : memref<327680xi32, #tpu.memory_space<hbm>> -> memref<64xi32, #tpu.memory_space<hbm>>
    tpu.wait_dma2 semaphore(%arg26 : memref<!tpu.dma_semaphore, #tpu.memory_space<semaphore_mem>>) src(%dma_wait3A_173 : memref<64xi32, #tpu.memory_space<hbm>>) dst(%arg9 : memref<64xi32, #tpu.memory_space<vmem>>)
    %dma_wait3A_174 = tpu.memref_slice %arg4[%add3A_146] : memref<327680xi32, #tpu.memory_space<hbm>> -> memref<64xi32, #tpu.memory_space<hbm>>
    %dma_wait3A_175 = tpu.memref_slice %arg4[%add3A_146] : memref<327680xi32, #tpu.memory_space<hbm>> -> memref<64xi32, #tpu.memory_space<hbm>>
    tpu.wait_dma2 semaphore(%arg26 : memref<!tpu.dma_semaphore, #tpu.memory_space<semaphore_mem>>) src(%dma_wait3A_175 : memref<64xi32, #tpu.memory_space<hbm>>) dst(%arg13 : memref<64xi32, #tpu.memory_space<vmem>>)
    %dma_wait3A_176 = arith.constant 0 : i32
    %dma_wait3A_177 = tpu.memref_slice %arg5[%multiple_of3A_171, %dma_wait3A_176] : memref<40960x128xf32, #tpu.memory_space<hbm>> -> memref<8x128xf32, #tpu.memory_space<hbm>>
    %dma_wait3A_178 = arith.constant 0 : i32
    %dma_wait3A_179 = tpu.memref_slice %arg5[%multiple_of3A_171, %dma_wait3A_178] : memref<40960x128xf32, #tpu.memory_space<hbm>> -> memref<8x128xf32, #tpu.memory_space<hbm>>
    tpu.wait_dma2 semaphore(%arg26 : memref<!tpu.dma_semaphore, #tpu.memory_space<semaphore_mem>>) src(%dma_wait3A_179 : memref<8x128xf32, #tpu.memory_space<hbm>>) dst(%arg17 : memref<8x128xf32, #tpu.memory_space<vmem>>)
    %dma_start3A_180 = arith.constant 0 : i32
    %dma_start3A_181 = arith.constant 0 : i32
    %dma_start3A_182 = tpu.memref_slice %arg2[%dma_start3A_180, %dma_start3A_181] : memref<10112x128xf32, #tpu.memory_space<hbm>> -> memref<10112x128xf32, #tpu.memory_space<hbm>>
    tpu.enqueue_indirect_dma source(%dma_start3A_182 : memref<10112x128xf32, #tpu.memory_space<hbm>>) target(%arg21 : memref<64x128xf32, #tpu.memory_space<vmem>>) offsets(%arg9 : memref<64xi32, #tpu.memory_space<vmem>>) semaphore(%arg30 : memref<!tpu.dma_semaphore, #tpu.memory_space<semaphore_mem>>)
    %scan3A = arith.constant 0 : i32
    %scan3A_183 = arith.constant 0 : i32
    %scan3A_184 = arith.constant 40 : i32
    %scan3A_185 = arith.addi %scan3A_183, %scan3A_184 : i32
    %scan3A_186 = arith.constant 1 : i32
    %scan3A_187 = scf.for %scan3A_193 = %scan3A_183 to %scan3A_185 step %scan3A_186 iter_args(%scan3A_194 = %scan3A) -> (i32)  : i32 {
      %mul3A_195 = arith.constant 4 : i32
      %mul3A_196 = arith.muli %mul3A_195, %scan3A_193 : i32
      %add3A_197 = arith.constant 0 : i32
      %add3A_198 = arith.addi %mul3A_196, %add3A_197 : i32
      %dma_wait3A_199 = arith.constant 0 : i32
      %dma_wait3A_200 = arith.constant 0 : i32
      %dma_wait3A_201 = tpu.memref_slice %arg2[%dma_wait3A_199, %dma_wait3A_200] : memref<10112x128xf32, #tpu.memory_space<hbm>> -> memref<10112x128xf32, #tpu.memory_space<hbm>>
      tpu.wait_indirect_dma semaphore(%arg29 : memref<!tpu.dma_semaphore, #tpu.memory_space<semaphore_mem>>) src(%dma_wait3A_201 : memref<10112x128xf32, #tpu.memory_space<hbm>>) dst(%arg20 : memref<64x128xf32, #tpu.memory_space<vmem>>)
      %parallel_loop3A = arith.constant 0 : i32
      %parallel_loop3A_202 = arith.constant 64 : i32
      %parallel_loop3A_203 = arith.constant 1 : i32
      scf.for %parallel_loop3A_319 = %parallel_loop3A to %parallel_loop3A_202 step %parallel_loop3A_203  : i32 {
        %parallel_loop3A_320 = arith.constant 8 : i32
        %parallel_loop3A_321 = arith.divsi %parallel_loop3A_319, %parallel_loop3A_320 : i32
        %parallel_loop3A_322 = arith.constant 0 : i32
        %parallel_loop3A_323 = arith.cmpi sgt, %parallel_loop3A_319, %parallel_loop3A_322 : i32
        %parallel_loop3A_324 = arith.extui %parallel_loop3A_323 : i1 to i32
        %parallel_loop3A_325 = arith.constant 0 : i32
        %parallel_loop3A_326 = arith.cmpi slt, %parallel_loop3A_319, %parallel_loop3A_325 : i32
        %parallel_loop3A_327 = arith.extui %parallel_loop3A_326 : i1 to i32
        %parallel_loop3A_328 = arith.subi %parallel_loop3A_324, %parallel_loop3A_327 : i32
        %parallel_loop3A_329 = arith.constant 0 : i32
        %parallel_loop3A_330 = arith.cmpi sgt, %parallel_loop3A_320, %parallel_loop3A_329 : i32
        %parallel_loop3A_331 = arith.extui %parallel_loop3A_330 : i1 to i32
        %parallel_loop3A_332 = arith.constant 0 : i32
        %parallel_loop3A_333 = arith.cmpi slt, %parallel_loop3A_320, %parallel_loop3A_332 : i32
        %parallel_loop3A_334 = arith.extui %parallel_loop3A_333 : i1 to i32
        %parallel_loop3A_335 = arith.subi %parallel_loop3A_331, %parallel_loop3A_334 : i32
        %parallel_loop3A_336 = arith.cmpi ne, %parallel_loop3A_328, %parallel_loop3A_335 : i32
        %parallel_loop3A_337 = arith.remsi %parallel_loop3A_319, %parallel_loop3A_320 : i32
        %parallel_loop3A_338 = arith.constant 0 : i32
        %parallel_loop3A_339 = arith.cmpi ne, %parallel_loop3A_337, %parallel_loop3A_338 : i32
        %parallel_loop3A_340 = arith.andi %parallel_loop3A_336, %parallel_loop3A_339 : i1
        %parallel_loop3A_341 = arith.constant 1 : i32
        %parallel_loop3A_342 = arith.subi %parallel_loop3A_321, %parallel_loop3A_341 : i32
        %parallel_loop3A_343 = arith.select %parallel_loop3A_340, %parallel_loop3A_342, %parallel_loop3A_321 : i32
        %parallel_loop3A_344 = arith.constant 8 : i32
        %parallel_loop3A_345 = arith.constant 0 : i32
        %parallel_loop3A_346 = arith.cmpi eq, %parallel_loop3A_344, %parallel_loop3A_345 : i32
        %parallel_loop3A_347 = arith.constant 1 : i32
        %parallel_loop3A_348 = arith.select %parallel_loop3A_346, %parallel_loop3A_347, %parallel_loop3A_344 : i32
        %parallel_loop3A_349 = arith.remsi %parallel_loop3A_319, %parallel_loop3A_348 : i32
        %parallel_loop3A_350 = arith.constant 0 : i32
        %parallel_loop3A_351 = arith.cmpi ne, %parallel_loop3A_349, %parallel_loop3A_350 : i32
        %parallel_loop3A_352 = arith.constant 0 : i32
        %parallel_loop3A_353 = arith.cmpi slt, %parallel_loop3A_349, %parallel_loop3A_352 : i32
        %parallel_loop3A_354 = arith.constant 0 : i32
        %parallel_loop3A_355 = arith.cmpi slt, %parallel_loop3A_348, %parallel_loop3A_354 : i32
        %parallel_loop3A_356 = arith.xori %parallel_loop3A_353, %parallel_loop3A_355 : i1
        %parallel_loop3A_357 = arith.andi %parallel_loop3A_356, %parallel_loop3A_351 : i1
        %parallel_loop3A_358 = arith.addi %parallel_loop3A_349, %parallel_loop3A_348 : i32
        %parallel_loop3A_359 = arith.select %parallel_loop3A_357, %parallel_loop3A_358, %parallel_loop3A_349 : i32
        %parallel_loop3A_360 = arith.constant 16 : i32
        %parallel_loop3A_361 = arith.muli %parallel_loop3A_359, %parallel_loop3A_360 : i32
        %parallel_loop3A_362 = arith.index_cast %parallel_loop3A_343 : i32 to index
        %parallel_loop3A_363 = arith.index_cast %parallel_loop3A_361 : i32 to index
        %parallel_loop3A_364 = tpu.vector_load %arg16[%parallel_loop3A_362, %parallel_loop3A_363] {strides = array<i32>} : memref<8x128xf32, #tpu.memory_space<vmem>>, vector<1x16xf32>,
        %parallel_loop3A_365 = vector.shape_cast %parallel_loop3A_364 : vector<1x16xf32> to vector<16xf32>
        %parallel_loop3A_366 = arith.index_cast %parallel_loop3A_319 : i32 to index
        %parallel_loop3A_367 = arith.constant 0 : index
        %parallel_loop3A_368 = tpu.vector_load %arg20[%parallel_loop3A_366, %parallel_loop3A_367] {strides = array<i32>} : memref<64x128xf32, #tpu.memory_space<vmem>>, vector<1x16xf32>,
        %parallel_loop3A_369 = vector.shape_cast %parallel_loop3A_368 : vector<1x16xf32> to vector<16xf32>
        %parallel_loop3A_370 = arith.mulf %parallel_loop3A_369, %parallel_loop3A_365 : vector<16xf32>
        %parallel_loop3A_371 = arith.index_cast %parallel_loop3A_319 : i32 to index
        %parallel_loop3A_372 = arith.constant 0 : index
        %parallel_loop3A_373 = tpu.vector_load %arg20[%parallel_loop3A_371, %parallel_loop3A_372] {strides = array<i32>} : memref<64x128xf32, #tpu.memory_space<vmem>>, vector<1x16xf32>,
        %parallel_loop3A_374 = vector.shape_cast %parallel_loop3A_373 : vector<1x16xf32> to vector<16xf32>
        %parallel_loop3A_375 = vector.shape_cast %parallel_loop3A_370 : vector<16xf32> to vector<1x16xf32>
        tpu.vector_store %arg20[%parallel_loop3A_371, %parallel_loop3A_372], %parallel_loop3A_375 {strides = array<i32>} : memref<64x128xf32, #tpu.memory_space<vmem>>, vector<1x16xf32>,
        %parallel_loop3A_376 = arith.index_cast %parallel_loop3A_319 : i32 to index
        %parallel_loop3A_377 = arith.constant 16 : index
        %parallel_loop3A_378 = tpu.vector_load %arg20[%parallel_loop3A_376, %parallel_loop3A_377] {strides = array<i32>} : memref<64x128xf32, #tpu.memory_space<vmem>>, vector<1x16xf32>,
        %parallel_loop3A_379 = vector.shape_cast %parallel_loop3A_378 : vector<1x16xf32> to vector<16xf32>
        %parallel_loop3A_380 = arith.mulf %parallel_loop3A_379, %parallel_loop3A_365 : vector<16xf32>
        %parallel_loop3A_381 = arith.index_cast %parallel_loop3A_319 : i32 to index
        %parallel_loop3A_382 = arith.constant 16 : index
        %parallel_loop3A_383 = tpu.vector_load %arg20[%parallel_loop3A_381, %parallel_loop3A_382] {strides = array<i32>} : memref<64x128xf32, #tpu.memory_space<vmem>>, vector<1x16xf32>,
        %parallel_loop3A_384 = vector.shape_cast %parallel_loop3A_383 : vector<1x16xf32> to vector<16xf32>
        %parallel_loop3A_385 = vector.shape_cast %parallel_loop3A_380 : vector<16xf32> to vector<1x16xf32>
        tpu.vector_store %arg20[%parallel_loop3A_381, %parallel_loop3A_382], %parallel_loop3A_385 {strides = array<i32>} : memref<64x128xf32, #tpu.memory_space<vmem>>, vector<1x16xf32>,
        %parallel_loop3A_386 = arith.index_cast %parallel_loop3A_319 : i32 to index
        %parallel_loop3A_387 = arith.constant 32 : index
        %parallel_loop3A_388 = tpu.vector_load %arg20[%parallel_loop3A_386, %parallel_loop3A_387] {strides = array<i32>} : memref<64x128xf32, #tpu.memory_space<vmem>>, vector<1x16xf32>,
        %parallel_loop3A_389 = vector.shape_cast %parallel_loop3A_388 : vector<1x16xf32> to vector<16xf32>
        %parallel_loop3A_390 = arith.mulf %parallel_loop3A_389, %parallel_loop3A_365 : vector<16xf32>
        %parallel_loop3A_391 = arith.index_cast %parallel_loop3A_319 : i32 to index
        %parallel_loop3A_392 = arith.constant 32 : index
        %parallel_loop3A_393 = tpu.vector_load %arg20[%parallel_loop3A_391, %parallel_loop3A_392] {strides = array<i32>} : memref<64x128xf32, #tpu.memory_space<vmem>>, vector<1x16xf32>,
        %parallel_loop3A_394 = vector.shape_cast %parallel_loop3A_393 : vector<1x16xf32> to vector<16xf32>
        %parallel_loop3A_395 = vector.shape_cast %parallel_loop3A_390 : vector<16xf32> to vector<1x16xf32>
        tpu.vector_store %arg20[%parallel_loop3A_391, %parallel_loop3A_392], %parallel_loop3A_395 {strides = array<i32>} : memref<64x128xf32, #tpu.memory_space<vmem>>, vector<1x16xf32>,
        %parallel_loop3A_396 = arith.index_cast %parallel_loop3A_319 : i32 to index
        %parallel_loop3A_397 = arith.constant 48 : index
        %parallel_loop3A_398 = tpu.vector_load %arg20[%parallel_loop3A_396, %parallel_loop3A_397] {strides = array<i32>} : memref<64x128xf32, #tpu.memory_space<vmem>>, vector<1x16xf32>,
        %parallel_loop3A_399 = vector.shape_cast %parallel_loop3A_398 : vector<1x16xf32> to vector<16xf32>
        %parallel_loop3A_400 = arith.mulf %parallel_loop3A_399, %parallel_loop3A_365 : vector<16xf32>
        %parallel_loop3A_401 = arith.index_cast %parallel_loop3A_319 : i32 to index
        %parallel_loop3A_402 = arith.constant 48 : index
        %parallel_loop3A_403 = tpu.vector_load %arg20[%parallel_loop3A_401, %parallel_loop3A_402] {strides = array<i32>} : memref<64x128xf32, #tpu.memory_space<vmem>>, vector<1x16xf32>,
        %parallel_loop3A_404 = vector.shape_cast %parallel_loop3A_403 : vector<1x16xf32> to vector<16xf32>
        %parallel_loop3A_405 = vector.shape_cast %parallel_loop3A_400 : vector<16xf32> to vector<1x16xf32>
        tpu.vector_store %arg20[%parallel_loop3A_401, %parallel_loop3A_402], %parallel_loop3A_405 {strides = array<i32>} : memref<64x128xf32, #tpu.memory_space<vmem>>, vector<1x16xf32>,
        %parallel_loop3A_406 = arith.index_cast %parallel_loop3A_319 : i32 to index
        %parallel_loop3A_407 = arith.constant 64 : index
        %parallel_loop3A_408 = tpu.vector_load %arg20[%parallel_loop3A_406, %parallel_loop3A_407] {strides = array<i32>} : memref<64x128xf32, #tpu.memory_space<vmem>>, vector<1x16xf32>,
        %parallel_loop3A_409 = vector.shape_cast %parallel_loop3A_408 : vector<1x16xf32> to vector<16xf32>
        %parallel_loop3A_410 = arith.mulf %parallel_loop3A_409, %parallel_loop3A_365 : vector<16xf32>
        %parallel_loop3A_411 = arith.index_cast %parallel_loop3A_319 : i32 to index
        %parallel_loop3A_412 = arith.constant 64 : index
        %parallel_loop3A_413 = tpu.vector_load %arg20[%parallel_loop3A_411, %parallel_loop3A_412] {strides = array<i32>} : memref<64x128xf32, #tpu.memory_space<vmem>>, vector<1x16xf32>,
        %parallel_loop3A_414 = vector.shape_cast %parallel_loop3A_413 : vector<1x16xf32> to vector<16xf32>
        %parallel_loop3A_415 = vector.shape_cast %parallel_loop3A_410 : vector<16xf32> to vector<1x16xf32>
        tpu.vector_store %arg20[%parallel_loop3A_411, %parallel_loop3A_412], %parallel_loop3A_415 {strides = array<i32>} : memref<64x128xf32, #tpu.memory_space<vmem>>, vector<1x16xf32>,
        %parallel_loop3A_416 = arith.index_cast %parallel_loop3A_319 : i32 to index
        %parallel_loop3A_417 = arith.constant 80 : index
        %parallel_loop3A_418 = tpu.vector_load %arg20[%parallel_loop3A_416, %parallel_loop3A_417] {strides = array<i32>} : memref<64x128xf32, #tpu.memory_space<vmem>>, vector<1x16xf32>,
        %parallel_loop3A_419 = vector.shape_cast %parallel_loop3A_418 : vector<1x16xf32> to vector<16xf32>
        %parallel_loop3A_420 = arith.mulf %parallel_loop3A_419, %parallel_loop3A_365 : vector<16xf32>
        %parallel_loop3A_421 = arith.index_cast %parallel_loop3A_319 : i32 to index
        %parallel_loop3A_422 = arith.constant 80 : index
        %parallel_loop3A_423 = tpu.vector_load %arg20[%parallel_loop3A_421, %parallel_loop3A_422] {strides = array<i32>} : memref<64x128xf32, #tpu.memory_space<vmem>>, vector<1x16xf32>,
        %parallel_loop3A_424 = vector.shape_cast %parallel_loop3A_423 : vector<1x16xf32> to vector<16xf32>
        %parallel_loop3A_425 = vector.shape_cast %parallel_loop3A_420 : vector<16xf32> to vector<1x16xf32>
        tpu.vector_store %arg20[%parallel_loop3A_421, %parallel_loop3A_422], %parallel_loop3A_425 {strides = array<i32>} : memref<64x128xf32, #tpu.memory_space<vmem>>, vector<1x16xf32>,
        %parallel_loop3A_426 = arith.index_cast %parallel_loop3A_319 : i32 to index
        %parallel_loop3A_427 = arith.constant 96 : index
        %parallel_loop3A_428 = tpu.vector_load %arg20[%parallel_loop3A_426, %parallel_loop3A_427] {strides = array<i32>} : memref<64x128xf32, #tpu.memory_space<vmem>>, vector<1x16xf32>,
        %parallel_loop3A_429 = vector.shape_cast %parallel_loop3A_428 : vector<1x16xf32> to vector<16xf32>
        %parallel_loop3A_430 = arith.mulf %parallel_loop3A_429, %parallel_loop3A_365 : vector<16xf32>
        %parallel_loop3A_431 = arith.index_cast %parallel_loop3A_319 : i32 to index
        %parallel_loop3A_432 = arith.constant 96 : index
        %parallel_loop3A_433 = tpu.vector_load %arg20[%parallel_loop3A_431, %parallel_loop3A_432] {strides = array<i32>} : memref<64x128xf32, #tpu.memory_space<vmem>>, vector<1x16xf32>,
        %parallel_loop3A_434 = vector.shape_cast %parallel_loop3A_433 : vector<1x16xf32> to vector<16xf32>
        %parallel_loop3A_435 = vector.shape_cast %parallel_loop3A_430 : vector<16xf32> to vector<1x16xf32>
        tpu.vector_store %arg20[%parallel_loop3A_431, %parallel_loop3A_432], %parallel_loop3A_435 {strides = array<i32>} : memref<64x128xf32, #tpu.memory_space<vmem>>, vector<1x16xf32>,
        %parallel_loop3A_436 = arith.index_cast %parallel_loop3A_319 : i32 to index
        %parallel_loop3A_437 = arith.constant 112 : index
        %parallel_loop3A_438 = tpu.vector_load %arg20[%parallel_loop3A_436, %parallel_loop3A_437] {strides = array<i32>} : memref<64x128xf32, #tpu.memory_space<vmem>>, vector<1x16xf32>,
        %parallel_loop3A_439 = vector.shape_cast %parallel_loop3A_438 : vector<1x16xf32> to vector<16xf32>
        %parallel_loop3A_440 = arith.mulf %parallel_loop3A_439, %parallel_loop3A_365 : vector<16xf32>
        %parallel_loop3A_441 = arith.index_cast %parallel_loop3A_319 : i32 to index
        %parallel_loop3A_442 = arith.constant 112 : index
        %parallel_loop3A_443 = tpu.vector_load %arg20[%parallel_loop3A_441, %parallel_loop3A_442] {strides = array<i32>} : memref<64x128xf32, #tpu.memory_space<vmem>>, vector<1x16xf32>,
        %parallel_loop3A_444 = vector.shape_cast %parallel_loop3A_443 : vector<1x16xf32> to vector<16xf32>
        %parallel_loop3A_445 = vector.shape_cast %parallel_loop3A_440 : vector<16xf32> to vector<1x16xf32>
        tpu.vector_store %arg20[%parallel_loop3A_441, %parallel_loop3A_442], %parallel_loop3A_445 {strides = array<i32>} : memref<64x128xf32, #tpu.memory_space<vmem>>, vector<1x16xf32>,
      } {sc.loop_unroll_factor = 2 : i64, sc.parallel_access}
      %ge3A = arith.constant 1 : i32
      %ge3A_204 = arith.cmpi sge, %add3A_198, %ge3A : i32
      %convert_element_type3A = arith.extui %ge3A_204 : i1 to i32
      %cond3A = arith.constant 0 : i32
      %cond3A_205 = arith.cmpi ne, %convert_element_type3A, %cond3A : i32
      scf.if %cond3A_205 {
        %dma_wait3A_319 = arith.constant 0 : i32
        %dma_wait3A_320 = arith.constant 0 : i32
        %dma_wait3A_321 = tpu.memref_slice %arg24[%dma_wait3A_319, %dma_wait3A_320] : memref<10112x128xf32, #tpu.memory_space<vmem_shared>> -> memref<10112x128xf32, #tpu.memory_space<vmem_shared>>
        tpu.wait_indirect_dma semaphore(%arg36 : memref<!tpu.dma_semaphore, #tpu.memory_space<semaphore_mem>>) src(%arg23 : memref<64x128xf32, #tpu.memory_space<vmem>>) dst(%dma_wait3A_321 : memref<10112x128xf32, #tpu.memory_space<vmem_shared>>)
      } else {
      }
      %dma_start3A_206 = arith.constant 0 : i32
      %dma_start3A_207 = arith.constant 0 : i32
      %dma_start3A_208 = tpu.memref_slice %arg24[%dma_start3A_206, %dma_start3A_207] : memref<10112x128xf32, #tpu.memory_space<vmem_shared>> -> memref<10112x128xf32, #tpu.memory_space<vmem_shared>>
      tpu.enqueue_indirect_dma source(%arg20 : memref<64x128xf32, #tpu.memory_space<vmem>>) target(%dma_start3A_208 : memref<10112x128xf32, #tpu.memory_space<vmem_shared>>) offsets(%arg12 : memref<64xi32, #tpu.memory_space<vmem>>) semaphore(%arg33 : memref<!tpu.dma_semaphore, #tpu.memory_space<semaphore_mem>>) {add = true}
      %add3A_209 = arith.constant 3 : i32
      %add3A_210 = arith.addi %add3A_198, %add3A_209 : i32
      %lt3A = arith.constant 160 : i32
      %lt3A_211 = arith.cmpi slt, %add3A_210, %lt3A : i32
      %convert_element_type3A_212 = arith.extui %lt3A_211 : i1 to i32
      %cond3A_213 = arith.constant 0 : i32
      %cond3A_214 = arith.cmpi ne, %convert_element_type3A_212, %cond3A_213 : i32
      scf.if %cond3A_214 {
        %add3A_319 = arith.constant 3 : i32
        %add3A_320 = arith.addi %add3A_198, %add3A_319 : i32
        %mul3A_321 = arith.constant 10240 : i32
        %mul3A_322 = arith.muli %add3A, %mul3A_321 : i32
        %mul3A_323 = arith.constant 64 : i32
        %mul3A_324 = arith.muli %add3A_320, %mul3A_323 : i32
        %add3A_325 = arith.addi %mul3A_322, %mul3A_324 : i32
        %jit3A_326 = arith.constant 8 : i32
        %div3A_327 = arith.divsi %add3A_325, %jit3A_326 : i32
        %sign3A_328 = arith.constant 0 : i32
        %sign3A_329 = arith.cmpi sgt, %add3A_325, %sign3A_328 : i32
        %sign3A_330 = arith.extui %sign3A_329 : i1 to i32
        %sign3A_331 = arith.constant 0 : i32
        %sign3A_332 = arith.cmpi slt, %add3A_325, %sign3A_331 : i32
        %sign3A_333 = arith.extui %sign3A_332 : i1 to i32
        %sign3A_334 = arith.subi %sign3A_330, %sign3A_333 : i32
        %sign3A_335 = arith.constant 0 : i32
        %sign3A_336 = arith.cmpi sgt, %jit3A_326, %sign3A_335 : i32
        %sign3A_337 = arith.extui %sign3A_336 : i1 to i32
        %sign3A_338 = arith.constant 0 : i32
        %sign3A_339 = arith.cmpi slt, %jit3A_326, %sign3A_338 : i32
        %sign3A_340 = arith.extui %sign3A_339 : i1 to i32
        %sign3A_341 = arith.subi %sign3A_337, %sign3A_340 : i32
        %ne3A_342 = arith.cmpi ne, %sign3A_334, %sign3A_341 : i32
        %rem3A_343 = arith.remsi %add3A_325, %jit3A_326 : i32
        %ne3A_344 = arith.constant 0 : i32
        %ne3A_345 = arith.cmpi ne, %rem3A_343, %ne3A_344 : i32
        %and3A_346 = arith.andi %ne3A_342, %ne3A_345 : i1
        %sub3A_347 = arith.constant 1 : i32
        %sub3A_348 = arith.subi %div3A_327, %sub3A_347 : i32
        %select_n3A_349 = arith.select %and3A_346, %sub3A_348, %div3A_327 : i32
        %multiple_of3A_350 = tpu.assume_multiple %select_n3A_349, 8 : i32
        %dma_start3A_351 = tpu.memref_slice %arg3[%add3A_325] : memref<327680xi32, #tpu.memory_space<hbm>> -> memref<64xi32, #tpu.memory_space<hbm>>
        %dma_start3A_352 = tpu.memref_slice %arg3[%add3A_325] : memref<327680xi32, #tpu.memory_space<hbm>> -> memref<64xi32, #tpu.memory_space<hbm>>
        tpu.enqueue_dma source(%dma_start3A_352 : memref<64xi32, #tpu.memory_space<hbm>>) target(%arg11 : memref<64xi32, #tpu.memory_space<vmem>>) target_semaphore(%arg28 : memref<!tpu.dma_semaphore, #tpu.memory_space<semaphore_mem>>)
        %dma_start3A_353 = tpu.memref_slice %arg4[%add3A_325] : memref<327680xi32, #tpu.memory_space<hbm>> -> memref<64xi32, #tpu.memory_space<hbm>>
        %dma_start3A_354 = tpu.memref_slice %arg4[%add3A_325] : memref<327680xi32, #tpu.memory_space<hbm>> -> memref<64xi32, #tpu.memory_space<hbm>>
        tpu.enqueue_dma source(%dma_start3A_354 : memref<64xi32, #tpu.memory_space<hbm>>) target(%arg15 : memref<64xi32, #tpu.memory_space<vmem>>) target_semaphore(%arg28 : memref<!tpu.dma_semaphore, #tpu.memory_space<semaphore_mem>>)
        %dma_start3A_355 = arith.constant 0 : i32
        %dma_start3A_356 = tpu.memref_slice %arg5[%multiple_of3A_350, %dma_start3A_355] : memref<40960x128xf32, #tpu.memory_space<hbm>> -> memref<8x128xf32, #tpu.memory_space<hbm>>
        %dma_start3A_357 = arith.constant 0 : i32
        %dma_start3A_358 = tpu.memref_slice %arg5[%multiple_of3A_350, %dma_start3A_357] : memref<40960x128xf32, #tpu.memory_space<hbm>> -> memref<8x128xf32, #tpu.memory_space<hbm>>
        tpu.enqueue_dma source(%dma_start3A_358 : memref<8x128xf32, #tpu.memory_space<hbm>>) target(%arg19 : memref<8x128xf32, #tpu.memory_space<vmem>>) target_semaphore(%arg28 : memref<!tpu.dma_semaphore, #tpu.memory_space<semaphore_mem>>)
      } else {
      }
      %add3A_215 = arith.constant 2 : i32
      %add3A_216 = arith.addi %add3A_198, %add3A_215 : i32
      %lt3A_217 = arith.constant 160 : i32
      %lt3A_218 = arith.cmpi slt, %add3A_216, %lt3A_217 : i32
      %convert_element_type3A_219 = arith.extui %lt3A_218 : i1 to i32
      %cond3A_220 = arith.constant 0 : i32
      %cond3A_221 = arith.cmpi ne, %convert_element_type3A_219, %cond3A_220 : i32
      scf.if %cond3A_221 {
        %add3A_319 = arith.constant 2 : i32
        %add3A_320 = arith.addi %add3A_198, %add3A_319 : i32
        %mul3A_321 = arith.constant 10240 : i32
        %mul3A_322 = arith.muli %add3A, %mul3A_321 : i32
        %mul3A_323 = arith.constant 64 : i32
        %mul3A_324 = arith.muli %add3A_320, %mul3A_323 : i32
        %add3A_325 = arith.addi %mul3A_322, %mul3A_324 : i32
        %jit3A_326 = arith.constant 8 : i32
        %div3A_327 = arith.divsi %add3A_325, %jit3A_326 : i32
        %sign3A_328 = arith.constant 0 : i32
        %sign3A_329 = arith.cmpi sgt, %add3A_325, %sign3A_328 : i32
        %sign3A_330 = arith.extui %sign3A_329 : i1 to i32
        %sign3A_331 = arith.constant 0 : i32
        %sign3A_332 = arith.cmpi slt, %add3A_325, %sign3A_331 : i32
        %sign3A_333 = arith.extui %sign3A_332 : i1 to i32
        %sign3A_334 = arith.subi %sign3A_330, %sign3A_333 : i32
        %sign3A_335 = arith.constant 0 : i32
        %sign3A_336 = arith.cmpi sgt, %jit3A_326, %sign3A_335 : i32
        %sign3A_337 = arith.extui %sign3A_336 : i1 to i32
        %sign3A_338 = arith.constant 0 : i32
        %sign3A_339 = arith.cmpi slt, %jit3A_326, %sign3A_338 : i32
        %sign3A_340 = arith.extui %sign3A_339 : i1 to i32
        %sign3A_341 = arith.subi %sign3A_337, %sign3A_340 : i32
        %ne3A_342 = arith.cmpi ne, %sign3A_334, %sign3A_341 : i32
        %rem3A_343 = arith.remsi %add3A_325, %jit3A_326 : i32
        %ne3A_344 = arith.constant 0 : i32
        %ne3A_345 = arith.cmpi ne, %rem3A_343, %ne3A_344 : i32
        %and3A_346 = arith.andi %ne3A_342, %ne3A_345 : i1
        %sub3A_347 = arith.constant 1 : i32
        %sub3A_348 = arith.subi %div3A_327, %sub3A_347 : i32
        %select_n3A_349 = arith.select %and3A_346, %sub3A_348, %div3A_327 : i32
        %multiple_of3A_350 = tpu.assume_multiple %select_n3A_349, 8 : i32
        %dma_wait3A_351 = tpu.memref_slice %arg3[%add3A_325] : memref<327680xi32, #tpu.memory_space<hbm>> -> memref<64xi32, #tpu.memory_space<hbm>>
        %dma_wait3A_352 = tpu.memref_slice %arg3[%add3A_325] : memref<327680xi32, #tpu.memory_space<hbm>> -> memref<64xi32, #tpu.memory_space<hbm>>
        tpu.wait_dma2 semaphore(%arg27 : memref<!tpu.dma_semaphore, #tpu.memory_space<semaphore_mem>>) src(%dma_wait3A_352 : memref<64xi32, #tpu.memory_space<hbm>>) dst(%arg10 : memref<64xi32, #tpu.memory_space<vmem>>)
        %dma_wait3A_353 = tpu.memref_slice %arg4[%add3A_325] : memref<327680xi32, #tpu.memory_space<hbm>> -> memref<64xi32, #tpu.memory_space<hbm>>
        %dma_wait3A_354 = tpu.memref_slice %arg4[%add3A_325] : memref<327680xi32, #tpu.memory_space<hbm>> -> memref<64xi32, #tpu.memory_space<hbm>>
        tpu.wait_dma2 semaphore(%arg27 : memref<!tpu.dma_semaphore, #tpu.memory_space<semaphore_mem>>) src(%dma_wait3A_354 : memref<64xi32, #tpu.memory_space<hbm>>) dst(%arg14 : memref<64xi32, #tpu.memory_space<vmem>>)
        %dma_wait3A_355 = arith.constant 0 : i32
        %dma_wait3A_356 = tpu.memref_slice %arg5[%multiple_of3A_350, %dma_wait3A_355] : memref<40960x128xf32, #tpu.memory_space<hbm>> -> memref<8x128xf32, #tpu.memory_space<hbm>>
        %dma_wait3A_357 = arith.constant 0 : i32
        %dma_wait3A_358 = tpu.memref_slice %arg5[%multiple_of3A_350, %dma_wait3A_357] : memref<40960x128xf32, #tpu.memory_space<hbm>> -> memref<8x128xf32, #tpu.memory_space<hbm>>
        tpu.wait_dma2 semaphore(%arg27 : memref<!tpu.dma_semaphore, #tpu.memory_space<semaphore_mem>>) src(%dma_wait3A_358 : memref<8x128xf32, #tpu.memory_space<hbm>>) dst(%arg18 : memref<8x128xf32, #tpu.memory_space<vmem>>)
        %dma_start3A_359 = arith.constant 0 : i32
        %dma_start3A_360 = arith.constant 0 : i32
        %dma_start3A_361 = tpu.memref_slice %arg2[%dma_start3A_359, %dma_start3A_360] : memref<10112x128xf32, #tpu.memory_space<hbm>> -> memref<10112x128xf32, #tpu.memory_space<hbm>>
        tpu.enqueue_indirect_dma source(%dma_start3A_361 : memref<10112x128xf32, #tpu.memory_space<hbm>>) target(%arg22 : memref<64x128xf32, #tpu.memory_space<vmem>>) offsets(%arg10 : memref<64xi32, #tpu.memory_space<vmem>>) semaphore(%arg31 : memref<!tpu.dma_semaphore, #tpu.memory_space<semaphore_mem>>)
      } else {
      }
      %mul3A_222 = arith.constant 4 : i32
      %mul3A_223 = arith.muli %mul3A_222, %scan3A_193 : i32
      %add3A_224 = arith.constant 1 : i32
      %add3A_225 = arith.addi %mul3A_223, %add3A_224 : i32
      %dma_wait3A_226 = arith.constant 0 : i32
      %dma_wait3A_227 = arith.constant 0 : i32
      %dma_wait3A_228 = tpu.memref_slice %arg2[%dma_wait3A_226, %dma_wait3A_227] : memref<10112x128xf32, #tpu.memory_space<hbm>> -> memref<10112x128xf32, #tpu.memory_space<hbm>>
      tpu.wait_indirect_dma semaphore(%arg30 : memref<!tpu.dma_semaphore, #tpu.memory_space<semaphore_mem>>) src(%dma_wait3A_228 : memref<10112x128xf32, #tpu.memory_space<hbm>>) dst(%arg21 : memref<64x128xf32, #tpu.memory_space<vmem>>)
      %parallel_loop3A_229 = arith.constant 0 : i32
      %parallel_loop3A_230 = arith.constant 64 : i32
      %parallel_loop3A_231 = arith.constant 1 : i32
      scf.for %parallel_loop3A_319 = %parallel_loop3A_229 to %parallel_loop3A_230 step %parallel_loop3A_231  : i32 {
        %parallel_loop3A_320 = arith.constant 8 : i32
        %parallel_loop3A_321 = arith.divsi %parallel_loop3A_319, %parallel_loop3A_320 : i32
        %parallel_loop3A_322 = arith.constant 0 : i32
        %parallel_loop3A_323 = arith.cmpi sgt, %parallel_loop3A_319, %parallel_loop3A_322 : i32
        %parallel_loop3A_324 = arith.extui %parallel_loop3A_323 : i1 to i32
        %parallel_loop3A_325 = arith.constant 0 : i32
        %parallel_loop3A_326 = arith.cmpi slt, %parallel_loop3A_319, %parallel_loop3A_325 : i32
        %parallel_loop3A_327 = arith.extui %parallel_loop3A_326 : i1 to i32
        %parallel_loop3A_328 = arith.subi %parallel_loop3A_324, %parallel_loop3A_327 : i32
        %parallel_loop3A_329 = arith.constant 0 : i32
        %parallel_loop3A_330 = arith.cmpi sgt, %parallel_loop3A_320, %parallel_loop3A_329 : i32
        %parallel_loop3A_331 = arith.extui %parallel_loop3A_330 : i1 to i32
        %parallel_loop3A_332 = arith.constant 0 : i32
        %parallel_loop3A_333 = arith.cmpi slt, %parallel_loop3A_320, %parallel_loop3A_332 : i32
        %parallel_loop3A_334 = arith.extui %parallel_loop3A_333 : i1 to i32
        %parallel_loop3A_335 = arith.subi %parallel_loop3A_331, %parallel_loop3A_334 : i32
        %parallel_loop3A_336 = arith.cmpi ne, %parallel_loop3A_328, %parallel_loop3A_335 : i32
        %parallel_loop3A_337 = arith.remsi %parallel_loop3A_319, %parallel_loop3A_320 : i32
        %parallel_loop3A_338 = arith.constant 0 : i32
        %parallel_loop3A_339 = arith.cmpi ne, %parallel_loop3A_337, %parallel_loop3A_338 : i32
        %parallel_loop3A_340 = arith.andi %parallel_loop3A_336, %parallel_loop3A_339 : i1
        %parallel_loop3A_341 = arith.constant 1 : i32
        %parallel_loop3A_342 = arith.subi %parallel_loop3A_321, %parallel_loop3A_341 : i32
        %parallel_loop3A_343 = arith.select %parallel_loop3A_340, %parallel_loop3A_342, %parallel_loop3A_321 : i32
        %parallel_loop3A_344 = arith.constant 8 : i32
        %parallel_loop3A_345 = arith.constant 0 : i32
        %parallel_loop3A_346 = arith.cmpi eq, %parallel_loop3A_344, %parallel_loop3A_345 : i32
        %parallel_loop3A_347 = arith.constant 1 : i32
        %parallel_loop3A_348 = arith.select %parallel_loop3A_346, %parallel_loop3A_347, %parallel_loop3A_344 : i32
        %parallel_loop3A_349 = arith.remsi %parallel_loop3A_319, %parallel_loop3A_348 : i32
        %parallel_loop3A_350 = arith.constant 0 : i32
        %parallel_loop3A_351 = arith.cmpi ne, %parallel_loop3A_349, %parallel_loop3A_350 : i32
        %parallel_loop3A_352 = arith.constant 0 : i32
        %parallel_loop3A_353 = arith.cmpi slt, %parallel_loop3A_349, %parallel_loop3A_352 : i32
        %parallel_loop3A_354 = arith.constant 0 : i32
        %parallel_loop3A_355 = arith.cmpi slt, %parallel_loop3A_348, %parallel_loop3A_354 : i32
        %parallel_loop3A_356 = arith.xori %parallel_loop3A_353, %parallel_loop3A_355 : i1
        %parallel_loop3A_357 = arith.andi %parallel_loop3A_356, %parallel_loop3A_351 : i1
        %parallel_loop3A_358 = arith.addi %parallel_loop3A_349, %parallel_loop3A_348 : i32
        %parallel_loop3A_359 = arith.select %parallel_loop3A_357, %parallel_loop3A_358, %parallel_loop3A_349 : i32
        %parallel_loop3A_360 = arith.constant 16 : i32
        %parallel_loop3A_361 = arith.muli %parallel_loop3A_359, %parallel_loop3A_360 : i32
        %parallel_loop3A_362 = arith.index_cast %parallel_loop3A_343 : i32 to index
        %parallel_loop3A_363 = arith.index_cast %parallel_loop3A_361 : i32 to index
        %parallel_loop3A_364 = tpu.vector_load %arg17[%parallel_loop3A_362, %parallel_loop3A_363] {strides = array<i32>} : memref<8x128xf32, #tpu.memory_space<vmem>>, vector<1x16xf32>,
        %parallel_loop3A_365 = vector.shape_cast %parallel_loop3A_364 : vector<1x16xf32> to vector<16xf32>
        %parallel_loop3A_366 = arith.index_cast %parallel_loop3A_319 : i32 to index
        %parallel_loop3A_367 = arith.constant 0 : index
        %parallel_loop3A_368 = tpu.vector_load %arg21[%parallel_loop3A_366, %parallel_loop3A_367] {strides = array<i32>} : memref<64x128xf32, #tpu.memory_space<vmem>>, vector<1x16xf32>,
        %parallel_loop3A_369 = vector.shape_cast %parallel_loop3A_368 : vector<1x16xf32> to vector<16xf32>
        %parallel_loop3A_370 = arith.mulf %parallel_loop3A_369, %parallel_loop3A_365 : vector<16xf32>
        %parallel_loop3A_371 = arith.index_cast %parallel_loop3A_319 : i32 to index
        %parallel_loop3A_372 = arith.constant 0 : index
        %parallel_loop3A_373 = tpu.vector_load %arg21[%parallel_loop3A_371, %parallel_loop3A_372] {strides = array<i32>} : memref<64x128xf32, #tpu.memory_space<vmem>>, vector<1x16xf32>,
        %parallel_loop3A_374 = vector.shape_cast %parallel_loop3A_373 : vector<1x16xf32> to vector<16xf32>
        %parallel_loop3A_375 = vector.shape_cast %parallel_loop3A_370 : vector<16xf32> to vector<1x16xf32>
        tpu.vector_store %arg21[%parallel_loop3A_371, %parallel_loop3A_372], %parallel_loop3A_375 {strides = array<i32>} : memref<64x128xf32, #tpu.memory_space<vmem>>, vector<1x16xf32>,
        %parallel_loop3A_376 = arith.index_cast %parallel_loop3A_319 : i32 to index
        %parallel_loop3A_377 = arith.constant 16 : index
        %parallel_loop3A_378 = tpu.vector_load %arg21[%parallel_loop3A_376, %parallel_loop3A_377] {strides = array<i32>} : memref<64x128xf32, #tpu.memory_space<vmem>>, vector<1x16xf32>,
        %parallel_loop3A_379 = vector.shape_cast %parallel_loop3A_378 : vector<1x16xf32> to vector<16xf32>
        %parallel_loop3A_380 = arith.mulf %parallel_loop3A_379, %parallel_loop3A_365 : vector<16xf32>
        %parallel_loop3A_381 = arith.index_cast %parallel_loop3A_319 : i32 to index
        %parallel_loop3A_382 = arith.constant 16 : index
        %parallel_loop3A_383 = tpu.vector_load %arg21[%parallel_loop3A_381, %parallel_loop3A_382] {strides = array<i32>} : memref<64x128xf32, #tpu.memory_space<vmem>>, vector<1x16xf32>,
        %parallel_loop3A_384 = vector.shape_cast %parallel_loop3A_383 : vector<1x16xf32> to vector<16xf32>
        %parallel_loop3A_385 = vector.shape_cast %parallel_loop3A_380 : vector<16xf32> to vector<1x16xf32>
        tpu.vector_store %arg21[%parallel_loop3A_381, %parallel_loop3A_382], %parallel_loop3A_385 {strides = array<i32>} : memref<64x128xf32, #tpu.memory_space<vmem>>, vector<1x16xf32>,
        %parallel_loop3A_386 = arith.index_cast %parallel_loop3A_319 : i32 to index
        %parallel_loop3A_387 = arith.constant 32 : index
        %parallel_loop3A_388 = tpu.vector_load %arg21[%parallel_loop3A_386, %parallel_loop3A_387] {strides = array<i32>} : memref<64x128xf32, #tpu.memory_space<vmem>>, vector<1x16xf32>,
        %parallel_loop3A_389 = vector.shape_cast %parallel_loop3A_388 : vector<1x16xf32> to vector<16xf32>
        %parallel_loop3A_390 = arith.mulf %parallel_loop3A_389, %parallel_loop3A_365 : vector<16xf32>
        %parallel_loop3A_391 = arith.index_cast %parallel_loop3A_319 : i32 to index
        %parallel_loop3A_392 = arith.constant 32 : index
        %parallel_loop3A_393 = tpu.vector_load %arg21[%parallel_loop3A_391, %parallel_loop3A_392] {strides = array<i32>} : memref<64x128xf32, #tpu.memory_space<vmem>>, vector<1x16xf32>,
        %parallel_loop3A_394 = vector.shape_cast %parallel_loop3A_393 : vector<1x16xf32> to vector<16xf32>
        %parallel_loop3A_395 = vector.shape_cast %parallel_loop3A_390 : vector<16xf32> to vector<1x16xf32>
        tpu.vector_store %arg21[%parallel_loop3A_391, %parallel_loop3A_392], %parallel_loop3A_395 {strides = array<i32>} : memref<64x128xf32, #tpu.memory_space<vmem>>, vector<1x16xf32>,
        %parallel_loop3A_396 = arith.index_cast %parallel_loop3A_319 : i32 to index
        %parallel_loop3A_397 = arith.constant 48 : index
        %parallel_loop3A_398 = tpu.vector_load %arg21[%parallel_loop3A_396, %parallel_loop3A_397] {strides = array<i32>} : memref<64x128xf32, #tpu.memory_space<vmem>>, vector<1x16xf32>,
        %parallel_loop3A_399 = vector.shape_cast %parallel_loop3A_398 : vector<1x16xf32> to vector<16xf32>
        %parallel_loop3A_400 = arith.mulf %parallel_loop3A_399, %parallel_loop3A_365 : vector<16xf32>
        %parallel_loop3A_401 = arith.index_cast %parallel_loop3A_319 : i32 to index
        %parallel_loop3A_402 = arith.constant 48 : index
        %parallel_loop3A_403 = tpu.vector_load %arg21[%parallel_loop3A_401, %parallel_loop3A_402] {strides = array<i32>} : memref<64x128xf32, #tpu.memory_space<vmem>>, vector<1x16xf32>,
        %parallel_loop3A_404 = vector.shape_cast %parallel_loop3A_403 : vector<1x16xf32> to vector<16xf32>
        %parallel_loop3A_405 = vector.shape_cast %parallel_loop3A_400 : vector<16xf32> to vector<1x16xf32>
        tpu.vector_store %arg21[%parallel_loop3A_401, %parallel_loop3A_402], %parallel_loop3A_405 {strides = array<i32>} : memref<64x128xf32, #tpu.memory_space<vmem>>, vector<1x16xf32>,
        %parallel_loop3A_406 = arith.index_cast %parallel_loop3A_319 : i32 to index
        %parallel_loop3A_407 = arith.constant 64 : index
        %parallel_loop3A_408 = tpu.vector_load %arg21[%parallel_loop3A_406, %parallel_loop3A_407] {strides = array<i32>} : memref<64x128xf32, #tpu.memory_space<vmem>>, vector<1x16xf32>,
        %parallel_loop3A_409 = vector.shape_cast %parallel_loop3A_408 : vector<1x16xf32> to vector<16xf32>
        %parallel_loop3A_410 = arith.mulf %parallel_loop3A_409, %parallel_loop3A_365 : vector<16xf32>
        %parallel_loop3A_411 = arith.index_cast %parallel_loop3A_319 : i32 to index
        %parallel_loop3A_412 = arith.constant 64 : index
        %parallel_loop3A_413 = tpu.vector_load %arg21[%parallel_loop3A_411, %parallel_loop3A_412] {strides = array<i32>} : memref<64x128xf32, #tpu.memory_space<vmem>>, vector<1x16xf32>,
        %parallel_loop3A_414 = vector.shape_cast %parallel_loop3A_413 : vector<1x16xf32> to vector<16xf32>
        %parallel_loop3A_415 = vector.shape_cast %parallel_loop3A_410 : vector<16xf32> to vector<1x16xf32>
        tpu.vector_store %arg21[%parallel_loop3A_411, %parallel_loop3A_412], %parallel_loop3A_415 {strides = array<i32>} : memref<64x128xf32, #tpu.memory_space<vmem>>, vector<1x16xf32>,
        %parallel_loop3A_416 = arith.index_cast %parallel_loop3A_319 : i32 to index
        %parallel_loop3A_417 = arith.constant 80 : index
        %parallel_loop3A_418 = tpu.vector_load %arg21[%parallel_loop3A_416, %parallel_loop3A_417] {strides = array<i32>} : memref<64x128xf32, #tpu.memory_space<vmem>>, vector<1x16xf32>,
        %parallel_loop3A_419 = vector.shape_cast %parallel_loop3A_418 : vector<1x16xf32> to vector<16xf32>
        %parallel_loop3A_420 = arith.mulf %parallel_loop3A_419, %parallel_loop3A_365 : vector<16xf32>
        %parallel_loop3A_421 = arith.index_cast %parallel_loop3A_319 : i32 to index
        %parallel_loop3A_422 = arith.constant 80 : index
        %parallel_loop3A_423 = tpu.vector_load %arg21[%parallel_loop3A_421, %parallel_loop3A_422] {strides = array<i32>} : memref<64x128xf32, #tpu.memory_space<vmem>>, vector<1x16xf32>,
        %parallel_loop3A_424 = vector.shape_cast %parallel_loop3A_423 : vector<1x16xf32> to vector<16xf32>
        %parallel_loop3A_425 = vector.shape_cast %parallel_loop3A_420 : vector<16xf32> to vector<1x16xf32>
        tpu.vector_store %arg21[%parallel_loop3A_421, %parallel_loop3A_422], %parallel_loop3A_425 {strides = array<i32>} : memref<64x128xf32, #tpu.memory_space<vmem>>, vector<1x16xf32>,
        %parallel_loop3A_426 = arith.index_cast %parallel_loop3A_319 : i32 to index
        %parallel_loop3A_427 = arith.constant 96 : index
        %parallel_loop3A_428 = tpu.vector_load %arg21[%parallel_loop3A_426, %parallel_loop3A_427] {strides = array<i32>} : memref<64x128xf32, #tpu.memory_space<vmem>>, vector<1x16xf32>,
        %parallel_loop3A_429 = vector.shape_cast %parallel_loop3A_428 : vector<1x16xf32> to vector<16xf32>
        %parallel_loop3A_430 = arith.mulf %parallel_loop3A_429, %parallel_loop3A_365 : vector<16xf32>
        %parallel_loop3A_431 = arith.index_cast %parallel_loop3A_319 : i32 to index
        %parallel_loop3A_432 = arith.constant 96 : index
        %parallel_loop3A_433 = tpu.vector_load %arg21[%parallel_loop3A_431, %parallel_loop3A_432] {strides = array<i32>} : memref<64x128xf32, #tpu.memory_space<vmem>>, vector<1x16xf32>,
        %parallel_loop3A_434 = vector.shape_cast %parallel_loop3A_433 : vector<1x16xf32> to vector<16xf32>
        %parallel_loop3A_435 = vector.shape_cast %parallel_loop3A_430 : vector<16xf32> to vector<1x16xf32>
        tpu.vector_store %arg21[%parallel_loop3A_431, %parallel_loop3A_432], %parallel_loop3A_435 {strides = array<i32>} : memref<64x128xf32, #tpu.memory_space<vmem>>, vector<1x16xf32>,
        %parallel_loop3A_436 = arith.index_cast %parallel_loop3A_319 : i32 to index
        %parallel_loop3A_437 = arith.constant 112 : index
        %parallel_loop3A_438 = tpu.vector_load %arg21[%parallel_loop3A_436, %parallel_loop3A_437] {strides = array<i32>} : memref<64x128xf32, #tpu.memory_space<vmem>>, vector<1x16xf32>,
        %parallel_loop3A_439 = vector.shape_cast %parallel_loop3A_438 : vector<1x16xf32> to vector<16xf32>
        %parallel_loop3A_440 = arith.mulf %parallel_loop3A_439, %parallel_loop3A_365 : vector<16xf32>
        %parallel_loop3A_441 = arith.index_cast %parallel_loop3A_319 : i32 to index
        %parallel_loop3A_442 = arith.constant 112 : index
        %parallel_loop3A_443 = tpu.vector_load %arg21[%parallel_loop3A_441, %parallel_loop3A_442] {strides = array<i32>} : memref<64x128xf32, #tpu.memory_space<vmem>>, vector<1x16xf32>,
        %parallel_loop3A_444 = vector.shape_cast %parallel_loop3A_443 : vector<1x16xf32> to vector<16xf32>
        %parallel_loop3A_445 = vector.shape_cast %parallel_loop3A_440 : vector<16xf32> to vector<1x16xf32>
        tpu.vector_store %arg21[%parallel_loop3A_441, %parallel_loop3A_442], %parallel_loop3A_445 {strides = array<i32>} : memref<64x128xf32, #tpu.memory_space<vmem>>, vector<1x16xf32>,
      } {sc.loop_unroll_factor = 2 : i64, sc.parallel_access}
      %ge3A_232 = arith.constant 1 : i32
      %ge3A_233 = arith.cmpi sge, %add3A_225, %ge3A_232 : i32
      %convert_element_type3A_234 = arith.extui %ge3A_233 : i1 to i32
      %cond3A_235 = arith.constant 0 : i32
      %cond3A_236 = arith.cmpi ne, %convert_element_type3A_234, %cond3A_235 : i32
      scf.if %cond3A_236 {
        %dma_wait3A_319 = arith.constant 0 : i32
        %dma_wait3A_320 = arith.constant 0 : i32
        %dma_wait3A_321 = tpu.memref_slice %arg24[%dma_wait3A_319, %dma_wait3A_320] : memref<10112x128xf32, #tpu.memory_space<vmem_shared>> -> memref<10112x128xf32, #tpu.memory_space<vmem_shared>>
        tpu.wait_indirect_dma semaphore(%arg33 : memref<!tpu.dma_semaphore, #tpu.memory_space<semaphore_mem>>) src(%arg20 : memref<64x128xf32, #tpu.memory_space<vmem>>) dst(%dma_wait3A_321 : memref<10112x128xf32, #tpu.memory_space<vmem_shared>>)
      } else {
      }
      %dma_start3A_237 = arith.constant 0 : i32
      %dma_start3A_238 = arith.constant 0 : i32
      %dma_start3A_239 = tpu.memref_slice %arg24[%dma_start3A_237, %dma_start3A_238] : memref<10112x128xf32, #tpu.memory_space<vmem_shared>> -> memref<10112x128xf32, #tpu.memory_space<vmem_shared>>
      tpu.enqueue_indirect_dma source(%arg21 : memref<64x128xf32, #tpu.memory_space<vmem>>) target(%dma_start3A_239 : memref<10112x128xf32, #tpu.memory_space<vmem_shared>>) offsets(%arg13 : memref<64xi32, #tpu.memory_space<vmem>>) semaphore(%arg34 : memref<!tpu.dma_semaphore, #tpu.memory_space<semaphore_mem>>) {add = true}
      %add3A_240 = arith.constant 3 : i32
      %add3A_241 = arith.addi %add3A_225, %add3A_240 : i32
      %lt3A_242 = arith.constant 160 : i32
      %lt3A_243 = arith.cmpi slt, %add3A_241, %lt3A_242 : i32
      %convert_element_type3A_244 = arith.extui %lt3A_243 : i1 to i32
      %cond3A_245 = arith.constant 0 : i32
      %cond3A_246 = arith.cmpi ne, %convert_element_type3A_244, %cond3A_245 : i32
      scf.if %cond3A_246 {
        %add3A_319 = arith.constant 3 : i32
        %add3A_320 = arith.addi %add3A_225, %add3A_319 : i32
        %mul3A_321 = arith.constant 10240 : i32
        %mul3A_322 = arith.muli %add3A, %mul3A_321 : i32
        %mul3A_323 = arith.constant 64 : i32
        %mul3A_324 = arith.muli %add3A_320, %mul3A_323 : i32
        %add3A_325 = arith.addi %mul3A_322, %mul3A_324 : i32
        %jit3A_326 = arith.constant 8 : i32
        %div3A_327 = arith.divsi %add3A_325, %jit3A_326 : i32
        %sign3A_328 = arith.constant 0 : i32
        %sign3A_329 = arith.cmpi sgt, %add3A_325, %sign3A_328 : i32
        %sign3A_330 = arith.extui %sign3A_329 : i1 to i32
        %sign3A_331 = arith.constant 0 : i32
        %sign3A_332 = arith.cmpi slt, %add3A_325, %sign3A_331 : i32
        %sign3A_333 = arith.extui %sign3A_332 : i1 to i32
        %sign3A_334 = arith.subi %sign3A_330, %sign3A_333 : i32
        %sign3A_335 = arith.constant 0 : i32
        %sign3A_336 = arith.cmpi sgt, %jit3A_326, %sign3A_335 : i32
        %sign3A_337 = arith.extui %sign3A_336 : i1 to i32
        %sign3A_338 = arith.constant 0 : i32
        %sign3A_339 = arith.cmpi slt, %jit3A_326, %sign3A_338 : i32
        %sign3A_340 = arith.extui %sign3A_339 : i1 to i32
        %sign3A_341 = arith.subi %sign3A_337, %sign3A_340 : i32
        %ne3A_342 = arith.cmpi ne, %sign3A_334, %sign3A_341 : i32
        %rem3A_343 = arith.remsi %add3A_325, %jit3A_326 : i32
        %ne3A_344 = arith.constant 0 : i32
        %ne3A_345 = arith.cmpi ne, %rem3A_343, %ne3A_344 : i32
        %and3A_346 = arith.andi %ne3A_342, %ne3A_345 : i1
        %sub3A_347 = arith.constant 1 : i32
        %sub3A_348 = arith.subi %div3A_327, %sub3A_347 : i32
        %select_n3A_349 = arith.select %and3A_346, %sub3A_348, %div3A_327 : i32
        %multiple_of3A_350 = tpu.assume_multiple %select_n3A_349, 8 : i32
        %dma_start3A_351 = tpu.memref_slice %arg3[%add3A_325] : memref<327680xi32, #tpu.memory_space<hbm>> -> memref<64xi32, #tpu.memory_space<hbm>>
        %dma_start3A_352 = tpu.memref_slice %arg3[%add3A_325] : memref<327680xi32, #tpu.memory_space<hbm>> -> memref<64xi32, #tpu.memory_space<hbm>>
        tpu.enqueue_dma source(%dma_start3A_352 : memref<64xi32, #tpu.memory_space<hbm>>) target(%arg8 : memref<64xi32, #tpu.memory_space<vmem>>) target_semaphore(%arg25 : memref<!tpu.dma_semaphore, #tpu.memory_space<semaphore_mem>>)
        %dma_start3A_353 = tpu.memref_slice %arg4[%add3A_325] : memref<327680xi32, #tpu.memory_space<hbm>> -> memref<64xi32, #tpu.memory_space<hbm>>
        %dma_start3A_354 = tpu.memref_slice %arg4[%add3A_325] : memref<327680xi32, #tpu.memory_space<hbm>> -> memref<64xi32, #tpu.memory_space<hbm>>
        tpu.enqueue_dma source(%dma_start3A_354 : memref<64xi32, #tpu.memory_space<hbm>>) target(%arg12 : memref<64xi32, #tpu.memory_space<vmem>>) target_semaphore(%arg25 : memref<!tpu.dma_semaphore, #tpu.memory_space<semaphore_mem>>)
        %dma_start3A_355 = arith.constant 0 : i32
        %dma_start3A_356 = tpu.memref_slice %arg5[%multiple_of3A_350, %dma_start3A_355] : memref<40960x128xf32, #tpu.memory_space<hbm>> -> memref<8x128xf32, #tpu.memory_space<hbm>>
        %dma_start3A_357 = arith.constant 0 : i32
        %dma_start3A_358 = tpu.memref_slice %arg5[%multiple_of3A_350, %dma_start3A_357] : memref<40960x128xf32, #tpu.memory_space<hbm>> -> memref<8x128xf32, #tpu.memory_space<hbm>>
        tpu.enqueue_dma source(%dma_start3A_358 : memref<8x128xf32, #tpu.memory_space<hbm>>) target(%arg16 : memref<8x128xf32, #tpu.memory_space<vmem>>) target_semaphore(%arg25 : memref<!tpu.dma_semaphore, #tpu.memory_space<semaphore_mem>>)
      } else {
      }
      %add3A_247 = arith.constant 2 : i32
      %add3A_248 = arith.addi %add3A_225, %add3A_247 : i32
      %lt3A_249 = arith.constant 160 : i32
      %lt3A_250 = arith.cmpi slt, %add3A_248, %lt3A_249 : i32
      %convert_element_type3A_251 = arith.extui %lt3A_250 : i1 to i32
      %cond3A_252 = arith.constant 0 : i32
      %cond3A_253 = arith.cmpi ne, %convert_element_type3A_251, %cond3A_252 : i32
      scf.if %cond3A_253 {
        %add3A_319 = arith.constant 2 : i32
        %add3A_320 = arith.addi %add3A_225, %add3A_319 : i32
        %mul3A_321 = arith.constant 10240 : i32
        %mul3A_322 = arith.muli %add3A, %mul3A_321 : i32
        %mul3A_323 = arith.constant 64 : i32
        %mul3A_324 = arith.muli %add3A_320, %mul3A_323 : i32
        %add3A_325 = arith.addi %mul3A_322, %mul3A_324 : i32
        %jit3A_326 = arith.constant 8 : i32
        %div3A_327 = arith.divsi %add3A_325, %jit3A_326 : i32
        %sign3A_328 = arith.constant 0 : i32
        %sign3A_329 = arith.cmpi sgt, %add3A_325, %sign3A_328 : i32
        %sign3A_330 = arith.extui %sign3A_329 : i1 to i32
        %sign3A_331 = arith.constant 0 : i32
        %sign3A_332 = arith.cmpi slt, %add3A_325, %sign3A_331 : i32
        %sign3A_333 = arith.extui %sign3A_332 : i1 to i32
        %sign3A_334 = arith.subi %sign3A_330, %sign3A_333 : i32
        %sign3A_335 = arith.constant 0 : i32
        %sign3A_336 = arith.cmpi sgt, %jit3A_326, %sign3A_335 : i32
        %sign3A_337 = arith.extui %sign3A_336 : i1 to i32
        %sign3A_338 = arith.constant 0 : i32
        %sign3A_339 = arith.cmpi slt, %jit3A_326, %sign3A_338 : i32
        %sign3A_340 = arith.extui %sign3A_339 : i1 to i32
        %sign3A_341 = arith.subi %sign3A_337, %sign3A_340 : i32
        %ne3A_342 = arith.cmpi ne, %sign3A_334, %sign3A_341 : i32
        %rem3A_343 = arith.remsi %add3A_325, %jit3A_326 : i32
        %ne3A_344 = arith.constant 0 : i32
        %ne3A_345 = arith.cmpi ne, %rem3A_343, %ne3A_344 : i32
        %and3A_346 = arith.andi %ne3A_342, %ne3A_345 : i1
        %sub3A_347 = arith.constant 1 : i32
        %sub3A_348 = arith.subi %div3A_327, %sub3A_347 : i32
        %select_n3A_349 = arith.select %and3A_346, %sub3A_348, %div3A_327 : i32
        %multiple_of3A_350 = tpu.assume_multiple %select_n3A_349, 8 : i32
        %dma_wait3A_351 = tpu.memref_slice %arg3[%add3A_325] : memref<327680xi32, #tpu.memory_space<hbm>> -> memref<64xi32, #tpu.memory_space<hbm>>
        %dma_wait3A_352 = tpu.memref_slice %arg3[%add3A_325] : memref<327680xi32, #tpu.memory_space<hbm>> -> memref<64xi32, #tpu.memory_space<hbm>>
        tpu.wait_dma2 semaphore(%arg28 : memref<!tpu.dma_semaphore, #tpu.memory_space<semaphore_mem>>) src(%dma_wait3A_352 : memref<64xi32, #tpu.memory_space<hbm>>) dst(%arg11 : memref<64xi32, #tpu.memory_space<vmem>>)
        %dma_wait3A_353 = tpu.memref_slice %arg4[%add3A_325] : memref<327680xi32, #tpu.memory_space<hbm>> -> memref<64xi32, #tpu.memory_space<hbm>>
        %dma_wait3A_354 = tpu.memref_slice %arg4[%add3A_325] : memref<327680xi32, #tpu.memory_space<hbm>> -> memref<64xi32, #tpu.memory_space<hbm>>
        tpu.wait_dma2 semaphore(%arg28 : memref<!tpu.dma_semaphore, #tpu.memory_space<semaphore_mem>>) src(%dma_wait3A_354 : memref<64xi32, #tpu.memory_space<hbm>>) dst(%arg15 : memref<64xi32, #tpu.memory_space<vmem>>)
        %dma_wait3A_355 = arith.constant 0 : i32
        %dma_wait3A_356 = tpu.memref_slice %arg5[%multiple_of3A_350, %dma_wait3A_355] : memref<40960x128xf32, #tpu.memory_space<hbm>> -> memref<8x128xf32, #tpu.memory_space<hbm>>
        %dma_wait3A_357 = arith.constant 0 : i32
        %dma_wait3A_358 = tpu.memref_slice %arg5[%multiple_of3A_350, %dma_wait3A_357] : memref<40960x128xf32, #tpu.memory_space<hbm>> -> memref<8x128xf32, #tpu.memory_space<hbm>>
        tpu.wait_dma2 semaphore(%arg28 : memref<!tpu.dma_semaphore, #tpu.memory_space<semaphore_mem>>) src(%dma_wait3A_358 : memref<8x128xf32, #tpu.memory_space<hbm>>) dst(%arg19 : memref<8x128xf32, #tpu.memory_space<vmem>>)
        %dma_start3A_359 = arith.constant 0 : i32
        %dma_start3A_360 = arith.constant 0 : i32
        %dma_start3A_361 = tpu.memref_slice %arg2[%dma_start3A_359, %dma_start3A_360] : memref<10112x128xf32, #tpu.memory_space<hbm>> -> memref<10112x128xf32, #tpu.memory_space<hbm>>
        tpu.enqueue_indirect_dma source(%dma_start3A_361 : memref<10112x128xf32, #tpu.memory_space<hbm>>) target(%arg23 : memref<64x128xf32, #tpu.memory_space<vmem>>) offsets(%arg11 : memref<64xi32, #tpu.memory_space<vmem>>) semaphore(%arg32 : memref<!tpu.dma_semaphore, #tpu.memory_space<semaphore_mem>>)
      } else {
      }
      %mul3A_254 = arith.constant 4 : i32
      %mul3A_255 = arith.muli %mul3A_254, %scan3A_193 : i32
      %add3A_256 = arith.constant 2 : i32
      %add3A_257 = arith.addi %mul3A_255, %add3A_256 : i32
      %dma_wait3A_258 = arith.constant 0 : i32
      %dma_wait3A_259 = arith.constant 0 : i32
      %dma_wait3A_260 = tpu.memref_slice %arg2[%dma_wait3A_258, %dma_wait3A_259] : memref<10112x128xf32, #tpu.memory_space<hbm>> -> memref<10112x128xf32, #tpu.memory_space<hbm>>
      tpu.wait_indirect_dma semaphore(%arg31 : memref<!tpu.dma_semaphore, #tpu.memory_space<semaphore_mem>>) src(%dma_wait3A_260 : memref<10112x128xf32, #tpu.memory_space<hbm>>) dst(%arg22 : memref<64x128xf32, #tpu.memory_space<vmem>>)
      %parallel_loop3A_261 = arith.constant 0 : i32
      %parallel_loop3A_262 = arith.constant 64 : i32
      %parallel_loop3A_263 = arith.constant 1 : i32
      scf.for %parallel_loop3A_319 = %parallel_loop3A_261 to %parallel_loop3A_262 step %parallel_loop3A_263  : i32 {
        %parallel_loop3A_320 = arith.constant 8 : i32
        %parallel_loop3A_321 = arith.divsi %parallel_loop3A_319, %parallel_loop3A_320 : i32
        %parallel_loop3A_322 = arith.constant 0 : i32
        %parallel_loop3A_323 = arith.cmpi sgt, %parallel_loop3A_319, %parallel_loop3A_322 : i32
        %parallel_loop3A_324 = arith.extui %parallel_loop3A_323 : i1 to i32
        %parallel_loop3A_325 = arith.constant 0 : i32
        %parallel_loop3A_326 = arith.cmpi slt, %parallel_loop3A_319, %parallel_loop3A_325 : i32
        %parallel_loop3A_327 = arith.extui %parallel_loop3A_326 : i1 to i32
        %parallel_loop3A_328 = arith.subi %parallel_loop3A_324, %parallel_loop3A_327 : i32
        %parallel_loop3A_329 = arith.constant 0 : i32
        %parallel_loop3A_330 = arith.cmpi sgt, %parallel_loop3A_320, %parallel_loop3A_329 : i32
        %parallel_loop3A_331 = arith.extui %parallel_loop3A_330 : i1 to i32
        %parallel_loop3A_332 = arith.constant 0 : i32
        %parallel_loop3A_333 = arith.cmpi slt, %parallel_loop3A_320, %parallel_loop3A_332 : i32
        %parallel_loop3A_334 = arith.extui %parallel_loop3A_333 : i1 to i32
        %parallel_loop3A_335 = arith.subi %parallel_loop3A_331, %parallel_loop3A_334 : i32
        %parallel_loop3A_336 = arith.cmpi ne, %parallel_loop3A_328, %parallel_loop3A_335 : i32
        %parallel_loop3A_337 = arith.remsi %parallel_loop3A_319, %parallel_loop3A_320 : i32
        %parallel_loop3A_338 = arith.constant 0 : i32
        %parallel_loop3A_339 = arith.cmpi ne, %parallel_loop3A_337, %parallel_loop3A_338 : i32
        %parallel_loop3A_340 = arith.andi %parallel_loop3A_336, %parallel_loop3A_339 : i1
        %parallel_loop3A_341 = arith.constant 1 : i32
        %parallel_loop3A_342 = arith.subi %parallel_loop3A_321, %parallel_loop3A_341 : i32
        %parallel_loop3A_343 = arith.select %parallel_loop3A_340, %parallel_loop3A_342, %parallel_loop3A_321 : i32
        %parallel_loop3A_344 = arith.constant 8 : i32
        %parallel_loop3A_345 = arith.constant 0 : i32
        %parallel_loop3A_346 = arith.cmpi eq, %parallel_loop3A_344, %parallel_loop3A_345 : i32
        %parallel_loop3A_347 = arith.constant 1 : i32
        %parallel_loop3A_348 = arith.select %parallel_loop3A_346, %parallel_loop3A_347, %parallel_loop3A_344 : i32
        %parallel_loop3A_349 = arith.remsi %parallel_loop3A_319, %parallel_loop3A_348 : i32
        %parallel_loop3A_350 = arith.constant 0 : i32
        %parallel_loop3A_351 = arith.cmpi ne, %parallel_loop3A_349, %parallel_loop3A_350 : i32
        %parallel_loop3A_352 = arith.constant 0 : i32
        %parallel_loop3A_353 = arith.cmpi slt, %parallel_loop3A_349, %parallel_loop3A_352 : i32
        %parallel_loop3A_354 = arith.constant 0 : i32
        %parallel_loop3A_355 = arith.cmpi slt, %parallel_loop3A_348, %parallel_loop3A_354 : i32
        %parallel_loop3A_356 = arith.xori %parallel_loop3A_353, %parallel_loop3A_355 : i1
        %parallel_loop3A_357 = arith.andi %parallel_loop3A_356, %parallel_loop3A_351 : i1
        %parallel_loop3A_358 = arith.addi %parallel_loop3A_349, %parallel_loop3A_348 : i32
        %parallel_loop3A_359 = arith.select %parallel_loop3A_357, %parallel_loop3A_358, %parallel_loop3A_349 : i32
        %parallel_loop3A_360 = arith.constant 16 : i32
        %parallel_loop3A_361 = arith.muli %parallel_loop3A_359, %parallel_loop3A_360 : i32
        %parallel_loop3A_362 = arith.index_cast %parallel_loop3A_343 : i32 to index
        %parallel_loop3A_363 = arith.index_cast %parallel_loop3A_361 : i32 to index
        %parallel_loop3A_364 = tpu.vector_load %arg18[%parallel_loop3A_362, %parallel_loop3A_363] {strides = array<i32>} : memref<8x128xf32, #tpu.memory_space<vmem>>, vector<1x16xf32>,
        %parallel_loop3A_365 = vector.shape_cast %parallel_loop3A_364 : vector<1x16xf32> to vector<16xf32>
        %parallel_loop3A_366 = arith.index_cast %parallel_loop3A_319 : i32 to index
        %parallel_loop3A_367 = arith.constant 0 : index
        %parallel_loop3A_368 = tpu.vector_load %arg22[%parallel_loop3A_366, %parallel_loop3A_367] {strides = array<i32>} : memref<64x128xf32, #tpu.memory_space<vmem>>, vector<1x16xf32>,
        %parallel_loop3A_369 = vector.shape_cast %parallel_loop3A_368 : vector<1x16xf32> to vector<16xf32>
        %parallel_loop3A_370 = arith.mulf %parallel_loop3A_369, %parallel_loop3A_365 : vector<16xf32>
        %parallel_loop3A_371 = arith.index_cast %parallel_loop3A_319 : i32 to index
        %parallel_loop3A_372 = arith.constant 0 : index
        %parallel_loop3A_373 = tpu.vector_load %arg22[%parallel_loop3A_371, %parallel_loop3A_372] {strides = array<i32>} : memref<64x128xf32, #tpu.memory_space<vmem>>, vector<1x16xf32>,
        %parallel_loop3A_374 = vector.shape_cast %parallel_loop3A_373 : vector<1x16xf32> to vector<16xf32>
        %parallel_loop3A_375 = vector.shape_cast %parallel_loop3A_370 : vector<16xf32> to vector<1x16xf32>
        tpu.vector_store %arg22[%parallel_loop3A_371, %parallel_loop3A_372], %parallel_loop3A_375 {strides = array<i32>} : memref<64x128xf32, #tpu.memory_space<vmem>>, vector<1x16xf32>,
        %parallel_loop3A_376 = arith.index_cast %parallel_loop3A_319 : i32 to index
        %parallel_loop3A_377 = arith.constant 16 : index
        %parallel_loop3A_378 = tpu.vector_load %arg22[%parallel_loop3A_376, %parallel_loop3A_377] {strides = array<i32>} : memref<64x128xf32, #tpu.memory_space<vmem>>, vector<1x16xf32>,
        %parallel_loop3A_379 = vector.shape_cast %parallel_loop3A_378 : vector<1x16xf32> to vector<16xf32>
        %parallel_loop3A_380 = arith.mulf %parallel_loop3A_379, %parallel_loop3A_365 : vector<16xf32>
        %parallel_loop3A_381 = arith.index_cast %parallel_loop3A_319 : i32 to index
        %parallel_loop3A_382 = arith.constant 16 : index
        %parallel_loop3A_383 = tpu.vector_load %arg22[%parallel_loop3A_381, %parallel_loop3A_382] {strides = array<i32>} : memref<64x128xf32, #tpu.memory_space<vmem>>, vector<1x16xf32>,
        %parallel_loop3A_384 = vector.shape_cast %parallel_loop3A_383 : vector<1x16xf32> to vector<16xf32>
        %parallel_loop3A_385 = vector.shape_cast %parallel_loop3A_380 : vector<16xf32> to vector<1x16xf32>
        tpu.vector_store %arg22[%parallel_loop3A_381, %parallel_loop3A_382], %parallel_loop3A_385 {strides = array<i32>} : memref<64x128xf32, #tpu.memory_space<vmem>>, vector<1x16xf32>,
        %parallel_loop3A_386 = arith.index_cast %parallel_loop3A_319 : i32 to index
        %parallel_loop3A_387 = arith.constant 32 : index
        %parallel_loop3A_388 = tpu.vector_load %arg22[%parallel_loop3A_386, %parallel_loop3A_387] {strides = array<i32>} : memref<64x128xf32, #tpu.memory_space<vmem>>, vector<1x16xf32>,
        %parallel_loop3A_389 = vector.shape_cast %parallel_loop3A_388 : vector<1x16xf32> to vector<16xf32>
        %parallel_loop3A_390 = arith.mulf %parallel_loop3A_389, %parallel_loop3A_365 : vector<16xf32>
        %parallel_loop3A_391 = arith.index_cast %parallel_loop3A_319 : i32 to index
        %parallel_loop3A_392 = arith.constant 32 : index
        %parallel_loop3A_393 = tpu.vector_load %arg22[%parallel_loop3A_391, %parallel_loop3A_392] {strides = array<i32>} : memref<64x128xf32, #tpu.memory_space<vmem>>, vector<1x16xf32>,
        %parallel_loop3A_394 = vector.shape_cast %parallel_loop3A_393 : vector<1x16xf32> to vector<16xf32>
        %parallel_loop3A_395 = vector.shape_cast %parallel_loop3A_390 : vector<16xf32> to vector<1x16xf32>
        tpu.vector_store %arg22[%parallel_loop3A_391, %parallel_loop3A_392], %parallel_loop3A_395 {strides = array<i32>} : memref<64x128xf32, #tpu.memory_space<vmem>>, vector<1x16xf32>,
        %parallel_loop3A_396 = arith.index_cast %parallel_loop3A_319 : i32 to index
        %parallel_loop3A_397 = arith.constant 48 : index
        %parallel_loop3A_398 = tpu.vector_load %arg22[%parallel_loop3A_396, %parallel_loop3A_397] {strides = array<i32>} : memref<64x128xf32, #tpu.memory_space<vmem>>, vector<1x16xf32>,
        %parallel_loop3A_399 = vector.shape_cast %parallel_loop3A_398 : vector<1x16xf32> to vector<16xf32>
        %parallel_loop3A_400 = arith.mulf %parallel_loop3A_399, %parallel_loop3A_365 : vector<16xf32>
        %parallel_loop3A_401 = arith.index_cast %parallel_loop3A_319 : i32 to index
        %parallel_loop3A_402 = arith.constant 48 : index
        %parallel_loop3A_403 = tpu.vector_load %arg22[%parallel_loop3A_401, %parallel_loop3A_402] {strides = array<i32>} : memref<64x128xf32, #tpu.memory_space<vmem>>, vector<1x16xf32>,
        %parallel_loop3A_404 = vector.shape_cast %parallel_loop3A_403 : vector<1x16xf32> to vector<16xf32>
        %parallel_loop3A_405 = vector.shape_cast %parallel_loop3A_400 : vector<16xf32> to vector<1x16xf32>
        tpu.vector_store %arg22[%parallel_loop3A_401, %parallel_loop3A_402], %parallel_loop3A_405 {strides = array<i32>} : memref<64x128xf32, #tpu.memory_space<vmem>>, vector<1x16xf32>,
        %parallel_loop3A_406 = arith.index_cast %parallel_loop3A_319 : i32 to index
        %parallel_loop3A_407 = arith.constant 64 : index
        %parallel_loop3A_408 = tpu.vector_load %arg22[%parallel_loop3A_406, %parallel_loop3A_407] {strides = array<i32>} : memref<64x128xf32, #tpu.memory_space<vmem>>, vector<1x16xf32>,
        %parallel_loop3A_409 = vector.shape_cast %parallel_loop3A_408 : vector<1x16xf32> to vector<16xf32>
        %parallel_loop3A_410 = arith.mulf %parallel_loop3A_409, %parallel_loop3A_365 : vector<16xf32>
        %parallel_loop3A_411 = arith.index_cast %parallel_loop3A_319 : i32 to index
        %parallel_loop3A_412 = arith.constant 64 : index
        %parallel_loop3A_413 = tpu.vector_load %arg22[%parallel_loop3A_411, %parallel_loop3A_412] {strides = array<i32>} : memref<64x128xf32, #tpu.memory_space<vmem>>, vector<1x16xf32>,
        %parallel_loop3A_414 = vector.shape_cast %parallel_loop3A_413 : vector<1x16xf32> to vector<16xf32>
        %parallel_loop3A_415 = vector.shape_cast %parallel_loop3A_410 : vector<16xf32> to vector<1x16xf32>
        tpu.vector_store %arg22[%parallel_loop3A_411, %parallel_loop3A_412], %parallel_loop3A_415 {strides = array<i32>} : memref<64x128xf32, #tpu.memory_space<vmem>>, vector<1x16xf32>,
        %parallel_loop3A_416 = arith.index_cast %parallel_loop3A_319 : i32 to index
        %parallel_loop3A_417 = arith.constant 80 : index
        %parallel_loop3A_418 = tpu.vector_load %arg22[%parallel_loop3A_416, %parallel_loop3A_417] {strides = array<i32>} : memref<64x128xf32, #tpu.memory_space<vmem>>, vector<1x16xf32>,
        %parallel_loop3A_419 = vector.shape_cast %parallel_loop3A_418 : vector<1x16xf32> to vector<16xf32>
        %parallel_loop3A_420 = arith.mulf %parallel_loop3A_419, %parallel_loop3A_365 : vector<16xf32>
        %parallel_loop3A_421 = arith.index_cast %parallel_loop3A_319 : i32 to index
        %parallel_loop3A_422 = arith.constant 80 : index
        %parallel_loop3A_423 = tpu.vector_load %arg22[%parallel_loop3A_421, %parallel_loop3A_422] {strides = array<i32>} : memref<64x128xf32, #tpu.memory_space<vmem>>, vector<1x16xf32>,
        %parallel_loop3A_424 = vector.shape_cast %parallel_loop3A_423 : vector<1x16xf32> to vector<16xf32>
        %parallel_loop3A_425 = vector.shape_cast %parallel_loop3A_420 : vector<16xf32> to vector<1x16xf32>
        tpu.vector_store %arg22[%parallel_loop3A_421, %parallel_loop3A_422], %parallel_loop3A_425 {strides = array<i32>} : memref<64x128xf32, #tpu.memory_space<vmem>>, vector<1x16xf32>,
        %parallel_loop3A_426 = arith.index_cast %parallel_loop3A_319 : i32 to index
        %parallel_loop3A_427 = arith.constant 96 : index
        %parallel_loop3A_428 = tpu.vector_load %arg22[%parallel_loop3A_426, %parallel_loop3A_427] {strides = array<i32>} : memref<64x128xf32, #tpu.memory_space<vmem>>, vector<1x16xf32>,
        %parallel_loop3A_429 = vector.shape_cast %parallel_loop3A_428 : vector<1x16xf32> to vector<16xf32>
        %parallel_loop3A_430 = arith.mulf %parallel_loop3A_429, %parallel_loop3A_365 : vector<16xf32>
        %parallel_loop3A_431 = arith.index_cast %parallel_loop3A_319 : i32 to index
        %parallel_loop3A_432 = arith.constant 96 : index
        %parallel_loop3A_433 = tpu.vector_load %arg22[%parallel_loop3A_431, %parallel_loop3A_432] {strides = array<i32>} : memref<64x128xf32, #tpu.memory_space<vmem>>, vector<1x16xf32>,
        %parallel_loop3A_434 = vector.shape_cast %parallel_loop3A_433 : vector<1x16xf32> to vector<16xf32>
        %parallel_loop3A_435 = vector.shape_cast %parallel_loop3A_430 : vector<16xf32> to vector<1x16xf32>
        tpu.vector_store %arg22[%parallel_loop3A_431, %parallel_loop3A_432], %parallel_loop3A_435 {strides = array<i32>} : memref<64x128xf32, #tpu.memory_space<vmem>>, vector<1x16xf32>,
        %parallel_loop3A_436 = arith.index_cast %parallel_loop3A_319 : i32 to index
        %parallel_loop3A_437 = arith.constant 112 : index
        %parallel_loop3A_438 = tpu.vector_load %arg22[%parallel_loop3A_436, %parallel_loop3A_437] {strides = array<i32>} : memref<64x128xf32, #tpu.memory_space<vmem>>, vector<1x16xf32>,
        %parallel_loop3A_439 = vector.shape_cast %parallel_loop3A_438 : vector<1x16xf32> to vector<16xf32>
        %parallel_loop3A_440 = arith.mulf %parallel_loop3A_439, %parallel_loop3A_365 : vector<16xf32>
        %parallel_loop3A_441 = arith.index_cast %parallel_loop3A_319 : i32 to index
        %parallel_loop3A_442 = arith.constant 112 : index
        %parallel_loop3A_443 = tpu.vector_load %arg22[%parallel_loop3A_441, %parallel_loop3A_442] {strides = array<i32>} : memref<64x128xf32, #tpu.memory_space<vmem>>, vector<1x16xf32>,
        %parallel_loop3A_444 = vector.shape_cast %parallel_loop3A_443 : vector<1x16xf32> to vector<16xf32>
        %parallel_loop3A_445 = vector.shape_cast %parallel_loop3A_440 : vector<16xf32> to vector<1x16xf32>
        tpu.vector_store %arg22[%parallel_loop3A_441, %parallel_loop3A_442], %parallel_loop3A_445 {strides = array<i32>} : memref<64x128xf32, #tpu.memory_space<vmem>>, vector<1x16xf32>,
      } {sc.loop_unroll_factor = 2 : i64, sc.parallel_access}
      %ge3A_264 = arith.constant 1 : i32
      %ge3A_265 = arith.cmpi sge, %add3A_257, %ge3A_264 : i32
      %convert_element_type3A_266 = arith.extui %ge3A_265 : i1 to i32
      %cond3A_267 = arith.constant 0 : i32
      %cond3A_268 = arith.cmpi ne, %convert_element_type3A_266, %cond3A_267 : i32
      scf.if %cond3A_268 {
        %dma_wait3A_319 = arith.constant 0 : i32
        %dma_wait3A_320 = arith.constant 0 : i32
        %dma_wait3A_321 = tpu.memref_slice %arg24[%dma_wait3A_319, %dma_wait3A_320] : memref<10112x128xf32, #tpu.memory_space<vmem_shared>> -> memref<10112x128xf32, #tpu.memory_space<vmem_shared>>
        tpu.wait_indirect_dma semaphore(%arg34 : memref<!tpu.dma_semaphore, #tpu.memory_space<semaphore_mem>>) src(%arg21 : memref<64x128xf32, #tpu.memory_space<vmem>>) dst(%dma_wait3A_321 : memref<10112x128xf32, #tpu.memory_space<vmem_shared>>)
      } else {
      }
      %dma_start3A_269 = arith.constant 0 : i32
      %dma_start3A_270 = arith.constant 0 : i32
      %dma_start3A_271 = tpu.memref_slice %arg24[%dma_start3A_269, %dma_start3A_270] : memref<10112x128xf32, #tpu.memory_space<vmem_shared>> -> memref<10112x128xf32, #tpu.memory_space<vmem_shared>>
      tpu.enqueue_indirect_dma source(%arg22 : memref<64x128xf32, #tpu.memory_space<vmem>>) target(%dma_start3A_271 : memref<10112x128xf32, #tpu.memory_space<vmem_shared>>) offsets(%arg14 : memref<64xi32, #tpu.memory_space<vmem>>) semaphore(%arg35 : memref<!tpu.dma_semaphore, #tpu.memory_space<semaphore_mem>>) {add = true}
      %add3A_272 = arith.constant 3 : i32
      %add3A_273 = arith.addi %add3A_257, %add3A_272 : i32
      %lt3A_274 = arith.constant 160 : i32
      %lt3A_275 = arith.cmpi slt, %add3A_273, %lt3A_274 : i32
      %convert_element_type3A_276 = arith.extui %lt3A_275 : i1 to i32
      %cond3A_277 = arith.constant 0 : i32
      %cond3A_278 = arith.cmpi ne, %convert_element_type3A_276, %cond3A_277 : i32
      scf.if %cond3A_278 {
        %add3A_319 = arith.constant 3 : i32
        %add3A_320 = arith.addi %add3A_257, %add3A_319 : i32
        %mul3A_321 = arith.constant 10240 : i32
        %mul3A_322 = arith.muli %add3A, %mul3A_321 : i32
        %mul3A_323 = arith.constant 64 : i32
        %mul3A_324 = arith.muli %add3A_320, %mul3A_323 : i32
        %add3A_325 = arith.addi %mul3A_322, %mul3A_324 : i32
        %jit3A_326 = arith.constant 8 : i32
        %div3A_327 = arith.divsi %add3A_325, %jit3A_326 : i32
        %sign3A_328 = arith.constant 0 : i32
        %sign3A_329 = arith.cmpi sgt, %add3A_325, %sign3A_328 : i32
        %sign3A_330 = arith.extui %sign3A_329 : i1 to i32
        %sign3A_331 = arith.constant 0 : i32
        %sign3A_332 = arith.cmpi slt, %add3A_325, %sign3A_331 : i32
        %sign3A_333 = arith.extui %sign3A_332 : i1 to i32
        %sign3A_334 = arith.subi %sign3A_330, %sign3A_333 : i32
        %sign3A_335 = arith.constant 0 : i32
        %sign3A_336 = arith.cmpi sgt, %jit3A_326, %sign3A_335 : i32
        %sign3A_337 = arith.extui %sign3A_336 : i1 to i32
        %sign3A_338 = arith.constant 0 : i32
        %sign3A_339 = arith.cmpi slt, %jit3A_326, %sign3A_338 : i32
        %sign3A_340 = arith.extui %sign3A_339 : i1 to i32
        %sign3A_341 = arith.subi %sign3A_337, %sign3A_340 : i32
        %ne3A_342 = arith.cmpi ne, %sign3A_334, %sign3A_341 : i32
        %rem3A_343 = arith.remsi %add3A_325, %jit3A_326 : i32
        %ne3A_344 = arith.constant 0 : i32
        %ne3A_345 = arith.cmpi ne, %rem3A_343, %ne3A_344 : i32
        %and3A_346 = arith.andi %ne3A_342, %ne3A_345 : i1
        %sub3A_347 = arith.constant 1 : i32
        %sub3A_348 = arith.subi %div3A_327, %sub3A_347 : i32
        %select_n3A_349 = arith.select %and3A_346, %sub3A_348, %div3A_327 : i32
        %multiple_of3A_350 = tpu.assume_multiple %select_n3A_349, 8 : i32
        %dma_start3A_351 = tpu.memref_slice %arg3[%add3A_325] : memref<327680xi32, #tpu.memory_space<hbm>> -> memref<64xi32, #tpu.memory_space<hbm>>
        %dma_start3A_352 = tpu.memref_slice %arg3[%add3A_325] : memref<327680xi32, #tpu.memory_space<hbm>> -> memref<64xi32, #tpu.memory_space<hbm>>
        tpu.enqueue_dma source(%dma_start3A_352 : memref<64xi32, #tpu.memory_space<hbm>>) target(%arg9 : memref<64xi32, #tpu.memory_space<vmem>>) target_semaphore(%arg26 : memref<!tpu.dma_semaphore, #tpu.memory_space<semaphore_mem>>)
        %dma_start3A_353 = tpu.memref_slice %arg4[%add3A_325] : memref<327680xi32, #tpu.memory_space<hbm>> -> memref<64xi32, #tpu.memory_space<hbm>>
        %dma_start3A_354 = tpu.memref_slice %arg4[%add3A_325] : memref<327680xi32, #tpu.memory_space<hbm>> -> memref<64xi32, #tpu.memory_space<hbm>>
        tpu.enqueue_dma source(%dma_start3A_354 : memref<64xi32, #tpu.memory_space<hbm>>) target(%arg13 : memref<64xi32, #tpu.memory_space<vmem>>) target_semaphore(%arg26 : memref<!tpu.dma_semaphore, #tpu.memory_space<semaphore_mem>>)
        %dma_start3A_355 = arith.constant 0 : i32
        %dma_start3A_356 = tpu.memref_slice %arg5[%multiple_of3A_350, %dma_start3A_355] : memref<40960x128xf32, #tpu.memory_space<hbm>> -> memref<8x128xf32, #tpu.memory_space<hbm>>
        %dma_start3A_357 = arith.constant 0 : i32
        %dma_start3A_358 = tpu.memref_slice %arg5[%multiple_of3A_350, %dma_start3A_357] : memref<40960x128xf32, #tpu.memory_space<hbm>> -> memref<8x128xf32, #tpu.memory_space<hbm>>
        tpu.enqueue_dma source(%dma_start3A_358 : memref<8x128xf32, #tpu.memory_space<hbm>>) target(%arg17 : memref<8x128xf32, #tpu.memory_space<vmem>>) target_semaphore(%arg26 : memref<!tpu.dma_semaphore, #tpu.memory_space<semaphore_mem>>)
      } else {
      }
      %add3A_279 = arith.constant 2 : i32
      %add3A_280 = arith.addi %add3A_257, %add3A_279 : i32
      %lt3A_281 = arith.constant 160 : i32
      %lt3A_282 = arith.cmpi slt, %add3A_280, %lt3A_281 : i32
      %convert_element_type3A_283 = arith.extui %lt3A_282 : i1 to i32
      %cond3A_284 = arith.constant 0 : i32
      %cond3A_285 = arith.cmpi ne, %convert_element_type3A_283, %cond3A_284 : i32
      scf.if %cond3A_285 {
        %add3A_319 = arith.constant 2 : i32
        %add3A_320 = arith.addi %add3A_257, %add3A_319 : i32
        %mul3A_321 = arith.constant 10240 : i32
        %mul3A_322 = arith.muli %add3A, %mul3A_321 : i32
        %mul3A_323 = arith.constant 64 : i32
        %mul3A_324 = arith.muli %add3A_320, %mul3A_323 : i32
        %add3A_325 = arith.addi %mul3A_322, %mul3A_324 : i32
        %jit3A_326 = arith.constant 8 : i32
        %div3A_327 = arith.divsi %add3A_325, %jit3A_326 : i32
        %sign3A_328 = arith.constant 0 : i32
        %sign3A_329 = arith.cmpi sgt, %add3A_325, %sign3A_328 : i32
        %sign3A_330 = arith.extui %sign3A_329 : i1 to i32
        %sign3A_331 = arith.constant 0 : i32
        %sign3A_332 = arith.cmpi slt, %add3A_325, %sign3A_331 : i32
        %sign3A_333 = arith.extui %sign3A_332 : i1 to i32
        %sign3A_334 = arith.subi %sign3A_330, %sign3A_333 : i32
        %sign3A_335 = arith.constant 0 : i32
        %sign3A_336 = arith.cmpi sgt, %jit3A_326, %sign3A_335 : i32
        %sign3A_337 = arith.extui %sign3A_336 : i1 to i32
        %sign3A_338 = arith.constant 0 : i32
        %sign3A_339 = arith.cmpi slt, %jit3A_326, %sign3A_338 : i32
        %sign3A_340 = arith.extui %sign3A_339 : i1 to i32
        %sign3A_341 = arith.subi %sign3A_337, %sign3A_340 : i32
        %ne3A_342 = arith.cmpi ne, %sign3A_334, %sign3A_341 : i32
        %rem3A_343 = arith.remsi %add3A_325, %jit3A_326 : i32
        %ne3A_344 = arith.constant 0 : i32
        %ne3A_345 = arith.cmpi ne, %rem3A_343, %ne3A_344 : i32
        %and3A_346 = arith.andi %ne3A_342, %ne3A_345 : i1
        %sub3A_347 = arith.constant 1 : i32
        %sub3A_348 = arith.subi %div3A_327, %sub3A_347 : i32
        %select_n3A_349 = arith.select %and3A_346, %sub3A_348, %div3A_327 : i32
        %multiple_of3A_350 = tpu.assume_multiple %select_n3A_349, 8 : i32
        %dma_wait3A_351 = tpu.memref_slice %arg3[%add3A_325] : memref<327680xi32, #tpu.memory_space<hbm>> -> memref<64xi32, #tpu.memory_space<hbm>>
        %dma_wait3A_352 = tpu.memref_slice %arg3[%add3A_325] : memref<327680xi32, #tpu.memory_space<hbm>> -> memref<64xi32, #tpu.memory_space<hbm>>
        tpu.wait_dma2 semaphore(%arg25 : memref<!tpu.dma_semaphore, #tpu.memory_space<semaphore_mem>>) src(%dma_wait3A_352 : memref<64xi32, #tpu.memory_space<hbm>>) dst(%arg8 : memref<64xi32, #tpu.memory_space<vmem>>)
        %dma_wait3A_353 = tpu.memref_slice %arg4[%add3A_325] : memref<327680xi32, #tpu.memory_space<hbm>> -> memref<64xi32, #tpu.memory_space<hbm>>
        %dma_wait3A_354 = tpu.memref_slice %arg4[%add3A_325] : memref<327680xi32, #tpu.memory_space<hbm>> -> memref<64xi32, #tpu.memory_space<hbm>>
        tpu.wait_dma2 semaphore(%arg25 : memref<!tpu.dma_semaphore, #tpu.memory_space<semaphore_mem>>) src(%dma_wait3A_354 : memref<64xi32, #tpu.memory_space<hbm>>) dst(%arg12 : memref<64xi32, #tpu.memory_space<vmem>>)
        %dma_wait3A_355 = arith.constant 0 : i32
        %dma_wait3A_356 = tpu.memref_slice %arg5[%multiple_of3A_350, %dma_wait3A_355] : memref<40960x128xf32, #tpu.memory_space<hbm>> -> memref<8x128xf32, #tpu.memory_space<hbm>>
        %dma_wait3A_357 = arith.constant 0 : i32
        %dma_wait3A_358 = tpu.memref_slice %arg5[%multiple_of3A_350, %dma_wait3A_357] : memref<40960x128xf32, #tpu.memory_space<hbm>> -> memref<8x128xf32, #tpu.memory_space<hbm>>
        tpu.wait_dma2 semaphore(%arg25 : memref<!tpu.dma_semaphore, #tpu.memory_space<semaphore_mem>>) src(%dma_wait3A_358 : memref<8x128xf32, #tpu.memory_space<hbm>>) dst(%arg16 : memref<8x128xf32, #tpu.memory_space<vmem>>)
        %dma_start3A_359 = arith.constant 0 : i32
        %dma_start3A_360 = arith.constant 0 : i32
        %dma_start3A_361 = tpu.memref_slice %arg2[%dma_start3A_359, %dma_start3A_360] : memref<10112x128xf32, #tpu.memory_space<hbm>> -> memref<10112x128xf32, #tpu.memory_space<hbm>>
        tpu.enqueue_indirect_dma source(%dma_start3A_361 : memref<10112x128xf32, #tpu.memory_space<hbm>>) target(%arg20 : memref<64x128xf32, #tpu.memory_space<vmem>>) offsets(%arg8 : memref<64xi32, #tpu.memory_space<vmem>>) semaphore(%arg29 : memref<!tpu.dma_semaphore, #tpu.memory_space<semaphore_mem>>)
      } else {
      }
      %mul3A_286 = arith.constant 4 : i32
      %mul3A_287 = arith.muli %mul3A_286, %scan3A_193 : i32
      %add3A_288 = arith.constant 3 : i32
      %add3A_289 = arith.addi %mul3A_287, %add3A_288 : i32
      %dma_wait3A_290 = arith.constant 0 : i32
      %dma_wait3A_291 = arith.constant 0 : i32
      %dma_wait3A_292 = tpu.memref_slice %arg2[%dma_wait3A_290, %dma_wait3A_291] : memref<10112x128xf32, #tpu.memory_space<hbm>> -> memref<10112x128xf32, #tpu.memory_space<hbm>>
      tpu.wait_indirect_dma semaphore(%arg32 : memref<!tpu.dma_semaphore, #tpu.memory_space<semaphore_mem>>) src(%dma_wait3A_292 : memref<10112x128xf32, #tpu.memory_space<hbm>>) dst(%arg23 : memref<64x128xf32, #tpu.memory_space<vmem>>)
      %parallel_loop3A_293 = arith.constant 0 : i32
      %parallel_loop3A_294 = arith.constant 64 : i32
      %parallel_loop3A_295 = arith.constant 1 : i32
      scf.for %parallel_loop3A_319 = %parallel_loop3A_293 to %parallel_loop3A_294 step %parallel_loop3A_295  : i32 {
        %parallel_loop3A_320 = arith.constant 8 : i32
        %parallel_loop3A_321 = arith.divsi %parallel_loop3A_319, %parallel_loop3A_320 : i32
        %parallel_loop3A_322 = arith.constant 0 : i32
        %parallel_loop3A_323 = arith.cmpi sgt, %parallel_loop3A_319, %parallel_loop3A_322 : i32
        %parallel_loop3A_324 = arith.extui %parallel_loop3A_323 : i1 to i32
        %parallel_loop3A_325 = arith.constant 0 : i32
        %parallel_loop3A_326 = arith.cmpi slt, %parallel_loop3A_319, %parallel_loop3A_325 : i32
        %parallel_loop3A_327 = arith.extui %parallel_loop3A_326 : i1 to i32
        %parallel_loop3A_328 = arith.subi %parallel_loop3A_324, %parallel_loop3A_327 : i32
        %parallel_loop3A_329 = arith.constant 0 : i32
        %parallel_loop3A_330 = arith.cmpi sgt, %parallel_loop3A_320, %parallel_loop3A_329 : i32
        %parallel_loop3A_331 = arith.extui %parallel_loop3A_330 : i1 to i32
        %parallel_loop3A_332 = arith.constant 0 : i32
        %parallel_loop3A_333 = arith.cmpi slt, %parallel_loop3A_320, %parallel_loop3A_332 : i32
        %parallel_loop3A_334 = arith.extui %parallel_loop3A_333 : i1 to i32
        %parallel_loop3A_335 = arith.subi %parallel_loop3A_331, %parallel_loop3A_334 : i32
        %parallel_loop3A_336 = arith.cmpi ne, %parallel_loop3A_328, %parallel_loop3A_335 : i32
        %parallel_loop3A_337 = arith.remsi %parallel_loop3A_319, %parallel_loop3A_320 : i32
        %parallel_loop3A_338 = arith.constant 0 : i32
        %parallel_loop3A_339 = arith.cmpi ne, %parallel_loop3A_337, %parallel_loop3A_338 : i32
        %parallel_loop3A_340 = arith.andi %parallel_loop3A_336, %parallel_loop3A_339 : i1
        %parallel_loop3A_341 = arith.constant 1 : i32
        %parallel_loop3A_342 = arith.subi %parallel_loop3A_321, %parallel_loop3A_341 : i32
        %parallel_loop3A_343 = arith.select %parallel_loop3A_340, %parallel_loop3A_342, %parallel_loop3A_321 : i32
        %parallel_loop3A_344 = arith.constant 8 : i32
        %parallel_loop3A_345 = arith.constant 0 : i32
        %parallel_loop3A_346 = arith.cmpi eq, %parallel_loop3A_344, %parallel_loop3A_345 : i32
        %parallel_loop3A_347 = arith.constant 1 : i32
        %parallel_loop3A_348 = arith.select %parallel_loop3A_346, %parallel_loop3A_347, %parallel_loop3A_344 : i32
        %parallel_loop3A_349 = arith.remsi %parallel_loop3A_319, %parallel_loop3A_348 : i32
        %parallel_loop3A_350 = arith.constant 0 : i32
        %parallel_loop3A_351 = arith.cmpi ne, %parallel_loop3A_349, %parallel_loop3A_350 : i32
        %parallel_loop3A_352 = arith.constant 0 : i32
        %parallel_loop3A_353 = arith.cmpi slt, %parallel_loop3A_349, %parallel_loop3A_352 : i32
        %parallel_loop3A_354 = arith.constant 0 : i32
        %parallel_loop3A_355 = arith.cmpi slt, %parallel_loop3A_348, %parallel_loop3A_354 : i32
        %parallel_loop3A_356 = arith.xori %parallel_loop3A_353, %parallel_loop3A_355 : i1
        %parallel_loop3A_357 = arith.andi %parallel_loop3A_356, %parallel_loop3A_351 : i1
        %parallel_loop3A_358 = arith.addi %parallel_loop3A_349, %parallel_loop3A_348 : i32
        %parallel_loop3A_359 = arith.select %parallel_loop3A_357, %parallel_loop3A_358, %parallel_loop3A_349 : i32
        %parallel_loop3A_360 = arith.constant 16 : i32
        %parallel_loop3A_361 = arith.muli %parallel_loop3A_359, %parallel_loop3A_360 : i32
        %parallel_loop3A_362 = arith.index_cast %parallel_loop3A_343 : i32 to index
        %parallel_loop3A_363 = arith.index_cast %parallel_loop3A_361 : i32 to index
        %parallel_loop3A_364 = tpu.vector_load %arg19[%parallel_loop3A_362, %parallel_loop3A_363] {strides = array<i32>} : memref<8x128xf32, #tpu.memory_space<vmem>>, vector<1x16xf32>,
        %parallel_loop3A_365 = vector.shape_cast %parallel_loop3A_364 : vector<1x16xf32> to vector<16xf32>
        %parallel_loop3A_366 = arith.index_cast %parallel_loop3A_319 : i32 to index
        %parallel_loop3A_367 = arith.constant 0 : index
        %parallel_loop3A_368 = tpu.vector_load %arg23[%parallel_loop3A_366, %parallel_loop3A_367] {strides = array<i32>} : memref<64x128xf32, #tpu.memory_space<vmem>>, vector<1x16xf32>,
        %parallel_loop3A_369 = vector.shape_cast %parallel_loop3A_368 : vector<1x16xf32> to vector<16xf32>
        %parallel_loop3A_370 = arith.mulf %parallel_loop3A_369, %parallel_loop3A_365 : vector<16xf32>
        %parallel_loop3A_371 = arith.index_cast %parallel_loop3A_319 : i32 to index
        %parallel_loop3A_372 = arith.constant 0 : index
        %parallel_loop3A_373 = tpu.vector_load %arg23[%parallel_loop3A_371, %parallel_loop3A_372] {strides = array<i32>} : memref<64x128xf32, #tpu.memory_space<vmem>>, vector<1x16xf32>,
        %parallel_loop3A_374 = vector.shape_cast %parallel_loop3A_373 : vector<1x16xf32> to vector<16xf32>
        %parallel_loop3A_375 = vector.shape_cast %parallel_loop3A_370 : vector<16xf32> to vector<1x16xf32>
        tpu.vector_store %arg23[%parallel_loop3A_371, %parallel_loop3A_372], %parallel_loop3A_375 {strides = array<i32>} : memref<64x128xf32, #tpu.memory_space<vmem>>, vector<1x16xf32>,
        %parallel_loop3A_376 = arith.index_cast %parallel_loop3A_319 : i32 to index
        %parallel_loop3A_377 = arith.constant 16 : index
        %parallel_loop3A_378 = tpu.vector_load %arg23[%parallel_loop3A_376, %parallel_loop3A_377] {strides = array<i32>} : memref<64x128xf32, #tpu.memory_space<vmem>>, vector<1x16xf32>,
        %parallel_loop3A_379 = vector.shape_cast %parallel_loop3A_378 : vector<1x16xf32> to vector<16xf32>
        %parallel_loop3A_380 = arith.mulf %parallel_loop3A_379, %parallel_loop3A_365 : vector<16xf32>
        %parallel_loop3A_381 = arith.index_cast %parallel_loop3A_319 : i32 to index
        %parallel_loop3A_382 = arith.constant 16 : index
        %parallel_loop3A_383 = tpu.vector_load %arg23[%parallel_loop3A_381, %parallel_loop3A_382] {strides = array<i32>} : memref<64x128xf32, #tpu.memory_space<vmem>>, vector<1x16xf32>,
        %parallel_loop3A_384 = vector.shape_cast %parallel_loop3A_383 : vector<1x16xf32> to vector<16xf32>
        %parallel_loop3A_385 = vector.shape_cast %parallel_loop3A_380 : vector<16xf32> to vector<1x16xf32>
        tpu.vector_store %arg23[%parallel_loop3A_381, %parallel_loop3A_382], %parallel_loop3A_385 {strides = array<i32>} : memref<64x128xf32, #tpu.memory_space<vmem>>, vector<1x16xf32>,
        %parallel_loop3A_386 = arith.index_cast %parallel_loop3A_319 : i32 to index
        %parallel_loop3A_387 = arith.constant 32 : index
        %parallel_loop3A_388 = tpu.vector_load %arg23[%parallel_loop3A_386, %parallel_loop3A_387] {strides = array<i32>} : memref<64x128xf32, #tpu.memory_space<vmem>>, vector<1x16xf32>,
        %parallel_loop3A_389 = vector.shape_cast %parallel_loop3A_388 : vector<1x16xf32> to vector<16xf32>
        %parallel_loop3A_390 = arith.mulf %parallel_loop3A_389, %parallel_loop3A_365 : vector<16xf32>
        %parallel_loop3A_391 = arith.index_cast %parallel_loop3A_319 : i32 to index
        %parallel_loop3A_392 = arith.constant 32 : index
        %parallel_loop3A_393 = tpu.vector_load %arg23[%parallel_loop3A_391, %parallel_loop3A_392] {strides = array<i32>} : memref<64x128xf32, #tpu.memory_space<vmem>>, vector<1x16xf32>,
        %parallel_loop3A_394 = vector.shape_cast %parallel_loop3A_393 : vector<1x16xf32> to vector<16xf32>
        %parallel_loop3A_395 = vector.shape_cast %parallel_loop3A_390 : vector<16xf32> to vector<1x16xf32>
        tpu.vector_store %arg23[%parallel_loop3A_391, %parallel_loop3A_392], %parallel_loop3A_395 {strides = array<i32>} : memref<64x128xf32, #tpu.memory_space<vmem>>, vector<1x16xf32>,
        %parallel_loop3A_396 = arith.index_cast %parallel_loop3A_319 : i32 to index
        %parallel_loop3A_397 = arith.constant 48 : index
        %parallel_loop3A_398 = tpu.vector_load %arg23[%parallel_loop3A_396, %parallel_loop3A_397] {strides = array<i32>} : memref<64x128xf32, #tpu.memory_space<vmem>>, vector<1x16xf32>,
        %parallel_loop3A_399 = vector.shape_cast %parallel_loop3A_398 : vector<1x16xf32> to vector<16xf32>
        %parallel_loop3A_400 = arith.mulf %parallel_loop3A_399, %parallel_loop3A_365 : vector<16xf32>
        %parallel_loop3A_401 = arith.index_cast %parallel_loop3A_319 : i32 to index
        %parallel_loop3A_402 = arith.constant 48 : index
        %parallel_loop3A_403 = tpu.vector_load %arg23[%parallel_loop3A_401, %parallel_loop3A_402] {strides = array<i32>} : memref<64x128xf32, #tpu.memory_space<vmem>>, vector<1x16xf32>,
        %parallel_loop3A_404 = vector.shape_cast %parallel_loop3A_403 : vector<1x16xf32> to vector<16xf32>
        %parallel_loop3A_405 = vector.shape_cast %parallel_loop3A_400 : vector<16xf32> to vector<1x16xf32>
        tpu.vector_store %arg23[%parallel_loop3A_401, %parallel_loop3A_402], %parallel_loop3A_405 {strides = array<i32>} : memref<64x128xf32, #tpu.memory_space<vmem>>, vector<1x16xf32>,
        %parallel_loop3A_406 = arith.index_cast %parallel_loop3A_319 : i32 to index
        %parallel_loop3A_407 = arith.constant 64 : index
        %parallel_loop3A_408 = tpu.vector_load %arg23[%parallel_loop3A_406, %parallel_loop3A_407] {strides = array<i32>} : memref<64x128xf32, #tpu.memory_space<vmem>>, vector<1x16xf32>,
        %parallel_loop3A_409 = vector.shape_cast %parallel_loop3A_408 : vector<1x16xf32> to vector<16xf32>
        %parallel_loop3A_410 = arith.mulf %parallel_loop3A_409, %parallel_loop3A_365 : vector<16xf32>
        %parallel_loop3A_411 = arith.index_cast %parallel_loop3A_319 : i32 to index
        %parallel_loop3A_412 = arith.constant 64 : index
        %parallel_loop3A_413 = tpu.vector_load %arg23[%parallel_loop3A_411, %parallel_loop3A_412] {strides = array<i32>} : memref<64x128xf32, #tpu.memory_space<vmem>>, vector<1x16xf32>,
        %parallel_loop3A_414 = vector.shape_cast %parallel_loop3A_413 : vector<1x16xf32> to vector<16xf32>
        %parallel_loop3A_415 = vector.shape_cast %parallel_loop3A_410 : vector<16xf32> to vector<1x16xf32>
        tpu.vector_store %arg23[%parallel_loop3A_411, %parallel_loop3A_412], %parallel_loop3A_415 {strides = array<i32>} : memref<64x128xf32, #tpu.memory_space<vmem>>, vector<1x16xf32>,
        %parallel_loop3A_416 = arith.index_cast %parallel_loop3A_319 : i32 to index
        %parallel_loop3A_417 = arith.constant 80 : index
        %parallel_loop3A_418 = tpu.vector_load %arg23[%parallel_loop3A_416, %parallel_loop3A_417] {strides = array<i32>} : memref<64x128xf32, #tpu.memory_space<vmem>>, vector<1x16xf32>,
        %parallel_loop3A_419 = vector.shape_cast %parallel_loop3A_418 : vector<1x16xf32> to vector<16xf32>
        %parallel_loop3A_420 = arith.mulf %parallel_loop3A_419, %parallel_loop3A_365 : vector<16xf32>
        %parallel_loop3A_421 = arith.index_cast %parallel_loop3A_319 : i32 to index
        %parallel_loop3A_422 = arith.constant 80 : index
        %parallel_loop3A_423 = tpu.vector_load %arg23[%parallel_loop3A_421, %parallel_loop3A_422] {strides = array<i32>} : memref<64x128xf32, #tpu.memory_space<vmem>>, vector<1x16xf32>,
        %parallel_loop3A_424 = vector.shape_cast %parallel_loop3A_423 : vector<1x16xf32> to vector<16xf32>
        %parallel_loop3A_425 = vector.shape_cast %parallel_loop3A_420 : vector<16xf32> to vector<1x16xf32>
        tpu.vector_store %arg23[%parallel_loop3A_421, %parallel_loop3A_422], %parallel_loop3A_425 {strides = array<i32>} : memref<64x128xf32, #tpu.memory_space<vmem>>, vector<1x16xf32>,
        %parallel_loop3A_426 = arith.index_cast %parallel_loop3A_319 : i32 to index
        %parallel_loop3A_427 = arith.constant 96 : index
        %parallel_loop3A_428 = tpu.vector_load %arg23[%parallel_loop3A_426, %parallel_loop3A_427] {strides = array<i32>} : memref<64x128xf32, #tpu.memory_space<vmem>>, vector<1x16xf32>,
        %parallel_loop3A_429 = vector.shape_cast %parallel_loop3A_428 : vector<1x16xf32> to vector<16xf32>
        %parallel_loop3A_430 = arith.mulf %parallel_loop3A_429, %parallel_loop3A_365 : vector<16xf32>
        %parallel_loop3A_431 = arith.index_cast %parallel_loop3A_319 : i32 to index
        %parallel_loop3A_432 = arith.constant 96 : index
        %parallel_loop3A_433 = tpu.vector_load %arg23[%parallel_loop3A_431, %parallel_loop3A_432] {strides = array<i32>} : memref<64x128xf32, #tpu.memory_space<vmem>>, vector<1x16xf32>,
        %parallel_loop3A_434 = vector.shape_cast %parallel_loop3A_433 : vector<1x16xf32> to vector<16xf32>
        %parallel_loop3A_435 = vector.shape_cast %parallel_loop3A_430 : vector<16xf32> to vector<1x16xf32>
        tpu.vector_store %arg23[%parallel_loop3A_431, %parallel_loop3A_432], %parallel_loop3A_435 {strides = array<i32>} : memref<64x128xf32, #tpu.memory_space<vmem>>, vector<1x16xf32>,
        %parallel_loop3A_436 = arith.index_cast %parallel_loop3A_319 : i32 to index
        %parallel_loop3A_437 = arith.constant 112 : index
        %parallel_loop3A_438 = tpu.vector_load %arg23[%parallel_loop3A_436, %parallel_loop3A_437] {strides = array<i32>} : memref<64x128xf32, #tpu.memory_space<vmem>>, vector<1x16xf32>,
        %parallel_loop3A_439 = vector.shape_cast %parallel_loop3A_438 : vector<1x16xf32> to vector<16xf32>
        %parallel_loop3A_440 = arith.mulf %parallel_loop3A_439, %parallel_loop3A_365 : vector<16xf32>
        %parallel_loop3A_441 = arith.index_cast %parallel_loop3A_319 : i32 to index
        %parallel_loop3A_442 = arith.constant 112 : index
        %parallel_loop3A_443 = tpu.vector_load %arg23[%parallel_loop3A_441, %parallel_loop3A_442] {strides = array<i32>} : memref<64x128xf32, #tpu.memory_space<vmem>>, vector<1x16xf32>,
        %parallel_loop3A_444 = vector.shape_cast %parallel_loop3A_443 : vector<1x16xf32> to vector<16xf32>
        %parallel_loop3A_445 = vector.shape_cast %parallel_loop3A_440 : vector<16xf32> to vector<1x16xf32>
        tpu.vector_store %arg23[%parallel_loop3A_441, %parallel_loop3A_442], %parallel_loop3A_445 {strides = array<i32>} : memref<64x128xf32, #tpu.memory_space<vmem>>, vector<1x16xf32>,
      } {sc.loop_unroll_factor = 2 : i64, sc.parallel_access}
      %ge3A_296 = arith.constant 1 : i32
      %ge3A_297 = arith.cmpi sge, %add3A_289, %ge3A_296 : i32
      %convert_element_type3A_298 = arith.extui %ge3A_297 : i1 to i32
      %cond3A_299 = arith.constant 0 : i32
      %cond3A_300 = arith.cmpi ne, %convert_element_type3A_298, %cond3A_299 : i32
      scf.if %cond3A_300 {
        %dma_wait3A_319 = arith.constant 0 : i32
        %dma_wait3A_320 = arith.constant 0 : i32
        %dma_wait3A_321 = tpu.memref_slice %arg24[%dma_wait3A_319, %dma_wait3A_320] : memref<10112x128xf32, #tpu.memory_space<vmem_shared>> -> memref<10112x128xf32, #tpu.memory_space<vmem_shared>>
        tpu.wait_indirect_dma semaphore(%arg35 : memref<!tpu.dma_semaphore, #tpu.memory_space<semaphore_mem>>) src(%arg22 : memref<64x128xf32, #tpu.memory_space<vmem>>) dst(%dma_wait3A_321 : memref<10112x128xf32, #tpu.memory_space<vmem_shared>>)
      } else {
      }
      %dma_start3A_301 = arith.constant 0 : i32
      %dma_start3A_302 = arith.constant 0 : i32
      %dma_start3A_303 = tpu.memref_slice %arg24[%dma_start3A_301, %dma_start3A_302] : memref<10112x128xf32, #tpu.memory_space<vmem_shared>> -> memref<10112x128xf32, #tpu.memory_space<vmem_shared>>
      tpu.enqueue_indirect_dma source(%arg23 : memref<64x128xf32, #tpu.memory_space<vmem>>) target(%dma_start3A_303 : memref<10112x128xf32, #tpu.memory_space<vmem_shared>>) offsets(%arg15 : memref<64xi32, #tpu.memory_space<vmem>>) semaphore(%arg36 : memref<!tpu.dma_semaphore, #tpu.memory_space<semaphore_mem>>) {add = true}
      %add3A_304 = arith.constant 3 : i32
      %add3A_305 = arith.addi %add3A_289, %add3A_304 : i32
      %lt3A_306 = arith.constant 160 : i32
      %lt3A_307 = arith.cmpi slt, %add3A_305, %lt3A_306 : i32
      %convert_element_type3A_308 = arith.extui %lt3A_307 : i1 to i32
      %cond3A_309 = arith.constant 0 : i32
      %cond3A_310 = arith.cmpi ne, %convert_element_type3A_308, %cond3A_309 : i32
      scf.if %cond3A_310 {
        %add3A_319 = arith.constant 3 : i32
        %add3A_320 = arith.addi %add3A_289, %add3A_319 : i32
        %mul3A_321 = arith.constant 10240 : i32
        %mul3A_322 = arith.muli %add3A, %mul3A_321 : i32
        %mul3A_323 = arith.constant 64 : i32
        %mul3A_324 = arith.muli %add3A_320, %mul3A_323 : i32
        %add3A_325 = arith.addi %mul3A_322, %mul3A_324 : i32
        %jit3A_326 = arith.constant 8 : i32
        %div3A_327 = arith.divsi %add3A_325, %jit3A_326 : i32
        %sign3A_328 = arith.constant 0 : i32
        %sign3A_329 = arith.cmpi sgt, %add3A_325, %sign3A_328 : i32
        %sign3A_330 = arith.extui %sign3A_329 : i1 to i32
        %sign3A_331 = arith.constant 0 : i32
        %sign3A_332 = arith.cmpi slt, %add3A_325, %sign3A_331 : i32
        %sign3A_333 = arith.extui %sign3A_332 : i1 to i32
        %sign3A_334 = arith.subi %sign3A_330, %sign3A_333 : i32
        %sign3A_335 = arith.constant 0 : i32
        %sign3A_336 = arith.cmpi sgt, %jit3A_326, %sign3A_335 : i32
        %sign3A_337 = arith.extui %sign3A_336 : i1 to i32
        %sign3A_338 = arith.constant 0 : i32
        %sign3A_339 = arith.cmpi slt, %jit3A_326, %sign3A_338 : i32
        %sign3A_340 = arith.extui %sign3A_339 : i1 to i32
        %sign3A_341 = arith.subi %sign3A_337, %sign3A_340 : i32
        %ne3A_342 = arith.cmpi ne, %sign3A_334, %sign3A_341 : i32
        %rem3A_343 = arith.remsi %add3A_325, %jit3A_326 : i32
        %ne3A_344 = arith.constant 0 : i32
        %ne3A_345 = arith.cmpi ne, %rem3A_343, %ne3A_344 : i32
        %and3A_346 = arith.andi %ne3A_342, %ne3A_345 : i1
        %sub3A_347 = arith.constant 1 : i32
        %sub3A_348 = arith.subi %div3A_327, %sub3A_347 : i32
        %select_n3A_349 = arith.select %and3A_346, %sub3A_348, %div3A_327 : i32
        %multiple_of3A_350 = tpu.assume_multiple %select_n3A_349, 8 : i32
        %dma_start3A_351 = tpu.memref_slice %arg3[%add3A_325] : memref<327680xi32, #tpu.memory_space<hbm>> -> memref<64xi32, #tpu.memory_space<hbm>>
        %dma_start3A_352 = tpu.memref_slice %arg3[%add3A_325] : memref<327680xi32, #tpu.memory_space<hbm>> -> memref<64xi32, #tpu.memory_space<hbm>>
        tpu.enqueue_dma source(%dma_start3A_352 : memref<64xi32, #tpu.memory_space<hbm>>) target(%arg10 : memref<64xi32, #tpu.memory_space<vmem>>) target_semaphore(%arg27 : memref<!tpu.dma_semaphore, #tpu.memory_space<semaphore_mem>>)
        %dma_start3A_353 = tpu.memref_slice %arg4[%add3A_325] : memref<327680xi32, #tpu.memory_space<hbm>> -> memref<64xi32, #tpu.memory_space<hbm>>
        %dma_start3A_354 = tpu.memref_slice %arg4[%add3A_325] : memref<327680xi32, #tpu.memory_space<hbm>> -> memref<64xi32, #tpu.memory_space<hbm>>
        tpu.enqueue_dma source(%dma_start3A_354 : memref<64xi32, #tpu.memory_space<hbm>>) target(%arg14 : memref<64xi32, #tpu.memory_space<vmem>>) target_semaphore(%arg27 : memref<!tpu.dma_semaphore, #tpu.memory_space<semaphore_mem>>)
        %dma_start3A_355 = arith.constant 0 : i32
        %dma_start3A_356 = tpu.memref_slice %arg5[%multiple_of3A_350, %dma_start3A_355] : memref<40960x128xf32, #tpu.memory_space<hbm>> -> memref<8x128xf32, #tpu.memory_space<hbm>>
        %dma_start3A_357 = arith.constant 0 : i32
        %dma_start3A_358 = tpu.memref_slice %arg5[%multiple_of3A_350, %dma_start3A_357] : memref<40960x128xf32, #tpu.memory_space<hbm>> -> memref<8x128xf32, #tpu.memory_space<hbm>>
        tpu.enqueue_dma source(%dma_start3A_358 : memref<8x128xf32, #tpu.memory_space<hbm>>) target(%arg18 : memref<8x128xf32, #tpu.memory_space<vmem>>) target_semaphore(%arg27 : memref<!tpu.dma_semaphore, #tpu.memory_space<semaphore_mem>>)
      } else {
      }
      %add3A_311 = arith.constant 2 : i32
      %add3A_312 = arith.addi %add3A_289, %add3A_311 : i32
      %lt3A_313 = arith.constant 160 : i32
      %lt3A_314 = arith.cmpi slt, %add3A_312, %lt3A_313 : i32
      %convert_element_type3A_315 = arith.extui %lt3A_314 : i1 to i32
      %cond3A_316 = arith.constant 0 : i32
      %cond3A_317 = arith.cmpi ne, %convert_element_type3A_315, %cond3A_316 : i32
      scf.if %cond3A_317 {
        %add3A_319 = arith.constant 2 : i32
        %add3A_320 = arith.addi %add3A_289, %add3A_319 : i32
        %mul3A_321 = arith.constant 10240 : i32
        %mul3A_322 = arith.muli %add3A, %mul3A_321 : i32
        %mul3A_323 = arith.constant 64 : i32
        %mul3A_324 = arith.muli %add3A_320, %mul3A_323 : i32
        %add3A_325 = arith.addi %mul3A_322, %mul3A_324 : i32
        %jit3A_326 = arith.constant 8 : i32
        %div3A_327 = arith.divsi %add3A_325, %jit3A_326 : i32
        %sign3A_328 = arith.constant 0 : i32
        %sign3A_329 = arith.cmpi sgt, %add3A_325, %sign3A_328 : i32
        %sign3A_330 = arith.extui %sign3A_329 : i1 to i32
        %sign3A_331 = arith.constant 0 : i32
        %sign3A_332 = arith.cmpi slt, %add3A_325, %sign3A_331 : i32
        %sign3A_333 = arith.extui %sign3A_332 : i1 to i32
        %sign3A_334 = arith.subi %sign3A_330, %sign3A_333 : i32
        %sign3A_335 = arith.constant 0 : i32
        %sign3A_336 = arith.cmpi sgt, %jit3A_326, %sign3A_335 : i32
        %sign3A_337 = arith.extui %sign3A_336 : i1 to i32
        %sign3A_338 = arith.constant 0 : i32
        %sign3A_339 = arith.cmpi slt, %jit3A_326, %sign3A_338 : i32
        %sign3A_340 = arith.extui %sign3A_339 : i1 to i32
        %sign3A_341 = arith.subi %sign3A_337, %sign3A_340 : i32
        %ne3A_342 = arith.cmpi ne, %sign3A_334, %sign3A_341 : i32
        %rem3A_343 = arith.remsi %add3A_325, %jit3A_326 : i32
        %ne3A_344 = arith.constant 0 : i32
        %ne3A_345 = arith.cmpi ne, %rem3A_343, %ne3A_344 : i32
        %and3A_346 = arith.andi %ne3A_342, %ne3A_345 : i1
        %sub3A_347 = arith.constant 1 : i32
        %sub3A_348 = arith.subi %div3A_327, %sub3A_347 : i32
        %select_n3A_349 = arith.select %and3A_346, %sub3A_348, %div3A_327 : i32
        %multiple_of3A_350 = tpu.assume_multiple %select_n3A_349, 8 : i32
        %dma_wait3A_351 = tpu.memref_slice %arg3[%add3A_325] : memref<327680xi32, #tpu.memory_space<hbm>> -> memref<64xi32, #tpu.memory_space<hbm>>
        %dma_wait3A_352 = tpu.memref_slice %arg3[%add3A_325] : memref<327680xi32, #tpu.memory_space<hbm>> -> memref<64xi32, #tpu.memory_space<hbm>>
        tpu.wait_dma2 semaphore(%arg26 : memref<!tpu.dma_semaphore, #tpu.memory_space<semaphore_mem>>) src(%dma_wait3A_352 : memref<64xi32, #tpu.memory_space<hbm>>) dst(%arg9 : memref<64xi32, #tpu.memory_space<vmem>>)
        %dma_wait3A_353 = tpu.memref_slice %arg4[%add3A_325] : memref<327680xi32, #tpu.memory_space<hbm>> -> memref<64xi32, #tpu.memory_space<hbm>>
        %dma_wait3A_354 = tpu.memref_slice %arg4[%add3A_325] : memref<327680xi32, #tpu.memory_space<hbm>> -> memref<64xi32, #tpu.memory_space<hbm>>
        tpu.wait_dma2 semaphore(%arg26 : memref<!tpu.dma_semaphore, #tpu.memory_space<semaphore_mem>>) src(%dma_wait3A_354 : memref<64xi32, #tpu.memory_space<hbm>>) dst(%arg13 : memref<64xi32, #tpu.memory_space<vmem>>)
        %dma_wait3A_355 = arith.constant 0 : i32
        %dma_wait3A_356 = tpu.memref_slice %arg5[%multiple_of3A_350, %dma_wait3A_355] : memref<40960x128xf32, #tpu.memory_space<hbm>> -> memref<8x128xf32, #tpu.memory_space<hbm>>
        %dma_wait3A_357 = arith.constant 0 : i32
        %dma_wait3A_358 = tpu.memref_slice %arg5[%multiple_of3A_350, %dma_wait3A_357] : memref<40960x128xf32, #tpu.memory_space<hbm>> -> memref<8x128xf32, #tpu.memory_space<hbm>>
        tpu.wait_dma2 semaphore(%arg26 : memref<!tpu.dma_semaphore, #tpu.memory_space<semaphore_mem>>) src(%dma_wait3A_358 : memref<8x128xf32, #tpu.memory_space<hbm>>) dst(%arg17 : memref<8x128xf32, #tpu.memory_space<vmem>>)
        %dma_start3A_359 = arith.constant 0 : i32
        %dma_start3A_360 = arith.constant 0 : i32
        %dma_start3A_361 = tpu.memref_slice %arg2[%dma_start3A_359, %dma_start3A_360] : memref<10112x128xf32, #tpu.memory_space<hbm>> -> memref<10112x128xf32, #tpu.memory_space<hbm>>
        tpu.enqueue_indirect_dma source(%dma_start3A_361 : memref<10112x128xf32, #tpu.memory_space<hbm>>) target(%arg21 : memref<64x128xf32, #tpu.memory_space<vmem>>) offsets(%arg9 : memref<64xi32, #tpu.memory_space<vmem>>) semaphore(%arg30 : memref<!tpu.dma_semaphore, #tpu.memory_space<semaphore_mem>>)
      } else {
      }
      %scan3A_318 = arith.constant 0 : i32
      scf.yield %scan3A_318 : i32
    }
    %scan3A_188 = arith.constant 40 : i32
    %dma_wait3A_189 = arith.constant 0 : i32
    %dma_wait3A_190 = arith.constant 0 : i32
    %dma_wait3A_191 = tpu.memref_slice %arg24[%dma_wait3A_189, %dma_wait3A_190] : memref<10112x128xf32, #tpu.memory_space<vmem_shared>> -> memref<10112x128xf32, #tpu.memory_space<vmem_shared>>
    tpu.wait_indirect_dma semaphore(%arg36 : memref<!tpu.dma_semaphore, #tpu.memory_space<semaphore_mem>>) src(%arg23 : memref<64x128xf32, #tpu.memory_space<vmem>>) dst(%dma_wait3A_191 : memref<10112x128xf32, #tpu.memory_space<vmem_shared>>)
    %barrier3A_192 = arith.constant 0 : index
    tpu.barrier barrier_id(%barrier3A_192)
    "tpu.region"() ({
      %run_scoped3A = tpu.sem_alloc : memref<!tpu.dma_semaphore, #tpu.memory_space<semaphore_mem>>
      %dma_start3A_193 = arith.constant 0 : i32
      %dma_start3A_194 = tpu.memref_slice %arg7[%arg0, %mul3A_2, %dma_start3A_193] : memref<2x10112x128xf32, #tpu.memory_space<hbm>> -> memref<1x632x128xf32, #tpu.memory_space<hbm>>
      %dma_start3A_195 = tpu.memref_squeeze %dma_start3A_194 : memref<1x632x128xf32, #tpu.memory_space<hbm>> -> memref<632x128xf32, #tpu.memory_space<hbm>>
      %dma_start3A_196 = arith.constant 0 : i32
      %dma_start3A_197 = tpu.memref_slice %arg24[%mul3A_2, %dma_start3A_196] : memref<10112x128xf32, #tpu.memory_space<vmem_shared>> -> memref<632x128xf32, #tpu.memory_space<vmem_shared>>
      tpu.enqueue_dma source(%dma_start3A_197 : memref<632x128xf32, #tpu.memory_space<vmem_shared>>) target(%dma_start3A_195 : memref<632x128xf32, #tpu.memory_space<hbm>>) target_semaphore(%run_scoped3A : memref<!tpu.dma_semaphore, #tpu.memory_space<semaphore_mem>>)
      %dma_wait3A_198 = arith.constant 0 : i32
      %dma_wait3A_199 = tpu.memref_slice %arg7[%arg0, %mul3A_2, %dma_wait3A_198] : memref<2x10112x128xf32, #tpu.memory_space<hbm>> -> memref<1x632x128xf32, #tpu.memory_space<hbm>>
      %dma_wait3A_200 = tpu.memref_squeeze %dma_wait3A_199 : memref<1x632x128xf32, #tpu.memory_space<hbm>> -> memref<632x128xf32, #tpu.memory_space<hbm>>
      %dma_wait3A_201 = arith.constant 0 : i32
      %dma_wait3A_202 = tpu.memref_slice %arg24[%mul3A_2, %dma_wait3A_201] : memref<10112x128xf32, #tpu.memory_space<vmem_shared>> -> memref<632x128xf32, #tpu.memory_space<vmem_shared>>
      tpu.wait_dma2 semaphore(%run_scoped3A : memref<!tpu.dma_semaphore, #tpu.memory_space<semaphore_mem>>) src(%dma_wait3A_202 : memref<632x128xf32, #tpu.memory_space<vmem_shared>>) dst(%dma_wait3A_200 : memref<632x128xf32, #tpu.memory_space<hbm>>)
      tpu.yield
    }) : () -> ()
    return
  }
}

module attributes {stable_mosaic.version = 14 : i64} {
  func.func @_stage_a_body(%arg0: memref<10112x128xf32, #tpu.memory_space<vmem>>, %arg1: memref<128x128xf32, #tpu.memory_space<vmem>>, %arg2: memref<10112x128xf32, #tpu.memory_space<vmem>>, %arg3: memref<10112x128xf32, #tpu.memory_space<vmem>>, %arg4: memref<10112x128xf32, #tpu.memory_space<vmem>>) attributes {dimension_semantics = [], scalar_prefetch = 0 : i64, scratch_operands = 0 : i64, tpu.core_type = #tpu.core_type<tc>} {
    %get3A = arith.constant 0 : index
    %get3A_0 = arith.constant 0 : index
    %get3A_1 = vector.load %arg2[%get3A, %get3A_0] : memref<10112x128xf32, #tpu.memory_space<vmem>>, vector<10112x128xf32>
    %get3A_2 = arith.constant 0 : index
    %get3A_3 = arith.constant 0 : index
    %get3A_4 = vector.load %arg3[%get3A_2, %get3A_3] : memref<10112x128xf32, #tpu.memory_space<vmem>>, vector<10112x128xf32>
    %add3A = arith.addf %get3A_1, %get3A_4 : vector<10112x128xf32>
    %reduce_sum3A = arith.constant dense<0.000000e+00> : vector<10112xf32>
    %reduce_sum3A_5 = vector.multi_reduction <add>, %add3A, %reduce_sum3A [1] : vector<10112x128xf32> to vector<10112xf32>
    %broadcast_in_dim3A = vector.shape_cast %reduce_sum3A_5 : vector<10112xf32> to vector<10112x1xf32>
    %mul3A = arith.constant 7.812500e-03 : f32
    %mul3A_6 = vector.broadcast %mul3A : f32 to vector<10112x1xf32>
    %mul3A_7 = arith.mulf %broadcast_in_dim3A, %mul3A_6 : vector<10112x1xf32>
    %jit3A = arith.constant 1.000000e+00 : f32
    %max3A = vector.broadcast %jit3A : f32 to vector<10112x1xf32>
    %max3A_8 = arith.maximumf %max3A, %mul3A_7 : vector<10112x1xf32>
    %rsqrt3A = math.rsqrt %max3A_8 : vector<10112x1xf32>
    %get3A_9 = arith.constant 0 : index
    %get3A_10 = arith.constant 0 : index
    %get3A_11 = vector.load %arg0[%get3A_9, %get3A_10] : memref<10112x128xf32, #tpu.memory_space<vmem>>, vector<10112x128xf32>
    %get3A_12 = arith.constant 0 : index
    %get3A_13 = arith.constant 0 : index
    %get3A_14 = vector.load %arg1[%get3A_12, %get3A_13] : memref<128x128xf32, #tpu.memory_space<vmem>>, vector<128x128xf32>
    %dot_general3A = arith.constant dense<0.000000e+00> : vector<10112x128xf32>
    %dot_general3A_15 = tpu.matmul %get3A_11, %get3A_14, %dot_general3A {dimension_numbers = #tpu.dot_dimension_numbers<[1], [0], [0], [1], [0, 0, 1, 1], [], []>, transpose_lhs_hint = false} : vector<10112x128xf32>, vector<128x128xf32>, vector<10112x128xf32> -> vector<10112x128xf32>
    %mul3A_16 = vector.broadcast %rsqrt3A : vector<10112x1xf32> to vector<10112x128xf32>
    %mul3A_17 = arith.mulf %dot_general3A_15, %mul3A_16 : vector<10112x128xf32>
    %swap3A = arith.constant 0 : index
    %swap3A_18 = arith.constant 0 : index
    %swap3A_19 = vector.load %arg4[%swap3A, %swap3A_18] : memref<10112x128xf32, #tpu.memory_space<vmem>>, vector<10112x128xf32>
    tpu.vector_store %arg4[%swap3A, %swap3A_18], %mul3A_17 {strides = array<i32>} : memref<10112x128xf32, #tpu.memory_space<vmem>>, vector<10112x128xf32>,
    return
  }
}

module attributes {stable_mosaic.version = 14 : i64} {
  func.func @_stage_b_body(%arg0: memref<2x10112x128xf32, #tpu.memory_space<vmem>>, %arg1: memref<10112x128xf32, #tpu.memory_space<vmem>>, %arg2: memref<10112x128xf32, #tpu.memory_space<vmem>>, %arg3: memref<128xf32, #tpu.memory_space<vmem>>, %arg4: memref<128x128xf32, #tpu.memory_space<vmem>>, %arg5: memref<128x128xf32, #tpu.memory_space<vmem>>, %arg6: memref<10112x128xf32, #tpu.memory_space<vmem>>, %arg7: memref<10112x128xf32, #tpu.memory_space<vmem>>, %arg8: memref<10112x128xf32, #tpu.memory_space<vmem>>, %arg9: memref<10112x128xf32, #tpu.memory_space<vmem>>) attributes {dimension_semantics = [], scalar_prefetch = 0 : i64, scratch_operands = 0 : i64, tpu.core_type = #tpu.core_type<tc>} {
    %get3A = arith.constant 0 : index
    %get3A_0 = arith.constant 0 : index
    %get3A_1 = vector.load %arg1[%get3A, %get3A_0] : memref<10112x128xf32, #tpu.memory_space<vmem>>, vector<10112x128xf32>
    %get3A_2 = arith.constant 0 : index
    %get3A_3 = arith.constant 0 : index
    %get3A_4 = vector.load %arg2[%get3A_2, %get3A_3] : memref<10112x128xf32, #tpu.memory_space<vmem>>, vector<10112x128xf32>
    %add3A = arith.addf %get3A_1, %get3A_4 : vector<10112x128xf32>
    %reduce_sum3A = arith.constant dense<0.000000e+00> : vector<10112xf32>
    %reduce_sum3A_5 = vector.multi_reduction <add>, %add3A, %reduce_sum3A [1] : vector<10112x128xf32> to vector<10112xf32>
    %broadcast_in_dim3A = vector.shape_cast %reduce_sum3A_5 : vector<10112xf32> to vector<10112x1xf32>
    %mul3A = arith.constant 7.812500e-03 : f32
    %mul3A_6 = vector.broadcast %mul3A : f32 to vector<10112x1xf32>
    %mul3A_7 = arith.mulf %broadcast_in_dim3A, %mul3A_6 : vector<10112x1xf32>
    %jit3A = arith.constant 1.000000e+00 : f32
    %max3A = vector.broadcast %jit3A : f32 to vector<10112x1xf32>
    %max3A_8 = arith.maximumf %max3A, %mul3A_7 : vector<10112x1xf32>
    %rsqrt3A = math.rsqrt %max3A_8 : vector<10112x1xf32>
    %get3A_9 = arith.constant 0 : index
    %get3A_10 = arith.constant 0 : index
    %get3A_11 = arith.constant 0 : index
    %get3A_12 = vector.load %arg0[%get3A_9, %get3A_10, %get3A_11] : memref<2x10112x128xf32, #tpu.memory_space<vmem>>, vector<1x10112x128xf32>
    %get3A_13 = vector.shape_cast %get3A_12 : vector<1x10112x128xf32> to vector<10112x128xf32>
    %get3A_14 = arith.constant 1 : index
    %get3A_15 = arith.constant 0 : index
    %get3A_16 = arith.constant 0 : index
    %get3A_17 = vector.load %arg0[%get3A_14, %get3A_15, %get3A_16] : memref<2x10112x128xf32, #tpu.memory_space<vmem>>, vector<1x10112x128xf32>
    %get3A_18 = vector.shape_cast %get3A_17 : vector<1x10112x128xf32> to vector<10112x128xf32>
    %add3A_19 = arith.addf %get3A_13, %get3A_18 : vector<10112x128xf32>
    %mul3A_20 = vector.broadcast %rsqrt3A : vector<10112x1xf32> to vector<10112x128xf32>
    %mul3A_21 = arith.mulf %add3A_19, %mul3A_20 : vector<10112x128xf32>
    %get3A_22 = arith.constant 0 : index
    %get3A_23 = vector.load %arg3[%get3A_22] : memref<128xf32, #tpu.memory_space<vmem>>, vector<128xf32>
    %broadcast_in_dim3A_24 = vector.shape_cast %get3A_23 : vector<128xf32> to vector<1x128xf32>
    %add3A_25 = vector.broadcast %broadcast_in_dim3A_24 : vector<1x128xf32> to vector<10112x128xf32>
    %add3A_26 = arith.addf %mul3A_21, %add3A_25 : vector<10112x128xf32>
    %max3A_27 = arith.constant 0.000000e+00 : f32
    %max3A_28 = vector.broadcast %max3A_27 : f32 to vector<10112x128xf32>
    %max3A_29 = arith.maximumf %add3A_26, %max3A_28 : vector<10112x128xf32>
    %iota3A = tpu.iota {dimensions = array<i32: 0>} : vector<10112x1xi32>
    %lt3A = arith.constant 10000 : i32
    %lt3A_30 = vector.broadcast %lt3A : i32 to vector<10112x1xi32>
    %lt3A_31 = arith.cmpi slt, %iota3A, %lt3A_30 : vector<10112x1xi32>
    %jit3A_32 = arith.constant 0.000000e+00 : f32
    %broadcast_in_dim3A_33 = vector.shape_cast %lt3A_31 : vector<10112x1xi1> to vector<10112x1xi1>
    %broadcast_in_dim3A_34 = vector.broadcast %broadcast_in_dim3A_33 : vector<10112x1xi1> to vector<10112x128xi1>
    %broadcast_in_dim3A_35 = vector.broadcast %jit3A_32 : f32 to vector<10112x128xf32>
    %select_n3A = arith.select %broadcast_in_dim3A_34, %max3A_29, %broadcast_in_dim3A_35 : vector<10112x128xi1>, vector<10112x128xf32>
    %get3A_36 = arith.constant 0 : index
    %get3A_37 = arith.constant 0 : index
    %get3A_38 = vector.load %arg7[%get3A_36, %get3A_37] : memref<10112x128xf32, #tpu.memory_space<vmem>>, vector<10112x128xf32>
    %get3A_39 = arith.constant 0 : index
    %get3A_40 = arith.constant 0 : index
    %get3A_41 = vector.load %arg8[%get3A_39, %get3A_40] : memref<10112x128xf32, #tpu.memory_space<vmem>>, vector<10112x128xf32>
    %add3A_42 = arith.addf %get3A_38, %get3A_41 : vector<10112x128xf32>
    %reduce_sum3A_43 = arith.constant dense<0.000000e+00> : vector<10112xf32>
    %reduce_sum3A_44 = vector.multi_reduction <add>, %add3A_42, %reduce_sum3A_43 [1] : vector<10112x128xf32> to vector<10112xf32>
    %broadcast_in_dim3A_45 = vector.shape_cast %reduce_sum3A_44 : vector<10112xf32> to vector<10112x1xf32>
    %mul3A_46 = arith.constant 7.812500e-03 : f32
    %mul3A_47 = vector.broadcast %mul3A_46 : f32 to vector<10112x1xf32>
    %mul3A_48 = arith.mulf %broadcast_in_dim3A_45, %mul3A_47 : vector<10112x1xf32>
    %jit3A_49 = arith.constant 1.000000e+00 : f32
    %max3A_50 = vector.broadcast %jit3A_49 : f32 to vector<10112x1xf32>
    %max3A_51 = arith.maximumf %max3A_50, %mul3A_48 : vector<10112x1xf32>
    %rsqrt3A_52 = math.rsqrt %max3A_51 : vector<10112x1xf32>
    %get3A_53 = arith.constant 0 : index
    %get3A_54 = arith.constant 0 : index
    %get3A_55 = vector.load %arg4[%get3A_53, %get3A_54] : memref<128x128xf32, #tpu.memory_space<vmem>>, vector<128x128xf32>
    %dot_general3A = arith.constant dense<0.000000e+00> : vector<10112x128xf32>
    %dot_general3A_56 = tpu.matmul %select_n3A, %get3A_55, %dot_general3A {dimension_numbers = #tpu.dot_dimension_numbers<[1], [0], [0], [1], [0, 0, 1, 1], [], []>, transpose_lhs_hint = false} : vector<10112x128xf32>, vector<128x128xf32>, vector<10112x128xf32> -> vector<10112x128xf32>
    %get3A_57 = arith.constant 0 : index
    %get3A_58 = arith.constant 0 : index
    %get3A_59 = vector.load %arg6[%get3A_57, %get3A_58] : memref<10112x128xf32, #tpu.memory_space<vmem>>, vector<10112x128xf32>
    %get3A_60 = arith.constant 0 : index
    %get3A_61 = arith.constant 0 : index
    %get3A_62 = vector.load %arg5[%get3A_60, %get3A_61] : memref<128x128xf32, #tpu.memory_space<vmem>>, vector<128x128xf32>
    %dot_general3A_63 = arith.constant dense<0.000000e+00> : vector<10112x128xf32>
    %dot_general3A_64 = tpu.matmul %get3A_59, %get3A_62, %dot_general3A_63 {dimension_numbers = #tpu.dot_dimension_numbers<[1], [0], [0], [1], [0, 0, 1, 1], [], []>, transpose_lhs_hint = false} : vector<10112x128xf32>, vector<128x128xf32>, vector<10112x128xf32> -> vector<10112x128xf32>
    %add3A_65 = arith.addf %dot_general3A_56, %dot_general3A_64 : vector<10112x128xf32>
    %mul3A_66 = vector.broadcast %rsqrt3A_52 : vector<10112x1xf32> to vector<10112x128xf32>
    %mul3A_67 = arith.mulf %add3A_65, %mul3A_66 : vector<10112x128xf32>
    %swap3A = arith.constant 0 : index
    %swap3A_68 = arith.constant 0 : index
    %swap3A_69 = vector.load %arg9[%swap3A, %swap3A_68] : memref<10112x128xf32, #tpu.memory_space<vmem>>, vector<10112x128xf32>
    tpu.vector_store %arg9[%swap3A, %swap3A_68], %mul3A_67 {strides = array<i32>} : memref<10112x128xf32, #tpu.memory_space<vmem>>, vector<10112x128xf32>,
    return
  }
}

module attributes {stable_mosaic.version = 14 : i64} {
  func.func @_stage_c_body(%arg0: memref<2x10112x128xf32, #tpu.memory_space<vmem>>, %arg1: memref<10112x128xf32, #tpu.memory_space<vmem>>, %arg2: memref<10112x128xf32, #tpu.memory_space<vmem>>, %arg3: memref<128xf32, #tpu.memory_space<vmem>>, %arg4: memref<10112x128xf32, #tpu.memory_space<vmem>>) attributes {dimension_semantics = [], scalar_prefetch = 0 : i64, scratch_operands = 0 : i64, tpu.core_type = #tpu.core_type<tc>} {
    %get3A = arith.constant 0 : index
    %get3A_0 = arith.constant 0 : index
    %get3A_1 = vector.load %arg1[%get3A, %get3A_0] : memref<10112x128xf32, #tpu.memory_space<vmem>>, vector<10112x128xf32>
    %get3A_2 = arith.constant 0 : index
    %get3A_3 = arith.constant 0 : index
    %get3A_4 = vector.load %arg2[%get3A_2, %get3A_3] : memref<10112x128xf32, #tpu.memory_space<vmem>>, vector<10112x128xf32>
    %add3A = arith.addf %get3A_1, %get3A_4 : vector<10112x128xf32>
    %reduce_sum3A = arith.constant dense<0.000000e+00> : vector<10112xf32>
    %reduce_sum3A_5 = vector.multi_reduction <add>, %add3A, %reduce_sum3A [1] : vector<10112x128xf32> to vector<10112xf32>
    %broadcast_in_dim3A = vector.shape_cast %reduce_sum3A_5 : vector<10112xf32> to vector<10112x1xf32>
    %mul3A = arith.constant 7.812500e-03 : f32
    %mul3A_6 = vector.broadcast %mul3A : f32 to vector<10112x1xf32>
    %mul3A_7 = arith.mulf %broadcast_in_dim3A, %mul3A_6 : vector<10112x1xf32>
    %jit3A = arith.constant 1.000000e+00 : f32
    %max3A = vector.broadcast %jit3A : f32 to vector<10112x1xf32>
    %max3A_8 = arith.maximumf %max3A, %mul3A_7 : vector<10112x1xf32>
    %rsqrt3A = math.rsqrt %max3A_8 : vector<10112x1xf32>
    %get3A_9 = arith.constant 0 : index
    %get3A_10 = arith.constant 0 : index
    %get3A_11 = arith.constant 0 : index
    %get3A_12 = vector.load %arg0[%get3A_9, %get3A_10, %get3A_11] : memref<2x10112x128xf32, #tpu.memory_space<vmem>>, vector<1x10112x128xf32>
    %get3A_13 = vector.shape_cast %get3A_12 : vector<1x10112x128xf32> to vector<10112x128xf32>
    %get3A_14 = arith.constant 1 : index
    %get3A_15 = arith.constant 0 : index
    %get3A_16 = arith.constant 0 : index
    %get3A_17 = vector.load %arg0[%get3A_14, %get3A_15, %get3A_16] : memref<2x10112x128xf32, #tpu.memory_space<vmem>>, vector<1x10112x128xf32>
    %get3A_18 = vector.shape_cast %get3A_17 : vector<1x10112x128xf32> to vector<10112x128xf32>
    %add3A_19 = arith.addf %get3A_13, %get3A_18 : vector<10112x128xf32>
    %mul3A_20 = vector.broadcast %rsqrt3A : vector<10112x1xf32> to vector<10112x128xf32>
    %mul3A_21 = arith.mulf %add3A_19, %mul3A_20 : vector<10112x128xf32>
    %get3A_22 = arith.constant 0 : index
    %get3A_23 = vector.load %arg3[%get3A_22] : memref<128xf32, #tpu.memory_space<vmem>>, vector<128xf32>
    %broadcast_in_dim3A_24 = vector.shape_cast %get3A_23 : vector<128xf32> to vector<1x128xf32>
    %add3A_25 = vector.broadcast %broadcast_in_dim3A_24 : vector<1x128xf32> to vector<10112x128xf32>
    %add3A_26 = arith.addf %mul3A_21, %add3A_25 : vector<10112x128xf32>
    %max3A_27 = arith.constant 0.000000e+00 : f32
    %max3A_28 = vector.broadcast %max3A_27 : f32 to vector<10112x128xf32>
    %max3A_29 = arith.maximumf %add3A_26, %max3A_28 : vector<10112x128xf32>
    %mul3A_30 = arith.mulf %max3A_29, %max3A_29 : vector<10112x128xf32>
    %reduce_sum3A_31 = arith.constant dense<0.000000e+00> : vector<10112xf32>
    %reduce_sum3A_32 = vector.multi_reduction <add>, %mul3A_30, %reduce_sum3A_31 [1] : vector<10112x128xf32> to vector<10112xf32>
    %broadcast_in_dim3A_33 = vector.shape_cast %reduce_sum3A_32 : vector<10112xf32> to vector<10112x1xf32>
    %sqrt3A = math.sqrt %broadcast_in_dim3A_33 : vector<10112x1xf32>
    %max3A_34 = arith.constant 9.99999996E-13 : f32
    %max3A_35 = vector.broadcast %max3A_34 : f32 to vector<10112x1xf32>
    %max3A_36 = arith.maximumf %sqrt3A, %max3A_35 : vector<10112x1xf32>
    %div3A = vector.broadcast %max3A_36 : vector<10112x1xf32> to vector<10112x128xf32>
    %div3A_37 = arith.divf %max3A_29, %div3A : vector<10112x128xf32>
    %swap3A = arith.constant 0 : index
    %swap3A_38 = arith.constant 0 : index
    %swap3A_39 = vector.load %arg4[%swap3A, %swap3A_38] : memref<10112x128xf32, #tpu.memory_space<vmem>>, vector<10112x128xf32>
    tpu.vector_store %arg4[%swap3A, %swap3A_38], %div3A_37 {strides = array<i32>} : memref<10112x128xf32, #tpu.memory_space<vmem>>, vector<10112x128xf32>,
    return
  }
}

</mosaic_0001>

<sc_bundles>
// kernel: kernel.11.cloned.1.call-start
scs
__scs_entry_jumppad:
0x0: {  	(pc) =	sbr.rel $0x88, $3  }
0x1: {  	(tag) =	ssettag $0x0;
	lr =	simm.s32 $0x1  }
0x2: {  	[smem:$0x3F9A] =	sst lr;
	_ =	strace $0xD0000000  }
0x3: {  	_ = 	snop  }
0x4: {  	_ = 	snop  }
0x5: {  	_ = 	snop  }
0x6: {  	_ = 	snop  }
0x7: {  	_ = 	snop  }
__scs_overlays_trampoline_lowered:
0x8: {  	[smem:$0x3FA9] =	sst s0  }
0x9: {  	[smem:$0x3FAA] =	sst s1  }
0xa: {  	[smem:$0x3FAB] =	sst s2  }
0xb: {  	[smem:$0x3FAC] =	sst s3  }
0xc: {  	[smem:$0x3FAD] =	sst s4  }
0xd: {  	[smem:$0x3FAE] =	sst s5  }
0xe: {  	[smem:$0x3FAF] =	sst s6  }
0xf: {  	[smem:$0x3FB0] =	sst s7  }
0x10: {  	[smem:$0x3FB1] =	sst s8  }
0x11: {  	[smem:$0x3FB2] =	sst s9;
	s0 =	simm.s32 @!p0 $0x0  }
0x12: {  	s1 =	sld [smem:$0x3F98];
	s0 =	simm.s32 @p0 $0x1  }
0x13: {  	[smem:$0x3FB3] =	sst s0;
	s0 =	simm.s32 @!p1 $0x0  }
0x14: {  	s2 =	sld [smem:$0x3F97];
	s0 =	simm.s32 @p1 $0x1  }
0x15: {  	[smem:$0x3FB4] =	sst s0;
	s0 =	simm.s32 @!p2 $0x0  }
0x16: {  	s3 =	sld [smem:$0x3FDB];
	s0 =	simm.s32 @p2 $0x1  }
0x17: {  	s4 =	simm.s32 $0x1BF5;
	[smem:$0x3FB6] =	sst s0  }
0x18: {  	s0 =	sld [smem:$0x3F99];
	_ =	swait.ge [sflag:s4], $0x0  }
0x19: {  	s7 =	sld [smem:$0x3F9A]  }
0x1a: {  	s8 =	sadd.s32 $0xFFFFE003, lr  }
0x1b: {  	s9 =	sadd.s32 $0xFFFFFEF7, lr;
	s5 =	simm.s32 $0xFFFFFFFF;
	p2 =	slt.u32 s8, $0xFFFFF086  }
0x1c: {  	p1 =	slt.u32 s9, $0xF7A;
	s5 =	simm.s32 @!p2 $0x0  }
0x1d: {  	s5 =	simm.s32 @p1 $0x1;
	p0 =	seq.s32 s7, s2  }
0x1e: {  	s7 =	smul.u32 @!p0 $0xF7A, s2;
	p2 =	seq.s32 @!p0 s5, $0x0  }
0x1f: {  	s9 =	smul.u32 $0xF7A, s1;
	s8 =	simm.s32 @!p0 $0x1BF5;
	p2 =	por !p2, p0  }
0x20: {  	[sflag:s8] =	ssyncset.s32 @!p0 $0xFFFFF086;
	s6 =	sadd.s32 @!p0 s3, s7;
	s7 =	simm.s32 @!p0 $0x108  }
0x21: {  	s3 =	sadd.s32 s3, s9;
	s6 =	sadd.s32 @!p0 $0x88, s6;
	s7 =	simm.s32 @p2 $0x1082  }
0x22: {  	[simem:s7], [sflag:s8] =	dma.local @!p0 [hbm:s6], $0xF7A  }
0x23: {  	s9 =	sor.u32 $0xD0000000, s2;
	s6 =	simm.s32 $0x108;
	_ =	swait.ge @!p0 [sflag:s8], $0x0  }
0x24: {  	s3 =	sadd.s32 $0x88, s3;
	s6 =	simm.s32 @!p1 $0x1082;
	[sflag:s4] =	ssyncset.s32 $0xFFFFF086  }
0x25: {  	[simem:s6], [sflag:s4] =	dma.local [hbm:s3], $0xF7A  }
0x26: {  	[smem:$0x3F9A] =	sst s1;
	(tag) =	ssettag s2;
	_ =	strace s9  }
0x27: {  	s1 =	sld [smem:$0x3FAA]  }
0x28: {  	s2 =	sld [smem:$0x3FAB]  }
0x29: {  	s4 =	sld [smem:$0x3FAD]  }
0x2a: {  	p0 =	seq.s32 s5, $0x0;
	s5 =	sld [smem:$0x3FAE]  }
0x2b: {  	s6 =	sld [smem:$0x3FAF]  }
0x2c: {  	s7 =	sld [smem:$0x3FB0]  }
0x2d: {  	s3 =	simm.s32 $0x108;
	s8 =	sld [smem:$0x3FB1]  }
0x2e: {  	s3 =	simm.s32 @!p0 $0x1082;
	s9 =	sld [smem:$0x3FB2]  }
0x2f: {  	lr =	sadd.s32 s0, s3;
	s0 =	sld [smem:$0x3FA9]  }
0x30: {  	s3 =	sld [smem:$0x3FAC]  }
0x31: {  	[smem:$0x3FB5] =	sst s10  }
0x32: {  	s10 =	sld [smem:$0x3FB3];
	_ =	sdelay $0x3  }
0x33: {  	p0 =	seq.s32 s10, $0x1;
	s10 =	sld [smem:$0x3FB5];
	_ =	sdelay $0x3  }
0x34: {  	[smem:$0x3FB5] =	sst s10  }
0x35: {  	s10 =	sld [smem:$0x3FB4];
	_ =	sdelay $0x3  }
0x36: {  	p1 =	seq.s32 s10, $0x1;
	s10 =	sld [smem:$0x3FB5];
	_ =	sdelay $0x3  }
0x37: {  	[smem:$0x3FB5] =	sst s10  }
0x38: {  	s10 =	sld [smem:$0x3FB6]  }
0x39: {  	_ = 	snop;
	(pc) =	sbr.ind lr, $3  }
0x3a: {  	_ = 	snop  }
0x3b: {  	_ = 	snop  }
0x3c: {  	p2 =	seq.s32 s10, $0x1;
	s10 =	sld [smem:$0x3FB5]  }
0x3d: {  	_ =	shalt  }
0x3e: {  	_ =	shalt  }
0x3f: {  	_ =	shalt  }
0x40: {  	_ =	shalt  }
0x41: {  	_ =	shalt  }
0x42: {  	_ =	shalt  }
0x43: {  	_ =	shalt  }
0x44: {  	_ =	shalt  }
0x45: {  	_ =	shalt  }
0x46: {  	_ =	shalt  }
0x47: {  	_ =	shalt  }
0x48: {  	_ =	shalt  }
0x49: {  	_ =	shalt  }
0x4a: {  	_ =	shalt  }
0x4b: {  	_ =	shalt  }
0x4c: {  	_ =	shalt  }
0x4d: {  	_ =	shalt  }
0x4e: {  	_ =	shalt  }
0x4f: {  	_ =	shalt  }
0x50: {  	_ =	shalt  }
0x51: {  	_ =	shalt  }
0x52: {  	_ =	shalt  }
0x53: {  	_ =	shalt  }
0x54: {  	_ =	shalt  }
0x55: {  	_ =	shalt  }
0x56: {  	_ =	shalt  }
0x57: {  	_ =	shalt  }
0x58: {  	_ =	shalt  }
0x59: {  	_ =	shalt  }
0x5a: {  	_ =	shalt  }
0x5b: {  	_ =	shalt  }
0x5c: {  	_ =	shalt  }
0x5d: {  	_ =	shalt  }
0x5e: {  	_ =	shalt  }
0x5f: {  	_ =	shalt  }
0x60: {  	_ =	shalt  }
0x61: {  	_ =	shalt  }
0x62: {  	_ =	shalt  }
0x63: {  	_ =	shalt  }
0x64: {  	_ =	shalt  }
0x65: {  	_ =	shalt  }
0x66: {  	_ =	shalt  }
0x67: {  	_ =	shalt  }
0x68: {  	_ =	shalt  }
0x69: {  	_ =	shalt  }
0x6a: {  	_ =	shalt  }
0x6b: {  	_ =	shalt  }
0x6c: {  	_ =	shalt  }
0x6d: {  	_ =	shalt  }
0x6e: {  	_ =	shalt  }
0x6f: {  	_ =	shalt  }
0x70: {  	_ =	shalt  }
0x71: {  	_ =	shalt  }
0x72: {  	_ =	shalt  }
0x73: {  	_ =	shalt  }
0x74: {  	_ =	shalt  }
0x75: {  	_ =	shalt  }
0x76: {  	_ =	shalt  }
0x77: {  	_ =	shalt  }
0x78: {  	_ =	shalt  }
0x79: {  	_ =	shalt  }
0x7a: {  	_ =	shalt  }
0x7b: {  	_ =	shalt  }
0x7c: {  	_ =	shalt  }
0x7d: {  	_ =	shalt  }
0x7e: {  	_ =	shalt  }
0x7f: {  	_ =	shalt  }
0x80: {  	_ =	shalt  }
0x81: {  	_ =	shalt  }
0x82: {  	_ =	shalt  }
0x83: {  	_ =	shalt  }
0x84: {  	_ =	shalt  }
0x85: {  	_ =	shalt  }
0x86: {  	_ =	shalt  }
0x87: {  	_ =	shalt  }
.Lfunc_end0:
.L_simem_size_0:
called_computation.1_lowered:
.L_overlay_start_0:
0x88: {  	s2 =	sld [smem:$0x3FD9]  }
0x89: {  	s3 =	sld [smem:$0x3FFE];
	_ =	sdelay $0x1  }
0x8a: {  	s1 =	srdreg.scid  }
0x8b: {  	s0 =	sand.u32 $0x1, s1  }
0x8c: {  	s16 =	sshll.u32 s0, $0xA;
	s2 =	sadd.s32 s3, s2  }
0x8d: {  	s2 =	sadd.s32 s2, s16  }
0x8e: {  	[smem:$0x3FC1] =	sst s2  }
0x8f: {  	_ = 	snop  }
0x90: {  	(tm) =	ssettm $0x1  }
0x91: {  	s17 =	sld [smem:$0x3FFB];
	_ =	sdelay $0x3  }
0x92: {  	_ =	strace s17  }
0x93: {  	s2 =	sld [smem:$0x3FFC];
	_ =	sdelay $0x3  }
0x94: {  	_ =	strace s2  }
0x95: {  	s2 =	sld [smem:$0x3FFD];
	_ =	sdelay $0x3  }
0x96: {  	_ =	strace s2  }
0x97: {  	_ =	strace $0x8FFFFFFF  }
0x98: {  	s18 =	sld [smem:$0x3FDB];
	_ =	sdelay $0x1  }
0x99: {  	s19 =	simm.s32 $_scs_section_size  }
0x9a: {  	s4 =	simm.s32 $_size__tile_overlayer_lowered;
	s5 =	simm.s32 $_tile_overlayer_lowered  }
0x9b: {  	s22 =	simm.s32 $0x1BFF;
	s21 =	sshll.u32 s5, $0x1;
	s2 =	sadd.s32 s19, s18  }
0x9c: {  	s6 =	simm.s32 $0x0;
	s20 =	sshll.u32 s4, $0x1;
	s4 =	sadd.s32 s21, s2  }
0x9d: {  	[timem:s6], [sflag:s22] =	dma.local [hbm:s4], s20  }
0x9e: {  	_ =	swait.ge [sflag:s22], s20  }
0x9f: {  	s3 =	ssub.s32 $0x0, s20;
	[sflag:s22] =	ssyncset.done $0x0  }
0xa0: {  	[sflag:s22] =	ssyncadd.s32 s3;
	_ =	sdelay $0x1  }
0xa1: {  	s23 =	simm.s32 $0x1B8B  }
0xa2: {  	_ =	swait.ge [sflag:s23], $0x1  }
0xa3: {  	[sflag:s23] =	ssyncset.done $0x0  }
0xa4: {  	s25 =	simm.s32 $0x1B8E;
	s24 =	sld [smem:$0x3FFE];
	[sflag:s23] =	ssyncadd.s32 $0xFFFFFFFF  }
0xa5: {  	s26 =	simm.s32 $execute0_lowered;
	[smem:$0x3FD2] =	sst s25  }
0xa6: {  	s4 =	sshll.u32 s26, $0x1;
	_ =	strace $0x80000049;
	[dreg:$0x1] =	wrdreg $0xFFFFFFFF  }
0xa7: {  	s28 =	simm.s32 $_size_execute0_lowered;
	s2 =	sadd.s32 s2, s4;
	[dreg:$0x0] =	wrdreg $0x0  }
0xa8: {  	s4 =	sshll.u32 s28, $0x1;
	[dreg:$0x2] =	wrdreg s2  }
0xa9: {  	[dreg:$0x3] =	wrdreg s4  }
0xaa: {  	[dreg:$0x4] =	wrdreg $0xC0  }
0xab: {  	_ =	task [dreg:s6], $0x5FFFF  }
0xac: {  	[dreg:$0x1] =	wrdreg $0xFFFFFFFF  }
0xad: {  	[dreg:$0x0] =	wrdreg $0x60  }
0xae: {  	[dreg:$0x2] =	wrdreg s24  }
0xaf: {  	[dreg:$0x3] =	wrdreg $0x94000  }
0xb0: {  	[dreg:$0x4] =	wrdreg $0x9  }
0xb1: {  	_ =	task.clear_ibuf [dreg:s6], $0x5FFFF;
	_ =	strace $0x90000049  }
0xb2: {  	s29 =	simm.s32 $0x9;
	_ =	strace $0x8000004B  }
0xb3: {  	_ =	swait.ge [sflag:s29], $0x1  }
0xb4: {  	[sflag:s29] =	ssyncadd.s32 $0xFFFFFFFF  }
0xb5: {  	_ =	strace $0x9000004B  }
0xb6: {  	_ =	sfence  }
0xb7: {  	s30 =	sld [smem:$0x0];
	_ =	sdelay $0x2  }
0xb8: {  	s31 =	sshll.u32 s1, $0xD;
	s1 =	sshrl.u32 s1, $0x2  }
0xb9: {  	s3 =	sand.u32 $0x4000, s31;
	s1 =	sadd.s32 s1, s30  }
0xba: {  	s0 =	sor.u32 s3, s0;
	s1 =	sshll.u32 s1, $0x11  }
0xbb: {  	s0 =	sor.u32 s1, s0  }
0xbc: {  	s0 =	sadd.s32 $0x8F2B, s0  }
0xbd: {  	[sflag:s0] =	ssyncadd.remote.s32 $0x1  }
0xbe: {  	_ =	sfence.sel $0xFFFF  }
0xbf: {  	[dreg:$0x0] =	wrdreg $0xFFFFFFFF;
	(pc) =	sbr.abs _section_cstart, $3  }
0xc0: {  	[dreg:$0x1] =	wrdreg $0xFFFFFFFF  }
0xc1: {  	_ =	task.clear_ibuf [dreg:s6], $0x2FFFF;
	_ =	strace $0x9FFFFFFF  }
0xc2: {  	(tm) =	ssettm $0x7FFFFFFF  }
0xc3: {  	_ =	shalt  }
tec
execute0_lowered:
.L_overlay_start_1:
0x0: {  	(tag) =	ssettag $0x1  }
0x1: {  	s0 =	rddreg [dreg:$0x0]  }
0x2: {  	s2 =	rddreg [dreg:$0x1];
	s3 =	simm.s32 $0x0  }
0x3: {  	s12 =	stileid.u32;
	s1 =	srdreg.scid;
	s28 =	simm.s32 $0xB  }
0x4: {  	[smem:$0x7FF] =	sst s3;
	s8 =	smul.u32 $0x13C00, s12;
	s1 =	sand.u32 $0x1, s1  }
0x5: {  	s4 =	sadd.s32 $0xAB400, s0;
	s5 =	sadd.s32 $0xDCC00, s0;
	s6 =	sadd.s32 $0xD2C00, s0  }
0x6: {  	s7 =	sadd.s32 $0xE6C00, s0;
	s11 =	smul.u32 $0x4F000, s12;
	s15 =	sshll.u32 s12, $0x6  }
0x7: {  	_ =	strace $0x8000004A;
	s9 =	smul.u32 $0x13C000, s1;
	s29 =	sshll.u32 s1, $0x4  }
0x8: {  	s1 =	ssub.s32 $0x2, s1;
	s10 =	sshrl.u32 s8, $0x3;
	s30 =	sor.u32 s12, s29  }
0x9: {  	s31 =	sshrl.u32 s1, $0x1;
	s11 =	sshrl.u32 s11, $0x2;
	s12 =	sor.u32 $0x1C0D, s15  }
0xa: {  	s15 =	simm.s32 $0x5;
	s10 =	sadd.s32 s10, s0;
	s8 =	sadd.s32 s8, s9  }
0xb: {  	s13 =	smul.u32 $0x2800, s30;
	s11 =	sadd.s32 s11, s2;
	[dreg:$0x6] =	wrdreg s12  }
0xc: {  	s1 =	ssub.s32 s1, s31;
	s8 =	sshrl.u32 s8, $0x3;
	[dreg:$0x4] =	wrdreg s11  }
0xd: {  	s14 =	sadd.s32 $0xD400, s10;
	s31 =	smax.u32 s1, $0x1;
	s11 =	simm.s32 $0x4  }
0xe: {  	s0 =	sadd.s32 s8, s0;
	[dreg:$0x5] =	wrdreg s14;
	s16 =	sshrl.u32 s13, $0x3  }
0xf: {  	s8 =	smul.u32 $0x5000, s30;
	s18 =	sor.u32 $0x40, s13;
	s21 =	sor.u32 $0x80, s13  }
0x10: {  	s26 =	sor.u32 $0x100, s13;
	s29 =	sor.u32 $0x140, s13;
	[dreg:$0x3] =	wrdreg s13  }
0x11: {  	s30 =	sor.u32 $0x180, s13;
	[dreg:$0x14] =	wrdreg s31;
	s14 =	simm.s32 $0x100  }
0x12: {  	s13 =	simm.s32 $0x2;
	s17 =	sadd.s32 s5, s16;
	s10 =	sadd.s32 s6, s16  }
0x13: {  	s19 =	sshrl.u32 s18, $0x3;
	s9 =	sshll.u32 s18, $0x1;
	[dreg:$0x10] =	wrdreg s26  }
0x14: {  	s23 =	sshrl.u32 s21, $0x3;
	s25 =	sshll.u32 s21, $0x1;
	[dreg:$0x11] =	wrdreg s29  }
0x15: {  	[dreg:$0x12] =	wrdreg s30;
	s0 =	sadd.s32 $0x1AE400, s0;
	s16 =	simm.s32 $0x180  }
0x16: {  	s26 =	simm.s32 $0x7400;
	s18 =	simm.s32 $0x8;
	[dreg:$0x7] =	wrdreg s17  }
0x17: {  	s21 =	simm.s32 $0x0;
	[dreg:$0x8] =	wrdreg s10;
	s8 =	sadd.s32 s7, s8  }
0x18: {  	s20 =	sadd.s32 s5, s19;
	s22 =	sadd.s32 s7, s9;
	[dreg:$0x13] =	wrdreg s0  }
0x19: {  	s24 =	sadd.s32 s5, s23;
	s10 =	simm.s32 $0x40;
	[dreg:$0x9] =	wrdreg s8  }
0x1a: {  	s17 =	simm.s32 $0x380;
	s9 =	simm.s32 $0x7;
	[dreg:$0xa] =	wrdreg s20  }
.Ltmp0:
0x1b: {  	s0 =	simm.s32 $0xA;
	[dreg:$0xc] =	wrdreg s22;
	(pc) =	sbr.rel .LBB2_1-.Ltmp0, $4  }
0x1c: {  	s8 =	sadd.s32 s6, s19;
	[dreg:$0xd] =	wrdreg s24;
	s19 =	simm.s32 $0x3  }
0x1d: {  	s20 =	simm.s32 $0x5400;
	[dreg:$0xb] =	wrdreg s8;
	s8 =	sadd.s32 s6, s23  }
0x1e: {  	s24 =	simm.s32 $0x6;
	[dreg:$0xe] =	wrdreg s8;
	s8 =	sadd.s32 s7, s25  }
0x1f: {  	s25 =	simm.s32 $0x9;
	[dreg:$0xf] =	wrdreg s8;
	s8 =	simm.s32 $0xD  }
.LBB2_12:
0x20: {  	s1 =	simm.s32 $0xC  }
0x21: {  	_ =	swait.ge [sflag:s1], $0x2000  }
0x22: {  	[sflag:s1] =	ssyncset.done $0x0  }
0x23: {  	[sflag:s1] =	ssyncadd.s32 $0xFFFFE000  }
0x24: {  	[bflag:$0x0] =	sbarrier.arrive $0xFFFF  }
0x25: {  	s12 =	rddreg [dreg:$0x6]  }
0x26: {  	s30 =	rddreg [dreg:$0x13]  }
0x27: {  	s8 =	rddreg [dreg:$0x16]  }
0x28: {  	[hbm:s30], [sflag:s12] =	dma.local [spmem:s8], $0x2780  }
0x29: {  	s8 =	simm.s32 $0xD  }
0x2a: {  	_ =	swait.ge [sflag:s8], $0x2780  }
0x2b: {  	s21 =	rddreg [dreg:$0x15]  }
0x2c: {  	s31 =	rddreg [dreg:$0x14];
	s21 =	sadd.s32 $0x1, s21  }
0x2d: {  	p0 =	sne.s32 s21, s31  }
.Ltmp1:
0x2e: {  	_ = 	snop;
	(pc) =	sbr.rel @!p0 .LBB2_13-.Ltmp1, $3  }
0x2f: {  	_ =	sdelay $0x1  }
0x30: {  	[sflag:s8] =	ssyncset.done $0x0  }
0x31: {  	s14 =	simm.s32 $0x100;
	[sflag:s8] =	ssyncadd.s32 $0xFFFFD880  }
.LBB2_1:
0x32: {  	[dreg:$0x15] =	wrdreg s21  }
0x33: {  	s1 =	rddreg [dreg:$0x4]  }
0x34: {  	s29 =	rddreg [dreg:$0x5];
	s23 =	sshrl.u32 s1, $0x3  }
0x35: {  	[dreg:$0x16] =	wrdreg s23  }
0x36: {  	[spmem:s23], [sflag:s12] =	dma.local [hbm:s29], $0x2780  }
0x37: {  	_ =	swait.ge [sflag:s8], $0x2780  }
0x38: {  	[sflag:s8] =	ssyncset.done $0x0  }
0x39: {  	[sflag:s8] =	ssyncadd.s32 $0xFFFFD880  }
0x3a: {  	[bflag:$0x0] =	sbarrier.arrive $0xFFFF  }
0x3b: {  	s31 =	rddreg [dreg:$0x7]  }
0x3c: {  	[tilespmem:s3], [sflag:$0x1] =	stream.linear.gather [hbm4b:s31+s3], $0x40, $0x38;
	[tilespmem:$0x1D000] =	vst v63  }
0x3d: {  	s12 =	simm.s32 $0x200;
	s8 =	rddreg [dreg:$0x8]  }
0x3e: {  	[tilespmem:s12], [sflag:$0x1] =	stream.linear.gather [hbm4b:s8+s3], $0x40, $0x38;
	[tilespmem:$0x1D000] =	vst v63  }
0x3f: {  	s22 =	simm.s32 $0x400;
	s21 =	rddreg [dreg:$0x9]  }
0x40: {  	[tilespmem:s22], [sflag:$0x1] =	stream.linear.gather [hbm4b:s21+s3], $0x400, $0x38;
	[tilespmem:$0x1D000] =	vst v63  }
0x41: {  	s23 =	rddreg [dreg:$0xa];
	s8 =	simm.s32 $0x80  }
0x42: {  	[tilespmem:s8], [sflag:$0x2] =	stream.linear.gather [hbm4b:s23+s3], $0x40, $0x38;
	[tilespmem:$0x1D000] =	vst v63  }
0x43: {  	s29 =	rddreg [dreg:$0xb];
	s31 =	simm.s32 $0x280  }
0x44: {  	[tilespmem:s31], [sflag:$0x2] =	stream.linear.gather [hbm4b:s29+s3], $0x40, $0x38;
	[tilespmem:$0x1D000] =	vst v63  }
0x45: {  	s21 =	rddreg [dreg:$0xc];
	s22 =	simm.s32 $0x800  }
0x46: {  	[tilespmem:s22], [sflag:$0x2] =	stream.linear.gather [hbm4b:s21+s3], $0x400, $0x38;
	[tilespmem:$0x1D000] =	vst v63  }
0x47: {  	s23 =	rddreg [dreg:$0xd]  }
0x48: {  	[tilespmem:s14], [sflag:$0x3] =	stream.linear.gather [hbm4b:s23+s3], $0x40, $0x38;
	[tilespmem:$0x1D000] =	vst v63  }
0x49: {  	s29 =	rddreg [dreg:$0xe];
	s31 =	simm.s32 $0x300  }
0x4a: {  	[tilespmem:s31], [sflag:$0x3] =	stream.linear.gather [hbm4b:s29+s3], $0x40, $0x38;
	[tilespmem:$0x1D000] =	vst v63  }
0x4b: {  	s21 =	rddreg [dreg:$0xf];
	s22 =	simm.s32 $0xC00;
	s23 =	simm.s32 $0x1  }
0x4c: {  	[tilespmem:s22], [sflag:$0x3] =	stream.linear.gather [hbm4b:s21+s3], $0x400, $0x38;
	[tilespmem:$0x1D000] =	vst v63  }
0x4d: {  	_ =	swait.ge [sflag:s23], $0x40  }
0x4e: {  	[sflag:s23] =	ssyncset.done $0x0  }
0x4f: {  	[sflag:s23] =	ssyncadd.s32 $0xFFFFFFC0  }
0x50: {  	_ =	swait.ge [sflag:s23], $0x40  }
0x51: {  	[sflag:s23] =	ssyncset.done $0x0  }
0x52: {  	[sflag:s23] =	ssyncadd.s32 $0xFFFFFFC0  }
0x53: {  	_ =	swait.ge [sflag:s23], $0x400  }
0x54: {  	[sflag:s23] =	ssyncset.done $0x0  }
0x55: {  	s29 =	simm.s32 $0x1400;
	[sflag:s23] =	ssyncadd.s32 $0xFFFFFC00  }
0x56: {  	[tilespmem:s29], [sflag:$0x5] =	stream.indirect.gather [hbm4b:s4+s10], $0x80, s3, s10, $0xb8;
	[tilespmem:$0x1D000] =	vst v63  }
0x57: {  	_ =	swait.ge [sflag:s13], $0x40  }
0x58: {  	[sflag:s13] =	ssyncset.done $0x0  }
0x59: {  	[sflag:s13] =	ssyncadd.s32 $0xFFFFFFC0  }
0x5a: {  	_ =	swait.ge [sflag:s13], $0x40  }
0x5b: {  	[sflag:s13] =	ssyncset.done $0x0  }
0x5c: {  	[sflag:s13] =	ssyncadd.s32 $0xFFFFFFC0  }
0x5d: {  	_ =	swait.ge [sflag:s13], $0x400  }
0x5e: {  	[sflag:s13] =	ssyncset.done $0x0  }
0x5f: {  	s30 =	simm.s32 $0x0;
	s31 =	simm.s32 $0x3400;
	[sflag:s13] =	ssyncadd.s32 $0xFFFFFC00  }
0x60: {  	[tilespmem:s31], [sflag:$0x6] =	stream.indirect.gather [hbm4b:s4+s10], $0x80, s8, s10, $0xb8;
	[tilespmem:$0x1D000] =	vst v63  }
.LBB2_2:
0x61: {  	_ =	swait.ge [sflag:s15], $0x2000;
	s23 =	simm.s32 $0x0  }
0x62: {  	s21 =	simm.s32 $0x10;
	[sflag:s15] =	ssyncset.done $0x0;
	s8 =	sand.u32 $0xE00, s23  }
0x63: {  	s12 =	simm.s32 $0x1480;
	[sflag:s15] =	ssyncadd.s32 $0xFFFFE000;
	s8 =	sshrl.u32 s8, $0x2  }
0x64: {  	s21 =	sand.u32 $0x70, s21;
	s22 =	sand.u32 $0x60, s23;
	s8 =	sor.u32 $0x400, s8;
	v2 =	vld [tilespmem:s12+$0x70]  }
0x65: {  	v3 =	vld [tilespmem:s12+$0xFFFFFF80];
	s21 =	sor.u32 s21, s8;
	s8 =	sor.u32 s22, s8  }
0x66: {  	v1 =	vld [tilespmem:s8+$0x0]  }
0x67: {  	v0 =	vld [tilespmem:s21+$0x0]  }
0x68: {  	v4 =	vld [tilespmem:s12+$0xFFFFFF90]  }
0x69: {  	v5 =	vld [tilespmem:s12+$0xFFFFFFA0]  }
0x6a: {  	v7 =	vld [tilespmem:s12+$0xFFFFFFB0]  }
0x6b: {  	v8 =	vld [tilespmem:s12+$0xFFFFFFC0];
	v3 =	vmul.f32 v3, v1  }
0x6c: {  	v9 =	vld [tilespmem:s12+$0xFFFFFFD0];
	v2 =	vmul.f32 v2, v0  }
0x6d: {  	v10 =	vld [tilespmem:s12+$0xFFFFFFE0];
	[tilespmem:s12+$0xFFFFFF80] =	vst v3;
	v3 =	vmul.f32 v4, v1  }
0x6e: {  	v6 =	vld [tilespmem:s12+$0xFFFFFFF0];
	[tilespmem:s12+$0x70] =	vst v2;
	v2 =	vmul.f32 v5, v1  }
0x6f: {  	v5 =	vld [tilespmem:s12+$0x0];
	[tilespmem:s12+$0xFFFFFF90] =	vst v3;
	v3 =	vmul.f32 v7, v1  }
0x70: {  	v4 =	vld [tilespmem:s12+$0x10];
	[tilespmem:s12+$0xFFFFFFA0] =	vst v2;
	v7 =	vmul.f32 v8, v1  }
0x71: {  	v2 =	vld [tilespmem:s12+$0x20];
	v8 =	vmul.f32 v9, v1;
	[tilespmem:s12+$0xFFFFFFB0] =	vst v3  }
0x72: {  	s31 =	simm.s32 $0x1480;
	s8 =	simm.s32 $0x0;
	s21 =	simm.s32 $0x80;
	[tilespmem:s12+$0xFFFFFFC0] =	vst v7;
	v7 =	vmul.f32 v10, v1;
	v3 =	vld [tilespmem:s12+$0x30]  }
.LBB2_3:
0x73: {  	s22 =	sand.u32 $0xE00, s21;
	s8 =	sadd.s32 $0x2, s8;
	[tilespmem:s12+$0xFFFFFFD0] =	vst v8;
	v1 =	vmul.f32 v6, v1;
	v6 =	vld [tilespmem:s12+$0x40];
	s23 =	sadd.s32 $0x20, s23  }
0x74: {  	s22 =	sshrl.u32 s22, $0x2;
	s1 =	sadd.s32 $0x10, s23;
	p0 =	slt.u32 s8, $0x3E;
	[tilespmem:s12+$0xFFFFFFE0] =	vst v7;
	v5 =	vmul.f32 v5, v0;
	v7 =	vld [tilespmem:s12+$0x50]  }
0x75: {  	s12 =	sadd.s32 $0x100, s12;
	s22 =	sor.u32 $0x400, s22;
	s1 =	sand.u32 $0x70, s1;
	[tilespmem:s31+$0xFFFFFFF0] =	vst v1;
	v1 =	vmul.f32 v4, v0;
	v4 =	vld [tilespmem:s31+$0x60]  }
0x76: {  	s29 =	sand.u32 $0x60, s23;
	s1 =	sor.u32 s1, s22;
	v8 =	vld [tilespmem:s12+$0x70];
	[tilespmem:s31+$0x0] =	vst v5;
	v2 =	vmul.f32 v2, v0  }
0x77: {  	s22 =	sor.u32 s29, s22;
	v5 =	vld [tilespmem:s1+$0x0];
	[tilespmem:s31+$0x10] =	vst v1;
	v3 =	vmul.f32 v3, v0  }
0x78: {  	v1 =	vld [tilespmem:s22+$0x0];
	[tilespmem:s31+$0x20] =	vst v2;
	v2 =	vmul.f32 v6, v0  }
0x79: {  	v6 =	vld [tilespmem:s12+$0xFFFFFF80];
	[tilespmem:s31+$0x30] =	vst v3;
	v3 =	vmul.f32 v7, v0  }
0x7a: {  	v7 =	vld [tilespmem:s12+$0xFFFFFF90];
	[tilespmem:s31+$0x40] =	vst v2;
	v9 =	vmul.f32 v4, v0  }
0x7b: {  	v2 =	vld [tilespmem:s12+$0xFFFFFFA0];
	[tilespmem:s31+$0x50] =	vst v3  }
0x7c: {  	v3 =	vld [tilespmem:s12+$0xFFFFFFB0];
	v4 =	vmul.f32 v8, v5;
	[tilespmem:s31+$0x60] =	vst v9;
	v0 =	vmov v5;
	s31 =	smov.u32 s12  }
0x7d: {  	v8 =	vld [tilespmem:s12+$0xFFFFFFC0]  }
0x7e: {  	v5 =	vmul.f32 v6, v1;
	v9 =	vld [tilespmem:s12+$0xFFFFFFD0];
	[tilespmem:s12+$0x70] =	vst v4  }
0x7f: {  	v4 =	vmul.f32 v7, v1;
	v7 =	vld [tilespmem:s12+$0xFFFFFFE0]  }
.Ltmp2:
0x80: {  	[tilespmem:s12+$0xFFFFFF80] =	vst v5;
	v2 =	vmul.f32 v2, v1;
	v6 =	vld [tilespmem:s12+$0xFFFFFFF0];
	(pc) =	sbr.rel @p0 .LBB2_3-.Ltmp2, $4  }
0x81: {  	[tilespmem:s12+$0xFFFFFF90] =	vst v4;
	v3 =	vmul.f32 v3, v1;
	v5 =	vld [tilespmem:s12+$0x0]  }
0x82: {  	[tilespmem:s12+$0xFFFFFFA0] =	vst v2;
	v10 =	vmul.f32 v8, v1;
	v4 =	vld [tilespmem:s12+$0x10]  }
0x83: {  	[tilespmem:s12+$0xFFFFFFB0] =	vst v3;
	v8 =	vmul.f32 v9, v1;
	v2 =	vld [tilespmem:s12+$0x20]  }
0x84: {  	s21 =	sadd.s32 $0x80, s21;
	[tilespmem:s12+$0xFFFFFFC0] =	vst v10;
	v7 =	vmul.f32 v7, v1;
	v3 =	vld [tilespmem:s12+$0x30]  }
0x85: {  	[tilespmem:s12+$0xFFFFFFD0] =	vst v8;
	v1 =	vmul.f32 v6, v1;
	v6 =	vld [tilespmem:s12+$0x40]  }
0x86: {  	[tilespmem:s12+$0xFFFFFFE0] =	vst v7;
	v5 =	vmul.f32 v5, v0;
	v7 =	vld [tilespmem:s12+$0x50]  }
0x87: {  	[tilespmem:s31+$0xFFFFFFF0] =	vst v1;
	v1 =	vmul.f32 v4, v0;
	v4 =	vld [tilespmem:s31+$0x60]  }
0x88: {  	[tilespmem:s31+$0x0] =	vst v5;
	v2 =	vmul.f32 v2, v0  }
0x89: {  	[tilespmem:s31+$0x10] =	vst v1;
	v1 =	vmul.f32 v3, v0  }
0x8a: {  	[tilespmem:s31+$0x20] =	vst v2;
	v2 =	vmul.f32 v6, v0  }
0x8b: {  	[tilespmem:s31+$0x30] =	vst v1;
	v1 =	vmul.f32 v7, v0  }
0x8c: {  	[tilespmem:s31+$0x40] =	vst v2;
	v0 =	vmul.f32 v4, v0  }
0x8d: {  	p0 =	seq.s32 s30, $0x0;
	[tilespmem:s31+$0x50] =	vst v1  }
0x8e: {  	s1 =	simm.s32 @!p0 $0xC;
	[tilespmem:s31+$0x60] =	vst v0  }
0x8f: {  	s21 =	simm.s32 $0x200;
	_ =	swait.ge @!p0 [sflag:s1], $0x2000  }
0x90: {  	s31 =	sshll.u32 s30, $0x8;
	[sflag:s1] =	ssyncset.done @!p0 $0x0;
	s22 =	rddreg [dreg:$0x3]  }
0x91: {  	s8 =	simm.s32 $0x1400;
	[sflag:s1] =	ssyncadd.s32 @!p0 $0xFFFFE000;
	s1 =	sadd.s32 s31, s22  }
0x92: {  	[spmem:s2] =	stream.indirect.scatter.add.f32 [tilespmem:s8], [sflag:$0x9], $0x80, s21, s10, $0xb8;
	[tilespmem:$0x1D000] =	vst v63  }
0x93: {  	s1 =	sadd.s32 $0xC0, s1  }
0x94: {  	s23 =	sshrl.u32 s1, $0x3  }
0x95: {  	s12 =	simm.s32 $0x0;
	s21 =	sadd.s32 s5, s23  }
0x96: {  	[tilespmem:s16], [sflag:$0x4] =	stream.linear.gather [hbm4b:s21+s12], $0x40, $0x38;
	[tilespmem:$0x1D000] =	vst v63  }
0x97: {  	s1 =	sshll.u32 s1, $0x1;
	s8 =	sadd.s32 s6, s23  }
0x98: {  	[tilespmem:s17], [sflag:$0x4] =	stream.linear.gather [hbm4b:s8+s12], $0x40, $0x38;
	[tilespmem:$0x1D000] =	vst v63  }
0x99: {  	s29 =	simm.s32 $0x1000;
	s1 =	sadd.s32 s7, s1  }
0x9a: {  	[tilespmem:s29], [sflag:$0x4] =	stream.linear.gather [hbm4b:s1+s12], $0x400, $0x38;
	[tilespmem:$0x1D000] =	vst v63  }
0x9b: {  	_ =	swait.ge [sflag:s19], $0x40  }
0x9c: {  	[sflag:s19] =	ssyncset.done $0x0  }
0x9d: {  	[sflag:s19] =	ssyncadd.s32 $0xFFFFFFC0  }
0x9e: {  	_ =	swait.ge [sflag:s19], $0x40  }
0x9f: {  	[sflag:s19] =	ssyncset.done $0x0  }
0xa0: {  	[sflag:s19] =	ssyncadd.s32 $0xFFFFFFC0  }
0xa1: {  	_ =	swait.ge [sflag:s19], $0x400  }
0xa2: {  	[sflag:s19] =	ssyncset.done $0x0  }
0xa3: {  	s22 =	simm.s32 $0x10;
	[sflag:s19] =	ssyncadd.s32 $0xFFFFFC00  }
0xa4: {  	[tilespmem:s20], [sflag:$0x7] =	stream.indirect.gather [hbm4b:s4+s10], $0x80, s14, s10, $0xb8;
	[tilespmem:$0x1D000] =	vst v63  }
0xa5: {  	s23 =	simm.s32 $0x3480;
	s21 =	sand.u32 $0xE00, s12;
	_ =	swait.ge [sflag:s24], $0x2000  }
0xa6: {  	s8 =	sand.u32 $0x70, s22;
	s1 =	sshrl.u32 s21, $0x2;
	[sflag:s24] =	ssyncset.done $0x0  }
0xa7: {  	s29 =	sand.u32 $0x60, s12;
	s1 =	sor.u32 $0x800, s1;
	[sflag:s24] =	ssyncadd.s32 $0xFFFFE000  }
0xa8: {  	s8 =	sor.u32 s8, s1;
	s1 =	sor.u32 s29, s1;
	v2 =	vld [tilespmem:s23+$0x70]  }
0xa9: {  	v1 =	vld [tilespmem:s1+$0x0]  }
0xaa: {  	v3 =	vld [tilespmem:s23+$0xFFFFFF80]  }
0xab: {  	v0 =	vld [tilespmem:s8+$0x0]  }
0xac: {  	v4 =	vld [tilespmem:s23+$0xFFFFFF90]  }
0xad: {  	v5 =	vld [tilespmem:s23+$0xFFFFFFA0]  }
0xae: {  	v7 =	vld [tilespmem:s23+$0xFFFFFFB0]  }
0xaf: {  	v8 =	vld [tilespmem:s23+$0xFFFFFFC0];
	v3 =	vmul.f32 v3, v1  }
0xb0: {  	v9 =	vld [tilespmem:s23+$0xFFFFFFD0];
	v2 =	vmul.f32 v2, v0  }
0xb1: {  	v10 =	vld [tilespmem:s23+$0xFFFFFFE0];
	[tilespmem:s23+$0xFFFFFF80] =	vst v3;
	v3 =	vmul.f32 v4, v1  }
0xb2: {  	v6 =	vld [tilespmem:s23+$0xFFFFFFF0];
	[tilespmem:s23+$0x70] =	vst v2;
	v2 =	vmul.f32 v5, v1  }
0xb3: {  	v5 =	vld [tilespmem:s23+$0x0];
	[tilespmem:s23+$0xFFFFFF90] =	vst v3;
	v3 =	vmul.f32 v7, v1  }
0xb4: {  	v4 =	vld [tilespmem:s23+$0x10];
	[tilespmem:s23+$0xFFFFFFA0] =	vst v2;
	v7 =	vmul.f32 v8, v1  }
0xb5: {  	v2 =	vld [tilespmem:s23+$0x20];
	v8 =	vmul.f32 v9, v1;
	[tilespmem:s23+$0xFFFFFFB0] =	vst v3  }
0xb6: {  	s22 =	simm.s32 $0x80;
	s21 =	simm.s32 $0x0;
	s8 =	simm.s32 $0x3480;
	[tilespmem:s23+$0xFFFFFFC0] =	vst v7;
	v7 =	vmul.f32 v10, v1;
	v3 =	vld [tilespmem:s23+$0x30]  }
.LBB2_5:
0xb7: {  	s1 =	sand.u32 $0xE00, s22;
	s21 =	sadd.s32 $0x2, s21;
	[tilespmem:s23+$0xFFFFFFD0] =	vst v8;
	v1 =	vmul.f32 v6, v1;
	v6 =	vld [tilespmem:s23+$0x40];
	s12 =	sadd.s32 $0x20, s12  }
0xb8: {  	s1 =	sshrl.u32 s1, $0x2;
	s29 =	sadd.s32 $0x10, s12;
	p0 =	slt.u32 s21, $0x3E;
	[tilespmem:s23+$0xFFFFFFE0] =	vst v7;
	v5 =	vmul.f32 v5, v0;
	v7 =	vld [tilespmem:s23+$0x50]  }
0xb9: {  	s23 =	sadd.s32 $0x100, s23;
	s1 =	sor.u32 $0x800, s1;
	s29 =	sand.u32 $0x70, s29;
	[tilespmem:s8+$0xFFFFFFF0] =	vst v1;
	v1 =	vmul.f32 v4, v0;
	v4 =	vld [tilespmem:s8+$0x60]  }
0xba: {  	s14 =	sand.u32 $0x60, s12;
	s29 =	sor.u32 s29, s1;
	v8 =	vld [tilespmem:s23+$0x70];
	[tilespmem:s8+$0x0] =	vst v5;
	v2 =	vmul.f32 v2, v0  }
0xbb: {  	s1 =	sor.u32 s14, s1;
	v5 =	vld [tilespmem:s29+$0x0];
	[tilespmem:s8+$0x10] =	vst v1;
	v3 =	vmul.f32 v3, v0  }
0xbc: {  	v1 =	vld [tilespmem:s1+$0x0];
	[tilespmem:s8+$0x20] =	vst v2;
	v2 =	vmul.f32 v6, v0  }
0xbd: {  	v6 =	vld [tilespmem:s23+$0xFFFFFF80];
	[tilespmem:s8+$0x30] =	vst v3;
	v3 =	vmul.f32 v7, v0  }
0xbe: {  	v7 =	vld [tilespmem:s23+$0xFFFFFF90];
	[tilespmem:s8+$0x40] =	vst v2;
	v9 =	vmul.f32 v4, v0  }
0xbf: {  	v2 =	vld [tilespmem:s23+$0xFFFFFFA0];
	[tilespmem:s8+$0x50] =	vst v3  }
0xc0: {  	v3 =	vld [tilespmem:s23+$0xFFFFFFB0];
	v4 =	vmul.f32 v8, v5;
	[tilespmem:s8+$0x60] =	vst v9;
	v0 =	vmov v5;
	s8 =	smov.u32 s23  }
0xc1: {  	v8 =	vld [tilespmem:s23+$0xFFFFFFC0]  }
0xc2: {  	v5 =	vmul.f32 v6, v1;
	v9 =	vld [tilespmem:s23+$0xFFFFFFD0];
	[tilespmem:s23+$0x70] =	vst v4  }
0xc3: {  	v4 =	vmul.f32 v7, v1;
	v7 =	vld [tilespmem:s23+$0xFFFFFFE0]  }
.Ltmp3:
0xc4: {  	[tilespmem:s23+$0xFFFFFF80] =	vst v5;
	v2 =	vmul.f32 v2, v1;
	v6 =	vld [tilespmem:s23+$0xFFFFFFF0];
	(pc) =	sbr.rel @p0 .LBB2_5-.Ltmp3, $4  }
0xc5: {  	[tilespmem:s23+$0xFFFFFF90] =	vst v4;
	v3 =	vmul.f32 v3, v1;
	v5 =	vld [tilespmem:s23+$0x0]  }
0xc6: {  	[tilespmem:s23+$0xFFFFFFA0] =	vst v2;
	v10 =	vmul.f32 v8, v1;
	v4 =	vld [tilespmem:s23+$0x10]  }
0xc7: {  	[tilespmem:s23+$0xFFFFFFB0] =	vst v3;
	v8 =	vmul.f32 v9, v1;
	v2 =	vld [tilespmem:s23+$0x20]  }
0xc8: {  	s22 =	sadd.s32 $0x80, s22;
	[tilespmem:s23+$0xFFFFFFC0] =	vst v10;
	v7 =	vmul.f32 v7, v1;
	v3 =	vld [tilespmem:s23+$0x30]  }
0xc9: {  	[tilespmem:s23+$0xFFFFFFD0] =	vst v8;
	v1 =	vmul.f32 v6, v1;
	v6 =	vld [tilespmem:s23+$0x40]  }
0xca: {  	[tilespmem:s23+$0xFFFFFFE0] =	vst v7;
	v5 =	vmul.f32 v5, v0;
	v7 =	vld [tilespmem:s23+$0x50]  }
0xcb: {  	[tilespmem:s8+$0xFFFFFFF0] =	vst v1;
	v1 =	vmul.f32 v4, v0;
	v4 =	vld [tilespmem:s8+$0x60]  }
0xcc: {  	[tilespmem:s8+$0x0] =	vst v5;
	v2 =	vmul.f32 v2, v0  }
0xcd: {  	[tilespmem:s8+$0x10] =	vst v1;
	v1 =	vmul.f32 v3, v0  }
0xce: {  	[tilespmem:s8+$0x20] =	vst v2;
	v2 =	vmul.f32 v6, v0  }
0xcf: {  	[tilespmem:s8+$0x30] =	vst v1;
	v1 =	vmul.f32 v7, v0  }
0xd0: {  	[tilespmem:s8+$0x40] =	vst v2;
	v0 =	vmul.f32 v4, v0  }
0xd1: {  	[tilespmem:s8+$0x50] =	vst v1  }
0xd2: {  	[tilespmem:s8+$0x60] =	vst v0  }
0xd3: {  	_ =	swait.ge [sflag:s25], $0x2000  }
0xd4: {  	[sflag:s25] =	ssyncset.done $0x0  }
0xd5: {  	s1 =	simm.s32 $0x280;
	s14 =	simm.s32 $0x3400;
	[sflag:s25] =	ssyncadd.s32 $0xFFFFE000  }
0xd6: {  	[spmem:s2] =	stream.indirect.scatter.add.f32 [tilespmem:s14], [sflag:$0xA], $0x80, s1, s10, $0xb8;
	[tilespmem:$0x1D000] =	vst v63  }
0xd7: {  	p0 =	seq.s32 s30, $0x27;
	s1 =	rddreg [dreg:$0x10]  }
0xd8: {  	s1 =	sadd.s32 @!p0 s31, s1  }
0xd9: {  	s8 =	sshrl.u32 @!p0 s1, $0x3  }
0xda: {  	s14 =	simm.s32 @!p0 $0x0;
	s12 =	sadd.s32 @!p0 s5, s8  }
0xdb: {  	[tilespmem:s14], [sflag:$0x1] =	stream.linear.gather @!p0 [hbm4b:s12+s14], $0x40, $0x38;
	[tilespmem:$0x1D000] =	vst v63  }
0xdc: {  	s1 =	sshll.u32 @!p0 s1, $0x1;
	s8 =	sadd.s32 @!p0 s6, s8;
	s12 =	simm.s32 @!p0 $0x200  }
0xdd: {  	[tilespmem:s12], [sflag:$0x1] =	stream.linear.gather @!p0 [hbm4b:s8+s14], $0x40, $0x38;
	[tilespmem:$0x1D000] =	vst v63  }
0xde: {  	s1 =	sadd.s32 @!p0 s7, s1;
	s8 =	simm.s32 @!p0 $0x400  }
0xdf: {  	[tilespmem:s8], [sflag:$0x1] =	stream.linear.gather @!p0 [hbm4b:s1+s14], $0x400, $0x38;
	[tilespmem:$0x1D000] =	vst v63  }
0xe0: {  	_ =	swait.ge [sflag:s11], $0x40  }
0xe1: {  	[sflag:s11] =	ssyncset.done $0x0  }
0xe2: {  	[sflag:s11] =	ssyncadd.s32 $0xFFFFFFC0  }
0xe3: {  	_ =	swait.ge [sflag:s11], $0x40  }
0xe4: {  	[sflag:s11] =	ssyncset.done $0x0  }
0xe5: {  	[sflag:s11] =	ssyncadd.s32 $0xFFFFFFC0  }
0xe6: {  	_ =	swait.ge [sflag:s11], $0x400  }
0xe7: {  	[sflag:s11] =	ssyncset.done $0x0  }
0xe8: {  	s22 =	simm.s32 $0x10;
	s23 =	simm.s32 $0x0;
	[sflag:s11] =	ssyncadd.s32 $0xFFFFFC00  }
0xe9: {  	[tilespmem:s26], [sflag:$0x8] =	stream.indirect.gather [hbm4b:s4+s10], $0x80, s16, s10, $0xb8;
	[tilespmem:$0x1D000] =	vst v63  }
0xea: {  	s21 =	sand.u32 $0xE00, s23;
	s29 =	sand.u32 $0x60, s23;
	_ =	swait.ge [sflag:s9], $0x2000  }
0xeb: {  	s12 =	simm.s32 $0x5480;
	s1 =	sshrl.u32 s21, $0x2;
	[sflag:s9] =	ssyncset.done $0x0  }
0xec: {  	s8 =	sand.u32 $0x70, s22;
	s1 =	sor.u32 $0xC00, s1;
	[sflag:s9] =	ssyncadd.s32 $0xFFFFE000  }
0xed: {  	s8 =	sor.u32 s8, s1;
	s1 =	sor.u32 s29, s1;
	v2 =	vld [tilespmem:s12+$0x70]  }
0xee: {  	v1 =	vld [tilespmem:s1+$0x0]  }
0xef: {  	v3 =	vld [tilespmem:s12+$0xFFFFFF80]  }
0xf0: {  	v0 =	vld [tilespmem:s8+$0x0]  }
0xf1: {  	v4 =	vld [tilespmem:s12+$0xFFFFFF90]  }
0xf2: {  	v5 =	vld [tilespmem:s12+$0xFFFFFFA0]  }
0xf3: {  	v7 =	vld [tilespmem:s12+$0xFFFFFFB0]  }
0xf4: {  	v8 =	vld [tilespmem:s12+$0xFFFFFFC0];
	v3 =	vmul.f32 v3, v1  }
0xf5: {  	v9 =	vld [tilespmem:s12+$0xFFFFFFD0];
	v2 =	vmul.f32 v2, v0  }
0xf6: {  	v10 =	vld [tilespmem:s12+$0xFFFFFFE0];
	[tilespmem:s12+$0xFFFFFF80] =	vst v3;
	v3 =	vmul.f32 v4, v1  }
0xf7: {  	v6 =	vld [tilespmem:s12+$0xFFFFFFF0];
	[tilespmem:s12+$0x70] =	vst v2;
	v2 =	vmul.f32 v5, v1  }
0xf8: {  	v5 =	vld [tilespmem:s12+$0x0];
	[tilespmem:s12+$0xFFFFFF90] =	vst v3;
	v3 =	vmul.f32 v7, v1  }
0xf9: {  	v4 =	vld [tilespmem:s12+$0x10];
	[tilespmem:s12+$0xFFFFFFA0] =	vst v2;
	v7 =	vmul.f32 v8, v1  }
0xfa: {  	v2 =	vld [tilespmem:s12+$0x20];
	v8 =	vmul.f32 v9, v1;
	[tilespmem:s12+$0xFFFFFFB0] =	vst v3  }
0xfb: {  	s21 =	simm.s32 $0x0;
	s22 =	simm.s32 $0x80;
	s8 =	simm.s32 $0x5480;
	[tilespmem:s12+$0xFFFFFFC0] =	vst v7;
	v7 =	vmul.f32 v10, v1;
	v3 =	vld [tilespmem:s12+$0x30]  }
.LBB2_7:
0xfc: {  	s1 =	sand.u32 $0xE00, s22;
	s21 =	sadd.s32 $0x2, s21;
	[tilespmem:s12+$0xFFFFFFD0] =	vst v8;
	v1 =	vmul.f32 v6, v1;
	v6 =	vld [tilespmem:s12+$0x40];
	s23 =	sadd.s32 $0x20, s23  }
0xfd: {  	s1 =	sshrl.u32 s1, $0x2;
	s14 =	sadd.s32 $0x10, s23;
	p1 =	slt.u32 s21, $0x3E;
	[tilespmem:s12+$0xFFFFFFE0] =	vst v7;
	v5 =	vmul.f32 v5, v0;
	v7 =	vld [tilespmem:s12+$0x50]  }
0xfe: {  	s12 =	sadd.s32 $0x100, s12;
	s1 =	sor.u32 $0xC00, s1;
	s14 =	sand.u32 $0x70, s14;
	[tilespmem:s8+$0xFFFFFFF0] =	vst v1;
	v1 =	vmul.f32 v4, v0;
	v4 =	vld [tilespmem:s8+$0x60]  }
0xff: {  	s29 =	sand.u32 $0x60, s23;
	s14 =	sor.u32 s14, s1;
	v8 =	vld [tilespmem:s12+$0x70];
	[tilespmem:s8+$0x0] =	vst v5;
	v2 =	vmul.f32 v2, v0  }
0x100: {  	s1 =	sor.u32 s29, s1;
	v5 =	vld [tilespmem:s14+$0x0];
	[tilespmem:s8+$0x10] =	vst v1;
	v3 =	vmul.f32 v3, v0  }
0x101: {  	v1 =	vld [tilespmem:s1+$0x0];
	[tilespmem:s8+$0x20] =	vst v2;
	v2 =	vmul.f32 v6, v0  }
0x102: {  	v6 =	vld [tilespmem:s12+$0xFFFFFF80];
	[tilespmem:s8+$0x30] =	vst v3;
	v3 =	vmul.f32 v7, v0  }
0x103: {  	v7 =	vld [tilespmem:s12+$0xFFFFFF90];
	[tilespmem:s8+$0x40] =	vst v2;
	v9 =	vmul.f32 v4, v0  }
0x104: {  	v2 =	vld [tilespmem:s12+$0xFFFFFFA0];
	[tilespmem:s8+$0x50] =	vst v3  }
0x105: {  	v3 =	vld [tilespmem:s12+$0xFFFFFFB0];
	v4 =	vmul.f32 v8, v5;
	[tilespmem:s8+$0x60] =	vst v9;
	v0 =	vmov v5;
	s8 =	smov.u32 s12  }
0x106: {  	v8 =	vld [tilespmem:s12+$0xFFFFFFC0]  }
0x107: {  	v5 =	vmul.f32 v6, v1;
	v9 =	vld [tilespmem:s12+$0xFFFFFFD0];
	[tilespmem:s12+$0x70] =	vst v4  }
0x108: {  	v4 =	vmul.f32 v7, v1;
	v7 =	vld [tilespmem:s12+$0xFFFFFFE0]  }
.Ltmp4:
0x109: {  	[tilespmem:s12+$0xFFFFFF80] =	vst v5;
	v2 =	vmul.f32 v2, v1;
	v6 =	vld [tilespmem:s12+$0xFFFFFFF0];
	(pc) =	sbr.rel @p1 .LBB2_7-.Ltmp4, $4  }
0x10a: {  	[tilespmem:s12+$0xFFFFFF90] =	vst v4;
	v3 =	vmul.f32 v3, v1;
	v5 =	vld [tilespmem:s12+$0x0]  }
0x10b: {  	[tilespmem:s12+$0xFFFFFFA0] =	vst v2;
	v10 =	vmul.f32 v8, v1;
	v4 =	vld [tilespmem:s12+$0x10]  }
0x10c: {  	[tilespmem:s12+$0xFFFFFFB0] =	vst v3;
	v8 =	vmul.f32 v9, v1;
	v2 =	vld [tilespmem:s12+$0x20]  }
0x10d: {  	s22 =	sadd.s32 $0x80, s22;
	[tilespmem:s12+$0xFFFFFFC0] =	vst v10;
	v7 =	vmul.f32 v7, v1;
	v3 =	vld [tilespmem:s12+$0x30]  }
0x10e: {  	[tilespmem:s12+$0xFFFFFFD0] =	vst v8;
	v1 =	vmul.f32 v6, v1;
	v6 =	vld [tilespmem:s12+$0x40]  }
0x10f: {  	[tilespmem:s12+$0xFFFFFFE0] =	vst v7;
	v5 =	vmul.f32 v5, v0;
	v7 =	vld [tilespmem:s12+$0x50]  }
0x110: {  	[tilespmem:s8+$0xFFFFFFF0] =	vst v1;
	v1 =	vmul.f32 v4, v0;
	v4 =	vld [tilespmem:s8+$0x60]  }
0x111: {  	[tilespmem:s8+$0x0] =	vst v5;
	v2 =	vmul.f32 v2, v0  }
0x112: {  	[tilespmem:s8+$0x10] =	vst v1;
	v1 =	vmul.f32 v3, v0  }
0x113: {  	[tilespmem:s8+$0x20] =	vst v2;
	v2 =	vmul.f32 v6, v0  }
0x114: {  	[tilespmem:s8+$0x30] =	vst v1;
	v1 =	vmul.f32 v7, v0  }
0x115: {  	[tilespmem:s8+$0x40] =	vst v2;
	v0 =	vmul.f32 v4, v0  }
0x116: {  	[tilespmem:s8+$0x50] =	vst v1  }
0x117: {  	[tilespmem:s8+$0x60] =	vst v0  }
0x118: {  	_ =	swait.ge [sflag:s0], $0x2000  }
0x119: {  	[sflag:s0] =	ssyncset.done $0x0  }
0x11a: {  	s1 =	simm.s32 $0x300;
	[sflag:s0] =	ssyncadd.s32 $0xFFFFE000  }
0x11b: {  	[spmem:s2] =	stream.indirect.scatter.add.f32 [tilespmem:s20], [sflag:$0xB], $0x80, s1, s10, $0xb8;
	[tilespmem:$0x1D000] =	vst v63  }
0x11c: {  	s1 =	rddreg [dreg:$0x11]  }
0x11d: {  	s1 =	sadd.s32 @!p0 s31, s1  }
0x11e: {  	s8 =	sshrl.u32 @!p0 s1, $0x3  }
0x11f: {  	s14 =	simm.s32 @!p0 $0x0;
	s21 =	simm.s32 @!p0 $0x80;
	s12 =	sadd.s32 @!p0 s5, s8  }
0x120: {  	[tilespmem:s21], [sflag:$0x2] =	stream.linear.gather @!p0 [hbm4b:s12+s14], $0x40, $0x38;
	[tilespmem:$0x1D000] =	vst v63  }
0x121: {  	s1 =	sshll.u32 @!p0 s1, $0x1;
	s8 =	sadd.s32 @!p0 s6, s8;
	s12 =	simm.s32 @!p0 $0x280  }
0x122: {  	[tilespmem:s12], [sflag:$0x2] =	stream.linear.gather @!p0 [hbm4b:s8+s14], $0x40, $0x38;
	[tilespmem:$0x1D000] =	vst v63  }
0x123: {  	s1 =	sadd.s32 @!p0 s7, s1;
	s8 =	simm.s32 @!p0 $0x800  }
0x124: {  	[tilespmem:s8], [sflag:$0x2] =	stream.linear.gather @!p0 [hbm4b:s1+s14], $0x400, $0x38;
	[tilespmem:$0x1D000] =	vst v63  }
0x125: {  	s1 =	simm.s32 @!p0 $0x1  }
0x126: {  	_ =	swait.ge @!p0 [sflag:s1], $0x40  }
0x127: {  	[sflag:s1] =	ssyncset.done @!p0 $0x0  }
0x128: {  	[sflag:s1] =	ssyncadd.s32 @!p0 $0xFFFFFFC0  }
0x129: {  	_ =	swait.ge @!p0 [sflag:s1], $0x40  }
0x12a: {  	[sflag:s1] =	ssyncset.done @!p0 $0x0  }
0x12b: {  	[sflag:s1] =	ssyncadd.s32 @!p0 $0xFFFFFFC0  }
0x12c: {  	_ =	swait.ge @!p0 [sflag:s1], $0x400  }
0x12d: {  	s23 =	simm.s32 $0x0;
	s22 =	simm.s32 $0x10;
	[sflag:s1] =	ssyncset.done @!p0 $0x0  }
0x12e: {  	s8 =	simm.s32 @!p0 $0x1400;
	[sflag:s1] =	ssyncadd.s32 @!p0 $0xFFFFFC00;
	s1 =	simm.s32 @!p0 $0x40  }
0x12f: {  	[tilespmem:s8], [sflag:$0x5] =	stream.indirect.gather @!p0 [hbm4b:s4+s1], $0x80, s14, s1, $0xb8;
	[tilespmem:$0x1D000] =	vst v63  }
0x130: {  	s29 =	sand.u32 $0x60, s23;
	s21 =	sand.u32 $0xE00, s23;
	_ =	swait.ge [sflag:s18], $0x2000  }
0x131: {  	s12 =	simm.s32 $0x7480;
	s1 =	sshrl.u32 s21, $0x2;
	[sflag:s18] =	ssyncset.done $0x0  }
0x132: {  	s8 =	sand.u32 $0x70, s22;
	s1 =	sor.u32 $0x1000, s1;
	[sflag:s18] =	ssyncadd.s32 $0xFFFFE000  }
0x133: {  	s8 =	sor.u32 s8, s1;
	s1 =	sor.u32 s29, s1;
	v2 =	vld [tilespmem:s12+$0x70]  }
0x134: {  	v1 =	vld [tilespmem:s1+$0x0]  }
0x135: {  	v3 =	vld [tilespmem:s12+$0xFFFFFF80]  }
0x136: {  	v0 =	vld [tilespmem:s8+$0x0]  }
0x137: {  	v4 =	vld [tilespmem:s12+$0xFFFFFF90]  }
0x138: {  	v5 =	vld [tilespmem:s12+$0xFFFFFFA0]  }
0x139: {  	v7 =	vld [tilespmem:s12+$0xFFFFFFB0]  }
0x13a: {  	v8 =	vld [tilespmem:s12+$0xFFFFFFC0];
	v3 =	vmul.f32 v3, v1  }
0x13b: {  	v9 =	vld [tilespmem:s12+$0xFFFFFFD0];
	v2 =	vmul.f32 v2, v0  }
0x13c: {  	v10 =	vld [tilespmem:s12+$0xFFFFFFE0];
	[tilespmem:s12+$0xFFFFFF80] =	vst v3;
	v3 =	vmul.f32 v4, v1  }
0x13d: {  	v6 =	vld [tilespmem:s12+$0xFFFFFFF0];
	[tilespmem:s12+$0x70] =	vst v2;
	v2 =	vmul.f32 v5, v1  }
0x13e: {  	v5 =	vld [tilespmem:s12+$0x0];
	[tilespmem:s12+$0xFFFFFF90] =	vst v3;
	v3 =	vmul.f32 v7, v1  }
0x13f: {  	v4 =	vld [tilespmem:s12+$0x10];
	[tilespmem:s12+$0xFFFFFFA0] =	vst v2;
	v7 =	vmul.f32 v8, v1  }
0x140: {  	v2 =	vld [tilespmem:s12+$0x20];
	v8 =	vmul.f32 v9, v1;
	[tilespmem:s12+$0xFFFFFFB0] =	vst v3  }
0x141: {  	s21 =	simm.s32 $0x0;
	s22 =	simm.s32 $0x80;
	s8 =	simm.s32 $0x7480;
	[tilespmem:s12+$0xFFFFFFC0] =	vst v7;
	v7 =	vmul.f32 v10, v1;
	v3 =	vld [tilespmem:s12+$0x30]  }
.LBB2_9:
0x142: {  	s1 =	sand.u32 $0xE00, s22;
	s21 =	sadd.s32 $0x2, s21;
	[tilespmem:s12+$0xFFFFFFD0] =	vst v8;
	v1 =	vmul.f32 v6, v1;
	v6 =	vld [tilespmem:s12+$0x40];
	s23 =	sadd.s32 $0x20, s23  }
0x143: {  	s1 =	sshrl.u32 s1, $0x2;
	s14 =	sadd.s32 $0x10, s23;
	p1 =	slt.u32 s21, $0x3E;
	[tilespmem:s12+$0xFFFFFFE0] =	vst v7;
	v5 =	vmul.f32 v5, v0;
	v7 =	vld [tilespmem:s12+$0x50]  }
0x144: {  	s12 =	sadd.s32 $0x100, s12;
	s1 =	sor.u32 $0x1000, s1;
	s14 =	sand.u32 $0x70, s14;
	[tilespmem:s8+$0xFFFFFFF0] =	vst v1;
	v1 =	vmul.f32 v4, v0;
	v4 =	vld [tilespmem:s8+$0x60]  }
0x145: {  	s29 =	sand.u32 $0x60, s23;
	s14 =	sor.u32 s14, s1;
	v8 =	vld [tilespmem:s12+$0x70];
	[tilespmem:s8+$0x0] =	vst v5;
	v2 =	vmul.f32 v2, v0  }
0x146: {  	s1 =	sor.u32 s29, s1;
	v5 =	vld [tilespmem:s14+$0x0];
	[tilespmem:s8+$0x10] =	vst v1;
	v3 =	vmul.f32 v3, v0  }
0x147: {  	v1 =	vld [tilespmem:s1+$0x0];
	[tilespmem:s8+$0x20] =	vst v2;
	v2 =	vmul.f32 v6, v0  }
0x148: {  	v6 =	vld [tilespmem:s12+$0xFFFFFF80];
	[tilespmem:s8+$0x30] =	vst v3;
	v3 =	vmul.f32 v7, v0  }
0x149: {  	v7 =	vld [tilespmem:s12+$0xFFFFFF90];
	[tilespmem:s8+$0x40] =	vst v2;
	v9 =	vmul.f32 v4, v0  }
0x14a: {  	v2 =	vld [tilespmem:s12+$0xFFFFFFA0];
	[tilespmem:s8+$0x50] =	vst v3  }
0x14b: {  	v3 =	vld [tilespmem:s12+$0xFFFFFFB0];
	v4 =	vmul.f32 v8, v5;
	[tilespmem:s8+$0x60] =	vst v9;
	v0 =	vmov v5;
	s8 =	smov.u32 s12  }
0x14c: {  	v8 =	vld [tilespmem:s12+$0xFFFFFFC0]  }
0x14d: {  	v5 =	vmul.f32 v6, v1;
	v9 =	vld [tilespmem:s12+$0xFFFFFFD0];
	[tilespmem:s12+$0x70] =	vst v4  }
0x14e: {  	v4 =	vmul.f32 v7, v1;
	v7 =	vld [tilespmem:s12+$0xFFFFFFE0]  }
.Ltmp5:
0x14f: {  	[tilespmem:s12+$0xFFFFFF80] =	vst v5;
	v2 =	vmul.f32 v2, v1;
	v6 =	vld [tilespmem:s12+$0xFFFFFFF0];
	(pc) =	sbr.rel @p1 .LBB2_9-.Ltmp5, $4  }
0x150: {  	[tilespmem:s12+$0xFFFFFF90] =	vst v4;
	v3 =	vmul.f32 v3, v1;
	v5 =	vld [tilespmem:s12+$0x0]  }
0x151: {  	[tilespmem:s12+$0xFFFFFFA0] =	vst v2;
	v10 =	vmul.f32 v8, v1;
	v4 =	vld [tilespmem:s12+$0x10]  }
0x152: {  	[tilespmem:s12+$0xFFFFFFB0] =	vst v3;
	v8 =	vmul.f32 v9, v1;
	v2 =	vld [tilespmem:s12+$0x20]  }
0x153: {  	s22 =	sadd.s32 $0x80, s22;
	[tilespmem:s12+$0xFFFFFFC0] =	vst v10;
	v7 =	vmul.f32 v7, v1;
	v3 =	vld [tilespmem:s12+$0x30]  }
0x154: {  	[tilespmem:s12+$0xFFFFFFD0] =	vst v8;
	v1 =	vmul.f32 v6, v1;
	v56 =	vld [tilespmem:s12+$0x40]  }
0x155: {  	v57 =	vld [tilespmem:s12+$0x50];
	[tilespmem:s12+$0xFFFFFFE0] =	vst v7;
	v5 =	vmul.f32 v5, v0  }
0x156: {  	v59 =	vld [tilespmem:s8+$0x60];
	[tilespmem:s8+$0xFFFFFFF0] =	vst v1;
	v58 =	vmul.f32 v4, v0  }
0x157: {  	[tilespmem:s8+$0x0] =	vst v5;
	v2 =	vmul.f32 v2, v0  }
0x158: {  	[tilespmem:s8+$0x10] =	vst v58;
	v60 =	vmul.f32 v3, v0  }
0x159: {  	[tilespmem:s8+$0x20] =	vst v2;
	v61 =	vmul.f32 v56, v0  }
0x15a: {  	v62 =	vmul.f32 v57, v0;
	[tilespmem:s8+$0x30] =	vst v60  }
0x15b: {  	v63 =	vmul.f32 v59, v0;
	[tilespmem:s8+$0x40] =	vst v61  }
0x15c: {  	[tilespmem:s8+$0x50] =	vst v62  }
.Ltmp6:
0x15d: {  	[tilespmem:s8+$0x60] =	vst v63;
	(pc) =	sbr.rel @p0 .LBB2_12-.Ltmp6, $4  }
0x15e: {  	_ =	swait.ge [sflag:s28], $0x2000  }
0x15f: {  	[sflag:s28] =	ssyncset.done $0x0  }
0x160: {  	[sflag:s28] =	ssyncadd.s32 $0xFFFFE000  }
0x161: {  	[spmem:s2] =	stream.indirect.scatter.add.f32 [tilespmem:s26], [sflag:$0xC], $0x80, s17, s10, $0xb8;
	[tilespmem:$0x1D000] =	vst v63  }
0x162: {  	s1 =	rddreg [dreg:$0x12]  }
0x163: {  	s1 =	sadd.s32 s31, s1  }
0x164: {  	s8 =	sshrl.u32 s1, $0x3  }
0x165: {  	s14 =	simm.s32 $0x100;
	s12 =	sadd.s32 s5, s8  }
0x166: {  	[tilespmem:s14], [sflag:$0x3] =	stream.linear.gather [hbm4b:s12+s3], $0x40, $0x38;
	[tilespmem:$0x1D000] =	vst v63  }
0x167: {  	s22 =	simm.s32 $0x300;
	s1 =	sshll.u32 s1, $0x1;
	s8 =	sadd.s32 s6, s8  }
0x168: {  	[tilespmem:s22], [sflag:$0x3] =	stream.linear.gather [hbm4b:s8+s3], $0x40, $0x38;
	[tilespmem:$0x1D000] =	vst v63  }
0x169: {  	s23 =	simm.s32 $0xC00;
	s1 =	sadd.s32 s7, s1  }
0x16a: {  	[tilespmem:s23], [sflag:$0x3] =	stream.linear.gather [hbm4b:s1+s3], $0x400, $0x38;
	[tilespmem:$0x1D000] =	vst v63  }
0x16b: {  	_ =	swait.ge [sflag:s13], $0x40  }
0x16c: {  	[sflag:s13] =	ssyncset.done $0x0  }
0x16d: {  	[sflag:s13] =	ssyncadd.s32 $0xFFFFFFC0  }
0x16e: {  	_ =	swait.ge [sflag:s13], $0x40  }
0x16f: {  	[sflag:s13] =	ssyncset.done $0x0  }
.Ltmp7:
0x170: {  	[sflag:s13] =	ssyncadd.s32 $0xFFFFFFC0;
	(pc) =	sbr.rel .LBB2_2-.Ltmp7, $4  }
0x171: {  	_ =	swait.ge [sflag:s13], $0x400  }
0x172: {  	s29 =	simm.s32 $0x80;
	[sflag:s13] =	ssyncset.done $0x0  }
0x173: {  	s30 =	sadd.s32 $0x1, s30;
	s31 =	simm.s32 $0x3400;
	[sflag:s13] =	ssyncadd.s32 $0xFFFFFC00  }
0x174: {  	[tilespmem:s31], [sflag:$0x6] =	stream.indirect.gather [hbm4b:s4+s10], $0x80, s29, s10, $0xb8;
	[tilespmem:$0x1D000] =	vst v63  }
.LBB2_13:
0x175: {  	_ =	sfence.sel $0x180000  }
0x176: {  	[bflag:$0x0] =	sbarrier.arrive $0xFFFF  }
0x177: {  	_ =	strace $0x9000004A  }
0x178: {  	s0 =	stileid.u32;
	[bflag:$0x2] =	sbarrier.arrive $0xFFFF  }
0x179: {  	p0 =	sne.s32 s0, $0x0;
	s0 =	rddreg [dreg:$0x2]  }
0x17a: {  	s0 =	sadd.s32 @!p0 $0x100000, s0  }
0x17b: {  	[sflag:s0] =	ssyncadd.tile.s32 @!p0 $0x1;
	_ =	shalt  }
.Lfunc_end2:
_tile_overlayer_lowered:
.L_overlay_start_2:
0x17c: {  	(tag) =	ssettag $0x2  }
0x17d: {  	s0 =	rddreg [dreg:$0x0];
	s2 =	stileid.u32  }
0x17e: {  	s1 =	rddreg [dreg:$0x1];
	p0 =	sne.s32 s2, $0x0  }
0x17f: {  	s3 =	rddreg [dreg:$0x2];
	[bflag:$0x3] =	sbarrier.arrive $0xFFFF;
	s2 =	simm.s32 @!p0 $0x1C0D  }
0x180: {  	[timem:s3], [sflag:s2] =	dma.local @!p0 [hbm:s0], s1  }
0x181: {  	s0 =	simm.s32 @!p0 $0xD  }
0x182: {  	_ =	swait.ge @!p0 [sflag:s0], s1  }
0x183: {  	s1 =	ssub.s32 @!p0 $0x0, s1;
	[sflag:s0] =	ssyncset.done @!p0 $0x0  }
0x184: {  	[sflag:s0] =	ssyncadd.s32 @!p0 s1  }
0x185: {  	[bflag:$0x3] =	sbarrier.arrive $0xFFFF  }
0x186: {  	_ =	shalt  }

// kernel: kernel.14.cloned.1.call-start
scs
__scs_entry_jumppad:
0x0: {  	(pc) =	sbr.rel $0x88, $3  }
0x1: {  	(tag) =	ssettag $0x0;
	lr =	simm.s32 $0x1  }
0x2: {  	[smem:$0x3F9A] =	sst lr;
	_ =	strace $0xD0000000  }
0x3: {  	_ = 	snop  }
0x4: {  	_ = 	snop  }
0x5: {  	_ = 	snop  }
0x6: {  	_ = 	snop  }
0x7: {  	_ = 	snop  }
__scs_overlays_trampoline_lowered:
0x8: {  	[smem:$0x3FA9] =	sst s0  }
0x9: {  	[smem:$0x3FAA] =	sst s1  }
0xa: {  	[smem:$0x3FAB] =	sst s2  }
0xb: {  	[smem:$0x3FAC] =	sst s3  }
0xc: {  	[smem:$0x3FAD] =	sst s4  }
0xd: {  	[smem:$0x3FAE] =	sst s5  }
0xe: {  	[smem:$0x3FAF] =	sst s6  }
0xf: {  	[smem:$0x3FB0] =	sst s7  }
0x10: {  	[smem:$0x3FB1] =	sst s8  }
0x11: {  	[smem:$0x3FB2] =	sst s9;
	s0 =	simm.s32 @!p0 $0x0  }
0x12: {  	s1 =	sld [smem:$0x3F98];
	s0 =	simm.s32 @p0 $0x1  }
0x13: {  	[smem:$0x3FB3] =	sst s0;
	s0 =	simm.s32 @!p1 $0x0  }
0x14: {  	s2 =	sld [smem:$0x3F97];
	s0 =	simm.s32 @p1 $0x1  }
0x15: {  	[smem:$0x3FB4] =	sst s0;
	s0 =	simm.s32 @!p2 $0x0  }
0x16: {  	s3 =	sld [smem:$0x3FDB];
	s0 =	simm.s32 @p2 $0x1  }
0x17: {  	s4 =	simm.s32 $0x1BF5;
	[smem:$0x3FB6] =	sst s0  }
0x18: {  	s0 =	sld [smem:$0x3F99];
	_ =	swait.ge [sflag:s4], $0x0  }
0x19: {  	s7 =	sld [smem:$0x3F9A]  }
0x1a: {  	s8 =	sadd.s32 $0xFFFFE003, lr  }
0x1b: {  	s9 =	sadd.s32 $0xFFFFFEF7, lr;
	s5 =	simm.s32 $0xFFFFFFFF;
	p2 =	slt.u32 s8, $0xFFFFF086  }
0x1c: {  	p1 =	slt.u32 s9, $0xF7A;
	s5 =	simm.s32 @!p2 $0x0  }
0x1d: {  	s5 =	simm.s32 @p1 $0x1;
	p0 =	seq.s32 s7, s2  }
0x1e: {  	s7 =	smul.u32 @!p0 $0xF7A, s2;
	p2 =	seq.s32 @!p0 s5, $0x0  }
0x1f: {  	s9 =	smul.u32 $0xF7A, s1;
	s8 =	simm.s32 @!p0 $0x1BF5;
	p2 =	por !p2, p0  }
0x20: {  	[sflag:s8] =	ssyncset.s32 @!p0 $0xFFFFF086;
	s6 =	sadd.s32 @!p0 s3, s7;
	s7 =	simm.s32 @!p0 $0x108  }
0x21: {  	s3 =	sadd.s32 s3, s9;
	s6 =	sadd.s32 @!p0 $0x88, s6;
	s7 =	simm.s32 @p2 $0x1082  }
0x22: {  	[simem:s7], [sflag:s8] =	dma.local @!p0 [hbm:s6], $0xF7A  }
0x23: {  	s9 =	sor.u32 $0xD0000000, s2;
	s6 =	simm.s32 $0x108;
	_ =	swait.ge @!p0 [sflag:s8], $0x0  }
0x24: {  	s3 =	sadd.s32 $0x88, s3;
	s6 =	simm.s32 @!p1 $0x1082;
	[sflag:s4] =	ssyncset.s32 $0xFFFFF086  }
0x25: {  	[simem:s6], [sflag:s4] =	dma.local [hbm:s3], $0xF7A  }
0x26: {  	[smem:$0x3F9A] =	sst s1;
	(tag) =	ssettag s2;
	_ =	strace s9  }
0x27: {  	s1 =	sld [smem:$0x3FAA]  }
0x28: {  	s2 =	sld [smem:$0x3FAB]  }
0x29: {  	s4 =	sld [smem:$0x3FAD]  }
0x2a: {  	p0 =	seq.s32 s5, $0x0;
	s5 =	sld [smem:$0x3FAE]  }
0x2b: {  	s6 =	sld [smem:$0x3FAF]  }
0x2c: {  	s7 =	sld [smem:$0x3FB0]  }
0x2d: {  	s3 =	simm.s32 $0x108;
	s8 =	sld [smem:$0x3FB1]  }
0x2e: {  	s3 =	simm.s32 @!p0 $0x1082;
	s9 =	sld [smem:$0x3FB2]  }
0x2f: {  	lr =	sadd.s32 s0, s3;
	s0 =	sld [smem:$0x3FA9]  }
0x30: {  	s3 =	sld [smem:$0x3FAC]  }
0x31: {  	[smem:$0x3FB5] =	sst s10  }
0x32: {  	s10 =	sld [smem:$0x3FB3];
	_ =	sdelay $0x3  }
0x33: {  	p0 =	seq.s32 s10, $0x1;
	s10 =	sld [smem:$0x3FB5];
	_ =	sdelay $0x3  }
0x34: {  	[smem:$0x3FB5] =	sst s10  }
0x35: {  	s10 =	sld [smem:$0x3FB4];
	_ =	sdelay $0x3  }
0x36: {  	p1 =	seq.s32 s10, $0x1;
	s10 =	sld [smem:$0x3FB5];
	_ =	sdelay $0x3  }
0x37: {  	[smem:$0x3FB5] =	sst s10  }
0x38: {  	s10 =	sld [smem:$0x3FB6]  }
0x39: {  	_ = 	snop;
	(pc) =	sbr.ind lr, $3  }
0x3a: {  	_ = 	snop  }
0x3b: {  	_ = 	snop  }
0x3c: {  	p2 =	seq.s32 s10, $0x1;
	s10 =	sld [smem:$0x3FB5]  }
0x3d: {  	_ =	shalt  }
0x3e: {  	_ =	shalt  }
0x3f: {  	_ =	shalt  }
0x40: {  	_ =	shalt  }
0x41: {  	_ =	shalt  }
0x42: {  	_ =	shalt  }
0x43: {  	_ =	shalt  }
0x44: {  	_ =	shalt  }
0x45: {  	_ =	shalt  }
0x46: {  	_ =	shalt  }
0x47: {  	_ =	shalt  }
0x48: {  	_ =	shalt  }
0x49: {  	_ =	shalt  }
0x4a: {  	_ =	shalt  }
0x4b: {  	_ =	shalt  }
0x4c: {  	_ =	shalt  }
0x4d: {  	_ =	shalt  }
0x4e: {  	_ =	shalt  }
0x4f: {  	_ =	shalt  }
0x50: {  	_ =	shalt  }
0x51: {  	_ =	shalt  }
0x52: {  	_ =	shalt  }
0x53: {  	_ =	shalt  }
0x54: {  	_ =	shalt  }
0x55: {  	_ =	shalt  }
0x56: {  	_ =	shalt  }
0x57: {  	_ =	shalt  }
0x58: {  	_ =	shalt  }
0x59: {  	_ =	shalt  }
0x5a: {  	_ =	shalt  }
0x5b: {  	_ =	shalt  }
0x5c: {  	_ =	shalt  }
0x5d: {  	_ =	shalt  }
0x5e: {  	_ =	shalt  }
0x5f: {  	_ =	shalt  }
0x60: {  	_ =	shalt  }
0x61: {  	_ =	shalt  }
0x62: {  	_ =	shalt  }
0x63: {  	_ =	shalt  }
0x64: {  	_ =	shalt  }
0x65: {  	_ =	shalt  }
0x66: {  	_ =	shalt  }
0x67: {  	_ =	shalt  }
0x68: {  	_ =	shalt  }
0x69: {  	_ =	shalt  }
0x6a: {  	_ =	shalt  }
0x6b: {  	_ =	shalt  }
0x6c: {  	_ =	shalt  }
0x6d: {  	_ =	shalt  }
0x6e: {  	_ =	shalt  }
0x6f: {  	_ =	shalt  }
0x70: {  	_ =	shalt  }
0x71: {  	_ =	shalt  }
0x72: {  	_ =	shalt  }
0x73: {  	_ =	shalt  }
0x74: {  	_ =	shalt  }
0x75: {  	_ =	shalt  }
0x76: {  	_ =	shalt  }
0x77: {  	_ =	shalt  }
0x78: {  	_ =	shalt  }
0x79: {  	_ =	shalt  }
0x7a: {  	_ =	shalt  }
0x7b: {  	_ =	shalt  }
0x7c: {  	_ =	shalt  }
0x7d: {  	_ =	shalt  }
0x7e: {  	_ =	shalt  }
0x7f: {  	_ =	shalt  }
0x80: {  	_ =	shalt  }
0x81: {  	_ =	shalt  }
0x82: {  	_ =	shalt  }
0x83: {  	_ =	shalt  }
0x84: {  	_ =	shalt  }
0x85: {  	_ =	shalt  }
0x86: {  	_ =	shalt  }
0x87: {  	_ =	shalt  }
.Lfunc_end0:
.L_simem_size_0:
called_computation.2_lowered:
.L_overlay_start_0:
0x88: {  	s2 =	sld [smem:$0x3FD9]  }
0x89: {  	s3 =	sld [smem:$0x3FFE];
	_ =	sdelay $0x1  }
0x8a: {  	s1 =	srdreg.scid  }
0x8b: {  	s0 =	sand.u32 $0x1, s1  }
0x8c: {  	s16 =	sshll.u32 s0, $0xA;
	s2 =	sadd.s32 s3, s2  }
0x8d: {  	s2 =	sadd.s32 s2, s16  }
0x8e: {  	[smem:$0x3FC1] =	sst s2  }
0x8f: {  	_ = 	snop  }
0x90: {  	(tm) =	ssettm $0x1  }
0x91: {  	s17 =	sld [smem:$0x3FFB];
	_ =	sdelay $0x3  }
0x92: {  	_ =	strace s17  }
0x93: {  	s2 =	sld [smem:$0x3FFC];
	_ =	sdelay $0x3  }
0x94: {  	_ =	strace s2  }
0x95: {  	s2 =	sld [smem:$0x3FFD];
	_ =	sdelay $0x3  }
0x96: {  	_ =	strace s2  }
0x97: {  	_ =	strace $0x8FFFFFFF  }
0x98: {  	s18 =	sld [smem:$0x3FDB];
	_ =	sdelay $0x1  }
0x99: {  	s19 =	simm.s32 $_scs_section_size  }
0x9a: {  	s4 =	simm.s32 $_size__tile_overlayer_lowered;
	s5 =	simm.s32 $_tile_overlayer_lowered  }
0x9b: {  	s22 =	simm.s32 $0x1BFF;
	s21 =	sshll.u32 s5, $0x1;
	s2 =	sadd.s32 s19, s18  }
0x9c: {  	s6 =	simm.s32 $0x0;
	s20 =	sshll.u32 s4, $0x1;
	s4 =	sadd.s32 s21, s2  }
0x9d: {  	[timem:s6], [sflag:s22] =	dma.local [hbm:s4], s20  }
0x9e: {  	_ =	swait.ge [sflag:s22], s20  }
0x9f: {  	s3 =	ssub.s32 $0x0, s20;
	[sflag:s22] =	ssyncset.done $0x0  }
0xa0: {  	[sflag:s22] =	ssyncadd.s32 s3;
	_ =	sdelay $0x1  }
0xa1: {  	s23 =	simm.s32 $0x1B8B  }
0xa2: {  	_ =	swait.ge [sflag:s23], $0x1  }
0xa3: {  	[sflag:s23] =	ssyncset.done $0x0  }
0xa4: {  	s25 =	simm.s32 $0x1B8E;
	s24 =	sld [smem:$0x3FFE];
	[sflag:s23] =	ssyncadd.s32 $0xFFFFFFFF  }
0xa5: {  	s26 =	simm.s32 $execute0_lowered;
	[smem:$0x3FD2] =	sst s25  }
0xa6: {  	s4 =	sshll.u32 s26, $0x1;
	_ =	strace $0x8000004C;
	[dreg:$0x1] =	wrdreg $0xFFFFFFFF  }
0xa7: {  	s28 =	simm.s32 $_size_execute0_lowered;
	s2 =	sadd.s32 s2, s4;
	[dreg:$0x0] =	wrdreg $0x0  }
0xa8: {  	s4 =	sshll.u32 s28, $0x1;
	[dreg:$0x2] =	wrdreg s2  }
0xa9: {  	[dreg:$0x3] =	wrdreg s4  }
0xaa: {  	[dreg:$0x4] =	wrdreg $0xC0  }
0xab: {  	_ =	task [dreg:s6], $0x5FFFF  }
0xac: {  	[dreg:$0x1] =	wrdreg $0xFFFFFFFF  }
0xad: {  	[dreg:$0x0] =	wrdreg $0x60  }
0xae: {  	[dreg:$0x2] =	wrdreg s24  }
0xaf: {  	[dreg:$0x3] =	wrdreg $0x94000  }
0xb0: {  	[dreg:$0x4] =	wrdreg $0x9  }
0xb1: {  	_ =	task.clear_ibuf [dreg:s6], $0x5FFFF;
	_ =	strace $0x9000004C  }
0xb2: {  	s29 =	simm.s32 $0x9;
	_ =	strace $0x8000004E  }
0xb3: {  	_ =	swait.ge [sflag:s29], $0x1  }
0xb4: {  	[sflag:s29] =	ssyncadd.s32 $0xFFFFFFFF  }
0xb5: {  	_ =	strace $0x9000004E  }
0xb6: {  	_ =	sfence  }
0xb7: {  	s30 =	sld [smem:$0x0];
	_ =	sdelay $0x2  }
0xb8: {  	s31 =	sshll.u32 s1, $0xD;
	s1 =	sshrl.u32 s1, $0x2  }
0xb9: {  	s3 =	sand.u32 $0x4000, s31;
	s1 =	sadd.s32 s1, s30  }
0xba: {  	s0 =	sor.u32 s3, s0;
	s1 =	sshll.u32 s1, $0x11  }
0xbb: {  	s0 =	sor.u32 s1, s0  }
0xbc: {  	s0 =	sadd.s32 $0x8F2B, s0  }
0xbd: {  	[sflag:s0] =	ssyncadd.remote.s32 $0x1  }
0xbe: {  	_ =	sfence.sel $0xFFFF  }
0xbf: {  	[dreg:$0x0] =	wrdreg $0xFFFFFFFF;
	(pc) =	sbr.abs _section_cstart, $3  }
0xc0: {  	[dreg:$0x1] =	wrdreg $0xFFFFFFFF  }
0xc1: {  	_ =	task.clear_ibuf [dreg:s6], $0x2FFFF;
	_ =	strace $0x9FFFFFFF  }
0xc2: {  	(tm) =	ssettm $0x7FFFFFFF  }
0xc3: {  	_ =	shalt  }
tec
execute0_lowered:
.L_overlay_start_1:
0x0: {  	(tag) =	ssettag $0x1  }
0x1: {  	s0 =	rddreg [dreg:$0x0]  }
0x2: {  	s2 =	rddreg [dreg:$0x1];
	s3 =	simm.s32 $0x0  }
0x3: {  	s12 =	stileid.u32;
	s1 =	srdreg.scid;
	s28 =	simm.s32 $0xB  }
0x4: {  	[smem:$0x7FF] =	sst s3;
	s8 =	smul.u32 $0x13C00, s12;
	s1 =	sand.u32 $0x1, s1  }
0x5: {  	s4 =	sadd.s32 $0xAB400, s0;
	s5 =	sadd.s32 $0xDCC00, s0;
	s6 =	sadd.s32 $0xD2C00, s0  }
0x6: {  	s7 =	sadd.s32 $0xE6C00, s0;
	s11 =	smul.u32 $0x4F000, s12;
	s15 =	sshll.u32 s12, $0x6  }
0x7: {  	_ =	strace $0x8000004D;
	s9 =	smul.u32 $0x13C000, s1;
	s29 =	sshll.u32 s1, $0x4  }
0x8: {  	s1 =	ssub.s32 $0x2, s1;
	s10 =	sshrl.u32 s8, $0x3;
	s30 =	sor.u32 s12, s29  }
0x9: {  	s31 =	sshrl.u32 s1, $0x1;
	s11 =	sshrl.u32 s11, $0x2;
	s12 =	sor.u32 $0x1C0D, s15  }
0xa: {  	s15 =	simm.s32 $0x5;
	s10 =	sadd.s32 s10, s0;
	s8 =	sadd.s32 s8, s9  }
0xb: {  	s13 =	smul.u32 $0x2800, s30;
	s11 =	sadd.s32 s11, s2;
	[dreg:$0x6] =	wrdreg s12  }
0xc: {  	s1 =	ssub.s32 s1, s31;
	s8 =	sshrl.u32 s8, $0x3;
	[dreg:$0x4] =	wrdreg s11  }
0xd: {  	s14 =	sadd.s32 $0xD400, s10;
	s31 =	smax.u32 s1, $0x1;
	s11 =	simm.s32 $0x4  }
0xe: {  	s0 =	sadd.s32 s8, s0;
	[dreg:$0x5] =	wrdreg s14;
	s16 =	sshrl.u32 s13, $0x3  }
0xf: {  	s8 =	smul.u32 $0x5000, s30;
	s18 =	sor.u32 $0x40, s13;
	s21 =	sor.u32 $0x80, s13  }
0x10: {  	s26 =	sor.u32 $0x100, s13;
	s29 =	sor.u32 $0x140, s13;
	[dreg:$0x3] =	wrdreg s13  }
0x11: {  	s30 =	sor.u32 $0x180, s13;
	[dreg:$0x14] =	wrdreg s31;
	s14 =	simm.s32 $0x100  }
0x12: {  	s13 =	simm.s32 $0x2;
	s17 =	sadd.s32 s5, s16;
	s10 =	sadd.s32 s6, s16  }
0x13: {  	s19 =	sshrl.u32 s18, $0x3;
	s9 =	sshll.u32 s18, $0x1;
	[dreg:$0x10] =	wrdreg s26  }
0x14: {  	s23 =	sshrl.u32 s21, $0x3;
	s25 =	sshll.u32 s21, $0x1;
	[dreg:$0x11] =	wrdreg s29  }
0x15: {  	[dreg:$0x12] =	wrdreg s30;
	s0 =	sadd.s32 $0x34C00, s0;
	s16 =	simm.s32 $0x180  }
0x16: {  	s26 =	simm.s32 $0x7400;
	s18 =	simm.s32 $0x8;
	[dreg:$0x7] =	wrdreg s17  }
0x17: {  	s21 =	simm.s32 $0x0;
	[dreg:$0x8] =	wrdreg s10;
	s8 =	sadd.s32 s7, s8  }
0x18: {  	s20 =	sadd.s32 s5, s19;
	s22 =	sadd.s32 s7, s9;
	[dreg:$0x13] =	wrdreg s0  }
0x19: {  	s24 =	sadd.s32 s5, s23;
	s10 =	simm.s32 $0x40;
	[dreg:$0x9] =	wrdreg s8  }
0x1a: {  	s17 =	simm.s32 $0x380;
	s9 =	simm.s32 $0x7;
	[dreg:$0xa] =	wrdreg s20  }
.Ltmp0:
0x1b: {  	s0 =	simm.s32 $0xA;
	[dreg:$0xc] =	wrdreg s22;
	(pc) =	sbr.rel .LBB2_1-.Ltmp0, $4  }
0x1c: {  	s8 =	sadd.s32 s6, s19;
	[dreg:$0xd] =	wrdreg s24;
	s19 =	simm.s32 $0x3  }
0x1d: {  	s20 =	simm.s32 $0x5400;
	[dreg:$0xb] =	wrdreg s8;
	s8 =	sadd.s32 s6, s23  }
0x1e: {  	s24 =	simm.s32 $0x6;
	[dreg:$0xe] =	wrdreg s8;
	s8 =	sadd.s32 s7, s25  }
0x1f: {  	s25 =	simm.s32 $0x9;
	[dreg:$0xf] =	wrdreg s8;
	s8 =	simm.s32 $0xD  }
.LBB2_12:
0x20: {  	s1 =	simm.s32 $0xC  }
0x21: {  	_ =	swait.ge [sflag:s1], $0x2000  }
0x22: {  	[sflag:s1] =	ssyncset.done $0x0  }
0x23: {  	[sflag:s1] =	ssyncadd.s32 $0xFFFFE000  }
0x24: {  	[bflag:$0x0] =	sbarrier.arrive $0xFFFF  }
0x25: {  	s12 =	rddreg [dreg:$0x6]  }
0x26: {  	s30 =	rddreg [dreg:$0x13]  }
0x27: {  	s8 =	rddreg [dreg:$0x16]  }
0x28: {  	[hbm:s30], [sflag:s12] =	dma.local [spmem:s8], $0x2780  }
0x29: {  	s8 =	simm.s32 $0xD  }
0x2a: {  	_ =	swait.ge [sflag:s8], $0x2780  }
0x2b: {  	s21 =	rddreg [dreg:$0x15]  }
0x2c: {  	s31 =	rddreg [dreg:$0x14];
	s21 =	sadd.s32 $0x1, s21  }
0x2d: {  	p0 =	sne.s32 s21, s31  }
.Ltmp1:
0x2e: {  	_ = 	snop;
	(pc) =	sbr.rel @!p0 .LBB2_13-.Ltmp1, $3  }
0x2f: {  	_ =	sdelay $0x1  }
0x30: {  	[sflag:s8] =	ssyncset.done $0x0  }
0x31: {  	s14 =	simm.s32 $0x100;
	[sflag:s8] =	ssyncadd.s32 $0xFFFFD880  }
.LBB2_1:
0x32: {  	[dreg:$0x15] =	wrdreg s21  }
0x33: {  	s1 =	rddreg [dreg:$0x4]  }
0x34: {  	s29 =	rddreg [dreg:$0x5];
	s23 =	sshrl.u32 s1, $0x3  }
0x35: {  	[dreg:$0x16] =	wrdreg s23  }
0x36: {  	[spmem:s23], [sflag:s12] =	dma.local [hbm:s29], $0x2780  }
0x37: {  	_ =	swait.ge [sflag:s8], $0x2780  }
0x38: {  	[sflag:s8] =	ssyncset.done $0x0  }
0x39: {  	[sflag:s8] =	ssyncadd.s32 $0xFFFFD880  }
0x3a: {  	[bflag:$0x0] =	sbarrier.arrive $0xFFFF  }
0x3b: {  	s31 =	rddreg [dreg:$0x7]  }
0x3c: {  	[tilespmem:s3], [sflag:$0x1] =	stream.linear.gather [hbm4b:s31+s3], $0x40, $0x38;
	[tilespmem:$0x1D000] =	vst v63  }
0x3d: {  	s12 =	simm.s32 $0x200;
	s8 =	rddreg [dreg:$0x8]  }
0x3e: {  	[tilespmem:s12], [sflag:$0x1] =	stream.linear.gather [hbm4b:s8+s3], $0x40, $0x38;
	[tilespmem:$0x1D000] =	vst v63  }
0x3f: {  	s22 =	simm.s32 $0x400;
	s21 =	rddreg [dreg:$0x9]  }
0x40: {  	[tilespmem:s22], [sflag:$0x1] =	stream.linear.gather [hbm4b:s21+s3], $0x400, $0x38;
	[tilespmem:$0x1D000] =	vst v63  }
0x41: {  	s23 =	rddreg [dreg:$0xa];
	s8 =	simm.s32 $0x80  }
0x42: {  	[tilespmem:s8], [sflag:$0x2] =	stream.linear.gather [hbm4b:s23+s3], $0x40, $0x38;
	[tilespmem:$0x1D000] =	vst v63  }
0x43: {  	s29 =	rddreg [dreg:$0xb];
	s31 =	simm.s32 $0x280  }
0x44: {  	[tilespmem:s31], [sflag:$0x2] =	stream.linear.gather [hbm4b:s29+s3], $0x40, $0x38;
	[tilespmem:$0x1D000] =	vst v63  }
0x45: {  	s21 =	rddreg [dreg:$0xc];
	s22 =	simm.s32 $0x800  }
0x46: {  	[tilespmem:s22], [sflag:$0x2] =	stream.linear.gather [hbm4b:s21+s3], $0x400, $0x38;
	[tilespmem:$0x1D000] =	vst v63  }
0x47: {  	s23 =	rddreg [dreg:$0xd]  }
0x48: {  	[tilespmem:s14], [sflag:$0x3] =	stream.linear.gather [hbm4b:s23+s3], $0x40, $0x38;
	[tilespmem:$0x1D000] =	vst v63  }
0x49: {  	s29 =	rddreg [dreg:$0xe];
	s31 =	simm.s32 $0x300  }
0x4a: {  	[tilespmem:s31], [sflag:$0x3] =	stream.linear.gather [hbm4b:s29+s3], $0x40, $0x38;
	[tilespmem:$0x1D000] =	vst v63  }
0x4b: {  	s21 =	rddreg [dreg:$0xf];
	s22 =	simm.s32 $0xC00;
	s23 =	simm.s32 $0x1  }
0x4c: {  	[tilespmem:s22], [sflag:$0x3] =	stream.linear.gather [hbm4b:s21+s3], $0x400, $0x38;
	[tilespmem:$0x1D000] =	vst v63  }
0x4d: {  	_ =	swait.ge [sflag:s23], $0x40  }
0x4e: {  	[sflag:s23] =	ssyncset.done $0x0  }
0x4f: {  	[sflag:s23] =	ssyncadd.s32 $0xFFFFFFC0  }
0x50: {  	_ =	swait.ge [sflag:s23], $0x40  }
0x51: {  	[sflag:s23] =	ssyncset.done $0x0  }
0x52: {  	[sflag:s23] =	ssyncadd.s32 $0xFFFFFFC0  }
0x53: {  	_ =	swait.ge [sflag:s23], $0x400  }
0x54: {  	[sflag:s23] =	ssyncset.done $0x0  }
0x55: {  	s29 =	simm.s32 $0x1400;
	[sflag:s23] =	ssyncadd.s32 $0xFFFFFC00  }
0x56: {  	[tilespmem:s29], [sflag:$0x5] =	stream.indirect.gather [hbm4b:s4+s10], $0x80, s3, s10, $0xb8;
	[tilespmem:$0x1D000] =	vst v63  }
0x57: {  	_ =	swait.ge [sflag:s13], $0x40  }
0x58: {  	[sflag:s13] =	ssyncset.done $0x0  }
0x59: {  	[sflag:s13] =	ssyncadd.s32 $0xFFFFFFC0  }
0x5a: {  	_ =	swait.ge [sflag:s13], $0x40  }
0x5b: {  	[sflag:s13] =	ssyncset.done $0x0  }
0x5c: {  	[sflag:s13] =	ssyncadd.s32 $0xFFFFFFC0  }
0x5d: {  	_ =	swait.ge [sflag:s13], $0x400  }
0x5e: {  	[sflag:s13] =	ssyncset.done $0x0  }
0x5f: {  	s30 =	simm.s32 $0x0;
	s31 =	simm.s32 $0x3400;
	[sflag:s13] =	ssyncadd.s32 $0xFFFFFC00  }
0x60: {  	[tilespmem:s31], [sflag:$0x6] =	stream.indirect.gather [hbm4b:s4+s10], $0x80, s8, s10, $0xb8;
	[tilespmem:$0x1D000] =	vst v63  }
.LBB2_2:
0x61: {  	_ =	swait.ge [sflag:s15], $0x2000;
	s23 =	simm.s32 $0x0  }
0x62: {  	s21 =	simm.s32 $0x10;
	[sflag:s15] =	ssyncset.done $0x0;
	s8 =	sand.u32 $0xE00, s23  }
0x63: {  	s12 =	simm.s32 $0x1480;
	[sflag:s15] =	ssyncadd.s32 $0xFFFFE000;
	s8 =	sshrl.u32 s8, $0x2  }
0x64: {  	s21 =	sand.u32 $0x70, s21;
	s22 =	sand.u32 $0x60, s23;
	s8 =	sor.u32 $0x400, s8;
	v2 =	vld [tilespmem:s12+$0x70]  }
0x65: {  	v3 =	vld [tilespmem:s12+$0xFFFFFF80];
	s21 =	sor.u32 s21, s8;
	s8 =	sor.u32 s22, s8  }
0x66: {  	v1 =	vld [tilespmem:s8+$0x0]  }
0x67: {  	v0 =	vld [tilespmem:s21+$0x0]  }
0x68: {  	v4 =	vld [tilespmem:s12+$0xFFFFFF90]  }
0x69: {  	v5 =	vld [tilespmem:s12+$0xFFFFFFA0]  }
0x6a: {  	v7 =	vld [tilespmem:s12+$0xFFFFFFB0]  }
0x6b: {  	v8 =	vld [tilespmem:s12+$0xFFFFFFC0];
	v3 =	vmul.f32 v3, v1  }
0x6c: {  	v9 =	vld [tilespmem:s12+$0xFFFFFFD0];
	v2 =	vmul.f32 v2, v0  }
0x6d: {  	v10 =	vld [tilespmem:s12+$0xFFFFFFE0];
	[tilespmem:s12+$0xFFFFFF80] =	vst v3;
	v3 =	vmul.f32 v4, v1  }
0x6e: {  	v6 =	vld [tilespmem:s12+$0xFFFFFFF0];
	[tilespmem:s12+$0x70] =	vst v2;
	v2 =	vmul.f32 v5, v1  }
0x6f: {  	v5 =	vld [tilespmem:s12+$0x0];
	[tilespmem:s12+$0xFFFFFF90] =	vst v3;
	v3 =	vmul.f32 v7, v1  }
0x70: {  	v4 =	vld [tilespmem:s12+$0x10];
	[tilespmem:s12+$0xFFFFFFA0] =	vst v2;
	v7 =	vmul.f32 v8, v1  }
0x71: {  	v2 =	vld [tilespmem:s12+$0x20];
	v8 =	vmul.f32 v9, v1;
	[tilespmem:s12+$0xFFFFFFB0] =	vst v3  }
0x72: {  	s31 =	simm.s32 $0x1480;
	s8 =	simm.s32 $0x0;
	s21 =	simm.s32 $0x80;
	[tilespmem:s12+$0xFFFFFFC0] =	vst v7;
	v7 =	vmul.f32 v10, v1;
	v3 =	vld [tilespmem:s12+$0x30]  }
.LBB2_3:
0x73: {  	s22 =	sand.u32 $0xE00, s21;
	s8 =	sadd.s32 $0x2, s8;
	[tilespmem:s12+$0xFFFFFFD0] =	vst v8;
	v1 =	vmul.f32 v6, v1;
	v6 =	vld [tilespmem:s12+$0x40];
	s23 =	sadd.s32 $0x20, s23  }
0x74: {  	s22 =	sshrl.u32 s22, $0x2;
	s1 =	sadd.s32 $0x10, s23;
	p0 =	slt.u32 s8, $0x3E;
	[tilespmem:s12+$0xFFFFFFE0] =	vst v7;
	v5 =	vmul.f32 v5, v0;
	v7 =	vld [tilespmem:s12+$0x50]  }
0x75: {  	s12 =	sadd.s32 $0x100, s12;
	s22 =	sor.u32 $0x400, s22;
	s1 =	sand.u32 $0x70, s1;
	[tilespmem:s31+$0xFFFFFFF0] =	vst v1;
	v1 =	vmul.f32 v4, v0;
	v4 =	vld [tilespmem:s31+$0x60]  }
0x76: {  	s29 =	sand.u32 $0x60, s23;
	s1 =	sor.u32 s1, s22;
	v8 =	vld [tilespmem:s12+$0x70];
	[tilespmem:s31+$0x0] =	vst v5;
	v2 =	vmul.f32 v2, v0  }
0x77: {  	s22 =	sor.u32 s29, s22;
	v5 =	vld [tilespmem:s1+$0x0];
	[tilespmem:s31+$0x10] =	vst v1;
	v3 =	vmul.f32 v3, v0  }
0x78: {  	v1 =	vld [tilespmem:s22+$0x0];
	[tilespmem:s31+$0x20] =	vst v2;
	v2 =	vmul.f32 v6, v0  }
0x79: {  	v6 =	vld [tilespmem:s12+$0xFFFFFF80];
	[tilespmem:s31+$0x30] =	vst v3;
	v3 =	vmul.f32 v7, v0  }
0x7a: {  	v7 =	vld [tilespmem:s12+$0xFFFFFF90];
	[tilespmem:s31+$0x40] =	vst v2;
	v9 =	vmul.f32 v4, v0  }
0x7b: {  	v2 =	vld [tilespmem:s12+$0xFFFFFFA0];
	[tilespmem:s31+$0x50] =	vst v3  }
0x7c: {  	v3 =	vld [tilespmem:s12+$0xFFFFFFB0];
	v4 =	vmul.f32 v8, v5;
	[tilespmem:s31+$0x60] =	vst v9;
	v0 =	vmov v5;
	s31 =	smov.u32 s12  }
0x7d: {  	v8 =	vld [tilespmem:s12+$0xFFFFFFC0]  }
0x7e: {  	v5 =	vmul.f32 v6, v1;
	v9 =	vld [tilespmem:s12+$0xFFFFFFD0];
	[tilespmem:s12+$0x70] =	vst v4  }
0x7f: {  	v4 =	vmul.f32 v7, v1;
	v7 =	vld [tilespmem:s12+$0xFFFFFFE0]  }
.Ltmp2:
0x80: {  	[tilespmem:s12+$0xFFFFFF80] =	vst v5;
	v2 =	vmul.f32 v2, v1;
	v6 =	vld [tilespmem:s12+$0xFFFFFFF0];
	(pc) =	sbr.rel @p0 .LBB2_3-.Ltmp2, $4  }
0x81: {  	[tilespmem:s12+$0xFFFFFF90] =	vst v4;
	v3 =	vmul.f32 v3, v1;
	v5 =	vld [tilespmem:s12+$0x0]  }
0x82: {  	[tilespmem:s12+$0xFFFFFFA0] =	vst v2;
	v10 =	vmul.f32 v8, v1;
	v4 =	vld [tilespmem:s12+$0x10]  }
0x83: {  	[tilespmem:s12+$0xFFFFFFB0] =	vst v3;
	v8 =	vmul.f32 v9, v1;
	v2 =	vld [tilespmem:s12+$0x20]  }
0x84: {  	s21 =	sadd.s32 $0x80, s21;
	[tilespmem:s12+$0xFFFFFFC0] =	vst v10;
	v7 =	vmul.f32 v7, v1;
	v3 =	vld [tilespmem:s12+$0x30]  }
0x85: {  	[tilespmem:s12+$0xFFFFFFD0] =	vst v8;
	v1 =	vmul.f32 v6, v1;
	v6 =	vld [tilespmem:s12+$0x40]  }
0x86: {  	[tilespmem:s12+$0xFFFFFFE0] =	vst v7;
	v5 =	vmul.f32 v5, v0;
	v7 =	vld [tilespmem:s12+$0x50]  }
0x87: {  	[tilespmem:s31+$0xFFFFFFF0] =	vst v1;
	v1 =	vmul.f32 v4, v0;
	v4 =	vld [tilespmem:s31+$0x60]  }
0x88: {  	[tilespmem:s31+$0x0] =	vst v5;
	v2 =	vmul.f32 v2, v0  }
0x89: {  	[tilespmem:s31+$0x10] =	vst v1;
	v1 =	vmul.f32 v3, v0  }
0x8a: {  	[tilespmem:s31+$0x20] =	vst v2;
	v2 =	vmul.f32 v6, v0  }
0x8b: {  	[tilespmem:s31+$0x30] =	vst v1;
	v1 =	vmul.f32 v7, v0  }
0x8c: {  	[tilespmem:s31+$0x40] =	vst v2;
	v0 =	vmul.f32 v4, v0  }
0x8d: {  	p0 =	seq.s32 s30, $0x0;
	[tilespmem:s31+$0x50] =	vst v1  }
0x8e: {  	s1 =	simm.s32 @!p0 $0xC;
	[tilespmem:s31+$0x60] =	vst v0  }
0x8f: {  	s21 =	simm.s32 $0x200;
	_ =	swait.ge @!p0 [sflag:s1], $0x2000  }
0x90: {  	s31 =	sshll.u32 s30, $0x8;
	[sflag:s1] =	ssyncset.done @!p0 $0x0;
	s22 =	rddreg [dreg:$0x3]  }
0x91: {  	s8 =	simm.s32 $0x1400;
	[sflag:s1] =	ssyncadd.s32 @!p0 $0xFFFFE000;
	s1 =	sadd.s32 s31, s22  }
0x92: {  	[spmem:s2] =	stream.indirect.scatter.add.f32 [tilespmem:s8], [sflag:$0x9], $0x80, s21, s10, $0xb8;
	[tilespmem:$0x1D000] =	vst v63  }
0x93: {  	s1 =	sadd.s32 $0xC0, s1  }
0x94: {  	s23 =	sshrl.u32 s1, $0x3  }
0x95: {  	s12 =	simm.s32 $0x0;
	s21 =	sadd.s32 s5, s23  }
0x96: {  	[tilespmem:s16], [sflag:$0x4] =	stream.linear.gather [hbm4b:s21+s12], $0x40, $0x38;
	[tilespmem:$0x1D000] =	vst v63  }
0x97: {  	s1 =	sshll.u32 s1, $0x1;
	s8 =	sadd.s32 s6, s23  }
0x98: {  	[tilespmem:s17], [sflag:$0x4] =	stream.linear.gather [hbm4b:s8+s12], $0x40, $0x38;
	[tilespmem:$0x1D000] =	vst v63  }
0x99: {  	s29 =	simm.s32 $0x1000;
	s1 =	sadd.s32 s7, s1  }
0x9a: {  	[tilespmem:s29], [sflag:$0x4] =	stream.linear.gather [hbm4b:s1+s12], $0x400, $0x38;
	[tilespmem:$0x1D000] =	vst v63  }
0x9b: {  	_ =	swait.ge [sflag:s19], $0x40  }
0x9c: {  	[sflag:s19] =	ssyncset.done $0x0  }
0x9d: {  	[sflag:s19] =	ssyncadd.s32 $0xFFFFFFC0  }
0x9e: {  	_ =	swait.ge [sflag:s19], $0x40  }
0x9f: {  	[sflag:s19] =	ssyncset.done $0x0  }
0xa0: {  	[sflag:s19] =	ssyncadd.s32 $0xFFFFFFC0  }
0xa1: {  	_ =	swait.ge [sflag:s19], $0x400  }
0xa2: {  	[sflag:s19] =	ssyncset.done $0x0  }
0xa3: {  	s22 =	simm.s32 $0x10;
	[sflag:s19] =	ssyncadd.s32 $0xFFFFFC00  }
0xa4: {  	[tilespmem:s20], [sflag:$0x7] =	stream.indirect.gather [hbm4b:s4+s10], $0x80, s14, s10, $0xb8;
	[tilespmem:$0x1D000] =	vst v63  }
0xa5: {  	s23 =	simm.s32 $0x3480;
	s21 =	sand.u32 $0xE00, s12;
	_ =	swait.ge [sflag:s24], $0x2000  }
0xa6: {  	s8 =	sand.u32 $0x70, s22;
	s1 =	sshrl.u32 s21, $0x2;
	[sflag:s24] =	ssyncset.done $0x0  }
0xa7: {  	s29 =	sand.u32 $0x60, s12;
	s1 =	sor.u32 $0x800, s1;
	[sflag:s24] =	ssyncadd.s32 $0xFFFFE000  }
0xa8: {  	s8 =	sor.u32 s8, s1;
	s1 =	sor.u32 s29, s1;
	v2 =	vld [tilespmem:s23+$0x70]  }
0xa9: {  	v1 =	vld [tilespmem:s1+$0x0]  }
0xaa: {  	v3 =	vld [tilespmem:s23+$0xFFFFFF80]  }
0xab: {  	v0 =	vld [tilespmem:s8+$0x0]  }
0xac: {  	v4 =	vld [tilespmem:s23+$0xFFFFFF90]  }
0xad: {  	v5 =	vld [tilespmem:s23+$0xFFFFFFA0]  }
0xae: {  	v7 =	vld [tilespmem:s23+$0xFFFFFFB0]  }
0xaf: {  	v8 =	vld [tilespmem:s23+$0xFFFFFFC0];
	v3 =	vmul.f32 v3, v1  }
0xb0: {  	v9 =	vld [tilespmem:s23+$0xFFFFFFD0];
	v2 =	vmul.f32 v2, v0  }
0xb1: {  	v10 =	vld [tilespmem:s23+$0xFFFFFFE0];
	[tilespmem:s23+$0xFFFFFF80] =	vst v3;
	v3 =	vmul.f32 v4, v1  }
0xb2: {  	v6 =	vld [tilespmem:s23+$0xFFFFFFF0];
	[tilespmem:s23+$0x70] =	vst v2;
	v2 =	vmul.f32 v5, v1  }
0xb3: {  	v5 =	vld [tilespmem:s23+$0x0];
	[tilespmem:s23+$0xFFFFFF90] =	vst v3;
	v3 =	vmul.f32 v7, v1  }
0xb4: {  	v4 =	vld [tilespmem:s23+$0x10];
	[tilespmem:s23+$0xFFFFFFA0] =	vst v2;
	v7 =	vmul.f32 v8, v1  }
0xb5: {  	v2 =	vld [tilespmem:s23+$0x20];
	v8 =	vmul.f32 v9, v1;
	[tilespmem:s23+$0xFFFFFFB0] =	vst v3  }
0xb6: {  	s22 =	simm.s32 $0x80;
	s21 =	simm.s32 $0x0;
	s8 =	simm.s32 $0x3480;
	[tilespmem:s23+$0xFFFFFFC0] =	vst v7;
	v7 =	vmul.f32 v10, v1;
	v3 =	vld [tilespmem:s23+$0x30]  }
.LBB2_5:
0xb7: {  	s1 =	sand.u32 $0xE00, s22;
	s21 =	sadd.s32 $0x2, s21;
	[tilespmem:s23+$0xFFFFFFD0] =	vst v8;
	v1 =	vmul.f32 v6, v1;
	v6 =	vld [tilespmem:s23+$0x40];
	s12 =	sadd.s32 $0x20, s12  }
0xb8: {  	s1 =	sshrl.u32 s1, $0x2;
	s29 =	sadd.s32 $0x10, s12;
	p0 =	slt.u32 s21, $0x3E;
	[tilespmem:s23+$0xFFFFFFE0] =	vst v7;
	v5 =	vmul.f32 v5, v0;
	v7 =	vld [tilespmem:s23+$0x50]  }
0xb9: {  	s23 =	sadd.s32 $0x100, s23;
	s1 =	sor.u32 $0x800, s1;
	s29 =	sand.u32 $0x70, s29;
	[tilespmem:s8+$0xFFFFFFF0] =	vst v1;
	v1 =	vmul.f32 v4, v0;
	v4 =	vld [tilespmem:s8+$0x60]  }
0xba: {  	s14 =	sand.u32 $0x60, s12;
	s29 =	sor.u32 s29, s1;
	v8 =	vld [tilespmem:s23+$0x70];
	[tilespmem:s8+$0x0] =	vst v5;
	v2 =	vmul.f32 v2, v0  }
0xbb: {  	s1 =	sor.u32 s14, s1;
	v5 =	vld [tilespmem:s29+$0x0];
	[tilespmem:s8+$0x10] =	vst v1;
	v3 =	vmul.f32 v3, v0  }
0xbc: {  	v1 =	vld [tilespmem:s1+$0x0];
	[tilespmem:s8+$0x20] =	vst v2;
	v2 =	vmul.f32 v6, v0  }
0xbd: {  	v6 =	vld [tilespmem:s23+$0xFFFFFF80];
	[tilespmem:s8+$0x30] =	vst v3;
	v3 =	vmul.f32 v7, v0  }
0xbe: {  	v7 =	vld [tilespmem:s23+$0xFFFFFF90];
	[tilespmem:s8+$0x40] =	vst v2;
	v9 =	vmul.f32 v4, v0  }
0xbf: {  	v2 =	vld [tilespmem:s23+$0xFFFFFFA0];
	[tilespmem:s8+$0x50] =	vst v3  }
0xc0: {  	v3 =	vld [tilespmem:s23+$0xFFFFFFB0];
	v4 =	vmul.f32 v8, v5;
	[tilespmem:s8+$0x60] =	vst v9;
	v0 =	vmov v5;
	s8 =	smov.u32 s23  }
0xc1: {  	v8 =	vld [tilespmem:s23+$0xFFFFFFC0]  }
0xc2: {  	v5 =	vmul.f32 v6, v1;
	v9 =	vld [tilespmem:s23+$0xFFFFFFD0];
	[tilespmem:s23+$0x70] =	vst v4  }
0xc3: {  	v4 =	vmul.f32 v7, v1;
	v7 =	vld [tilespmem:s23+$0xFFFFFFE0]  }
.Ltmp3:
0xc4: {  	[tilespmem:s23+$0xFFFFFF80] =	vst v5;
	v2 =	vmul.f32 v2, v1;
	v6 =	vld [tilespmem:s23+$0xFFFFFFF0];
	(pc) =	sbr.rel @p0 .LBB2_5-.Ltmp3, $4  }
0xc5: {  	[tilespmem:s23+$0xFFFFFF90] =	vst v4;
	v3 =	vmul.f32 v3, v1;
	v5 =	vld [tilespmem:s23+$0x0]  }
0xc6: {  	[tilespmem:s23+$0xFFFFFFA0] =	vst v2;
	v10 =	vmul.f32 v8, v1;
	v4 =	vld [tilespmem:s23+$0x10]  }
0xc7: {  	[tilespmem:s23+$0xFFFFFFB0] =	vst v3;
	v8 =	vmul.f32 v9, v1;
	v2 =	vld [tilespmem:s23+$0x20]  }
0xc8: {  	s22 =	sadd.s32 $0x80, s22;
	[tilespmem:s23+$0xFFFFFFC0] =	vst v10;
	v7 =	vmul.f32 v7, v1;
	v3 =	vld [tilespmem:s23+$0x30]  }
0xc9: {  	[tilespmem:s23+$0xFFFFFFD0] =	vst v8;
	v1 =	vmul.f32 v6, v1;
	v6 =	vld [tilespmem:s23+$0x40]  }
0xca: {  	[tilespmem:s23+$0xFFFFFFE0] =	vst v7;
	v5 =	vmul.f32 v5, v0;
	v7 =	vld [tilespmem:s23+$0x50]  }
0xcb: {  	[tilespmem:s8+$0xFFFFFFF0] =	vst v1;
	v1 =	vmul.f32 v4, v0;
	v4 =	vld [tilespmem:s8+$0x60]  }
0xcc: {  	[tilespmem:s8+$0x0] =	vst v5;
	v2 =	vmul.f32 v2, v0  }
0xcd: {  	[tilespmem:s8+$0x10] =	vst v1;
	v1 =	vmul.f32 v3, v0  }
0xce: {  	[tilespmem:s8+$0x20] =	vst v2;
	v2 =	vmul.f32 v6, v0  }
0xcf: {  	[tilespmem:s8+$0x30] =	vst v1;
	v1 =	vmul.f32 v7, v0  }
0xd0: {  	[tilespmem:s8+$0x40] =	vst v2;
	v0 =	vmul.f32 v4, v0  }
0xd1: {  	[tilespmem:s8+$0x50] =	vst v1  }
0xd2: {  	[tilespmem:s8+$0x60] =	vst v0  }
0xd3: {  	_ =	swait.ge [sflag:s25], $0x2000  }
0xd4: {  	[sflag:s25] =	ssyncset.done $0x0  }
0xd5: {  	s1 =	simm.s32 $0x280;
	s14 =	simm.s32 $0x3400;
	[sflag:s25] =	ssyncadd.s32 $0xFFFFE000  }
0xd6: {  	[spmem:s2] =	stream.indirect.scatter.add.f32 [tilespmem:s14], [sflag:$0xA], $0x80, s1, s10, $0xb8;
	[tilespmem:$0x1D000] =	vst v63  }
0xd7: {  	p0 =	seq.s32 s30, $0x27;
	s1 =	rddreg [dreg:$0x10]  }
0xd8: {  	s1 =	sadd.s32 @!p0 s31, s1  }
0xd9: {  	s8 =	sshrl.u32 @!p0 s1, $0x3  }
0xda: {  	s14 =	simm.s32 @!p0 $0x0;
	s12 =	sadd.s32 @!p0 s5, s8  }
0xdb: {  	[tilespmem:s14], [sflag:$0x1] =	stream.linear.gather @!p0 [hbm4b:s12+s14], $0x40, $0x38;
	[tilespmem:$0x1D000] =	vst v63  }
0xdc: {  	s1 =	sshll.u32 @!p0 s1, $0x1;
	s8 =	sadd.s32 @!p0 s6, s8;
	s12 =	simm.s32 @!p0 $0x200  }
0xdd: {  	[tilespmem:s12], [sflag:$0x1] =	stream.linear.gather @!p0 [hbm4b:s8+s14], $0x40, $0x38;
	[tilespmem:$0x1D000] =	vst v63  }
0xde: {  	s1 =	sadd.s32 @!p0 s7, s1;
	s8 =	simm.s32 @!p0 $0x400  }
0xdf: {  	[tilespmem:s8], [sflag:$0x1] =	stream.linear.gather @!p0 [hbm4b:s1+s14], $0x400, $0x38;
	[tilespmem:$0x1D000] =	vst v63  }
0xe0: {  	_ =	swait.ge [sflag:s11], $0x40  }
0xe1: {  	[sflag:s11] =	ssyncset.done $0x0  }
0xe2: {  	[sflag:s11] =	ssyncadd.s32 $0xFFFFFFC0  }
0xe3: {  	_ =	swait.ge [sflag:s11], $0x40  }
0xe4: {  	[sflag:s11] =	ssyncset.done $0x0  }
0xe5: {  	[sflag:s11] =	ssyncadd.s32 $0xFFFFFFC0  }
0xe6: {  	_ =	swait.ge [sflag:s11], $0x400  }
0xe7: {  	[sflag:s11] =	ssyncset.done $0x0  }
0xe8: {  	s22 =	simm.s32 $0x10;
	s23 =	simm.s32 $0x0;
	[sflag:s11] =	ssyncadd.s32 $0xFFFFFC00  }
0xe9: {  	[tilespmem:s26], [sflag:$0x8] =	stream.indirect.gather [hbm4b:s4+s10], $0x80, s16, s10, $0xb8;
	[tilespmem:$0x1D000] =	vst v63  }
0xea: {  	s21 =	sand.u32 $0xE00, s23;
	s29 =	sand.u32 $0x60, s23;
	_ =	swait.ge [sflag:s9], $0x2000  }
0xeb: {  	s12 =	simm.s32 $0x5480;
	s1 =	sshrl.u32 s21, $0x2;
	[sflag:s9] =	ssyncset.done $0x0  }
0xec: {  	s8 =	sand.u32 $0x70, s22;
	s1 =	sor.u32 $0xC00, s1;
	[sflag:s9] =	ssyncadd.s32 $0xFFFFE000  }
0xed: {  	s8 =	sor.u32 s8, s1;
	s1 =	sor.u32 s29, s1;
	v2 =	vld [tilespmem:s12+$0x70]  }
0xee: {  	v1 =	vld [tilespmem:s1+$0x0]  }
0xef: {  	v3 =	vld [tilespmem:s12+$0xFFFFFF80]  }
0xf0: {  	v0 =	vld [tilespmem:s8+$0x0]  }
0xf1: {  	v4 =	vld [tilespmem:s12+$0xFFFFFF90]  }
0xf2: {  	v5 =	vld [tilespmem:s12+$0xFFFFFFA0]  }
0xf3: {  	v7 =	vld [tilespmem:s12+$0xFFFFFFB0]  }
0xf4: {  	v8 =	vld [tilespmem:s12+$0xFFFFFFC0];
	v3 =	vmul.f32 v3, v1  }
0xf5: {  	v9 =	vld [tilespmem:s12+$0xFFFFFFD0];
	v2 =	vmul.f32 v2, v0  }
0xf6: {  	v10 =	vld [tilespmem:s12+$0xFFFFFFE0];
	[tilespmem:s12+$0xFFFFFF80] =	vst v3;
	v3 =	vmul.f32 v4, v1  }
0xf7: {  	v6 =	vld [tilespmem:s12+$0xFFFFFFF0];
	[tilespmem:s12+$0x70] =	vst v2;
	v2 =	vmul.f32 v5, v1  }
0xf8: {  	v5 =	vld [tilespmem:s12+$0x0];
	[tilespmem:s12+$0xFFFFFF90] =	vst v3;
	v3 =	vmul.f32 v7, v1  }
0xf9: {  	v4 =	vld [tilespmem:s12+$0x10];
	[tilespmem:s12+$0xFFFFFFA0] =	vst v2;
	v7 =	vmul.f32 v8, v1  }
0xfa: {  	v2 =	vld [tilespmem:s12+$0x20];
	v8 =	vmul.f32 v9, v1;
	[tilespmem:s12+$0xFFFFFFB0] =	vst v3  }
0xfb: {  	s21 =	simm.s32 $0x0;
	s22 =	simm.s32 $0x80;
	s8 =	simm.s32 $0x5480;
	[tilespmem:s12+$0xFFFFFFC0] =	vst v7;
	v7 =	vmul.f32 v10, v1;
	v3 =	vld [tilespmem:s12+$0x30]  }
.LBB2_7:
0xfc: {  	s1 =	sand.u32 $0xE00, s22;
	s21 =	sadd.s32 $0x2, s21;
	[tilespmem:s12+$0xFFFFFFD0] =	vst v8;
	v1 =	vmul.f32 v6, v1;
	v6 =	vld [tilespmem:s12+$0x40];
	s23 =	sadd.s32 $0x20, s23  }
0xfd: {  	s1 =	sshrl.u32 s1, $0x2;
	s14 =	sadd.s32 $0x10, s23;
	p1 =	slt.u32 s21, $0x3E;
	[tilespmem:s12+$0xFFFFFFE0] =	vst v7;
	v5 =	vmul.f32 v5, v0;
	v7 =	vld [tilespmem:s12+$0x50]  }
0xfe: {  	s12 =	sadd.s32 $0x100, s12;
	s1 =	sor.u32 $0xC00, s1;
	s14 =	sand.u32 $0x70, s14;
	[tilespmem:s8+$0xFFFFFFF0] =	vst v1;
	v1 =	vmul.f32 v4, v0;
	v4 =	vld [tilespmem:s8+$0x60]  }
0xff: {  	s29 =	sand.u32 $0x60, s23;
	s14 =	sor.u32 s14, s1;
	v8 =	vld [tilespmem:s12+$0x70];
	[tilespmem:s8+$0x0] =	vst v5;
	v2 =	vmul.f32 v2, v0  }
0x100: {  	s1 =	sor.u32 s29, s1;
	v5 =	vld [tilespmem:s14+$0x0];
	[tilespmem:s8+$0x10] =	vst v1;
	v3 =	vmul.f32 v3, v0  }
0x101: {  	v1 =	vld [tilespmem:s1+$0x0];
	[tilespmem:s8+$0x20] =	vst v2;
	v2 =	vmul.f32 v6, v0  }
0x102: {  	v6 =	vld [tilespmem:s12+$0xFFFFFF80];
	[tilespmem:s8+$0x30] =	vst v3;
	v3 =	vmul.f32 v7, v0  }
0x103: {  	v7 =	vld [tilespmem:s12+$0xFFFFFF90];
	[tilespmem:s8+$0x40] =	vst v2;
	v9 =	vmul.f32 v4, v0  }
0x104: {  	v2 =	vld [tilespmem:s12+$0xFFFFFFA0];
	[tilespmem:s8+$0x50] =	vst v3  }
0x105: {  	v3 =	vld [tilespmem:s12+$0xFFFFFFB0];
	v4 =	vmul.f32 v8, v5;
	[tilespmem:s8+$0x60] =	vst v9;
	v0 =	vmov v5;
	s8 =	smov.u32 s12  }
0x106: {  	v8 =	vld [tilespmem:s12+$0xFFFFFFC0]  }
0x107: {  	v5 =	vmul.f32 v6, v1;
	v9 =	vld [tilespmem:s12+$0xFFFFFFD0];
	[tilespmem:s12+$0x70] =	vst v4  }
0x108: {  	v4 =	vmul.f32 v7, v1;
	v7 =	vld [tilespmem:s12+$0xFFFFFFE0]  }
.Ltmp4:
0x109: {  	[tilespmem:s12+$0xFFFFFF80] =	vst v5;
	v2 =	vmul.f32 v2, v1;
	v6 =	vld [tilespmem:s12+$0xFFFFFFF0];
	(pc) =	sbr.rel @p1 .LBB2_7-.Ltmp4, $4  }
0x10a: {  	[tilespmem:s12+$0xFFFFFF90] =	vst v4;
	v3 =	vmul.f32 v3, v1;
	v5 =	vld [tilespmem:s12+$0x0]  }
0x10b: {  	[tilespmem:s12+$0xFFFFFFA0] =	vst v2;
	v10 =	vmul.f32 v8, v1;
	v4 =	vld [tilespmem:s12+$0x10]  }
0x10c: {  	[tilespmem:s12+$0xFFFFFFB0] =	vst v3;
	v8 =	vmul.f32 v9, v1;
	v2 =	vld [tilespmem:s12+$0x20]  }
0x10d: {  	s22 =	sadd.s32 $0x80, s22;
	[tilespmem:s12+$0xFFFFFFC0] =	vst v10;
	v7 =	vmul.f32 v7, v1;
	v3 =	vld [tilespmem:s12+$0x30]  }
0x10e: {  	[tilespmem:s12+$0xFFFFFFD0] =	vst v8;
	v1 =	vmul.f32 v6, v1;
	v6 =	vld [tilespmem:s12+$0x40]  }
0x10f: {  	[tilespmem:s12+$0xFFFFFFE0] =	vst v7;
	v5 =	vmul.f32 v5, v0;
	v7 =	vld [tilespmem:s12+$0x50]  }
0x110: {  	[tilespmem:s8+$0xFFFFFFF0] =	vst v1;
	v1 =	vmul.f32 v4, v0;
	v4 =	vld [tilespmem:s8+$0x60]  }
0x111: {  	[tilespmem:s8+$0x0] =	vst v5;
	v2 =	vmul.f32 v2, v0  }
0x112: {  	[tilespmem:s8+$0x10] =	vst v1;
	v1 =	vmul.f32 v3, v0  }
0x113: {  	[tilespmem:s8+$0x20] =	vst v2;
	v2 =	vmul.f32 v6, v0  }
0x114: {  	[tilespmem:s8+$0x30] =	vst v1;
	v1 =	vmul.f32 v7, v0  }
0x115: {  	[tilespmem:s8+$0x40] =	vst v2;
	v0 =	vmul.f32 v4, v0  }
0x116: {  	[tilespmem:s8+$0x50] =	vst v1  }
0x117: {  	[tilespmem:s8+$0x60] =	vst v0  }
0x118: {  	_ =	swait.ge [sflag:s0], $0x2000  }
0x119: {  	[sflag:s0] =	ssyncset.done $0x0  }
0x11a: {  	s1 =	simm.s32 $0x300;
	[sflag:s0] =	ssyncadd.s32 $0xFFFFE000  }
0x11b: {  	[spmem:s2] =	stream.indirect.scatter.add.f32 [tilespmem:s20], [sflag:$0xB], $0x80, s1, s10, $0xb8;
	[tilespmem:$0x1D000] =	vst v63  }
0x11c: {  	s1 =	rddreg [dreg:$0x11]  }
0x11d: {  	s1 =	sadd.s32 @!p0 s31, s1  }
0x11e: {  	s8 =	sshrl.u32 @!p0 s1, $0x3  }
0x11f: {  	s14 =	simm.s32 @!p0 $0x0;
	s21 =	simm.s32 @!p0 $0x80;
	s12 =	sadd.s32 @!p0 s5, s8  }
0x120: {  	[tilespmem:s21], [sflag:$0x2] =	stream.linear.gather @!p0 [hbm4b:s12+s14], $0x40, $0x38;
	[tilespmem:$0x1D000] =	vst v63  }
0x121: {  	s1 =	sshll.u32 @!p0 s1, $0x1;
	s8 =	sadd.s32 @!p0 s6, s8;
	s12 =	simm.s32 @!p0 $0x280  }
0x122: {  	[tilespmem:s12], [sflag:$0x2] =	stream.linear.gather @!p0 [hbm4b:s8+s14], $0x40, $0x38;
	[tilespmem:$0x1D000] =	vst v63  }
0x123: {  	s1 =	sadd.s32 @!p0 s7, s1;
	s8 =	simm.s32 @!p0 $0x800  }
0x124: {  	[tilespmem:s8], [sflag:$0x2] =	stream.linear.gather @!p0 [hbm4b:s1+s14], $0x400, $0x38;
	[tilespmem:$0x1D000] =	vst v63  }
0x125: {  	s1 =	simm.s32 @!p0 $0x1  }
0x126: {  	_ =	swait.ge @!p0 [sflag:s1], $0x40  }
0x127: {  	[sflag:s1] =	ssyncset.done @!p0 $0x0  }
0x128: {  	[sflag:s1] =	ssyncadd.s32 @!p0 $0xFFFFFFC0  }
0x129: {  	_ =	swait.ge @!p0 [sflag:s1], $0x40  }
0x12a: {  	[sflag:s1] =	ssyncset.done @!p0 $0x0  }
0x12b: {  	[sflag:s1] =	ssyncadd.s32 @!p0 $0xFFFFFFC0  }
0x12c: {  	_ =	swait.ge @!p0 [sflag:s1], $0x400  }
0x12d: {  	s23 =	simm.s32 $0x0;
	s22 =	simm.s32 $0x10;
	[sflag:s1] =	ssyncset.done @!p0 $0x0  }
0x12e: {  	s8 =	simm.s32 @!p0 $0x1400;
	[sflag:s1] =	ssyncadd.s32 @!p0 $0xFFFFFC00;
	s1 =	simm.s32 @!p0 $0x40  }
0x12f: {  	[tilespmem:s8], [sflag:$0x5] =	stream.indirect.gather @!p0 [hbm4b:s4+s1], $0x80, s14, s1, $0xb8;
	[tilespmem:$0x1D000] =	vst v63  }
0x130: {  	s29 =	sand.u32 $0x60, s23;
	s21 =	sand.u32 $0xE00, s23;
	_ =	swait.ge [sflag:s18], $0x2000  }
0x131: {  	s12 =	simm.s32 $0x7480;
	s1 =	sshrl.u32 s21, $0x2;
	[sflag:s18] =	ssyncset.done $0x0  }
0x132: {  	s8 =	sand.u32 $0x70, s22;
	s1 =	sor.u32 $0x1000, s1;
	[sflag:s18] =	ssyncadd.s32 $0xFFFFE000  }
0x133: {  	s8 =	sor.u32 s8, s1;
	s1 =	sor.u32 s29, s1;
	v2 =	vld [tilespmem:s12+$0x70]  }
0x134: {  	v1 =	vld [tilespmem:s1+$0x0]  }
0x135: {  	v3 =	vld [tilespmem:s12+$0xFFFFFF80]  }
0x136: {  	v0 =	vld [tilespmem:s8+$0x0]  }
0x137: {  	v4 =	vld [tilespmem:s12+$0xFFFFFF90]  }
0x138: {  	v5 =	vld [tilespmem:s12+$0xFFFFFFA0]  }
0x139: {  	v7 =	vld [tilespmem:s12+$0xFFFFFFB0]  }
0x13a: {  	v8 =	vld [tilespmem:s12+$0xFFFFFFC0];
	v3 =	vmul.f32 v3, v1  }
0x13b: {  	v9 =	vld [tilespmem:s12+$0xFFFFFFD0];
	v2 =	vmul.f32 v2, v0  }
0x13c: {  	v10 =	vld [tilespmem:s12+$0xFFFFFFE0];
	[tilespmem:s12+$0xFFFFFF80] =	vst v3;
	v3 =	vmul.f32 v4, v1  }
0x13d: {  	v6 =	vld [tilespmem:s12+$0xFFFFFFF0];
	[tilespmem:s12+$0x70] =	vst v2;
	v2 =	vmul.f32 v5, v1  }
0x13e: {  	v5 =	vld [tilespmem:s12+$0x0];
	[tilespmem:s12+$0xFFFFFF90] =	vst v3;
	v3 =	vmul.f32 v7, v1  }
0x13f: {  	v4 =	vld [tilespmem:s12+$0x10];
	[tilespmem:s12+$0xFFFFFFA0] =	vst v2;
	v7 =	vmul.f32 v8, v1  }
0x140: {  	v2 =	vld [tilespmem:s12+$0x20];
	v8 =	vmul.f32 v9, v1;
	[tilespmem:s12+$0xFFFFFFB0] =	vst v3  }
0x141: {  	s21 =	simm.s32 $0x0;
	s22 =	simm.s32 $0x80;
	s8 =	simm.s32 $0x7480;
	[tilespmem:s12+$0xFFFFFFC0] =	vst v7;
	v7 =	vmul.f32 v10, v1;
	v3 =	vld [tilespmem:s12+$0x30]  }
.LBB2_9:
0x142: {  	s1 =	sand.u32 $0xE00, s22;
	s21 =	sadd.s32 $0x2, s21;
	[tilespmem:s12+$0xFFFFFFD0] =	vst v8;
	v1 =	vmul.f32 v6, v1;
	v6 =	vld [tilespmem:s12+$0x40];
	s23 =	sadd.s32 $0x20, s23  }
0x143: {  	s1 =	sshrl.u32 s1, $0x2;
	s14 =	sadd.s32 $0x10, s23;
	p1 =	slt.u32 s21, $0x3E;
	[tilespmem:s12+$0xFFFFFFE0] =	vst v7;
	v5 =	vmul.f32 v5, v0;
	v7 =	vld [tilespmem:s12+$0x50]  }
0x144: {  	s12 =	sadd.s32 $0x100, s12;
	s1 =	sor.u32 $0x1000, s1;
	s14 =	sand.u32 $0x70, s14;
	[tilespmem:s8+$0xFFFFFFF0] =	vst v1;
	v1 =	vmul.f32 v4, v0;
	v4 =	vld [tilespmem:s8+$0x60]  }
0x145: {  	s29 =	sand.u32 $0x60, s23;
	s14 =	sor.u32 s14, s1;
	v8 =	vld [tilespmem:s12+$0x70];
	[tilespmem:s8+$0x0] =	vst v5;
	v2 =	vmul.f32 v2, v0  }
0x146: {  	s1 =	sor.u32 s29, s1;
	v5 =	vld [tilespmem:s14+$0x0];
	[tilespmem:s8+$0x10] =	vst v1;
	v3 =	vmul.f32 v3, v0  }
0x147: {  	v1 =	vld [tilespmem:s1+$0x0];
	[tilespmem:s8+$0x20] =	vst v2;
	v2 =	vmul.f32 v6, v0  }
0x148: {  	v6 =	vld [tilespmem:s12+$0xFFFFFF80];
	[tilespmem:s8+$0x30] =	vst v3;
	v3 =	vmul.f32 v7, v0  }
0x149: {  	v7 =	vld [tilespmem:s12+$0xFFFFFF90];
	[tilespmem:s8+$0x40] =	vst v2;
	v9 =	vmul.f32 v4, v0  }
0x14a: {  	v2 =	vld [tilespmem:s12+$0xFFFFFFA0];
	[tilespmem:s8+$0x50] =	vst v3  }
0x14b: {  	v3 =	vld [tilespmem:s12+$0xFFFFFFB0];
	v4 =	vmul.f32 v8, v5;
	[tilespmem:s8+$0x60] =	vst v9;
	v0 =	vmov v5;
	s8 =	smov.u32 s12  }
0x14c: {  	v8 =	vld [tilespmem:s12+$0xFFFFFFC0]  }
0x14d: {  	v5 =	vmul.f32 v6, v1;
	v9 =	vld [tilespmem:s12+$0xFFFFFFD0];
	[tilespmem:s12+$0x70] =	vst v4  }
0x14e: {  	v4 =	vmul.f32 v7, v1;
	v7 =	vld [tilespmem:s12+$0xFFFFFFE0]  }
.Ltmp5:
0x14f: {  	[tilespmem:s12+$0xFFFFFF80] =	vst v5;
	v2 =	vmul.f32 v2, v1;
	v6 =	vld [tilespmem:s12+$0xFFFFFFF0];
	(pc) =	sbr.rel @p1 .LBB2_9-.Ltmp5, $4  }
0x150: {  	[tilespmem:s12+$0xFFFFFF90] =	vst v4;
	v3 =	vmul.f32 v3, v1;
	v5 =	vld [tilespmem:s12+$0x0]  }
0x151: {  	[tilespmem:s12+$0xFFFFFFA0] =	vst v2;
	v10 =	vmul.f32 v8, v1;
	v4 =	vld [tilespmem:s12+$0x10]  }
0x152: {  	[tilespmem:s12+$0xFFFFFFB0] =	vst v3;
	v8 =	vmul.f32 v9, v1;
	v2 =	vld [tilespmem:s12+$0x20]  }
0x153: {  	s22 =	sadd.s32 $0x80, s22;
	[tilespmem:s12+$0xFFFFFFC0] =	vst v10;
	v7 =	vmul.f32 v7, v1;
	v3 =	vld [tilespmem:s12+$0x30]  }
0x154: {  	[tilespmem:s12+$0xFFFFFFD0] =	vst v8;
	v1 =	vmul.f32 v6, v1;
	v56 =	vld [tilespmem:s12+$0x40]  }
0x155: {  	v57 =	vld [tilespmem:s12+$0x50];
	[tilespmem:s12+$0xFFFFFFE0] =	vst v7;
	v5 =	vmul.f32 v5, v0  }
0x156: {  	v59 =	vld [tilespmem:s8+$0x60];
	[tilespmem:s8+$0xFFFFFFF0] =	vst v1;
	v58 =	vmul.f32 v4, v0  }
0x157: {  	[tilespmem:s8+$0x0] =	vst v5;
	v2 =	vmul.f32 v2, v0  }
0x158: {  	[tilespmem:s8+$0x10] =	vst v58;
	v60 =	vmul.f32 v3, v0  }
0x159: {  	[tilespmem:s8+$0x20] =	vst v2;
	v61 =	vmul.f32 v56, v0  }
0x15a: {  	v62 =	vmul.f32 v57, v0;
	[tilespmem:s8+$0x30] =	vst v60  }
0x15b: {  	v63 =	vmul.f32 v59, v0;
	[tilespmem:s8+$0x40] =	vst v61  }
0x15c: {  	[tilespmem:s8+$0x50] =	vst v62  }
.Ltmp6:
0x15d: {  	[tilespmem:s8+$0x60] =	vst v63;
	(pc) =	sbr.rel @p0 .LBB2_12-.Ltmp6, $4  }
0x15e: {  	_ =	swait.ge [sflag:s28], $0x2000  }
0x15f: {  	[sflag:s28] =	ssyncset.done $0x0  }
0x160: {  	[sflag:s28] =	ssyncadd.s32 $0xFFFFE000  }
0x161: {  	[spmem:s2] =	stream.indirect.scatter.add.f32 [tilespmem:s26], [sflag:$0xC], $0x80, s17, s10, $0xb8;
	[tilespmem:$0x1D000] =	vst v63  }
0x162: {  	s1 =	rddreg [dreg:$0x12]  }
0x163: {  	s1 =	sadd.s32 s31, s1  }
0x164: {  	s8 =	sshrl.u32 s1, $0x3  }
0x165: {  	s14 =	simm.s32 $0x100;
	s12 =	sadd.s32 s5, s8  }
0x166: {  	[tilespmem:s14], [sflag:$0x3] =	stream.linear.gather [hbm4b:s12+s3], $0x40, $0x38;
	[tilespmem:$0x1D000] =	vst v63  }
0x167: {  	s22 =	simm.s32 $0x300;
	s1 =	sshll.u32 s1, $0x1;
	s8 =	sadd.s32 s6, s8  }
0x168: {  	[tilespmem:s22], [sflag:$0x3] =	stream.linear.gather [hbm4b:s8+s3], $0x40, $0x38;
	[tilespmem:$0x1D000] =	vst v63  }
0x169: {  	s23 =	simm.s32 $0xC00;
	s1 =	sadd.s32 s7, s1  }
0x16a: {  	[tilespmem:s23], [sflag:$0x3] =	stream.linear.gather [hbm4b:s1+s3], $0x400, $0x38;
	[tilespmem:$0x1D000] =	vst v63  }
0x16b: {  	_ =	swait.ge [sflag:s13], $0x40  }
0x16c: {  	[sflag:s13] =	ssyncset.done $0x0  }
0x16d: {  	[sflag:s13] =	ssyncadd.s32 $0xFFFFFFC0  }
0x16e: {  	_ =	swait.ge [sflag:s13], $0x40  }
0x16f: {  	[sflag:s13] =	ssyncset.done $0x0  }
.Ltmp7:
0x170: {  	[sflag:s13] =	ssyncadd.s32 $0xFFFFFFC0;
	(pc) =	sbr.rel .LBB2_2-.Ltmp7, $4  }
0x171: {  	_ =	swait.ge [sflag:s13], $0x400  }
0x172: {  	s29 =	simm.s32 $0x80;
	[sflag:s13] =	ssyncset.done $0x0  }
0x173: {  	s30 =	sadd.s32 $0x1, s30;
	s31 =	simm.s32 $0x3400;
	[sflag:s13] =	ssyncadd.s32 $0xFFFFFC00  }
0x174: {  	[tilespmem:s31], [sflag:$0x6] =	stream.indirect.gather [hbm4b:s4+s10], $0x80, s29, s10, $0xb8;
	[tilespmem:$0x1D000] =	vst v63  }
.LBB2_13:
0x175: {  	_ =	sfence.sel $0x180000  }
0x176: {  	[bflag:$0x0] =	sbarrier.arrive $0xFFFF  }
0x177: {  	_ =	strace $0x9000004D  }
0x178: {  	s0 =	stileid.u32;
	[bflag:$0x2] =	sbarrier.arrive $0xFFFF  }
0x179: {  	p0 =	sne.s32 s0, $0x0;
	s0 =	rddreg [dreg:$0x2]  }
0x17a: {  	s0 =	sadd.s32 @!p0 $0x100000, s0  }
0x17b: {  	[sflag:s0] =	ssyncadd.tile.s32 @!p0 $0x1;
	_ =	shalt  }
.Lfunc_end2:
_tile_overlayer_lowered:
.L_overlay_start_2:
0x17c: {  	(tag) =	ssettag $0x2  }
0x17d: {  	s0 =	rddreg [dreg:$0x0];
	s2 =	stileid.u32  }
0x17e: {  	s1 =	rddreg [dreg:$0x1];
	p0 =	sne.s32 s2, $0x0  }
0x17f: {  	s3 =	rddreg [dreg:$0x2];
	[bflag:$0x3] =	sbarrier.arrive $0xFFFF;
	s2 =	simm.s32 @!p0 $0x1C0D  }
0x180: {  	[timem:s3], [sflag:s2] =	dma.local @!p0 [hbm:s0], s1  }
0x181: {  	s0 =	simm.s32 @!p0 $0xD  }
0x182: {  	_ =	swait.ge @!p0 [sflag:s0], s1  }
0x183: {  	s1 =	ssub.s32 @!p0 $0x0, s1;
	[sflag:s0] =	ssyncset.done @!p0 $0x0  }
0x184: {  	[sflag:s0] =	ssyncadd.s32 @!p0 s1  }
0x185: {  	[bflag:$0x3] =	sbarrier.arrive $0xFFFF  }
0x186: {  	_ =	shalt  }

// kernel: kernel.8.cloned.1.call-start
scs
__scs_entry_jumppad:
0x0: {  	(pc) =	sbr.rel $0x88, $3  }
0x1: {  	(tag) =	ssettag $0x0;
	lr =	simm.s32 $0x1  }
0x2: {  	[smem:$0x3F9A] =	sst lr;
	_ =	strace $0xD0000000  }
0x3: {  	_ = 	snop  }
0x4: {  	_ = 	snop  }
0x5: {  	_ = 	snop  }
0x6: {  	_ = 	snop  }
0x7: {  	_ = 	snop  }
__scs_overlays_trampoline_lowered:
0x8: {  	[smem:$0x3FA9] =	sst s0  }
0x9: {  	[smem:$0x3FAA] =	sst s1  }
0xa: {  	[smem:$0x3FAB] =	sst s2  }
0xb: {  	[smem:$0x3FAC] =	sst s3  }
0xc: {  	[smem:$0x3FAD] =	sst s4  }
0xd: {  	[smem:$0x3FAE] =	sst s5  }
0xe: {  	[smem:$0x3FAF] =	sst s6  }
0xf: {  	[smem:$0x3FB0] =	sst s7  }
0x10: {  	[smem:$0x3FB1] =	sst s8  }
0x11: {  	[smem:$0x3FB2] =	sst s9;
	s0 =	simm.s32 @!p0 $0x0  }
0x12: {  	s1 =	sld [smem:$0x3F98];
	s0 =	simm.s32 @p0 $0x1  }
0x13: {  	[smem:$0x3FB3] =	sst s0;
	s0 =	simm.s32 @!p1 $0x0  }
0x14: {  	s2 =	sld [smem:$0x3F97];
	s0 =	simm.s32 @p1 $0x1  }
0x15: {  	[smem:$0x3FB4] =	sst s0;
	s0 =	simm.s32 @!p2 $0x0  }
0x16: {  	s3 =	sld [smem:$0x3FDB];
	s0 =	simm.s32 @p2 $0x1  }
0x17: {  	s4 =	simm.s32 $0x1BF5;
	[smem:$0x3FB6] =	sst s0  }
0x18: {  	s0 =	sld [smem:$0x3F99];
	_ =	swait.ge [sflag:s4], $0x0  }
0x19: {  	s7 =	sld [smem:$0x3F9A]  }
0x1a: {  	s8 =	sadd.s32 $0xFFFFE003, lr  }
0x1b: {  	s9 =	sadd.s32 $0xFFFFFEF7, lr;
	s5 =	simm.s32 $0xFFFFFFFF;
	p2 =	slt.u32 s8, $0xFFFFF086  }
0x1c: {  	p1 =	slt.u32 s9, $0xF7A;
	s5 =	simm.s32 @!p2 $0x0  }
0x1d: {  	s5 =	simm.s32 @p1 $0x1;
	p0 =	seq.s32 s7, s2  }
0x1e: {  	s7 =	smul.u32 @!p0 $0xF7A, s2;
	p2 =	seq.s32 @!p0 s5, $0x0  }
0x1f: {  	s9 =	smul.u32 $0xF7A, s1;
	s8 =	simm.s32 @!p0 $0x1BF5;
	p2 =	por !p2, p0  }
0x20: {  	[sflag:s8] =	ssyncset.s32 @!p0 $0xFFFFF086;
	s6 =	sadd.s32 @!p0 s3, s7;
	s7 =	simm.s32 @!p0 $0x108  }
0x21: {  	s3 =	sadd.s32 s3, s9;
	s6 =	sadd.s32 @!p0 $0x88, s6;
	s7 =	simm.s32 @p2 $0x1082  }
0x22: {  	[simem:s7], [sflag:s8] =	dma.local @!p0 [hbm:s6], $0xF7A  }
0x23: {  	s9 =	sor.u32 $0xD0000000, s2;
	s6 =	simm.s32 $0x108;
	_ =	swait.ge @!p0 [sflag:s8], $0x0  }
0x24: {  	s3 =	sadd.s32 $0x88, s3;
	s6 =	simm.s32 @!p1 $0x1082;
	[sflag:s4] =	ssyncset.s32 $0xFFFFF086  }
0x25: {  	[simem:s6], [sflag:s4] =	dma.local [hbm:s3], $0xF7A  }
0x26: {  	[smem:$0x3F9A] =	sst s1;
	(tag) =	ssettag s2;
	_ =	strace s9  }
0x27: {  	s1 =	sld [smem:$0x3FAA]  }
0x28: {  	s2 =	sld [smem:$0x3FAB]  }
0x29: {  	s4 =	sld [smem:$0x3FAD]  }
0x2a: {  	p0 =	seq.s32 s5, $0x0;
	s5 =	sld [smem:$0x3FAE]  }
0x2b: {  	s6 =	sld [smem:$0x3FAF]  }
0x2c: {  	s7 =	sld [smem:$0x3FB0]  }
0x2d: {  	s3 =	simm.s32 $0x108;
	s8 =	sld [smem:$0x3FB1]  }
0x2e: {  	s3 =	simm.s32 @!p0 $0x1082;
	s9 =	sld [smem:$0x3FB2]  }
0x2f: {  	lr =	sadd.s32 s0, s3;
	s0 =	sld [smem:$0x3FA9]  }
0x30: {  	s3 =	sld [smem:$0x3FAC]  }
0x31: {  	[smem:$0x3FB5] =	sst s10  }
0x32: {  	s10 =	sld [smem:$0x3FB3];
	_ =	sdelay $0x3  }
0x33: {  	p0 =	seq.s32 s10, $0x1;
	s10 =	sld [smem:$0x3FB5];
	_ =	sdelay $0x3  }
0x34: {  	[smem:$0x3FB5] =	sst s10  }
0x35: {  	s10 =	sld [smem:$0x3FB4];
	_ =	sdelay $0x3  }
0x36: {  	p1 =	seq.s32 s10, $0x1;
	s10 =	sld [smem:$0x3FB5];
	_ =	sdelay $0x3  }
0x37: {  	[smem:$0x3FB5] =	sst s10  }
0x38: {  	s10 =	sld [smem:$0x3FB6]  }
0x39: {  	_ = 	snop;
	(pc) =	sbr.ind lr, $3  }
0x3a: {  	_ = 	snop  }
0x3b: {  	_ = 	snop  }
0x3c: {  	p2 =	seq.s32 s10, $0x1;
	s10 =	sld [smem:$0x3FB5]  }
0x3d: {  	_ =	shalt  }
0x3e: {  	_ =	shalt  }
0x3f: {  	_ =	shalt  }
0x40: {  	_ =	shalt  }
0x41: {  	_ =	shalt  }
0x42: {  	_ =	shalt  }
0x43: {  	_ =	shalt  }
0x44: {  	_ =	shalt  }
0x45: {  	_ =	shalt  }
0x46: {  	_ =	shalt  }
0x47: {  	_ =	shalt  }
0x48: {  	_ =	shalt  }
0x49: {  	_ =	shalt  }
0x4a: {  	_ =	shalt  }
0x4b: {  	_ =	shalt  }
0x4c: {  	_ =	shalt  }
0x4d: {  	_ =	shalt  }
0x4e: {  	_ =	shalt  }
0x4f: {  	_ =	shalt  }
0x50: {  	_ =	shalt  }
0x51: {  	_ =	shalt  }
0x52: {  	_ =	shalt  }
0x53: {  	_ =	shalt  }
0x54: {  	_ =	shalt  }
0x55: {  	_ =	shalt  }
0x56: {  	_ =	shalt  }
0x57: {  	_ =	shalt  }
0x58: {  	_ =	shalt  }
0x59: {  	_ =	shalt  }
0x5a: {  	_ =	shalt  }
0x5b: {  	_ =	shalt  }
0x5c: {  	_ =	shalt  }
0x5d: {  	_ =	shalt  }
0x5e: {  	_ =	shalt  }
0x5f: {  	_ =	shalt  }
0x60: {  	_ =	shalt  }
0x61: {  	_ =	shalt  }
0x62: {  	_ =	shalt  }
0x63: {  	_ =	shalt  }
0x64: {  	_ =	shalt  }
0x65: {  	_ =	shalt  }
0x66: {  	_ =	shalt  }
0x67: {  	_ =	shalt  }
0x68: {  	_ =	shalt  }
0x69: {  	_ =	shalt  }
0x6a: {  	_ =	shalt  }
0x6b: {  	_ =	shalt  }
0x6c: {  	_ =	shalt  }
0x6d: {  	_ =	shalt  }
0x6e: {  	_ =	shalt  }
0x6f: {  	_ =	shalt  }
0x70: {  	_ =	shalt  }
0x71: {  	_ =	shalt  }
0x72: {  	_ =	shalt  }
0x73: {  	_ =	shalt  }
0x74: {  	_ =	shalt  }
0x75: {  	_ =	shalt  }
0x76: {  	_ =	shalt  }
0x77: {  	_ =	shalt  }
0x78: {  	_ =	shalt  }
0x79: {  	_ =	shalt  }
0x7a: {  	_ =	shalt  }
0x7b: {  	_ =	shalt  }
0x7c: {  	_ =	shalt  }
0x7d: {  	_ =	shalt  }
0x7e: {  	_ =	shalt  }
0x7f: {  	_ =	shalt  }
0x80: {  	_ =	shalt  }
0x81: {  	_ =	shalt  }
0x82: {  	_ =	shalt  }
0x83: {  	_ =	shalt  }
0x84: {  	_ =	shalt  }
0x85: {  	_ =	shalt  }
0x86: {  	_ =	shalt  }
0x87: {  	_ =	shalt  }
.Lfunc_end0:
.L_simem_size_0:
called_computation_lowered:
.L_overlay_start_0:
0x88: {  	s2 =	sld [smem:$0x3FD9]  }
0x89: {  	s3 =	sld [smem:$0x3FFE];
	_ =	sdelay $0x1  }
0x8a: {  	s1 =	srdreg.scid  }
0x8b: {  	s0 =	sand.u32 $0x1, s1  }
0x8c: {  	s17 =	sshll.u32 s0, $0xA;
	s2 =	sadd.s32 s3, s2  }
0x8d: {  	s2 =	sadd.s32 s2, s17  }
0x8e: {  	[smem:$0x3FC1] =	sst s2  }
0x8f: {  	_ = 	snop  }
0x90: {  	s2 =	sld [smem:$0x3FD0];
	(tm) =	ssettm $0x1  }
0x91: {  	s18 =	sld [smem:$0x3FFB];
	_ =	sdelay $0x3  }
0x92: {  	_ =	strace s18  }
0x93: {  	s3 =	sld [smem:$0x3FFC];
	_ =	sdelay $0x3  }
0x94: {  	_ =	strace s3  }
0x95: {  	s3 =	sld [smem:$0x3FFD];
	_ =	sdelay $0x3  }
0x96: {  	_ =	strace s3  }
0x97: {  	_ =	strace $0x8FFFFFFF  }
0x98: {  	s19 =	sld [smem:$0x3FDB];
	_ =	sdelay $0x1  }
0x99: {  	s4 =	simm.s32 $_scs_section_size  }
0x9a: {  	s5 =	simm.s32 $_size__tile_overlayer_lowered;
	s6 =	simm.s32 $_tile_overlayer_lowered  }
0x9b: {  	s22 =	simm.s32 $0x1BFF;
	s21 =	sshll.u32 s6, $0x1;
	s3 =	sadd.s32 s4, s19  }
0x9c: {  	s7 =	simm.s32 $0x0;
	s20 =	sshll.u32 s5, $0x1;
	s5 =	sadd.s32 s21, s3  }
0x9d: {  	[timem:s7], [sflag:s22] =	dma.local [hbm:s5], s20  }
0x9e: {  	_ =	swait.ge [sflag:s22], s20  }
0x9f: {  	s4 =	ssub.s32 $0x0, s20;
	[sflag:s22] =	ssyncset.done $0x0  }
0xa0: {  	[sflag:s22] =	ssyncadd.s32 s4;
	_ =	sdelay $0x1  }
0xa1: {  	s23 =	simm.s32 $0x1B8B  }
0xa2: {  	_ =	swait.ge [sflag:s23], $0x1  }
0xa3: {  	[sflag:s23] =	ssyncset.done $0x0  }
0xa4: {  	s25 =	simm.s32 $0x1B8E;
	s24 =	sld [smem:$0x3FFE];
	[sflag:s23] =	ssyncadd.s32 $0xFFFFFFFF  }
0xa5: {  	s26 =	simm.s32 $execute0_lowered;
	[smem:$0x3FD2] =	sst s25  }
0xa6: {  	s5 =	sshll.u32 s26, $0x1;
	_ =	strace $0x80000046;
	[dreg:$0x1] =	wrdreg $0xFFFFFFFF  }
0xa7: {  	s28 =	simm.s32 $_size_execute0_lowered;
	s3 =	sadd.s32 s3, s5;
	[dreg:$0x0] =	wrdreg $0x0  }
0xa8: {  	s5 =	sshll.u32 s28, $0x1;
	[dreg:$0x2] =	wrdreg s3  }
0xa9: {  	[dreg:$0x3] =	wrdreg s5  }
0xaa: {  	[dreg:$0x4] =	wrdreg $0xC0  }
0xab: {  	_ =	task [dreg:s7], $0x5FFFF  }
0xac: {  	[dreg:$0x1] =	wrdreg $0xFFFFFFFF  }
0xad: {  	[dreg:$0x0] =	wrdreg $0x60  }
0xae: {  	[dreg:$0x2] =	wrdreg s2  }
0xaf: {  	[dreg:$0x3] =	wrdreg s24  }
0xb0: {  	[dreg:$0x4] =	wrdreg $0x68000  }
0xb1: {  	[dreg:$0x5] =	wrdreg $0x9  }
0xb2: {  	_ =	task.clear_ibuf [dreg:s7], $0x6FFFF;
	_ =	strace $0x90000046  }
0xb3: {  	s29 =	simm.s32 $0x9;
	_ =	strace $0x80000048  }
0xb4: {  	_ =	swait.ge [sflag:s29], $0x1  }
0xb5: {  	[sflag:s29] =	ssyncadd.s32 $0xFFFFFFFF  }
0xb6: {  	_ =	strace $0x90000048  }
0xb7: {  	_ =	sfence  }
0xb8: {  	s30 =	sld [smem:$0x0];
	_ =	sdelay $0x2  }
0xb9: {  	s31 =	sshll.u32 s1, $0xD;
	s1 =	sshrl.u32 s1, $0x2  }
0xba: {  	s3 =	sand.u32 $0x4000, s31;
	s1 =	sadd.s32 s1, s30  }
0xbb: {  	s0 =	sor.u32 s3, s0;
	s1 =	sshll.u32 s1, $0x11  }
0xbc: {  	s0 =	sor.u32 s1, s0  }
0xbd: {  	s0 =	sadd.s32 $0x8F2B, s0  }
0xbe: {  	[sflag:s0] =	ssyncadd.remote.s32 $0x1  }
0xbf: {  	_ =	sfence.sel $0xFFFF  }
0xc0: {  	[dreg:$0x0] =	wrdreg $0xFFFFFFFF;
	(pc) =	sbr.abs _section_cstart, $3  }
0xc1: {  	[dreg:$0x1] =	wrdreg $0xFFFFFFFF  }
0xc2: {  	_ =	task.clear_ibuf [dreg:s7], $0x2FFFF;
	_ =	strace $0x9FFFFFFF  }
0xc3: {  	(tm) =	ssettm $0x7FFFFFFF  }
tec
execute0_lowered:
.L_overlay_start_1:
0x0: {  	(tag) =	ssettag $0x1  }
0x1: {  	s5 =	rddreg [dreg:$0x0]  }
0x2: {  	s0 =	srdreg.scid;
	s7 =	rddreg [dreg:$0x1]  }
0x3: {  	s2 =	rddreg [dreg:$0x2];
	s3 =	simm.s32 $0x0;
	s15 =	simm.s32 $0x80  }
0x4: {  	s16 =	simm.s32 $0x1;
	s6 =	sand.u32 $0x1, s0;
	s0 =	stileid.u32  }
0x5: {  	s17 =	simm.s32 $0x0;
	[smem:$0x7FF] =	sst s3;
	s9 =	smul.u32 $0x13C00, s0  }
0x6: {  	s1 =	sshll.u32 s6, $0x4;
	s10 =	smul.u32 $0x278000, s6;
	s6 =	ssub.s32 $0x2, s6  }
0x7: {  	s29 =	smul.u32 $0x4F000, s0;
	s31 =	sshll.u32 s0, $0x6;
	s4 =	sor.u32 s0, s1  }
0x8: {  	s1 =	rddreg [dreg:$0x3];
	_ =	strace $0x80000047;
	s13 =	sshrl.u32 s6, $0x1  }
0x9: {  	s8 =	smul.u32 $0x500, s4;
	s4 =	sadd.s32 $0xCC00, s7;
	s12 =	sshrl.u32 s9, $0x3  }
0xa: {  	s9 =	sadd.s32 s9, s10;
	s13 =	ssub.s32 s6, s13;
	s30 =	sshrl.u32 s29, $0x2  }
0xb: {  	s12 =	sadd.s32 s12, s7;
	s9 =	sshrl.u32 s9, $0x3;
	s14 =	sadd.s32 s30, s2  }
0xc: {  	s10 =	smax.u32 s13, $0x1;
	s13 =	sor.u32 $0x1C02, s31;
	s11 =	sadd.s32 s8, s7  }
0xd: {  	s9 =	sadd.s32 s9, s7;
	s5 =	sadd.s32 s5, s8;
	s6 =	sadd.s32 $0xD400, s12  }
0xe: {  	s12 =	simm.s32 $0x2;
	s14 =	sshrl.u32 s14, $0x3;
	s7 =	sadd.s32 $0x34C00, s9  }
0xf: {  	s8 =	sadd.s32 $0x2C00, s11;
	s9 =	sadd.s32 $0x5C400, s9;
	s11 =	simm.s32 $0x2800  }
.LBB2_1:
0x10: {  	[tilespmem:s11], [sflag:$0x2] =	stream.linear.gather [hbm4b:s4+s3], $0x4000, $0x38;
	[tilespmem:$0x1A400] =	vst v63  }
0x11: {  	_ =	swait.ge [sflag:s12], $0x4000  }
0x12: {  	[sflag:s12] =	ssyncset.done $0x0  }
0x13: {  	[sflag:s12] =	ssyncadd.s32 $0xFFFFC000  }
0x14: {  	[tilespmem:s3], [sflag:$0x2] =	stream.linear.gather [hbm4b:s5+s3], $0x2800, $0x38;
	[tilespmem:$0x1A400] =	vst v63  }
0x15: {  	_ =	swait.ge [sflag:s12], $0x2800  }
0x16: {  	[sflag:s12] =	ssyncset.done $0x0  }
0x17: {  	[sflag:s12] =	ssyncadd.s32 $0xFFFFD800  }
0x18: {  	[spmem:s14], [sflag:s13] =	dma.local [hbm:s6], $0x2780  }
0x19: {  	_ =	swait.ge [sflag:s12], $0x2780  }
0x1a: {  	[sflag:s12] =	ssyncset.done $0x0  }
0x1b: {  	[sflag:s12] =	ssyncadd.s32 $0xFFFFD880  }
0x1c: {  	[bflag:$0x0] =	sbarrier.arrive $0xFFFF  }
0x1d: {  	[spmem:s2] =	stream.indirect.scatter.add.f32 [tilespmem:s11], [sflag:$0x1], $0x80, s3, s15, $0xb8;
	[tilespmem:$0x1A400] =	vst v63  }
0x1e: {  	_ =	swait.ge [sflag:s16], $0x4000  }
0x1f: {  	[sflag:s16] =	ssyncset.done $0x0  }
0x20: {  	s18 =	simm.s32 $0x400;
	s19 =	simm.s32 $0x80;
	[sflag:s16] =	ssyncadd.s32 $0xFFFFC000  }
.LBB2_2:
0x21: {  	[spmem:s2] =	stream.indirect.scatter.add.f32 [tilespmem:s11], [sflag:$0x1], $0x80, s19, s15, $0xb8;
	[tilespmem:$0x1A400] =	vst v63  }
0x22: {  	s19 =	smov.u32 s18;
	p0 =	sne.s32 s18, $0x9E00  }
.Ltmp0:
0x23: {  	s18 =	sadd.s32 $0x200, s18;
	(pc) =	sbr.rel @p0 .LBB2_2-.Ltmp0, $4  }
0x24: {  	_ = 	snop  }
0x25: {  	_ =	swait.ge [sflag:s16], $0x4000  }
0x26: {  	[sflag:s16] =	ssyncset.done $0x0  }
0x27: {  	s19 =	sshra.s32 s19, $0x2;
	[sflag:s16] =	ssyncadd.s32 $0xFFFFC000  }
0x28: {  	[spmem:s2] =	stream.indirect.scatter.add.f32 [tilespmem:s11], [sflag:$0x1], $0x80, s19, s15, $0xb8;
	[tilespmem:$0x1A400] =	vst v63  }
0x29: {  	_ =	swait.ge [sflag:s16], $0x4000  }
0x2a: {  	[sflag:s16] =	ssyncset.done $0x0  }
0x2b: {  	[sflag:s16] =	ssyncadd.s32 $0xFFFFC000  }
0x2c: {  	[bflag:$0x0] =	sbarrier.arrive $0xFFFF  }
0x2d: {  	[hbm:s7], [sflag:s13] =	dma.local [spmem:s14], $0x2780  }
0x2e: {  	_ =	swait.ge [sflag:s12], $0x2780  }
0x2f: {  	[sflag:s12] =	ssyncset.done $0x0  }
0x30: {  	[sflag:s12] =	ssyncadd.s32 $0xFFFFD880  }
0x31: {  	[bflag:$0x0] =	sbarrier.arrive $0xFFFF  }
0x32: {  	[tilespmem:s3], [sflag:$0x2] =	stream.linear.gather [hbm4b:s8+s3], $0x2800, $0x38;
	[tilespmem:$0x1A400] =	vst v63  }
0x33: {  	_ =	swait.ge [sflag:s12], $0x2800  }
0x34: {  	[sflag:s12] =	ssyncset.done $0x0  }
0x35: {  	[sflag:s12] =	ssyncadd.s32 $0xFFFFD800  }
0x36: {  	[spmem:s14], [sflag:s13] =	dma.local [hbm:s6], $0x2780  }
0x37: {  	_ =	swait.ge [sflag:s12], $0x2780  }
0x38: {  	[sflag:s12] =	ssyncset.done $0x0  }
0x39: {  	[sflag:s12] =	ssyncadd.s32 $0xFFFFD880  }
0x3a: {  	[bflag:$0x0] =	sbarrier.arrive $0xFFFF  }
0x3b: {  	[spmem:s2] =	stream.indirect.scatter.add.f32 [tilespmem:s11], [sflag:$0x1], $0x80, s3, s15, $0xb8;
	[tilespmem:$0x1A400] =	vst v63  }
0x3c: {  	_ =	swait.ge [sflag:s16], $0x4000  }
0x3d: {  	[sflag:s16] =	ssyncset.done $0x0  }
0x3e: {  	s18 =	simm.s32 $0x400;
	s19 =	simm.s32 $0x80;
	[sflag:s16] =	ssyncadd.s32 $0xFFFFC000  }
.LBB2_4:
0x3f: {  	[spmem:s2] =	stream.indirect.scatter.add.f32 [tilespmem:s11], [sflag:$0x1], $0x80, s19, s15, $0xb8;
	[tilespmem:$0x1A400] =	vst v63  }
0x40: {  	s19 =	smov.u32 s18;
	p0 =	sne.s32 s18, $0x9E00  }
.Ltmp1:
0x41: {  	s18 =	sadd.s32 $0x200, s18;
	(pc) =	sbr.rel @p0 .LBB2_4-.Ltmp1, $4  }
0x42: {  	_ = 	snop  }
0x43: {  	_ =	swait.ge [sflag:s16], $0x4000  }
0x44: {  	[sflag:s16] =	ssyncset.done $0x0  }
0x45: {  	s19 =	sshra.s32 s19, $0x2;
	[sflag:s16] =	ssyncadd.s32 $0xFFFFC000  }
0x46: {  	[spmem:s2] =	stream.indirect.scatter.add.f32 [tilespmem:s11], [sflag:$0x1], $0x80, s19, s15, $0xb8;
	[tilespmem:$0x1A400] =	vst v63  }
0x47: {  	_ =	swait.ge [sflag:s16], $0x4000  }
0x48: {  	[sflag:s16] =	ssyncset.done $0x0  }
0x49: {  	s17 =	sadd.s32 $0x1, s17;
	[sflag:s16] =	ssyncadd.s32 $0xFFFFC000  }
0x4a: {  	p0 =	sne.s32 s17, s10;
	[bflag:$0x0] =	sbarrier.arrive $0xFFFF  }
0x4b: {  	[hbm:s9], [sflag:s13] =	dma.local [spmem:s14], $0x2780  }
.Ltmp2:
0x4c: {  	_ =	swait.ge [sflag:s12], $0x2780;
	(pc) =	sbr.rel @p0 .LBB2_1-.Ltmp2, $3  }
0x4d: {  	[sflag:s12] =	ssyncset.done $0x0  }
0x4e: {  	[sflag:s12] =	ssyncadd.s32 $0xFFFFD880  }
0x4f: {  	[bflag:$0x0] =	sbarrier.arrive $0xFFFF;
	_ =	sdelay $0x1  }
0x50: {  	_ =	sfence.sel $0x180000  }
0x51: {  	[bflag:$0x0] =	sbarrier.arrive $0xFFFF  }
0x52: {  	p0 =	sne.s32 s0, $0x0;
	_ =	strace $0x90000047  }
0x53: {  	s0 =	sadd.s32 @!p0 $0x100000, s1;
	[bflag:$0x2] =	sbarrier.arrive $0xFFFF  }
0x54: {  	[sflag:s0] =	ssyncadd.tile.s32 @!p0 $0x1;
	_ =	shalt  }
.Lfunc_end2:
_tile_overlayer_lowered:
.L_overlay_start_2:
0x55: {  	(tag) =	ssettag $0x2  }
0x56: {  	s0 =	rddreg [dreg:$0x0];
	s2 =	stileid.u32  }
0x57: {  	s1 =	rddreg [dreg:$0x1];
	p0 =	sne.s32 s2, $0x0  }
0x58: {  	s3 =	rddreg [dreg:$0x2];
	[bflag:$0x3] =	sbarrier.arrive $0xFFFF;
	s2 =	simm.s32 @!p0 $0x1C02  }
0x59: {  	[timem:s3], [sflag:s2] =	dma.local @!p0 [hbm:s0], s1  }
0x5a: {  	s0 =	simm.s32 @!p0 $0x2  }
0x5b: {  	_ =	swait.ge @!p0 [sflag:s0], s1  }
0x5c: {  	s1 =	ssub.s32 @!p0 $0x0, s1;
	[sflag:s0] =	ssyncset.done @!p0 $0x0  }
0x5d: {  	[sflag:s0] =	ssyncadd.s32 @!p0 s1  }
0x5e: {  	[bflag:$0x3] =	sbarrier.arrive $0xFFFF  }
0x5f: {  	_ =	shalt  }

</sc_bundles>
